<compile_context>
chip_gen: v7x
topology: tpu7x:2x2x1
jax: 0.10.2.dev20260603
libtpu: 0.0.44.dev20260713+nightly
codegen_flags: <defaults>
</compile_context>

<pallas_src>
import functools

import jax
import jax.numpy as jnp
from jax import lax
from jax.experimental import pallas as pl
from jax.experimental.pallas import tpu as pltpu
from jax.experimental.pallas import tpu_sc as plsc


def _sc_scatter(x, pt_flat, B, H, W, PAD):
    C = pt_flat.shape[0] // PAD
    Wp, Hp = W + PAD, H + PAD
    PAT = PAD * C
    NVEC = PAT // 16
    CV = C // 16

    info = plsc.get_sparse_core_info()
    NC, NS = info.num_cores, info.num_subcores
    NW = NC * NS
    n_img_rows = B * H
    rows_per_tile = n_img_rows // NW
    assert rows_per_tile * NW == n_img_rows
    n_bottom = B * PAD

    mesh = plsc.VectorSubcoreMesh(core_axis_name="c", subcore_axis_name="s")

    @functools.partial(
        pl.kernel,
        out_type=jax.ShapeDtypeStruct((B, Hp, Wp, C), jnp.float32),
        mesh=mesh,
        compiler_params=pltpu.CompilerParams(needs_layout_passes=False),
        scratch_types=[
            pltpu.VMEM((Wp, C), jnp.float32),
            pltpu.VMEM((Wp, C), jnp.float32),
            pltpu.VMEM((Wp, C), jnp.float32),
            pltpu.VMEM((PAT,), jnp.float32),
            pltpu.SemaphoreType.DMA,
            pltpu.SemaphoreType.DMA,
            pltpu.SemaphoreType.DMA,
            pltpu.SemaphoreType.DMA,
            pltpu.SemaphoreType.DMA,
        ],
    )
    def run(x_hbm, pt_hbm, out_hbm, buf0, buf1, pat, ptraw,
            in0, in1, o0, o1, obot):
        w = lax.axis_index("s") * NC + lax.axis_index("c")

        pltpu.sync_copy(pt_hbm, ptraw)
        lanes = lax.iota(jnp.int32, 16)
        vecs = []
        for v in range(NVEC):
            n0 = (v * 16) // C
            assert n0 == ((v + 1) * 16 - 1) // C
            const = v * 16 * PAD + n0 - n0 * C * PAD
            vecs.append(plsc.load_gather(ptraw, [lanes * PAD + const]))

        for t in range(PAD):
            for v in range(CV):
                buf0[W + t, pl.ds(v * 16, 16)] = vecs[t * CV + v]
                buf1[W + t, pl.ds(v * 16, 16)] = vecs[t * CV + v]

        @pl.when(w < n_bottom)
        def _():
            def fill(g, carry):
                for t in range(PAD):
                    for v in range(CV):
                        pat[g * PAD + t, pl.ds(v * 16, 16)] = vecs[t * CV + v]
                return carry
            lax.fori_loop(0, Wp // PAD, fill, 0)
            b = w // PAD
            i = H + (w - b * PAD)
            pltpu.async_copy(pat, out_hbm.at[b, i], obot)

        bufs = (buf0, buf1)
        in_sems = (in0, in1)
        out_sems = (o0, o1)
        out_copies = [None, None]
        for k in range(rows_per_tile):
            s = k & 1
            r = w * rows_per_tile + k
            if out_copies[s] is not None:
                out_copies[s].wait()
            b = r // H
            i = r - b * H
            pltpu.async_copy(
                x_hbm.at[b, pl.ds(i * W, W), :],
                bufs[s].at[pl.ds(0, W), :],
                in_sems[s],
            ).wait()
            out_copies[s] = pltpu.async_copy(
                bufs[s], out_hbm.at[b, i], out_sems[s])
        out_copies[0].wait()
        out_copies[1].wait()

        @pl.when(w < n_bottom)
        def _():
            pltpu.make_async_copy(
                pat, out_hbm.at[0, 0], obot).wait()

    return run(x, pt_flat)


@functools.partial(jax.jit, static_argnums=(2, 3, 4, 5))
def _scatter_pad(x, pt_flat, B, H, W, PAD):
    C = pt_flat.shape[0] // PAD
    Wp, Hp = W + PAD, H + PAD
    out4 = _sc_scatter(x, pt_flat, B, H, W, PAD)
    return out4.reshape(B, Hp * Wp, C)


def kernel(x, pad_token, img_idx, pad_idx):
    B, L, C = x.shape
    PAD = pad_token.shape[2]
    n_pad = pad_idx.shape[0]
    Lp = L + n_pad
    H = W = int(round(float(L) ** 0.5))
    assert H * W == L and (H + PAD) * (W + PAD) == Lp
    return _scatter_pad(x, pad_token.reshape(-1), B, H, W, PAD)

# --- scband reference (transcript-rebuilt; emitter-appended) ---
"""Pipeline reference for scband-adapter-attn-for-mamba-2920577761339 (READ-ONLY COPY).

The authoritative reference and input builder live on the scoring server;
editing this copy changes nothing except your own understanding.
"""

import jax, jax.numpy as jnp
import numpy as np

B = 8
H = 128
W = 128
PAD = 2
C = 192


def _build_indices():
    # Faithful vectorized version of _init_base_indices(H, W, pad_len=PAD):
    # raster scan over the padded (H+PAD) x (W+PAD) grid; positions with
    # i >= H or j >= W are pad slots, the rest hold real image tokens in
    # raster (row-major) order.
    Hp, Wp = H + PAD, W + PAD
    ii, jj = np.meshgrid(np.arange(Hp), np.arange(Wp), indexing='ij')
    flat = ii * Wp + jj
    pad_mask = (ii >= H) | (jj >= W)
    img_idx = flat[~pad_mask].astype(np.int64)  # raster order over i<H, j<W
    pad_idx = flat[pad_mask].astype(np.int64)   # raster order over pad slots
    return img_idx, pad_idx


def setup_inputs(seed: int = 0) -> dict:
    key = jax.random.key(seed)
    k1, k2 = jax.random.split(key)
    x = jax.random.normal(k1, (B, H * W, C), dtype=jnp.float32)
    # learned pad token parameter, shape [l, c, n] = [1, C, pad_len]
    pad_token = jax.random.normal(k2, (1, C, PAD), dtype=jnp.float32) * 0.02
    img_idx, pad_idx = _build_indices()
    return {
        'x': x,
        'pad_token': pad_token,
        'img_idx': jnp.asarray(img_idx),
        'pad_idx': jnp.asarray(pad_idx),
    }


def reference(x, pad_token, img_idx, pad_idx):
    # adaptive_fill_pad_into_sequence: scatter the image tokens into a larger
    # (padded) sequence buffer and scatter-overwrite the pad slots with tiled
    # learned pad tokens (aug_pad_tokens).
    Bx, L, Cc = x.shape
    n_pad = pad_idx.shape[0]
    Lp = img_idx.shape[0] + n_pad
    x_new = jnp.zeros((Bx, Lp, Cc), dtype=x.dtype)
    # scatter-overwrite real tokens at their padded-grid positions
    x_new = x_new.at[:, img_idx, :].set(x)
    # aug_pad_tokens: 'l c n -> l n c', reshape to (l, 1, pad_len, C),
    # expand over n_pad // pad_len groups, flatten to (l, n_pad, C)
    pads = jnp.transpose(pad_token, (0, 2, 1)).reshape(-1, 1, PAD, Cc)
    pads = jnp.broadcast_to(pads, (pads.shape[0], n_pad // PAD, PAD, Cc))
    pads = pads.reshape(1, n_pad, Cc)
    # scatter-overwrite pad slots
    x_new = x_new.at[:, pad_idx, :].set(jnp.broadcast_to(pads, (Bx, n_pad, Cc)))
    return x_new

if __name__ == "__main__":
    import jax
    _d = setup_inputs()
    print(jax.jit(kernel)(*tuple(_d.values())))

</pallas_src>

<mosaic_0001>
#map = affine_map<(d0, d1) -> (0, 0, 0)>
#map1 = affine_map<(d0, d1) -> (0)>
#map2 = affine_map<(d0, d1) -> (0, 0, 0, 0)>
module attributes {stable_mosaic.version = 14 : i64} {
  func.func @run(%arg0: i32, %arg1: i32, %arg2: memref<8x16384x192xf32, #tpu.memory_space<hbm>>, %arg3: memref<384xf32, #tpu.memory_space<hbm>>, %arg4: memref<8x130x130x192xf32, #tpu.memory_space<hbm>>, %arg5: memref<130x192xf32, #tpu.memory_space<vmem>>, %arg6: memref<130x192xf32, #tpu.memory_space<vmem>>, %arg7: memref<130x192xf32, #tpu.memory_space<vmem>>, %arg8: memref<384xf32, #tpu.memory_space<vmem>>, %arg9: memref<!tpu.dma_semaphore, #tpu.memory_space<semaphore_mem>>, %arg10: memref<!tpu.dma_semaphore, #tpu.memory_space<semaphore_mem>>, %arg11: memref<!tpu.dma_semaphore, #tpu.memory_space<semaphore_mem>>, %arg12: memref<!tpu.dma_semaphore, #tpu.memory_space<semaphore_mem>>, %arg13: memref<!tpu.dma_semaphore, #tpu.memory_space<semaphore_mem>>) attributes {dimension_semantics = [#tpu.dimension_semantics<core_parallel>, #tpu.dimension_semantics<subcore_parallel>], iteration_bounds = array<i64: 2, 16>, scalar_prefetch = 0 : i64, scratch_operands = 9 : i64, tpu.core_type = #tpu.core_type<sc_vector_subcore>, window_params = [{transform_indices = #map}, {transform_indices = #map1}, {transform_indices = #map2}]} {
    %mul3A = arith.constant 2 : i32
    %mul3A_0 = arith.muli %arg1, %mul3A : i32
    %add3A = arith.addi %mul3A_0, %arg0 : i32
    "tpu.region"() ({
      %run_scoped3A = tpu.sem_alloc : memref<!tpu.dma_semaphore, #tpu.memory_space<semaphore_mem>>
      tpu.enqueue_dma source(%arg3 : memref<384xf32, #tpu.memory_space<hbm>>) target(%arg8 : memref<384xf32, #tpu.memory_space<vmem>>) target_semaphore(%run_scoped3A : memref<!tpu.dma_semaphore, #tpu.memory_space<semaphore_mem>>)
      tpu.wait_dma2 semaphore(%run_scoped3A : memref<!tpu.dma_semaphore, #tpu.memory_space<semaphore_mem>>) src(%arg3 : memref<384xf32, #tpu.memory_space<hbm>>) dst(%arg8 : memref<384xf32, #tpu.memory_space<vmem>>)
      tpu.yield
    }) : () -> ()
    %iota3A = tpu.iota {dimensions = array<i32: 0>} : vector<16xi32>
    %mul3A_1 = arith.constant 2 : i32
    %mul3A_2 = vector.broadcast %mul3A_1 : i32 to vector<16xi32>
    %mul3A_3 = arith.muli %iota3A, %mul3A_2 : vector<16xi32>
    %add3A_4 = arith.constant 0 : i32
    %add3A_5 = vector.broadcast %add3A_4 : i32 to vector<16xi32>
    %add3A_6 = arith.addi %mul3A_3, %add3A_5 : vector<16xi32>
    %gather3A = tpu.vector_load_idx %arg8[%add3A_6] : memref<384xf32, #tpu.memory_space<vmem>>[vector<16xi32>], vector<16xf32>,
    %mul3A_7 = arith.constant 2 : i32
    %mul3A_8 = vector.broadcast %mul3A_7 : i32 to vector<16xi32>
    %mul3A_9 = arith.muli %iota3A, %mul3A_8 : vector<16xi32>
    %add3A_10 = arith.constant 32 : i32
    %add3A_11 = vector.broadcast %add3A_10 : i32 to vector<16xi32>
    %add3A_12 = arith.addi %mul3A_9, %add3A_11 : vector<16xi32>
    %gather3A_13 = tpu.vector_load_idx %arg8[%add3A_12] : memref<384xf32, #tpu.memory_space<vmem>>[vector<16xi32>], vector<16xf32>,
    %mul3A_14 = arith.constant 2 : i32
    %mul3A_15 = vector.broadcast %mul3A_14 : i32 to vector<16xi32>
    %mul3A_16 = arith.muli %iota3A, %mul3A_15 : vector<16xi32>
    %add3A_17 = arith.constant 64 : i32
    %add3A_18 = vector.broadcast %add3A_17 : i32 to vector<16xi32>
    %add3A_19 = arith.addi %mul3A_16, %add3A_18 : vector<16xi32>
    %gather3A_20 = tpu.vector_load_idx %arg8[%add3A_19] : memref<384xf32, #tpu.memory_space<vmem>>[vector<16xi32>], vector<16xf32>,
    %mul3A_21 = arith.constant 2 : i32
    %mul3A_22 = vector.broadcast %mul3A_21 : i32 to vector<16xi32>
    %mul3A_23 = arith.muli %iota3A, %mul3A_22 : vector<16xi32>
    %add3A_24 = arith.constant 96 : i32
    %add3A_25 = vector.broadcast %add3A_24 : i32 to vector<16xi32>
    %add3A_26 = arith.addi %mul3A_23, %add3A_25 : vector<16xi32>
    %gather3A_27 = tpu.vector_load_idx %arg8[%add3A_26] : memref<384xf32, #tpu.memory_space<vmem>>[vector<16xi32>], vector<16xf32>,
    %mul3A_28 = arith.constant 2 : i32
    %mul3A_29 = vector.broadcast %mul3A_28 : i32 to vector<16xi32>
    %mul3A_30 = arith.muli %iota3A, %mul3A_29 : vector<16xi32>
    %add3A_31 = arith.constant 128 : i32
    %add3A_32 = vector.broadcast %add3A_31 : i32 to vector<16xi32>
    %add3A_33 = arith.addi %mul3A_30, %add3A_32 : vector<16xi32>
    %gather3A_34 = tpu.vector_load_idx %arg8[%add3A_33] : memref<384xf32, #tpu.memory_space<vmem>>[vector<16xi32>], vector<16xf32>,
    %mul3A_35 = arith.constant 2 : i32
    %mul3A_36 = vector.broadcast %mul3A_35 : i32 to vector<16xi32>
    %mul3A_37 = arith.muli %iota3A, %mul3A_36 : vector<16xi32>
    %add3A_38 = arith.constant 160 : i32
    %add3A_39 = vector.broadcast %add3A_38 : i32 to vector<16xi32>
    %add3A_40 = arith.addi %mul3A_37, %add3A_39 : vector<16xi32>
    %gather3A_41 = tpu.vector_load_idx %arg8[%add3A_40] : memref<384xf32, #tpu.memory_space<vmem>>[vector<16xi32>], vector<16xf32>,
    %mul3A_42 = arith.constant 2 : i32
    %mul3A_43 = vector.broadcast %mul3A_42 : i32 to vector<16xi32>
    %mul3A_44 = arith.muli %iota3A, %mul3A_43 : vector<16xi32>
    %add3A_45 = arith.constant 192 : i32
    %add3A_46 = vector.broadcast %add3A_45 : i32 to vector<16xi32>
    %add3A_47 = arith.addi %mul3A_44, %add3A_46 : vector<16xi32>
    %gather3A_48 = tpu.vector_load_idx %arg8[%add3A_47] : memref<384xf32, #tpu.memory_space<vmem>>[vector<16xi32>], vector<16xf32>,
    %mul3A_49 = arith.constant 2 : i32
    %mul3A_50 = vector.broadcast %mul3A_49 : i32 to vector<16xi32>
    %mul3A_51 = arith.muli %iota3A, %mul3A_50 : vector<16xi32>
    %add3A_52 = arith.constant 224 : i32
    %add3A_53 = vector.broadcast %add3A_52 : i32 to vector<16xi32>
    %add3A_54 = arith.addi %mul3A_51, %add3A_53 : vector<16xi32>
    %gather3A_55 = tpu.vector_load_idx %arg8[%add3A_54] : memref<384xf32, #tpu.memory_space<vmem>>[vector<16xi32>], vector<16xf32>,
    %mul3A_56 = arith.constant 2 : i32
    %mul3A_57 = vector.broadcast %mul3A_56 : i32 to vector<16xi32>
    %mul3A_58 = arith.muli %iota3A, %mul3A_57 : vector<16xi32>
    %add3A_59 = arith.constant 256 : i32
    %add3A_60 = vector.broadcast %add3A_59 : i32 to vector<16xi32>
    %add3A_61 = arith.addi %mul3A_58, %add3A_60 : vector<16xi32>
    %gather3A_62 = tpu.vector_load_idx %arg8[%add3A_61] : memref<384xf32, #tpu.memory_space<vmem>>[vector<16xi32>], vector<16xf32>,
    %mul3A_63 = arith.constant 2 : i32
    %mul3A_64 = vector.broadcast %mul3A_63 : i32 to vector<16xi32>
    %mul3A_65 = arith.muli %iota3A, %mul3A_64 : vector<16xi32>
    %add3A_66 = arith.constant 288 : i32
    %add3A_67 = vector.broadcast %add3A_66 : i32 to vector<16xi32>
    %add3A_68 = arith.addi %mul3A_65, %add3A_67 : vector<16xi32>
    %gather3A_69 = tpu.vector_load_idx %arg8[%add3A_68] : memref<384xf32, #tpu.memory_space<vmem>>[vector<16xi32>], vector<16xf32>,
    %mul3A_70 = arith.constant 2 : i32
    %mul3A_71 = vector.broadcast %mul3A_70 : i32 to vector<16xi32>
    %mul3A_72 = arith.muli %iota3A, %mul3A_71 : vector<16xi32>
    %add3A_73 = arith.constant 320 : i32
    %add3A_74 = vector.broadcast %add3A_73 : i32 to vector<16xi32>
    %add3A_75 = arith.addi %mul3A_72, %add3A_74 : vector<16xi32>
    %gather3A_76 = tpu.vector_load_idx %arg8[%add3A_75] : memref<384xf32, #tpu.memory_space<vmem>>[vector<16xi32>], vector<16xf32>,
    %mul3A_77 = arith.constant 2 : i32
    %mul3A_78 = vector.broadcast %mul3A_77 : i32 to vector<16xi32>
    %mul3A_79 = arith.muli %iota3A, %mul3A_78 : vector<16xi32>
    %add3A_80 = arith.constant 352 : i32
    %add3A_81 = vector.broadcast %add3A_80 : i32 to vector<16xi32>
    %add3A_82 = arith.addi %mul3A_79, %add3A_81 : vector<16xi32>
    %gather3A_83 = tpu.vector_load_idx %arg8[%add3A_82] : memref<384xf32, #tpu.memory_space<vmem>>[vector<16xi32>], vector<16xf32>,
    %mul3A_84 = arith.constant 2 : i32
    %mul3A_85 = vector.broadcast %mul3A_84 : i32 to vector<16xi32>
    %mul3A_86 = arith.muli %iota3A, %mul3A_85 : vector<16xi32>
    %add3A_87 = arith.constant 1 : i32
    %add3A_88 = vector.broadcast %add3A_87 : i32 to vector<16xi32>
    %add3A_89 = arith.addi %mul3A_86, %add3A_88 : vector<16xi32>
    %gather3A_90 = tpu.vector_load_idx %arg8[%add3A_89] : memref<384xf32, #tpu.memory_space<vmem>>[vector<16xi32>], vector<16xf32>,
    %mul3A_91 = arith.constant 2 : i32
    %mul3A_92 = vector.broadcast %mul3A_91 : i32 to vector<16xi32>
    %mul3A_93 = arith.muli %iota3A, %mul3A_92 : vector<16xi32>
    %add3A_94 = arith.constant 33 : i32
    %add3A_95 = vector.broadcast %add3A_94 : i32 to vector<16xi32>
    %add3A_96 = arith.addi %mul3A_93, %add3A_95 : vector<16xi32>
    %gather3A_97 = tpu.vector_load_idx %arg8[%add3A_96] : memref<384xf32, #tpu.memory_space<vmem>>[vector<16xi32>], vector<16xf32>,
    %mul3A_98 = arith.constant 2 : i32
    %mul3A_99 = vector.broadcast %mul3A_98 : i32 to vector<16xi32>
    %mul3A_100 = arith.muli %iota3A, %mul3A_99 : vector<16xi32>
    %add3A_101 = arith.constant 65 : i32
    %add3A_102 = vector.broadcast %add3A_101 : i32 to vector<16xi32>
    %add3A_103 = arith.addi %mul3A_100, %add3A_102 : vector<16xi32>
    %gather3A_104 = tpu.vector_load_idx %arg8[%add3A_103] : memref<384xf32, #tpu.memory_space<vmem>>[vector<16xi32>], vector<16xf32>,
    %mul3A_105 = arith.constant 2 : i32
    %mul3A_106 = vector.broadcast %mul3A_105 : i32 to vector<16xi32>
    %mul3A_107 = arith.muli %iota3A, %mul3A_106 : vector<16xi32>
    %add3A_108 = arith.constant 97 : i32
    %add3A_109 = vector.broadcast %add3A_108 : i32 to vector<16xi32>
    %add3A_110 = arith.addi %mul3A_107, %add3A_109 : vector<16xi32>
    %gather3A_111 = tpu.vector_load_idx %arg8[%add3A_110] : memref<384xf32, #tpu.memory_space<vmem>>[vector<16xi32>], vector<16xf32>,
    %mul3A_112 = arith.constant 2 : i32
    %mul3A_113 = vector.broadcast %mul3A_112 : i32 to vector<16xi32>
    %mul3A_114 = arith.muli %iota3A, %mul3A_113 : vector<16xi32>
    %add3A_115 = arith.constant 129 : i32
    %add3A_116 = vector.broadcast %add3A_115 : i32 to vector<16xi32>
    %add3A_117 = arith.addi %mul3A_114, %add3A_116 : vector<16xi32>
    %gather3A_118 = tpu.vector_load_idx %arg8[%add3A_117] : memref<384xf32, #tpu.memory_space<vmem>>[vector<16xi32>], vector<16xf32>,
    %mul3A_119 = arith.constant 2 : i32
    %mul3A_120 = vector.broadcast %mul3A_119 : i32 to vector<16xi32>
    %mul3A_121 = arith.muli %iota3A, %mul3A_120 : vector<16xi32>
    %add3A_122 = arith.constant 161 : i32
    %add3A_123 = vector.broadcast %add3A_122 : i32 to vector<16xi32>
    %add3A_124 = arith.addi %mul3A_121, %add3A_123 : vector<16xi32>
    %gather3A_125 = tpu.vector_load_idx %arg8[%add3A_124] : memref<384xf32, #tpu.memory_space<vmem>>[vector<16xi32>], vector<16xf32>,
    %mul3A_126 = arith.constant 2 : i32
    %mul3A_127 = vector.broadcast %mul3A_126 : i32 to vector<16xi32>
    %mul3A_128 = arith.muli %iota3A, %mul3A_127 : vector<16xi32>
    %add3A_129 = arith.constant 193 : i32
    %add3A_130 = vector.broadcast %add3A_129 : i32 to vector<16xi32>
    %add3A_131 = arith.addi %mul3A_128, %add3A_130 : vector<16xi32>
    %gather3A_132 = tpu.vector_load_idx %arg8[%add3A_131] : memref<384xf32, #tpu.memory_space<vmem>>[vector<16xi32>], vector<16xf32>,
    %mul3A_133 = arith.constant 2 : i32
    %mul3A_134 = vector.broadcast %mul3A_133 : i32 to vector<16xi32>
    %mul3A_135 = arith.muli %iota3A, %mul3A_134 : vector<16xi32>
    %add3A_136 = arith.constant 225 : i32
    %add3A_137 = vector.broadcast %add3A_136 : i32 to vector<16xi32>
    %add3A_138 = arith.addi %mul3A_135, %add3A_137 : vector<16xi32>
    %gather3A_139 = tpu.vector_load_idx %arg8[%add3A_138] : memref<384xf32, #tpu.memory_space<vmem>>[vector<16xi32>], vector<16xf32>,
    %mul3A_140 = arith.constant 2 : i32
    %mul3A_141 = vector.broadcast %mul3A_140 : i32 to vector<16xi32>
    %mul3A_142 = arith.muli %iota3A, %mul3A_141 : vector<16xi32>
    %add3A_143 = arith.constant 257 : i32
    %add3A_144 = vector.broadcast %add3A_143 : i32 to vector<16xi32>
    %add3A_145 = arith.addi %mul3A_142, %add3A_144 : vector<16xi32>
    %gather3A_146 = tpu.vector_load_idx %arg8[%add3A_145] : memref<384xf32, #tpu.memory_space<vmem>>[vector<16xi32>], vector<16xf32>,
    %mul3A_147 = arith.constant 2 : i32
    %mul3A_148 = vector.broadcast %mul3A_147 : i32 to vector<16xi32>
    %mul3A_149 = arith.muli %iota3A, %mul3A_148 : vector<16xi32>
    %add3A_150 = arith.constant 289 : i32
    %add3A_151 = vector.broadcast %add3A_150 : i32 to vector<16xi32>
    %add3A_152 = arith.addi %mul3A_149, %add3A_151 : vector<16xi32>
    %gather3A_153 = tpu.vector_load_idx %arg8[%add3A_152] : memref<384xf32, #tpu.memory_space<vmem>>[vector<16xi32>], vector<16xf32>,
    %mul3A_154 = arith.constant 2 : i32
    %mul3A_155 = vector.broadcast %mul3A_154 : i32 to vector<16xi32>
    %mul3A_156 = arith.muli %iota3A, %mul3A_155 : vector<16xi32>
    %add3A_157 = arith.constant 321 : i32
    %add3A_158 = vector.broadcast %add3A_157 : i32 to vector<16xi32>
    %add3A_159 = arith.addi %mul3A_156, %add3A_158 : vector<16xi32>
    %gather3A_160 = tpu.vector_load_idx %arg8[%add3A_159] : memref<384xf32, #tpu.memory_space<vmem>>[vector<16xi32>], vector<16xf32>,
    %mul3A_161 = arith.constant 2 : i32
    %mul3A_162 = vector.broadcast %mul3A_161 : i32 to vector<16xi32>
    %mul3A_163 = arith.muli %iota3A, %mul3A_162 : vector<16xi32>
    %add3A_164 = arith.constant 353 : i32
    %add3A_165 = vector.broadcast %add3A_164 : i32 to vector<16xi32>
    %add3A_166 = arith.addi %mul3A_163, %add3A_165 : vector<16xi32>
    %gather3A_167 = tpu.vector_load_idx %arg8[%add3A_166] : memref<384xf32, #tpu.memory_space<vmem>>[vector<16xi32>], vector<16xf32>,
    %swap3A = arith.constant 128 : i32
    %swap3A_168 = arith.index_cast %swap3A : i32 to index
    %swap3A_169 = arith.constant 0 : index
    %swap3A_170 = tpu.vector_load %arg5[%swap3A_168, %swap3A_169] {strides = array<i32>} : memref<130x192xf32, #tpu.memory_space<vmem>>, vector<16xf32>,
    tpu.vector_store %arg5[%swap3A_168, %swap3A_169], %gather3A {strides = array<i32>} : memref<130x192xf32, #tpu.memory_space<vmem>>, vector<16xf32>,
    %swap3A_171 = arith.constant 128 : i32
    %swap3A_172 = arith.index_cast %swap3A_171 : i32 to index
    %swap3A_173 = arith.constant 0 : index
    %swap3A_174 = tpu.vector_load %arg6[%swap3A_172, %swap3A_173] {strides = array<i32>} : memref<130x192xf32, #tpu.memory_space<vmem>>, vector<16xf32>,
    tpu.vector_store %arg6[%swap3A_172, %swap3A_173], %gather3A {strides = array<i32>} : memref<130x192xf32, #tpu.memory_space<vmem>>, vector<16xf32>,
    %swap3A_175 = arith.constant 128 : i32
    %swap3A_176 = arith.index_cast %swap3A_175 : i32 to index
    %swap3A_177 = arith.constant 16 : index
    %swap3A_178 = tpu.vector_load %arg5[%swap3A_176, %swap3A_177] {strides = array<i32>} : memref<130x192xf32, #tpu.memory_space<vmem>>, vector<16xf32>,
    tpu.vector_store %arg5[%swap3A_176, %swap3A_177], %gather3A_13 {strides = array<i32>} : memref<130x192xf32, #tpu.memory_space<vmem>>, vector<16xf32>,
    %swap3A_179 = arith.constant 128 : i32
    %swap3A_180 = arith.index_cast %swap3A_179 : i32 to index
    %swap3A_181 = arith.constant 16 : index
    %swap3A_182 = tpu.vector_load %arg6[%swap3A_180, %swap3A_181] {strides = array<i32>} : memref<130x192xf32, #tpu.memory_space<vmem>>, vector<16xf32>,
    tpu.vector_store %arg6[%swap3A_180, %swap3A_181], %gather3A_13 {strides = array<i32>} : memref<130x192xf32, #tpu.memory_space<vmem>>, vector<16xf32>,
    %swap3A_183 = arith.constant 128 : i32
    %swap3A_184 = arith.index_cast %swap3A_183 : i32 to index
    %swap3A_185 = arith.constant 32 : index
    %swap3A_186 = tpu.vector_load %arg5[%swap3A_184, %swap3A_185] {strides = array<i32>} : memref<130x192xf32, #tpu.memory_space<vmem>>, vector<16xf32>,
    tpu.vector_store %arg5[%swap3A_184, %swap3A_185], %gather3A_20 {strides = array<i32>} : memref<130x192xf32, #tpu.memory_space<vmem>>, vector<16xf32>,
    %swap3A_187 = arith.constant 128 : i32
    %swap3A_188 = arith.index_cast %swap3A_187 : i32 to index
    %swap3A_189 = arith.constant 32 : index
    %swap3A_190 = tpu.vector_load %arg6[%swap3A_188, %swap3A_189] {strides = array<i32>} : memref<130x192xf32, #tpu.memory_space<vmem>>, vector<16xf32>,
    tpu.vector_store %arg6[%swap3A_188, %swap3A_189], %gather3A_20 {strides = array<i32>} : memref<130x192xf32, #tpu.memory_space<vmem>>, vector<16xf32>,
    %swap3A_191 = arith.constant 128 : i32
    %swap3A_192 = arith.index_cast %swap3A_191 : i32 to index
    %swap3A_193 = arith.constant 48 : index
    %swap3A_194 = tpu.vector_load %arg5[%swap3A_192, %swap3A_193] {strides = array<i32>} : memref<130x192xf32, #tpu.memory_space<vmem>>, vector<16xf32>,
    tpu.vector_store %arg5[%swap3A_192, %swap3A_193], %gather3A_27 {strides = array<i32>} : memref<130x192xf32, #tpu.memory_space<vmem>>, vector<16xf32>,
    %swap3A_195 = arith.constant 128 : i32
    %swap3A_196 = arith.index_cast %swap3A_195 : i32 to index
    %swap3A_197 = arith.constant 48 : index
    %swap3A_198 = tpu.vector_load %arg6[%swap3A_196, %swap3A_197] {strides = array<i32>} : memref<130x192xf32, #tpu.memory_space<vmem>>, vector<16xf32>,
    tpu.vector_store %arg6[%swap3A_196, %swap3A_197], %gather3A_27 {strides = array<i32>} : memref<130x192xf32, #tpu.memory_space<vmem>>, vector<16xf32>,
    %swap3A_199 = arith.constant 128 : i32
    %swap3A_200 = arith.index_cast %swap3A_199 : i32 to index
    %swap3A_201 = arith.constant 64 : index
    %swap3A_202 = tpu.vector_load %arg5[%swap3A_200, %swap3A_201] {strides = array<i32>} : memref<130x192xf32, #tpu.memory_space<vmem>>, vector<16xf32>,
    tpu.vector_store %arg5[%swap3A_200, %swap3A_201], %gather3A_34 {strides = array<i32>} : memref<130x192xf32, #tpu.memory_space<vmem>>, vector<16xf32>,
    %swap3A_203 = arith.constant 128 : i32
    %swap3A_204 = arith.index_cast %swap3A_203 : i32 to index
    %swap3A_205 = arith.constant 64 : index
    %swap3A_206 = tpu.vector_load %arg6[%swap3A_204, %swap3A_205] {strides = array<i32>} : memref<130x192xf32, #tpu.memory_space<vmem>>, vector<16xf32>,
    tpu.vector_store %arg6[%swap3A_204, %swap3A_205], %gather3A_34 {strides = array<i32>} : memref<130x192xf32, #tpu.memory_space<vmem>>, vector<16xf32>,
    %swap3A_207 = arith.constant 128 : i32
    %swap3A_208 = arith.index_cast %swap3A_207 : i32 to index
    %swap3A_209 = arith.constant 80 : index
    %swap3A_210 = tpu.vector_load %arg5[%swap3A_208, %swap3A_209] {strides = array<i32>} : memref<130x192xf32, #tpu.memory_space<vmem>>, vector<16xf32>,
    tpu.vector_store %arg5[%swap3A_208, %swap3A_209], %gather3A_41 {strides = array<i32>} : memref<130x192xf32, #tpu.memory_space<vmem>>, vector<16xf32>,
    %swap3A_211 = arith.constant 128 : i32
    %swap3A_212 = arith.index_cast %swap3A_211 : i32 to index
    %swap3A_213 = arith.constant 80 : index
    %swap3A_214 = tpu.vector_load %arg6[%swap3A_212, %swap3A_213] {strides = array<i32>} : memref<130x192xf32, #tpu.memory_space<vmem>>, vector<16xf32>,
    tpu.vector_store %arg6[%swap3A_212, %swap3A_213], %gather3A_41 {strides = array<i32>} : memref<130x192xf32, #tpu.memory_space<vmem>>, vector<16xf32>,
    %swap3A_215 = arith.constant 128 : i32
    %swap3A_216 = arith.index_cast %swap3A_215 : i32 to index
    %swap3A_217 = arith.constant 96 : index
    %swap3A_218 = tpu.vector_load %arg5[%swap3A_216, %swap3A_217] {strides = array<i32>} : memref<130x192xf32, #tpu.memory_space<vmem>>, vector<16xf32>,
    tpu.vector_store %arg5[%swap3A_216, %swap3A_217], %gather3A_48 {strides = array<i32>} : memref<130x192xf32, #tpu.memory_space<vmem>>, vector<16xf32>,
    %swap3A_219 = arith.constant 128 : i32
    %swap3A_220 = arith.index_cast %swap3A_219 : i32 to index
    %swap3A_221 = arith.constant 96 : index
    %swap3A_222 = tpu.vector_load %arg6[%swap3A_220, %swap3A_221] {strides = array<i32>} : memref<130x192xf32, #tpu.memory_space<vmem>>, vector<16xf32>,
    tpu.vector_store %arg6[%swap3A_220, %swap3A_221], %gather3A_48 {strides = array<i32>} : memref<130x192xf32, #tpu.memory_space<vmem>>, vector<16xf32>,
    %swap3A_223 = arith.constant 128 : i32
    %swap3A_224 = arith.index_cast %swap3A_223 : i32 to index
    %swap3A_225 = arith.constant 112 : index
    %swap3A_226 = tpu.vector_load %arg5[%swap3A_224, %swap3A_225] {strides = array<i32>} : memref<130x192xf32, #tpu.memory_space<vmem>>, vector<16xf32>,
    tpu.vector_store %arg5[%swap3A_224, %swap3A_225], %gather3A_55 {strides = array<i32>} : memref<130x192xf32, #tpu.memory_space<vmem>>, vector<16xf32>,
    %swap3A_227 = arith.constant 128 : i32
    %swap3A_228 = arith.index_cast %swap3A_227 : i32 to index
    %swap3A_229 = arith.constant 112 : index
    %swap3A_230 = tpu.vector_load %arg6[%swap3A_228, %swap3A_229] {strides = array<i32>} : memref<130x192xf32, #tpu.memory_space<vmem>>, vector<16xf32>,
    tpu.vector_store %arg6[%swap3A_228, %swap3A_229], %gather3A_55 {strides = array<i32>} : memref<130x192xf32, #tpu.memory_space<vmem>>, vector<16xf32>,
    %swap3A_231 = arith.constant 128 : i32
    %swap3A_232 = arith.index_cast %swap3A_231 : i32 to index
    %swap3A_233 = arith.constant 128 : index
    %swap3A_234 = tpu.vector_load %arg5[%swap3A_232, %swap3A_233] {strides = array<i32>} : memref<130x192xf32, #tpu.memory_space<vmem>>, vector<16xf32>,
    tpu.vector_store %arg5[%swap3A_232, %swap3A_233], %gather3A_62 {strides = array<i32>} : memref<130x192xf32, #tpu.memory_space<vmem>>, vector<16xf32>,
    %swap3A_235 = arith.constant 128 : i32
    %swap3A_236 = arith.index_cast %swap3A_235 : i32 to index
    %swap3A_237 = arith.constant 128 : index
    %swap3A_238 = tpu.vector_load %arg6[%swap3A_236, %swap3A_237] {strides = array<i32>} : memref<130x192xf32, #tpu.memory_space<vmem>>, vector<16xf32>,
    tpu.vector_store %arg6[%swap3A_236, %swap3A_237], %gather3A_62 {strides = array<i32>} : memref<130x192xf32, #tpu.memory_space<vmem>>, vector<16xf32>,
    %swap3A_239 = arith.constant 128 : i32
    %swap3A_240 = arith.index_cast %swap3A_239 : i32 to index
    %swap3A_241 = arith.constant 144 : index
    %swap3A_242 = tpu.vector_load %arg5[%swap3A_240, %swap3A_241] {strides = array<i32>} : memref<130x192xf32, #tpu.memory_space<vmem>>, vector<16xf32>,
    tpu.vector_store %arg5[%swap3A_240, %swap3A_241], %gather3A_69 {strides = array<i32>} : memref<130x192xf32, #tpu.memory_space<vmem>>, vector<16xf32>,
    %swap3A_243 = arith.constant 128 : i32
    %swap3A_244 = arith.index_cast %swap3A_243 : i32 to index
    %swap3A_245 = arith.constant 144 : index
    %swap3A_246 = tpu.vector_load %arg6[%swap3A_244, %swap3A_245] {strides = array<i32>} : memref<130x192xf32, #tpu.memory_space<vmem>>, vector<16xf32>,
    tpu.vector_store %arg6[%swap3A_244, %swap3A_245], %gather3A_69 {strides = array<i32>} : memref<130x192xf32, #tpu.memory_space<vmem>>, vector<16xf32>,
    %swap3A_247 = arith.constant 128 : i32
    %swap3A_248 = arith.index_cast %swap3A_247 : i32 to index
    %swap3A_249 = arith.constant 160 : index
    %swap3A_250 = tpu.vector_load %arg5[%swap3A_248, %swap3A_249] {strides = array<i32>} : memref<130x192xf32, #tpu.memory_space<vmem>>, vector<16xf32>,
    tpu.vector_store %arg5[%swap3A_248, %swap3A_249], %gather3A_76 {strides = array<i32>} : memref<130x192xf32, #tpu.memory_space<vmem>>, vector<16xf32>,
    %swap3A_251 = arith.constant 128 : i32
    %swap3A_252 = arith.index_cast %swap3A_251 : i32 to index
    %swap3A_253 = arith.constant 160 : index
    %swap3A_254 = tpu.vector_load %arg6[%swap3A_252, %swap3A_253] {strides = array<i32>} : memref<130x192xf32, #tpu.memory_space<vmem>>, vector<16xf32>,
    tpu.vector_store %arg6[%swap3A_252, %swap3A_253], %gather3A_76 {strides = array<i32>} : memref<130x192xf32, #tpu.memory_space<vmem>>, vector<16xf32>,
    %swap3A_255 = arith.constant 128 : i32
    %swap3A_256 = arith.index_cast %swap3A_255 : i32 to index
    %swap3A_257 = arith.constant 176 : index
    %swap3A_258 = tpu.vector_load %arg5[%swap3A_256, %swap3A_257] {strides = array<i32>} : memref<130x192xf32, #tpu.memory_space<vmem>>, vector<16xf32>,
    tpu.vector_store %arg5[%swap3A_256, %swap3A_257], %gather3A_83 {strides = array<i32>} : memref<130x192xf32, #tpu.memory_space<vmem>>, vector<16xf32>,
    %swap3A_259 = arith.constant 128 : i32
    %swap3A_260 = arith.index_cast %swap3A_259 : i32 to index
    %swap3A_261 = arith.constant 176 : index
    %swap3A_262 = tpu.vector_load %arg6[%swap3A_260, %swap3A_261] {strides = array<i32>} : memref<130x192xf32, #tpu.memory_space<vmem>>, vector<16xf32>,
    tpu.vector_store %arg6[%swap3A_260, %swap3A_261], %gather3A_83 {strides = array<i32>} : memref<130x192xf32, #tpu.memory_space<vmem>>, vector<16xf32>,
    %swap3A_263 = arith.constant 129 : i32
    %swap3A_264 = arith.index_cast %swap3A_263 : i32 to index
    %swap3A_265 = arith.constant 0 : index
    %swap3A_266 = tpu.vector_load %arg5[%swap3A_264, %swap3A_265] {strides = array<i32>} : memref<130x192xf32, #tpu.memory_space<vmem>>, vector<16xf32>,
    tpu.vector_store %arg5[%swap3A_264, %swap3A_265], %gather3A_90 {strides = array<i32>} : memref<130x192xf32, #tpu.memory_space<vmem>>, vector<16xf32>,
    %swap3A_267 = arith.constant 129 : i32
    %swap3A_268 = arith.index_cast %swap3A_267 : i32 to index
    %swap3A_269 = arith.constant 0 : index
    %swap3A_270 = tpu.vector_load %arg6[%swap3A_268, %swap3A_269] {strides = array<i32>} : memref<130x192xf32, #tpu.memory_space<vmem>>, vector<16xf32>,
    tpu.vector_store %arg6[%swap3A_268, %swap3A_269], %gather3A_90 {strides = array<i32>} : memref<130x192xf32, #tpu.memory_space<vmem>>, vector<16xf32>,
    %swap3A_271 = arith.constant 129 : i32
    %swap3A_272 = arith.index_cast %swap3A_271 : i32 to index
    %swap3A_273 = arith.constant 16 : index
    %swap3A_274 = tpu.vector_load %arg5[%swap3A_272, %swap3A_273] {strides = array<i32>} : memref<130x192xf32, #tpu.memory_space<vmem>>, vector<16xf32>,
    tpu.vector_store %arg5[%swap3A_272, %swap3A_273], %gather3A_97 {strides = array<i32>} : memref<130x192xf32, #tpu.memory_space<vmem>>, vector<16xf32>,
    %swap3A_275 = arith.constant 129 : i32
    %swap3A_276 = arith.index_cast %swap3A_275 : i32 to index
    %swap3A_277 = arith.constant 16 : index
    %swap3A_278 = tpu.vector_load %arg6[%swap3A_276, %swap3A_277] {strides = array<i32>} : memref<130x192xf32, #tpu.memory_space<vmem>>, vector<16xf32>,
    tpu.vector_store %arg6[%swap3A_276, %swap3A_277], %gather3A_97 {strides = array<i32>} : memref<130x192xf32, #tpu.memory_space<vmem>>, vector<16xf32>,
    %swap3A_279 = arith.constant 129 : i32
    %swap3A_280 = arith.index_cast %swap3A_279 : i32 to index
    %swap3A_281 = arith.constant 32 : index
    %swap3A_282 = tpu.vector_load %arg5[%swap3A_280, %swap3A_281] {strides = array<i32>} : memref<130x192xf32, #tpu.memory_space<vmem>>, vector<16xf32>,
    tpu.vector_store %arg5[%swap3A_280, %swap3A_281], %gather3A_104 {strides = array<i32>} : memref<130x192xf32, #tpu.memory_space<vmem>>, vector<16xf32>,
    %swap3A_283 = arith.constant 129 : i32
    %swap3A_284 = arith.index_cast %swap3A_283 : i32 to index
    %swap3A_285 = arith.constant 32 : index
    %swap3A_286 = tpu.vector_load %arg6[%swap3A_284, %swap3A_285] {strides = array<i32>} : memref<130x192xf32, #tpu.memory_space<vmem>>, vector<16xf32>,
    tpu.vector_store %arg6[%swap3A_284, %swap3A_285], %gather3A_104 {strides = array<i32>} : memref<130x192xf32, #tpu.memory_space<vmem>>, vector<16xf32>,
    %swap3A_287 = arith.constant 129 : i32
    %swap3A_288 = arith.index_cast %swap3A_287 : i32 to index
    %swap3A_289 = arith.constant 48 : index
    %swap3A_290 = tpu.vector_load %arg5[%swap3A_288, %swap3A_289] {strides = array<i32>} : memref<130x192xf32, #tpu.memory_space<vmem>>, vector<16xf32>,
    tpu.vector_store %arg5[%swap3A_288, %swap3A_289], %gather3A_111 {strides = array<i32>} : memref<130x192xf32, #tpu.memory_space<vmem>>, vector<16xf32>,
    %swap3A_291 = arith.constant 129 : i32
    %swap3A_292 = arith.index_cast %swap3A_291 : i32 to index
    %swap3A_293 = arith.constant 48 : index
    %swap3A_294 = tpu.vector_load %arg6[%swap3A_292, %swap3A_293] {strides = array<i32>} : memref<130x192xf32, #tpu.memory_space<vmem>>, vector<16xf32>,
    tpu.vector_store %arg6[%swap3A_292, %swap3A_293], %gather3A_111 {strides = array<i32>} : memref<130x192xf32, #tpu.memory_space<vmem>>, vector<16xf32>,
    %swap3A_295 = arith.constant 129 : i32
    %swap3A_296 = arith.index_cast %swap3A_295 : i32 to index
    %swap3A_297 = arith.constant 64 : index
    %swap3A_298 = tpu.vector_load %arg5[%swap3A_296, %swap3A_297] {strides = array<i32>} : memref<130x192xf32, #tpu.memory_space<vmem>>, vector<16xf32>,
    tpu.vector_store %arg5[%swap3A_296, %swap3A_297], %gather3A_118 {strides = array<i32>} : memref<130x192xf32, #tpu.memory_space<vmem>>, vector<16xf32>,
    %swap3A_299 = arith.constant 129 : i32
    %swap3A_300 = arith.index_cast %swap3A_299 : i32 to index
    %swap3A_301 = arith.constant 64 : index
    %swap3A_302 = tpu.vector_load %arg6[%swap3A_300, %swap3A_301] {strides = array<i32>} : memref<130x192xf32, #tpu.memory_space<vmem>>, vector<16xf32>,
    tpu.vector_store %arg6[%swap3A_300, %swap3A_301], %gather3A_118 {strides = array<i32>} : memref<130x192xf32, #tpu.memory_space<vmem>>, vector<16xf32>,
    %swap3A_303 = arith.constant 129 : i32
    %swap3A_304 = arith.index_cast %swap3A_303 : i32 to index
    %swap3A_305 = arith.constant 80 : index
    %swap3A_306 = tpu.vector_load %arg5[%swap3A_304, %swap3A_305] {strides = array<i32>} : memref<130x192xf32, #tpu.memory_space<vmem>>, vector<16xf32>,
    tpu.vector_store %arg5[%swap3A_304, %swap3A_305], %gather3A_125 {strides = array<i32>} : memref<130x192xf32, #tpu.memory_space<vmem>>, vector<16xf32>,
    %swap3A_307 = arith.constant 129 : i32
    %swap3A_308 = arith.index_cast %swap3A_307 : i32 to index
    %swap3A_309 = arith.constant 80 : index
    %swap3A_310 = tpu.vector_load %arg6[%swap3A_308, %swap3A_309] {strides = array<i32>} : memref<130x192xf32, #tpu.memory_space<vmem>>, vector<16xf32>,
    tpu.vector_store %arg6[%swap3A_308, %swap3A_309], %gather3A_125 {strides = array<i32>} : memref<130x192xf32, #tpu.memory_space<vmem>>, vector<16xf32>,
    %swap3A_311 = arith.constant 129 : i32
    %swap3A_312 = arith.index_cast %swap3A_311 : i32 to index
    %swap3A_313 = arith.constant 96 : index
    %swap3A_314 = tpu.vector_load %arg5[%swap3A_312, %swap3A_313] {strides = array<i32>} : memref<130x192xf32, #tpu.memory_space<vmem>>, vector<16xf32>,
    tpu.vector_store %arg5[%swap3A_312, %swap3A_313], %gather3A_132 {strides = array<i32>} : memref<130x192xf32, #tpu.memory_space<vmem>>, vector<16xf32>,
    %swap3A_315 = arith.constant 129 : i32
    %swap3A_316 = arith.index_cast %swap3A_315 : i32 to index
    %swap3A_317 = arith.constant 96 : index
    %swap3A_318 = tpu.vector_load %arg6[%swap3A_316, %swap3A_317] {strides = array<i32>} : memref<130x192xf32, #tpu.memory_space<vmem>>, vector<16xf32>,
    tpu.vector_store %arg6[%swap3A_316, %swap3A_317], %gather3A_132 {strides = array<i32>} : memref<130x192xf32, #tpu.memory_space<vmem>>, vector<16xf32>,
    %swap3A_319 = arith.constant 129 : i32
    %swap3A_320 = arith.index_cast %swap3A_319 : i32 to index
    %swap3A_321 = arith.constant 112 : index
    %swap3A_322 = tpu.vector_load %arg5[%swap3A_320, %swap3A_321] {strides = array<i32>} : memref<130x192xf32, #tpu.memory_space<vmem>>, vector<16xf32>,
    tpu.vector_store %arg5[%swap3A_320, %swap3A_321], %gather3A_139 {strides = array<i32>} : memref<130x192xf32, #tpu.memory_space<vmem>>, vector<16xf32>,
    %swap3A_323 = arith.constant 129 : i32
    %swap3A_324 = arith.index_cast %swap3A_323 : i32 to index
    %swap3A_325 = arith.constant 112 : index
    %swap3A_326 = tpu.vector_load %arg6[%swap3A_324, %swap3A_325] {strides = array<i32>} : memref<130x192xf32, #tpu.memory_space<vmem>>, vector<16xf32>,
    tpu.vector_store %arg6[%swap3A_324, %swap3A_325], %gather3A_139 {strides = array<i32>} : memref<130x192xf32, #tpu.memory_space<vmem>>, vector<16xf32>,
    %swap3A_327 = arith.constant 129 : i32
    %swap3A_328 = arith.index_cast %swap3A_327 : i32 to index
    %swap3A_329 = arith.constant 128 : index
    %swap3A_330 = tpu.vector_load %arg5[%swap3A_328, %swap3A_329] {strides = array<i32>} : memref<130x192xf32, #tpu.memory_space<vmem>>, vector<16xf32>,
    tpu.vector_store %arg5[%swap3A_328, %swap3A_329], %gather3A_146 {strides = array<i32>} : memref<130x192xf32, #tpu.memory_space<vmem>>, vector<16xf32>,
    %swap3A_331 = arith.constant 129 : i32
    %swap3A_332 = arith.index_cast %swap3A_331 : i32 to index
    %swap3A_333 = arith.constant 128 : index
    %swap3A_334 = tpu.vector_load %arg6[%swap3A_332, %swap3A_333] {strides = array<i32>} : memref<130x192xf32, #tpu.memory_space<vmem>>, vector<16xf32>,
    tpu.vector_store %arg6[%swap3A_332, %swap3A_333], %gather3A_146 {strides = array<i32>} : memref<130x192xf32, #tpu.memory_space<vmem>>, vector<16xf32>,
    %swap3A_335 = arith.constant 129 : i32
    %swap3A_336 = arith.index_cast %swap3A_335 : i32 to index
    %swap3A_337 = arith.constant 144 : index
    %swap3A_338 = tpu.vector_load %arg5[%swap3A_336, %swap3A_337] {strides = array<i32>} : memref<130x192xf32, #tpu.memory_space<vmem>>, vector<16xf32>,
    tpu.vector_store %arg5[%swap3A_336, %swap3A_337], %gather3A_153 {strides = array<i32>} : memref<130x192xf32, #tpu.memory_space<vmem>>, vector<16xf32>,
    %swap3A_339 = arith.constant 129 : i32
    %swap3A_340 = arith.index_cast %swap3A_339 : i32 to index
    %swap3A_341 = arith.constant 144 : index
    %swap3A_342 = tpu.vector_load %arg6[%swap3A_340, %swap3A_341] {strides = array<i32>} : memref<130x192xf32, #tpu.memory_space<vmem>>, vector<16xf32>,
    tpu.vector_store %arg6[%swap3A_340, %swap3A_341], %gather3A_153 {strides = array<i32>} : memref<130x192xf32, #tpu.memory_space<vmem>>, vector<16xf32>,
    %swap3A_343 = arith.constant 129 : i32
    %swap3A_344 = arith.index_cast %swap3A_343 : i32 to index
    %swap3A_345 = arith.constant 160 : index
    %swap3A_346 = tpu.vector_load %arg5[%swap3A_344, %swap3A_345] {strides = array<i32>} : memref<130x192xf32, #tpu.memory_space<vmem>>, vector<16xf32>,
    tpu.vector_store %arg5[%swap3A_344, %swap3A_345], %gather3A_160 {strides = array<i32>} : memref<130x192xf32, #tpu.memory_space<vmem>>, vector<16xf32>,
    %swap3A_347 = arith.constant 129 : i32
    %swap3A_348 = arith.index_cast %swap3A_347 : i32 to index
    %swap3A_349 = arith.constant 160 : index
    %swap3A_350 = tpu.vector_load %arg6[%swap3A_348, %swap3A_349] {strides = array<i32>} : memref<130x192xf32, #tpu.memory_space<vmem>>, vector<16xf32>,
    tpu.vector_store %arg6[%swap3A_348, %swap3A_349], %gather3A_160 {strides = array<i32>} : memref<130x192xf32, #tpu.memory_space<vmem>>, vector<16xf32>,
    %swap3A_351 = arith.constant 129 : i32
    %swap3A_352 = arith.index_cast %swap3A_351 : i32 to index
    %swap3A_353 = arith.constant 176 : index
    %swap3A_354 = tpu.vector_load %arg5[%swap3A_352, %swap3A_353] {strides = array<i32>} : memref<130x192xf32, #tpu.memory_space<vmem>>, vector<16xf32>,
    tpu.vector_store %arg5[%swap3A_352, %swap3A_353], %gather3A_167 {strides = array<i32>} : memref<130x192xf32, #tpu.memory_space<vmem>>, vector<16xf32>,
    %swap3A_355 = arith.constant 129 : i32
    %swap3A_356 = arith.index_cast %swap3A_355 : i32 to index
    %swap3A_357 = arith.constant 176 : index
    %swap3A_358 = tpu.vector_load %arg6[%swap3A_356, %swap3A_357] {strides = array<i32>} : memref<130x192xf32, #tpu.memory_space<vmem>>, vector<16xf32>,
    tpu.vector_store %arg6[%swap3A_356, %swap3A_357], %gather3A_167 {strides = array<i32>} : memref<130x192xf32, #tpu.memory_space<vmem>>, vector<16xf32>,
    %lt3A = arith.constant 16 : i32
    %lt3A_359 = arith.cmpi slt, %add3A, %lt3A : i32
    %convert_element_type3A = arith.extui %lt3A_359 : i1 to i32
    %cond3A = arith.constant 0 : i32
    %cond3A_360 = arith.cmpi ne, %convert_element_type3A, %cond3A : i32
    scf.if %cond3A_360 {
      %scan3A = arith.constant 0 : i32
      %scan3A_2692 = arith.constant 0 : i32
      %scan3A_2693 = arith.constant 65 : i32
      %scan3A_2694 = arith.addi %scan3A_2692, %scan3A_2693 : i32
      %scan3A_2695 = arith.constant 1 : i32
      scf.for %scan3A_2734 = %scan3A_2692 to %scan3A_2694 step %scan3A_2695  : i32 {
        %mul3A_2735 = arith.constant 2 : i32
        %mul3A_2736 = arith.muli %scan3A_2734, %mul3A_2735 : i32
        %add3A_2737 = arith.constant 0 : i32
        %add3A_2738 = arith.addi %mul3A_2736, %add3A_2737 : i32
        %swap3A_2739 = arith.index_cast %add3A_2738 : i32 to index
        %swap3A_2740 = arith.constant 0 : index
        %swap3A_2741 = tpu.vector_load %arg7[%swap3A_2739, %swap3A_2740] {strides = array<i32>} : memref<130x192xf32, #tpu.memory_space<vmem>>, vector<16xf32>,
        tpu.vector_store %arg7[%swap3A_2739, %swap3A_2740], %gather3A {strides = array<i32>} : memref<130x192xf32, #tpu.memory_space<vmem>>, vector<16xf32>,
        %mul3A_2742 = arith.constant 2 : i32
        %mul3A_2743 = arith.muli %scan3A_2734, %mul3A_2742 : i32
        %add3A_2744 = arith.constant 0 : i32
        %add3A_2745 = arith.addi %mul3A_2743, %add3A_2744 : i32
        %swap3A_2746 = arith.index_cast %add3A_2745 : i32 to index
        %swap3A_2747 = arith.constant 16 : index
        %swap3A_2748 = tpu.vector_load %arg7[%swap3A_2746, %swap3A_2747] {strides = array<i32>} : memref<130x192xf32, #tpu.memory_space<vmem>>, vector<16xf32>,
        tpu.vector_store %arg7[%swap3A_2746, %swap3A_2747], %gather3A_13 {strides = array<i32>} : memref<130x192xf32, #tpu.memory_space<vmem>>, vector<16xf32>,
        %mul3A_2749 = arith.constant 2 : i32
        %mul3A_2750 = arith.muli %scan3A_2734, %mul3A_2749 : i32
        %add3A_2751 = arith.constant 0 : i32
        %add3A_2752 = arith.addi %mul3A_2750, %add3A_2751 : i32
        %swap3A_2753 = arith.index_cast %add3A_2752 : i32 to index
        %swap3A_2754 = arith.constant 32 : index
        %swap3A_2755 = tpu.vector_load %arg7[%swap3A_2753, %swap3A_2754] {strides = array<i32>} : memref<130x192xf32, #tpu.memory_space<vmem>>, vector<16xf32>,
        tpu.vector_store %arg7[%swap3A_2753, %swap3A_2754], %gather3A_20 {strides = array<i32>} : memref<130x192xf32, #tpu.memory_space<vmem>>, vector<16xf32>,
        %mul3A_2756 = arith.constant 2 : i32
        %mul3A_2757 = arith.muli %scan3A_2734, %mul3A_2756 : i32
        %add3A_2758 = arith.constant 0 : i32
        %add3A_2759 = arith.addi %mul3A_2757, %add3A_2758 : i32
        %swap3A_2760 = arith.index_cast %add3A_2759 : i32 to index
        %swap3A_2761 = arith.constant 48 : index
        %swap3A_2762 = tpu.vector_load %arg7[%swap3A_2760, %swap3A_2761] {strides = array<i32>} : memref<130x192xf32, #tpu.memory_space<vmem>>, vector<16xf32>,
        tpu.vector_store %arg7[%swap3A_2760, %swap3A_2761], %gather3A_27 {strides = array<i32>} : memref<130x192xf32, #tpu.memory_space<vmem>>, vector<16xf32>,
        %mul3A_2763 = arith.constant 2 : i32
        %mul3A_2764 = arith.muli %scan3A_2734, %mul3A_2763 : i32
        %add3A_2765 = arith.constant 0 : i32
        %add3A_2766 = arith.addi %mul3A_2764, %add3A_2765 : i32
        %swap3A_2767 = arith.index_cast %add3A_2766 : i32 to index
        %swap3A_2768 = arith.constant 64 : index
        %swap3A_2769 = tpu.vector_load %arg7[%swap3A_2767, %swap3A_2768] {strides = array<i32>} : memref<130x192xf32, #tpu.memory_space<vmem>>, vector<16xf32>,
        tpu.vector_store %arg7[%swap3A_2767, %swap3A_2768], %gather3A_34 {strides = array<i32>} : memref<130x192xf32, #tpu.memory_space<vmem>>, vector<16xf32>,
        %mul3A_2770 = arith.constant 2 : i32
        %mul3A_2771 = arith.muli %scan3A_2734, %mul3A_2770 : i32
        %add3A_2772 = arith.constant 0 : i32
        %add3A_2773 = arith.addi %mul3A_2771, %add3A_2772 : i32
        %swap3A_2774 = arith.index_cast %add3A_2773 : i32 to index
        %swap3A_2775 = arith.constant 80 : index
        %swap3A_2776 = tpu.vector_load %arg7[%swap3A_2774, %swap3A_2775] {strides = array<i32>} : memref<130x192xf32, #tpu.memory_space<vmem>>, vector<16xf32>,
        tpu.vector_store %arg7[%swap3A_2774, %swap3A_2775], %gather3A_41 {strides = array<i32>} : memref<130x192xf32, #tpu.memory_space<vmem>>, vector<16xf32>,
        %mul3A_2777 = arith.constant 2 : i32
        %mul3A_2778 = arith.muli %scan3A_2734, %mul3A_2777 : i32
        %add3A_2779 = arith.constant 0 : i32
        %add3A_2780 = arith.addi %mul3A_2778, %add3A_2779 : i32
        %swap3A_2781 = arith.index_cast %add3A_2780 : i32 to index
        %swap3A_2782 = arith.constant 96 : index
        %swap3A_2783 = tpu.vector_load %arg7[%swap3A_2781, %swap3A_2782] {strides = array<i32>} : memref<130x192xf32, #tpu.memory_space<vmem>>, vector<16xf32>,
        tpu.vector_store %arg7[%swap3A_2781, %swap3A_2782], %gather3A_48 {strides = array<i32>} : memref<130x192xf32, #tpu.memory_space<vmem>>, vector<16xf32>,
        %mul3A_2784 = arith.constant 2 : i32
        %mul3A_2785 = arith.muli %scan3A_2734, %mul3A_2784 : i32
        %add3A_2786 = arith.constant 0 : i32
        %add3A_2787 = arith.addi %mul3A_2785, %add3A_2786 : i32
        %swap3A_2788 = arith.index_cast %add3A_2787 : i32 to index
        %swap3A_2789 = arith.constant 112 : index
        %swap3A_2790 = tpu.vector_load %arg7[%swap3A_2788, %swap3A_2789] {strides = array<i32>} : memref<130x192xf32, #tpu.memory_space<vmem>>, vector<16xf32>,
        tpu.vector_store %arg7[%swap3A_2788, %swap3A_2789], %gather3A_55 {strides = array<i32>} : memref<130x192xf32, #tpu.memory_space<vmem>>, vector<16xf32>,
        %mul3A_2791 = arith.constant 2 : i32
        %mul3A_2792 = arith.muli %scan3A_2734, %mul3A_2791 : i32
        %add3A_2793 = arith.constant 0 : i32
        %add3A_2794 = arith.addi %mul3A_2792, %add3A_2793 : i32
        %swap3A_2795 = arith.index_cast %add3A_2794 : i32 to index
        %swap3A_2796 = arith.constant 128 : index
        %swap3A_2797 = tpu.vector_load %arg7[%swap3A_2795, %swap3A_2796] {strides = array<i32>} : memref<130x192xf32, #tpu.memory_space<vmem>>, vector<16xf32>,
        tpu.vector_store %arg7[%swap3A_2795, %swap3A_2796], %gather3A_62 {strides = array<i32>} : memref<130x192xf32, #tpu.memory_space<vmem>>, vector<16xf32>,
        %mul3A_2798 = arith.constant 2 : i32
        %mul3A_2799 = arith.muli %scan3A_2734, %mul3A_2798 : i32
        %add3A_2800 = arith.constant 0 : i32
        %add3A_2801 = arith.addi %mul3A_2799, %add3A_2800 : i32
        %swap3A_2802 = arith.index_cast %add3A_2801 : i32 to index
        %swap3A_2803 = arith.constant 144 : index
        %swap3A_2804 = tpu.vector_load %arg7[%swap3A_2802, %swap3A_2803] {strides = array<i32>} : memref<130x192xf32, #tpu.memory_space<vmem>>, vector<16xf32>,
        tpu.vector_store %arg7[%swap3A_2802, %swap3A_2803], %gather3A_69 {strides = array<i32>} : memref<130x192xf32, #tpu.memory_space<vmem>>, vector<16xf32>,
        %mul3A_2805 = arith.constant 2 : i32
        %mul3A_2806 = arith.muli %scan3A_2734, %mul3A_2805 : i32
        %add3A_2807 = arith.constant 0 : i32
        %add3A_2808 = arith.addi %mul3A_2806, %add3A_2807 : i32
        %swap3A_2809 = arith.index_cast %add3A_2808 : i32 to index
        %swap3A_2810 = arith.constant 160 : index
        %swap3A_2811 = tpu.vector_load %arg7[%swap3A_2809, %swap3A_2810] {strides = array<i32>} : memref<130x192xf32, #tpu.memory_space<vmem>>, vector<16xf32>,
        tpu.vector_store %arg7[%swap3A_2809, %swap3A_2810], %gather3A_76 {strides = array<i32>} : memref<130x192xf32, #tpu.memory_space<vmem>>, vector<16xf32>,
        %mul3A_2812 = arith.constant 2 : i32
        %mul3A_2813 = arith.muli %scan3A_2734, %mul3A_2812 : i32
        %add3A_2814 = arith.constant 0 : i32
        %add3A_2815 = arith.addi %mul3A_2813, %add3A_2814 : i32
        %swap3A_2816 = arith.index_cast %add3A_2815 : i32 to index
        %swap3A_2817 = arith.constant 176 : index
        %swap3A_2818 = tpu.vector_load %arg7[%swap3A_2816, %swap3A_2817] {strides = array<i32>} : memref<130x192xf32, #tpu.memory_space<vmem>>, vector<16xf32>,
        tpu.vector_store %arg7[%swap3A_2816, %swap3A_2817], %gather3A_83 {strides = array<i32>} : memref<130x192xf32, #tpu.memory_space<vmem>>, vector<16xf32>,
        %mul3A_2819 = arith.constant 2 : i32
        %mul3A_2820 = arith.muli %scan3A_2734, %mul3A_2819 : i32
        %add3A_2821 = arith.constant 1 : i32
        %add3A_2822 = arith.addi %mul3A_2820, %add3A_2821 : i32
        %swap3A_2823 = arith.index_cast %add3A_2822 : i32 to index
        %swap3A_2824 = arith.constant 0 : index
        %swap3A_2825 = tpu.vector_load %arg7[%swap3A_2823, %swap3A_2824] {strides = array<i32>} : memref<130x192xf32, #tpu.memory_space<vmem>>, vector<16xf32>,
        tpu.vector_store %arg7[%swap3A_2823, %swap3A_2824], %gather3A_90 {strides = array<i32>} : memref<130x192xf32, #tpu.memory_space<vmem>>, vector<16xf32>,
        %mul3A_2826 = arith.constant 2 : i32
        %mul3A_2827 = arith.muli %scan3A_2734, %mul3A_2826 : i32
        %add3A_2828 = arith.constant 1 : i32
        %add3A_2829 = arith.addi %mul3A_2827, %add3A_2828 : i32
        %swap3A_2830 = arith.index_cast %add3A_2829 : i32 to index
        %swap3A_2831 = arith.constant 16 : index
        %swap3A_2832 = tpu.vector_load %arg7[%swap3A_2830, %swap3A_2831] {strides = array<i32>} : memref<130x192xf32, #tpu.memory_space<vmem>>, vector<16xf32>,
        tpu.vector_store %arg7[%swap3A_2830, %swap3A_2831], %gather3A_97 {strides = array<i32>} : memref<130x192xf32, #tpu.memory_space<vmem>>, vector<16xf32>,
        %mul3A_2833 = arith.constant 2 : i32
        %mul3A_2834 = arith.muli %scan3A_2734, %mul3A_2833 : i32
        %add3A_2835 = arith.constant 1 : i32
        %add3A_2836 = arith.addi %mul3A_2834, %add3A_2835 : i32
        %swap3A_2837 = arith.index_cast %add3A_2836 : i32 to index
        %swap3A_2838 = arith.constant 32 : index
        %swap3A_2839 = tpu.vector_load %arg7[%swap3A_2837, %swap3A_2838] {strides = array<i32>} : memref<130x192xf32, #tpu.memory_space<vmem>>, vector<16xf32>,
        tpu.vector_store %arg7[%swap3A_2837, %swap3A_2838], %gather3A_104 {strides = array<i32>} : memref<130x192xf32, #tpu.memory_space<vmem>>, vector<16xf32>,
        %mul3A_2840 = arith.constant 2 : i32
        %mul3A_2841 = arith.muli %scan3A_2734, %mul3A_2840 : i32
        %add3A_2842 = arith.constant 1 : i32
        %add3A_2843 = arith.addi %mul3A_2841, %add3A_2842 : i32
        %swap3A_2844 = arith.index_cast %add3A_2843 : i32 to index
        %swap3A_2845 = arith.constant 48 : index
        %swap3A_2846 = tpu.vector_load %arg7[%swap3A_2844, %swap3A_2845] {strides = array<i32>} : memref<130x192xf32, #tpu.memory_space<vmem>>, vector<16xf32>,
        tpu.vector_store %arg7[%swap3A_2844, %swap3A_2845], %gather3A_111 {strides = array<i32>} : memref<130x192xf32, #tpu.memory_space<vmem>>, vector<16xf32>,
        %mul3A_2847 = arith.constant 2 : i32
        %mul3A_2848 = arith.muli %scan3A_2734, %mul3A_2847 : i32
        %add3A_2849 = arith.constant 1 : i32
        %add3A_2850 = arith.addi %mul3A_2848, %add3A_2849 : i32
        %swap3A_2851 = arith.index_cast %add3A_2850 : i32 to index
        %swap3A_2852 = arith.constant 64 : index
        %swap3A_2853 = tpu.vector_load %arg7[%swap3A_2851, %swap3A_2852] {strides = array<i32>} : memref<130x192xf32, #tpu.memory_space<vmem>>, vector<16xf32>,
        tpu.vector_store %arg7[%swap3A_2851, %swap3A_2852], %gather3A_118 {strides = array<i32>} : memref<130x192xf32, #tpu.memory_space<vmem>>, vector<16xf32>,
        %mul3A_2854 = arith.constant 2 : i32
        %mul3A_2855 = arith.muli %scan3A_2734, %mul3A_2854 : i32
        %add3A_2856 = arith.constant 1 : i32
        %add3A_2857 = arith.addi %mul3A_2855, %add3A_2856 : i32
        %swap3A_2858 = arith.index_cast %add3A_2857 : i32 to index
        %swap3A_2859 = arith.constant 80 : index
        %swap3A_2860 = tpu.vector_load %arg7[%swap3A_2858, %swap3A_2859] {strides = array<i32>} : memref<130x192xf32, #tpu.memory_space<vmem>>, vector<16xf32>,
        tpu.vector_store %arg7[%swap3A_2858, %swap3A_2859], %gather3A_125 {strides = array<i32>} : memref<130x192xf32, #tpu.memory_space<vmem>>, vector<16xf32>,
        %mul3A_2861 = arith.constant 2 : i32
        %mul3A_2862 = arith.muli %scan3A_2734, %mul3A_2861 : i32
        %add3A_2863 = arith.constant 1 : i32
        %add3A_2864 = arith.addi %mul3A_2862, %add3A_2863 : i32
        %swap3A_2865 = arith.index_cast %add3A_2864 : i32 to index
        %swap3A_2866 = arith.constant 96 : index
        %swap3A_2867 = tpu.vector_load %arg7[%swap3A_2865, %swap3A_2866] {strides = array<i32>} : memref<130x192xf32, #tpu.memory_space<vmem>>, vector<16xf32>,
        tpu.vector_store %arg7[%swap3A_2865, %swap3A_2866], %gather3A_132 {strides = array<i32>} : memref<130x192xf32, #tpu.memory_space<vmem>>, vector<16xf32>,
        %mul3A_2868 = arith.constant 2 : i32
        %mul3A_2869 = arith.muli %scan3A_2734, %mul3A_2868 : i32
        %add3A_2870 = arith.constant 1 : i32
        %add3A_2871 = arith.addi %mul3A_2869, %add3A_2870 : i32
        %swap3A_2872 = arith.index_cast %add3A_2871 : i32 to index
        %swap3A_2873 = arith.constant 112 : index
        %swap3A_2874 = tpu.vector_load %arg7[%swap3A_2872, %swap3A_2873] {strides = array<i32>} : memref<130x192xf32, #tpu.memory_space<vmem>>, vector<16xf32>,
        tpu.vector_store %arg7[%swap3A_2872, %swap3A_2873], %gather3A_139 {strides = array<i32>} : memref<130x192xf32, #tpu.memory_space<vmem>>, vector<16xf32>,
        %mul3A_2875 = arith.constant 2 : i32
        %mul3A_2876 = arith.muli %scan3A_2734, %mul3A_2875 : i32
        %add3A_2877 = arith.constant 1 : i32
        %add3A_2878 = arith.addi %mul3A_2876, %add3A_2877 : i32
        %swap3A_2879 = arith.index_cast %add3A_2878 : i32 to index
        %swap3A_2880 = arith.constant 128 : index
        %swap3A_2881 = tpu.vector_load %arg7[%swap3A_2879, %swap3A_2880] {strides = array<i32>} : memref<130x192xf32, #tpu.memory_space<vmem>>, vector<16xf32>,
        tpu.vector_store %arg7[%swap3A_2879, %swap3A_2880], %gather3A_146 {strides = array<i32>} : memref<130x192xf32, #tpu.memory_space<vmem>>, vector<16xf32>,
        %mul3A_2882 = arith.constant 2 : i32
        %mul3A_2883 = arith.muli %scan3A_2734, %mul3A_2882 : i32
        %add3A_2884 = arith.constant 1 : i32
        %add3A_2885 = arith.addi %mul3A_2883, %add3A_2884 : i32
        %swap3A_2886 = arith.index_cast %add3A_2885 : i32 to index
        %swap3A_2887 = arith.constant 144 : index
        %swap3A_2888 = tpu.vector_load %arg7[%swap3A_2886, %swap3A_2887] {strides = array<i32>} : memref<130x192xf32, #tpu.memory_space<vmem>>, vector<16xf32>,
        tpu.vector_store %arg7[%swap3A_2886, %swap3A_2887], %gather3A_153 {strides = array<i32>} : memref<130x192xf32, #tpu.memory_space<vmem>>, vector<16xf32>,
        %mul3A_2889 = arith.constant 2 : i32
        %mul3A_2890 = arith.muli %scan3A_2734, %mul3A_2889 : i32
        %add3A_2891 = arith.constant 1 : i32
        %add3A_2892 = arith.addi %mul3A_2890, %add3A_2891 : i32
        %swap3A_2893 = arith.index_cast %add3A_2892 : i32 to index
        %swap3A_2894 = arith.constant 160 : index
        %swap3A_2895 = tpu.vector_load %arg7[%swap3A_2893, %swap3A_2894] {strides = array<i32>} : memref<130x192xf32, #tpu.memory_space<vmem>>, vector<16xf32>,
        tpu.vector_store %arg7[%swap3A_2893, %swap3A_2894], %gather3A_160 {strides = array<i32>} : memref<130x192xf32, #tpu.memory_space<vmem>>, vector<16xf32>,
        %mul3A_2896 = arith.constant 2 : i32
        %mul3A_2897 = arith.muli %scan3A_2734, %mul3A_2896 : i32
        %add3A_2898 = arith.constant 1 : i32
        %add3A_2899 = arith.addi %mul3A_2897, %add3A_2898 : i32
        %swap3A_2900 = arith.index_cast %add3A_2899 : i32 to index
        %swap3A_2901 = arith.constant 176 : index
        %swap3A_2902 = tpu.vector_load %arg7[%swap3A_2900, %swap3A_2901] {strides = array<i32>} : memref<130x192xf32, #tpu.memory_space<vmem>>, vector<16xf32>,
        tpu.vector_store %arg7[%swap3A_2900, %swap3A_2901], %gather3A_167 {strides = array<i32>} : memref<130x192xf32, #tpu.memory_space<vmem>>, vector<16xf32>,
      }
      %scan3A_2696 = arith.constant 65 : i32
      %jit3A_2697 = arith.constant 2 : i32
      %div3A_2698 = arith.divsi %add3A, %jit3A_2697 : i32
      %sign3A_2699 = arith.constant 0 : i32
      %sign3A_2700 = arith.cmpi sgt, %add3A, %sign3A_2699 : i32
      %sign3A_2701 = arith.extui %sign3A_2700 : i1 to i32
      %sign3A_2702 = arith.constant 0 : i32
      %sign3A_2703 = arith.cmpi slt, %add3A, %sign3A_2702 : i32
      %sign3A_2704 = arith.extui %sign3A_2703 : i1 to i32
      %sign3A_2705 = arith.subi %sign3A_2701, %sign3A_2704 : i32
      %sign3A_2706 = arith.constant 0 : i32
      %sign3A_2707 = arith.cmpi sgt, %jit3A_2697, %sign3A_2706 : i32
      %sign3A_2708 = arith.extui %sign3A_2707 : i1 to i32
      %sign3A_2709 = arith.constant 0 : i32
      %sign3A_2710 = arith.cmpi slt, %jit3A_2697, %sign3A_2709 : i32
      %sign3A_2711 = arith.extui %sign3A_2710 : i1 to i32
      %sign3A_2712 = arith.subi %sign3A_2708, %sign3A_2711 : i32
      %ne3A_2713 = arith.cmpi ne, %sign3A_2705, %sign3A_2712 : i32
      %rem3A_2714 = arith.remsi %add3A, %jit3A_2697 : i32
      %ne3A_2715 = arith.constant 0 : i32
      %ne3A_2716 = arith.cmpi ne, %rem3A_2714, %ne3A_2715 : i32
      %and3A_2717 = arith.andi %ne3A_2713, %ne3A_2716 : i1
      %sub3A_2718 = arith.constant 1 : i32
      %sub3A_2719 = arith.subi %div3A_2698, %sub3A_2718 : i32
      %select_n3A_2720 = arith.select %and3A_2717, %sub3A_2719, %div3A_2698 : i32
      %mul3A_2721 = arith.constant 2 : i32
      %mul3A_2722 = arith.muli %select_n3A_2720, %mul3A_2721 : i32
      %sub3A_2723 = arith.subi %add3A, %mul3A_2722 : i32
      %add3A_2724 = arith.constant 128 : i32
      %add3A_2725 = arith.addi %add3A_2724, %sub3A_2723 : i32
      %dma_start3A_2726 = arith.constant 0 : i32
      %dma_start3A_2727 = arith.constant 0 : i32
      %dma_start3A_2728 = tpu.memref_slice %arg4[%select_n3A_2720, %add3A_2725, %dma_start3A_2726, %dma_start3A_2727] : memref<8x130x130x192xf32, #tpu.memory_space<hbm>> -> memref<1x1x130x192xf32, #tpu.memory_space<hbm>>
      %dma_start3A_2729 = tpu.memref_squeeze %dma_start3A_2728 : memref<1x1x130x192xf32, #tpu.memory_space<hbm>> -> memref<130x192xf32, #tpu.memory_space<hbm>>
      %dma_start3A_2730 = arith.constant 0 : i32
      %dma_start3A_2731 = arith.constant 0 : i32
      %dma_start3A_2732 = tpu.memref_slice %arg4[%select_n3A_2720, %add3A_2725, %dma_start3A_2730, %dma_start3A_2731] : memref<8x130x130x192xf32, #tpu.memory_space<hbm>> -> memref<1x1x130x192xf32, #tpu.memory_space<hbm>>
      %dma_start3A_2733 = tpu.memref_squeeze %dma_start3A_2732 : memref<1x1x130x192xf32, #tpu.memory_space<hbm>> -> memref<130x192xf32, #tpu.memory_space<hbm>>
      tpu.enqueue_dma source(%arg7 : memref<130x192xf32, #tpu.memory_space<vmem>>) target(%dma_start3A_2733 : memref<130x192xf32, #tpu.memory_space<hbm>>) target_semaphore(%arg13 : memref<!tpu.dma_semaphore, #tpu.memory_space<semaphore_mem>>)
    } else {
    }
    %mul3A_361 = arith.constant 32 : i32
    %mul3A_362 = arith.muli %add3A, %mul3A_361 : i32
    %add3A_363 = arith.constant 0 : i32
    %add3A_364 = arith.addi %mul3A_362, %add3A_363 : i32
    %jit3A = arith.constant 128 : i32
    %div3A = arith.divsi %add3A_364, %jit3A : i32
    %sign3A = arith.constant 0 : i32
    %sign3A_365 = arith.cmpi sgt, %add3A_364, %sign3A : i32
    %sign3A_366 = arith.extui %sign3A_365 : i1 to i32
    %sign3A_367 = arith.constant 0 : i32
    %sign3A_368 = arith.cmpi slt, %add3A_364, %sign3A_367 : i32
    %sign3A_369 = arith.extui %sign3A_368 : i1 to i32
    %sign3A_370 = arith.subi %sign3A_366, %sign3A_369 : i32
    %sign3A_371 = arith.constant 0 : i32
    %sign3A_372 = arith.cmpi sgt, %jit3A, %sign3A_371 : i32
    %sign3A_373 = arith.extui %sign3A_372 : i1 to i32
    %sign3A_374 = arith.constant 0 : i32
    %sign3A_375 = arith.cmpi slt, %jit3A, %sign3A_374 : i32
    %sign3A_376 = arith.extui %sign3A_375 : i1 to i32
    %sign3A_377 = arith.subi %sign3A_373, %sign3A_376 : i32
    %ne3A = arith.cmpi ne, %sign3A_370, %sign3A_377 : i32
    %rem3A = arith.remsi %add3A_364, %jit3A : i32
    %ne3A_378 = arith.constant 0 : i32
    %ne3A_379 = arith.cmpi ne, %rem3A, %ne3A_378 : i32
    %and3A = arith.andi %ne3A, %ne3A_379 : i1
    %sub3A = arith.constant 1 : i32
    %sub3A_380 = arith.subi %div3A, %sub3A : i32
    %select_n3A = arith.select %and3A, %sub3A_380, %div3A : i32
    %mul3A_381 = arith.constant 128 : i32
    %mul3A_382 = arith.muli %select_n3A, %mul3A_381 : i32
    %sub3A_383 = arith.subi %add3A_364, %mul3A_382 : i32
    %mul3A_384 = arith.constant 128 : i32
    %mul3A_385 = arith.muli %sub3A_383, %mul3A_384 : i32
    %dma_start3A = arith.constant 0 : i32
    %dma_start3A_386 = arith.constant 0 : i32
    %dma_start3A_387 = tpu.memref_slice %arg5[%dma_start3A, %dma_start3A_386] : memref<130x192xf32, #tpu.memory_space<vmem>> -> memref<128x192xf32, #tpu.memory_space<vmem>>
    %dma_start3A_388 = arith.constant 0 : i32
    %dma_start3A_389 = tpu.memref_slice %arg2[%select_n3A, %mul3A_385, %dma_start3A_388] : memref<8x16384x192xf32, #tpu.memory_space<hbm>> -> memref<1x128x192xf32, #tpu.memory_space<hbm>>
    %dma_start3A_390 = tpu.memref_squeeze %dma_start3A_389 : memref<1x128x192xf32, #tpu.memory_space<hbm>> -> memref<128x192xf32, #tpu.memory_space<hbm>>
    %dma_start3A_391 = arith.constant 0 : i32
    %dma_start3A_392 = arith.constant 0 : i32
    %dma_start3A_393 = tpu.memref_slice %arg5[%dma_start3A_391, %dma_start3A_392] : memref<130x192xf32, #tpu.memory_space<vmem>> -> memref<128x192xf32, #tpu.memory_space<vmem>>
    %dma_start3A_394 = arith.constant 0 : i32
    %dma_start3A_395 = tpu.memref_slice %arg2[%select_n3A, %mul3A_385, %dma_start3A_394] : memref<8x16384x192xf32, #tpu.memory_space<hbm>> -> memref<1x128x192xf32, #tpu.memory_space<hbm>>
    %dma_start3A_396 = tpu.memref_squeeze %dma_start3A_395 : memref<1x128x192xf32, #tpu.memory_space<hbm>> -> memref<128x192xf32, #tpu.memory_space<hbm>>
    tpu.enqueue_dma source(%dma_start3A_396 : memref<128x192xf32, #tpu.memory_space<hbm>>) target(%dma_start3A_393 : memref<128x192xf32, #tpu.memory_space<vmem>>) target_semaphore(%arg9 : memref<!tpu.dma_semaphore, #tpu.memory_space<semaphore_mem>>)
    %dma_wait3A = arith.constant 0 : i32
    %dma_wait3A_397 = arith.constant 0 : i32
    %dma_wait3A_398 = tpu.memref_slice %arg5[%dma_wait3A, %dma_wait3A_397] : memref<130x192xf32, #tpu.memory_space<vmem>> -> memref<128x192xf32, #tpu.memory_space<vmem>>
    %dma_wait3A_399 = arith.constant 0 : i32
    %dma_wait3A_400 = tpu.memref_slice %arg2[%select_n3A, %mul3A_385, %dma_wait3A_399] : memref<8x16384x192xf32, #tpu.memory_space<hbm>> -> memref<1x128x192xf32, #tpu.memory_space<hbm>>
    %dma_wait3A_401 = tpu.memref_squeeze %dma_wait3A_400 : memref<1x128x192xf32, #tpu.memory_space<hbm>> -> memref<128x192xf32, #tpu.memory_space<hbm>>
    %dma_wait3A_402 = arith.constant 0 : i32
    %dma_wait3A_403 = arith.constant 0 : i32
    %dma_wait3A_404 = tpu.memref_slice %arg5[%dma_wait3A_402, %dma_wait3A_403] : memref<130x192xf32, #tpu.memory_space<vmem>> -> memref<128x192xf32, #tpu.memory_space<vmem>>
    %dma_wait3A_405 = arith.constant 0 : i32
    %dma_wait3A_406 = tpu.memref_slice %arg2[%select_n3A, %mul3A_385, %dma_wait3A_405] : memref<8x16384x192xf32, #tpu.memory_space<hbm>> -> memref<1x128x192xf32, #tpu.memory_space<hbm>>
    %dma_wait3A_407 = tpu.memref_squeeze %dma_wait3A_406 : memref<1x128x192xf32, #tpu.memory_space<hbm>> -> memref<128x192xf32, #tpu.memory_space<hbm>>
    tpu.wait_dma2 semaphore(%arg9 : memref<!tpu.dma_semaphore, #tpu.memory_space<semaphore_mem>>) src(%dma_wait3A_407 : memref<128x192xf32, #tpu.memory_space<hbm>>) dst(%dma_wait3A_404 : memref<128x192xf32, #tpu.memory_space<vmem>>)
    %dma_start3A_408 = arith.constant 0 : i32
    %dma_start3A_409 = arith.constant 0 : i32
    %dma_start3A_410 = tpu.memref_slice %arg4[%select_n3A, %sub3A_383, %dma_start3A_408, %dma_start3A_409] : memref<8x130x130x192xf32, #tpu.memory_space<hbm>> -> memref<1x1x130x192xf32, #tpu.memory_space<hbm>>
    %dma_start3A_411 = tpu.memref_squeeze %dma_start3A_410 : memref<1x1x130x192xf32, #tpu.memory_space<hbm>> -> memref<130x192xf32, #tpu.memory_space<hbm>>
    %dma_start3A_412 = arith.constant 0 : i32
    %dma_start3A_413 = arith.constant 0 : i32
    %dma_start3A_414 = tpu.memref_slice %arg4[%select_n3A, %sub3A_383, %dma_start3A_412, %dma_start3A_413] : memref<8x130x130x192xf32, #tpu.memory_space<hbm>> -> memref<1x1x130x192xf32, #tpu.memory_space<hbm>>
    %dma_start3A_415 = tpu.memref_squeeze %dma_start3A_414 : memref<1x1x130x192xf32, #tpu.memory_space<hbm>> -> memref<130x192xf32, #tpu.memory_space<hbm>>
    tpu.enqueue_dma source(%arg5 : memref<130x192xf32, #tpu.memory_space<vmem>>) target(%dma_start3A_415 : memref<130x192xf32, #tpu.memory_space<hbm>>) target_semaphore(%arg11 : memref<!tpu.dma_semaphore, #tpu.memory_space<semaphore_mem>>)
    %mul3A_416 = arith.constant 32 : i32
    %mul3A_417 = arith.muli %add3A, %mul3A_416 : i32
    %add3A_418 = arith.constant 1 : i32
    %add3A_419 = arith.addi %mul3A_417, %add3A_418 : i32
    %jit3A_420 = arith.constant 128 : i32
    %div3A_421 = arith.divsi %add3A_419, %jit3A_420 : i32
    %sign3A_422 = arith.constant 0 : i32
    %sign3A_423 = arith.cmpi sgt, %add3A_419, %sign3A_422 : i32
    %sign3A_424 = arith.extui %sign3A_423 : i1 to i32
    %sign3A_425 = arith.constant 0 : i32
    %sign3A_426 = arith.cmpi slt, %add3A_419, %sign3A_425 : i32
    %sign3A_427 = arith.extui %sign3A_426 : i1 to i32
    %sign3A_428 = arith.subi %sign3A_424, %sign3A_427 : i32
    %sign3A_429 = arith.constant 0 : i32
    %sign3A_430 = arith.cmpi sgt, %jit3A_420, %sign3A_429 : i32
    %sign3A_431 = arith.extui %sign3A_430 : i1 to i32
    %sign3A_432 = arith.constant 0 : i32
    %sign3A_433 = arith.cmpi slt, %jit3A_420, %sign3A_432 : i32
    %sign3A_434 = arith.extui %sign3A_433 : i1 to i32
    %sign3A_435 = arith.subi %sign3A_431, %sign3A_434 : i32
    %ne3A_436 = arith.cmpi ne, %sign3A_428, %sign3A_435 : i32
    %rem3A_437 = arith.remsi %add3A_419, %jit3A_420 : i32
    %ne3A_438 = arith.constant 0 : i32
    %ne3A_439 = arith.cmpi ne, %rem3A_437, %ne3A_438 : i32
    %and3A_440 = arith.andi %ne3A_436, %ne3A_439 : i1
    %sub3A_441 = arith.constant 1 : i32
    %sub3A_442 = arith.subi %div3A_421, %sub3A_441 : i32
    %select_n3A_443 = arith.select %and3A_440, %sub3A_442, %div3A_421 : i32
    %mul3A_444 = arith.constant 128 : i32
    %mul3A_445 = arith.muli %select_n3A_443, %mul3A_444 : i32
    %sub3A_446 = arith.subi %add3A_419, %mul3A_445 : i32
    %mul3A_447 = arith.constant 128 : i32
    %mul3A_448 = arith.muli %sub3A_446, %mul3A_447 : i32
    %dma_start3A_449 = arith.constant 0 : i32
    %dma_start3A_450 = arith.constant 0 : i32
    %dma_start3A_451 = tpu.memref_slice %arg6[%dma_start3A_449, %dma_start3A_450] : memref<130x192xf32, #tpu.memory_space<vmem>> -> memref<128x192xf32, #tpu.memory_space<vmem>>
    %dma_start3A_452 = arith.constant 0 : i32
    %dma_start3A_453 = tpu.memref_slice %arg2[%select_n3A_443, %mul3A_448, %dma_start3A_452] : memref<8x16384x192xf32, #tpu.memory_space<hbm>> -> memref<1x128x192xf32, #tpu.memory_space<hbm>>
    %dma_start3A_454 = tpu.memref_squeeze %dma_start3A_453 : memref<1x128x192xf32, #tpu.memory_space<hbm>> -> memref<128x192xf32, #tpu.memory_space<hbm>>
    %dma_start3A_455 = arith.constant 0 : i32
    %dma_start3A_456 = arith.constant 0 : i32
    %dma_start3A_457 = tpu.memref_slice %arg6[%dma_start3A_455, %dma_start3A_456] : memref<130x192xf32, #tpu.memory_space<vmem>> -> memref<128x192xf32, #tpu.memory_space<vmem>>
    %dma_start3A_458 = arith.constant 0 : i32
    %dma_start3A_459 = tpu.memref_slice %arg2[%select_n3A_443, %mul3A_448, %dma_start3A_458] : memref<8x16384x192xf32, #tpu.memory_space<hbm>> -> memref<1x128x192xf32, #tpu.memory_space<hbm>>
    %dma_start3A_460 = tpu.memref_squeeze %dma_start3A_459 : memref<1x128x192xf32, #tpu.memory_space<hbm>> -> memref<128x192xf32, #tpu.memory_space<hbm>>
    tpu.enqueue_dma source(%dma_start3A_460 : memref<128x192xf32, #tpu.memory_space<hbm>>) target(%dma_start3A_457 : memref<128x192xf32, #tpu.memory_space<vmem>>) target_semaphore(%arg10 : memref<!tpu.dma_semaphore, #tpu.memory_space<semaphore_mem>>)
    %dma_wait3A_461 = arith.constant 0 : i32
    %dma_wait3A_462 = arith.constant 0 : i32
    %dma_wait3A_463 = tpu.memref_slice %arg6[%dma_wait3A_461, %dma_wait3A_462] : memref<130x192xf32, #tpu.memory_space<vmem>> -> memref<128x192xf32, #tpu.memory_space<vmem>>
    %dma_wait3A_464 = arith.constant 0 : i32
    %dma_wait3A_465 = tpu.memref_slice %arg2[%select_n3A_443, %mul3A_448, %dma_wait3A_464] : memref<8x16384x192xf32, #tpu.memory_space<hbm>> -> memref<1x128x192xf32, #tpu.memory_space<hbm>>
    %dma_wait3A_466 = tpu.memref_squeeze %dma_wait3A_465 : memref<1x128x192xf32, #tpu.memory_space<hbm>> -> memref<128x192xf32, #tpu.memory_space<hbm>>
    %dma_wait3A_467 = arith.constant 0 : i32
    %dma_wait3A_468 = arith.constant 0 : i32
    %dma_wait3A_469 = tpu.memref_slice %arg6[%dma_wait3A_467, %dma_wait3A_468] : memref<130x192xf32, #tpu.memory_space<vmem>> -> memref<128x192xf32, #tpu.memory_space<vmem>>
    %dma_wait3A_470 = arith.constant 0 : i32
    %dma_wait3A_471 = tpu.memref_slice %arg2[%select_n3A_443, %mul3A_448, %dma_wait3A_470] : memref<8x16384x192xf32, #tpu.memory_space<hbm>> -> memref<1x128x192xf32, #tpu.memory_space<hbm>>
    %dma_wait3A_472 = tpu.memref_squeeze %dma_wait3A_471 : memref<1x128x192xf32, #tpu.memory_space<hbm>> -> memref<128x192xf32, #tpu.memory_space<hbm>>
    tpu.wait_dma2 semaphore(%arg10 : memref<!tpu.dma_semaphore, #tpu.memory_space<semaphore_mem>>) src(%dma_wait3A_472 : memref<128x192xf32, #tpu.memory_space<hbm>>) dst(%dma_wait3A_469 : memref<128x192xf32, #tpu.memory_space<vmem>>)
    %dma_start3A_473 = arith.constant 0 : i32
    %dma_start3A_474 = arith.constant 0 : i32
    %dma_start3A_475 = tpu.memref_slice %arg4[%select_n3A_443, %sub3A_446, %dma_start3A_473, %dma_start3A_474] : memref<8x130x130x192xf32, #tpu.memory_space<hbm>> -> memref<1x1x130x192xf32, #tpu.memory_space<hbm>>
    %dma_start3A_476 = tpu.memref_squeeze %dma_start3A_475 : memref<1x1x130x192xf32, #tpu.memory_space<hbm>> -> memref<130x192xf32, #tpu.memory_space<hbm>>
    %dma_start3A_477 = arith.constant 0 : i32
    %dma_start3A_478 = arith.constant 0 : i32
    %dma_start3A_479 = tpu.memref_slice %arg4[%select_n3A_443, %sub3A_446, %dma_start3A_477, %dma_start3A_478] : memref<8x130x130x192xf32, #tpu.memory_space<hbm>> -> memref<1x1x130x192xf32, #tpu.memory_space<hbm>>
    %dma_start3A_480 = tpu.memref_squeeze %dma_start3A_479 : memref<1x1x130x192xf32, #tpu.memory_space<hbm>> -> memref<130x192xf32, #tpu.memory_space<hbm>>
    tpu.enqueue_dma source(%arg6 : memref<130x192xf32, #tpu.memory_space<vmem>>) target(%dma_start3A_480 : memref<130x192xf32, #tpu.memory_space<hbm>>) target_semaphore(%arg12 : memref<!tpu.dma_semaphore, #tpu.memory_space<semaphore_mem>>)
    %mul3A_481 = arith.constant 32 : i32
    %mul3A_482 = arith.muli %add3A, %mul3A_481 : i32
    %add3A_483 = arith.constant 2 : i32
    %add3A_484 = arith.addi %mul3A_482, %add3A_483 : i32
    %dma_wait3A_485 = arith.constant 0 : i32
    %dma_wait3A_486 = arith.constant 0 : i32
    %dma_wait3A_487 = tpu.memref_slice %arg4[%select_n3A, %sub3A_383, %dma_wait3A_485, %dma_wait3A_486] : memref<8x130x130x192xf32, #tpu.memory_space<hbm>> -> memref<1x1x130x192xf32, #tpu.memory_space<hbm>>
    %dma_wait3A_488 = tpu.memref_squeeze %dma_wait3A_487 : memref<1x1x130x192xf32, #tpu.memory_space<hbm>> -> memref<130x192xf32, #tpu.memory_space<hbm>>
    %dma_wait3A_489 = arith.constant 0 : i32
    %dma_wait3A_490 = arith.constant 0 : i32
    %dma_wait3A_491 = tpu.memref_slice %arg4[%select_n3A, %sub3A_383, %dma_wait3A_489, %dma_wait3A_490] : memref<8x130x130x192xf32, #tpu.memory_space<hbm>> -> memref<1x1x130x192xf32, #tpu.memory_space<hbm>>
    %dma_wait3A_492 = tpu.memref_squeeze %dma_wait3A_491 : memref<1x1x130x192xf32, #tpu.memory_space<hbm>> -> memref<130x192xf32, #tpu.memory_space<hbm>>
    tpu.wait_dma2 semaphore(%arg11 : memref<!tpu.dma_semaphore, #tpu.memory_space<semaphore_mem>>) src(%arg5 : memref<130x192xf32, #tpu.memory_space<vmem>>) dst(%dma_wait3A_492 : memref<130x192xf32, #tpu.memory_space<hbm>>)
    %jit3A_493 = arith.constant 128 : i32
    %div3A_494 = arith.divsi %add3A_484, %jit3A_493 : i32
    %sign3A_495 = arith.constant 0 : i32
    %sign3A_496 = arith.cmpi sgt, %add3A_484, %sign3A_495 : i32
    %sign3A_497 = arith.extui %sign3A_496 : i1 to i32
    %sign3A_498 = arith.constant 0 : i32
    %sign3A_499 = arith.cmpi slt, %add3A_484, %sign3A_498 : i32
    %sign3A_500 = arith.extui %sign3A_499 : i1 to i32
    %sign3A_501 = arith.subi %sign3A_497, %sign3A_500 : i32
    %sign3A_502 = arith.constant 0 : i32
    %sign3A_503 = arith.cmpi sgt, %jit3A_493, %sign3A_502 : i32
    %sign3A_504 = arith.extui %sign3A_503 : i1 to i32
    %sign3A_505 = arith.constant 0 : i32
    %sign3A_506 = arith.cmpi slt, %jit3A_493, %sign3A_505 : i32
    %sign3A_507 = arith.extui %sign3A_506 : i1 to i32
    %sign3A_508 = arith.subi %sign3A_504, %sign3A_507 : i32
    %ne3A_509 = arith.cmpi ne, %sign3A_501, %sign3A_508 : i32
    %rem3A_510 = arith.remsi %add3A_484, %jit3A_493 : i32
    %ne3A_511 = arith.constant 0 : i32
    %ne3A_512 = arith.cmpi ne, %rem3A_510, %ne3A_511 : i32
    %and3A_513 = arith.andi %ne3A_509, %ne3A_512 : i1
    %sub3A_514 = arith.constant 1 : i32
    %sub3A_515 = arith.subi %div3A_494, %sub3A_514 : i32
    %select_n3A_516 = arith.select %and3A_513, %sub3A_515, %div3A_494 : i32
    %mul3A_517 = arith.constant 128 : i32
    %mul3A_518 = arith.muli %select_n3A_516, %mul3A_517 : i32
    %sub3A_519 = arith.subi %add3A_484, %mul3A_518 : i32
    %mul3A_520 = arith.constant 128 : i32
    %mul3A_521 = arith.muli %sub3A_519, %mul3A_520 : i32
    %dma_start3A_522 = arith.constant 0 : i32
    %dma_start3A_523 = arith.constant 0 : i32
    %dma_start3A_524 = tpu.memref_slice %arg5[%dma_start3A_522, %dma_start3A_523] : memref<130x192xf32, #tpu.memory_space<vmem>> -> memref<128x192xf32, #tpu.memory_space<vmem>>
    %dma_start3A_525 = arith.constant 0 : i32
    %dma_start3A_526 = tpu.memref_slice %arg2[%select_n3A_516, %mul3A_521, %dma_start3A_525] : memref<8x16384x192xf32, #tpu.memory_space<hbm>> -> memref<1x128x192xf32, #tpu.memory_space<hbm>>
    %dma_start3A_527 = tpu.memref_squeeze %dma_start3A_526 : memref<1x128x192xf32, #tpu.memory_space<hbm>> -> memref<128x192xf32, #tpu.memory_space<hbm>>
    %dma_start3A_528 = arith.constant 0 : i32
    %dma_start3A_529 = arith.constant 0 : i32
    %dma_start3A_530 = tpu.memref_slice %arg5[%dma_start3A_528, %dma_start3A_529] : memref<130x192xf32, #tpu.memory_space<vmem>> -> memref<128x192xf32, #tpu.memory_space<vmem>>
    %dma_start3A_531 = arith.constant 0 : i32
    %dma_start3A_532 = tpu.memref_slice %arg2[%select_n3A_516, %mul3A_521, %dma_start3A_531] : memref<8x16384x192xf32, #tpu.memory_space<hbm>> -> memref<1x128x192xf32, #tpu.memory_space<hbm>>
    %dma_start3A_533 = tpu.memref_squeeze %dma_start3A_532 : memref<1x128x192xf32, #tpu.memory_space<hbm>> -> memref<128x192xf32, #tpu.memory_space<hbm>>
    tpu.enqueue_dma source(%dma_start3A_533 : memref<128x192xf32, #tpu.memory_space<hbm>>) target(%dma_start3A_530 : memref<128x192xf32, #tpu.memory_space<vmem>>) target_semaphore(%arg9 : memref<!tpu.dma_semaphore, #tpu.memory_space<semaphore_mem>>)
    %dma_wait3A_534 = arith.constant 0 : i32
    %dma_wait3A_535 = arith.constant 0 : i32
    %dma_wait3A_536 = tpu.memref_slice %arg5[%dma_wait3A_534, %dma_wait3A_535] : memref<130x192xf32, #tpu.memory_space<vmem>> -> memref<128x192xf32, #tpu.memory_space<vmem>>
    %dma_wait3A_537 = arith.constant 0 : i32
    %dma_wait3A_538 = tpu.memref_slice %arg2[%select_n3A_516, %mul3A_521, %dma_wait3A_537] : memref<8x16384x192xf32, #tpu.memory_space<hbm>> -> memref<1x128x192xf32, #tpu.memory_space<hbm>>
    %dma_wait3A_539 = tpu.memref_squeeze %dma_wait3A_538 : memref<1x128x192xf32, #tpu.memory_space<hbm>> -> memref<128x192xf32, #tpu.memory_space<hbm>>
    %dma_wait3A_540 = arith.constant 0 : i32
    %dma_wait3A_541 = arith.constant 0 : i32
    %dma_wait3A_542 = tpu.memref_slice %arg5[%dma_wait3A_540, %dma_wait3A_541] : memref<130x192xf32, #tpu.memory_space<vmem>> -> memref<128x192xf32, #tpu.memory_space<vmem>>
    %dma_wait3A_543 = arith.constant 0 : i32
    %dma_wait3A_544 = tpu.memref_slice %arg2[%select_n3A_516, %mul3A_521, %dma_wait3A_543] : memref<8x16384x192xf32, #tpu.memory_space<hbm>> -> memref<1x128x192xf32, #tpu.memory_space<hbm>>
    %dma_wait3A_545 = tpu.memref_squeeze %dma_wait3A_544 : memref<1x128x192xf32, #tpu.memory_space<hbm>> -> memref<128x192xf32, #tpu.memory_space<hbm>>
    tpu.wait_dma2 semaphore(%arg9 : memref<!tpu.dma_semaphore, #tpu.memory_space<semaphore_mem>>) src(%dma_wait3A_545 : memref<128x192xf32, #tpu.memory_space<hbm>>) dst(%dma_wait3A_542 : memref<128x192xf32, #tpu.memory_space<vmem>>)
    %dma_start3A_546 = arith.constant 0 : i32
    %dma_start3A_547 = arith.constant 0 : i32
    %dma_start3A_548 = tpu.memref_slice %arg4[%select_n3A_516, %sub3A_519, %dma_start3A_546, %dma_start3A_547] : memref<8x130x130x192xf32, #tpu.memory_space<hbm>> -> memref<1x1x130x192xf32, #tpu.memory_space<hbm>>
    %dma_start3A_549 = tpu.memref_squeeze %dma_start3A_548 : memref<1x1x130x192xf32, #tpu.memory_space<hbm>> -> memref<130x192xf32, #tpu.memory_space<hbm>>
    %dma_start3A_550 = arith.constant 0 : i32
    %dma_start3A_551 = arith.constant 0 : i32
    %dma_start3A_552 = tpu.memref_slice %arg4[%select_n3A_516, %sub3A_519, %dma_start3A_550, %dma_start3A_551] : memref<8x130x130x192xf32, #tpu.memory_space<hbm>> -> memref<1x1x130x192xf32, #tpu.memory_space<hbm>>
    %dma_start3A_553 = tpu.memref_squeeze %dma_start3A_552 : memref<1x1x130x192xf32, #tpu.memory_space<hbm>> -> memref<130x192xf32, #tpu.memory_space<hbm>>
    tpu.enqueue_dma source(%arg5 : memref<130x192xf32, #tpu.memory_space<vmem>>) target(%dma_start3A_553 : memref<130x192xf32, #tpu.memory_space<hbm>>) target_semaphore(%arg11 : memref<!tpu.dma_semaphore, #tpu.memory_space<semaphore_mem>>)
    %mul3A_554 = arith.constant 32 : i32
    %mul3A_555 = arith.muli %add3A, %mul3A_554 : i32
    %add3A_556 = arith.constant 3 : i32
    %add3A_557 = arith.addi %mul3A_555, %add3A_556 : i32
    %dma_wait3A_558 = arith.constant 0 : i32
    %dma_wait3A_559 = arith.constant 0 : i32
    %dma_wait3A_560 = tpu.memref_slice %arg4[%select_n3A_443, %sub3A_446, %dma_wait3A_558, %dma_wait3A_559] : memref<8x130x130x192xf32, #tpu.memory_space<hbm>> -> memref<1x1x130x192xf32, #tpu.memory_space<hbm>>
    %dma_wait3A_561 = tpu.memref_squeeze %dma_wait3A_560 : memref<1x1x130x192xf32, #tpu.memory_space<hbm>> -> memref<130x192xf32, #tpu.memory_space<hbm>>
    %dma_wait3A_562 = arith.constant 0 : i32
    %dma_wait3A_563 = arith.constant 0 : i32
    %dma_wait3A_564 = tpu.memref_slice %arg4[%select_n3A_443, %sub3A_446, %dma_wait3A_562, %dma_wait3A_563] : memref<8x130x130x192xf32, #tpu.memory_space<hbm>> -> memref<1x1x130x192xf32, #tpu.memory_space<hbm>>
    %dma_wait3A_565 = tpu.memref_squeeze %dma_wait3A_564 : memref<1x1x130x192xf32, #tpu.memory_space<hbm>> -> memref<130x192xf32, #tpu.memory_space<hbm>>
    tpu.wait_dma2 semaphore(%arg12 : memref<!tpu.dma_semaphore, #tpu.memory_space<semaphore_mem>>) src(%arg6 : memref<130x192xf32, #tpu.memory_space<vmem>>) dst(%dma_wait3A_565 : memref<130x192xf32, #tpu.memory_space<hbm>>)
    %jit3A_566 = arith.constant 128 : i32
    %div3A_567 = arith.divsi %add3A_557, %jit3A_566 : i32
    %sign3A_568 = arith.constant 0 : i32
    %sign3A_569 = arith.cmpi sgt, %add3A_557, %sign3A_568 : i32
    %sign3A_570 = arith.extui %sign3A_569 : i1 to i32
    %sign3A_571 = arith.constant 0 : i32
    %sign3A_572 = arith.cmpi slt, %add3A_557, %sign3A_571 : i32
    %sign3A_573 = arith.extui %sign3A_572 : i1 to i32
    %sign3A_574 = arith.subi %sign3A_570, %sign3A_573 : i32
    %sign3A_575 = arith.constant 0 : i32
    %sign3A_576 = arith.cmpi sgt, %jit3A_566, %sign3A_575 : i32
    %sign3A_577 = arith.extui %sign3A_576 : i1 to i32
    %sign3A_578 = arith.constant 0 : i32
    %sign3A_579 = arith.cmpi slt, %jit3A_566, %sign3A_578 : i32
    %sign3A_580 = arith.extui %sign3A_579 : i1 to i32
    %sign3A_581 = arith.subi %sign3A_577, %sign3A_580 : i32
    %ne3A_582 = arith.cmpi ne, %sign3A_574, %sign3A_581 : i32
    %rem3A_583 = arith.remsi %add3A_557, %jit3A_566 : i32
    %ne3A_584 = arith.constant 0 : i32
    %ne3A_585 = arith.cmpi ne, %rem3A_583, %ne3A_584 : i32
    %and3A_586 = arith.andi %ne3A_582, %ne3A_585 : i1
    %sub3A_587 = arith.constant 1 : i32
    %sub3A_588 = arith.subi %div3A_567, %sub3A_587 : i32
    %select_n3A_589 = arith.select %and3A_586, %sub3A_588, %div3A_567 : i32
    %mul3A_590 = arith.constant 128 : i32
    %mul3A_591 = arith.muli %select_n3A_589, %mul3A_590 : i32
    %sub3A_592 = arith.subi %add3A_557, %mul3A_591 : i32
    %mul3A_593 = arith.constant 128 : i32
    %mul3A_594 = arith.muli %sub3A_592, %mul3A_593 : i32
    %dma_start3A_595 = arith.constant 0 : i32
    %dma_start3A_596 = arith.constant 0 : i32
    %dma_start3A_597 = tpu.memref_slice %arg6[%dma_start3A_595, %dma_start3A_596] : memref<130x192xf32, #tpu.memory_space<vmem>> -> memref<128x192xf32, #tpu.memory_space<vmem>>
    %dma_start3A_598 = arith.constant 0 : i32
    %dma_start3A_599 = tpu.memref_slice %arg2[%select_n3A_589, %mul3A_594, %dma_start3A_598] : memref<8x16384x192xf32, #tpu.memory_space<hbm>> -> memref<1x128x192xf32, #tpu.memory_space<hbm>>
    %dma_start3A_600 = tpu.memref_squeeze %dma_start3A_599 : memref<1x128x192xf32, #tpu.memory_space<hbm>> -> memref<128x192xf32, #tpu.memory_space<hbm>>
    %dma_start3A_601 = arith.constant 0 : i32
    %dma_start3A_602 = arith.constant 0 : i32
    %dma_start3A_603 = tpu.memref_slice %arg6[%dma_start3A_601, %dma_start3A_602] : memref<130x192xf32, #tpu.memory_space<vmem>> -> memref<128x192xf32, #tpu.memory_space<vmem>>
    %dma_start3A_604 = arith.constant 0 : i32
    %dma_start3A_605 = tpu.memref_slice %arg2[%select_n3A_589, %mul3A_594, %dma_start3A_604] : memref<8x16384x192xf32, #tpu.memory_space<hbm>> -> memref<1x128x192xf32, #tpu.memory_space<hbm>>
    %dma_start3A_606 = tpu.memref_squeeze %dma_start3A_605 : memref<1x128x192xf32, #tpu.memory_space<hbm>> -> memref<128x192xf32, #tpu.memory_space<hbm>>
    tpu.enqueue_dma source(%dma_start3A_606 : memref<128x192xf32, #tpu.memory_space<hbm>>) target(%dma_start3A_603 : memref<128x192xf32, #tpu.memory_space<vmem>>) target_semaphore(%arg10 : memref<!tpu.dma_semaphore, #tpu.memory_space<semaphore_mem>>)
    %dma_wait3A_607 = arith.constant 0 : i32
    %dma_wait3A_608 = arith.constant 0 : i32
    %dma_wait3A_609 = tpu.memref_slice %arg6[%dma_wait3A_607, %dma_wait3A_608] : memref<130x192xf32, #tpu.memory_space<vmem>> -> memref<128x192xf32, #tpu.memory_space<vmem>>
    %dma_wait3A_610 = arith.constant 0 : i32
    %dma_wait3A_611 = tpu.memref_slice %arg2[%select_n3A_589, %mul3A_594, %dma_wait3A_610] : memref<8x16384x192xf32, #tpu.memory_space<hbm>> -> memref<1x128x192xf32, #tpu.memory_space<hbm>>
    %dma_wait3A_612 = tpu.memref_squeeze %dma_wait3A_611 : memref<1x128x192xf32, #tpu.memory_space<hbm>> -> memref<128x192xf32, #tpu.memory_space<hbm>>
    %dma_wait3A_613 = arith.constant 0 : i32
    %dma_wait3A_614 = arith.constant 0 : i32
    %dma_wait3A_615 = tpu.memref_slice %arg6[%dma_wait3A_613, %dma_wait3A_614] : memref<130x192xf32, #tpu.memory_space<vmem>> -> memref<128x192xf32, #tpu.memory_space<vmem>>
    %dma_wait3A_616 = arith.constant 0 : i32
    %dma_wait3A_617 = tpu.memref_slice %arg2[%select_n3A_589, %mul3A_594, %dma_wait3A_616] : memref<8x16384x192xf32, #tpu.memory_space<hbm>> -> memref<1x128x192xf32, #tpu.memory_space<hbm>>
    %dma_wait3A_618 = tpu.memref_squeeze %dma_wait3A_617 : memref<1x128x192xf32, #tpu.memory_space<hbm>> -> memref<128x192xf32, #tpu.memory_space<hbm>>
    tpu.wait_dma2 semaphore(%arg10 : memref<!tpu.dma_semaphore, #tpu.memory_space<semaphore_mem>>) src(%dma_wait3A_618 : memref<128x192xf32, #tpu.memory_space<hbm>>) dst(%dma_wait3A_615 : memref<128x192xf32, #tpu.memory_space<vmem>>)
    %dma_start3A_619 = arith.constant 0 : i32
    %dma_start3A_620 = arith.constant 0 : i32
    %dma_start3A_621 = tpu.memref_slice %arg4[%select_n3A_589, %sub3A_592, %dma_start3A_619, %dma_start3A_620] : memref<8x130x130x192xf32, #tpu.memory_space<hbm>> -> memref<1x1x130x192xf32, #tpu.memory_space<hbm>>
    %dma_start3A_622 = tpu.memref_squeeze %dma_start3A_621 : memref<1x1x130x192xf32, #tpu.memory_space<hbm>> -> memref<130x192xf32, #tpu.memory_space<hbm>>
    %dma_start3A_623 = arith.constant 0 : i32
    %dma_start3A_624 = arith.constant 0 : i32
    %dma_start3A_625 = tpu.memref_slice %arg4[%select_n3A_589, %sub3A_592, %dma_start3A_623, %dma_start3A_624] : memref<8x130x130x192xf32, #tpu.memory_space<hbm>> -> memref<1x1x130x192xf32, #tpu.memory_space<hbm>>
    %dma_start3A_626 = tpu.memref_squeeze %dma_start3A_625 : memref<1x1x130x192xf32, #tpu.memory_space<hbm>> -> memref<130x192xf32, #tpu.memory_space<hbm>>
    tpu.enqueue_dma source(%arg6 : memref<130x192xf32, #tpu.memory_space<vmem>>) target(%dma_start3A_626 : memref<130x192xf32, #tpu.memory_space<hbm>>) target_semaphore(%arg12 : memref<!tpu.dma_semaphore, #tpu.memory_space<semaphore_mem>>)
    %mul3A_627 = arith.constant 32 : i32
    %mul3A_628 = arith.muli %add3A, %mul3A_627 : i32
    %add3A_629 = arith.constant 4 : i32
    %add3A_630 = arith.addi %mul3A_628, %add3A_629 : i32
    %dma_wait3A_631 = arith.constant 0 : i32
    %dma_wait3A_632 = arith.constant 0 : i32
    %dma_wait3A_633 = tpu.memref_slice %arg4[%select_n3A_516, %sub3A_519, %dma_wait3A_631, %dma_wait3A_632] : memref<8x130x130x192xf32, #tpu.memory_space<hbm>> -> memref<1x1x130x192xf32, #tpu.memory_space<hbm>>
    %dma_wait3A_634 = tpu.memref_squeeze %dma_wait3A_633 : memref<1x1x130x192xf32, #tpu.memory_space<hbm>> -> memref<130x192xf32, #tpu.memory_space<hbm>>
    %dma_wait3A_635 = arith.constant 0 : i32
    %dma_wait3A_636 = arith.constant 0 : i32
    %dma_wait3A_637 = tpu.memref_slice %arg4[%select_n3A_516, %sub3A_519, %dma_wait3A_635, %dma_wait3A_636] : memref<8x130x130x192xf32, #tpu.memory_space<hbm>> -> memref<1x1x130x192xf32, #tpu.memory_space<hbm>>
    %dma_wait3A_638 = tpu.memref_squeeze %dma_wait3A_637 : memref<1x1x130x192xf32, #tpu.memory_space<hbm>> -> memref<130x192xf32, #tpu.memory_space<hbm>>
    tpu.wait_dma2 semaphore(%arg11 : memref<!tpu.dma_semaphore, #tpu.memory_space<semaphore_mem>>) src(%arg5 : memref<130x192xf32, #tpu.memory_space<vmem>>) dst(%dma_wait3A_638 : memref<130x192xf32, #tpu.memory_space<hbm>>)
    %jit3A_639 = arith.constant 128 : i32
    %div3A_640 = arith.divsi %add3A_630, %jit3A_639 : i32
    %sign3A_641 = arith.constant 0 : i32
    %sign3A_642 = arith.cmpi sgt, %add3A_630, %sign3A_641 : i32
    %sign3A_643 = arith.extui %sign3A_642 : i1 to i32
    %sign3A_644 = arith.constant 0 : i32
    %sign3A_645 = arith.cmpi slt, %add3A_630, %sign3A_644 : i32
    %sign3A_646 = arith.extui %sign3A_645 : i1 to i32
    %sign3A_647 = arith.subi %sign3A_643, %sign3A_646 : i32
    %sign3A_648 = arith.constant 0 : i32
    %sign3A_649 = arith.cmpi sgt, %jit3A_639, %sign3A_648 : i32
    %sign3A_650 = arith.extui %sign3A_649 : i1 to i32
    %sign3A_651 = arith.constant 0 : i32
    %sign3A_652 = arith.cmpi slt, %jit3A_639, %sign3A_651 : i32
    %sign3A_653 = arith.extui %sign3A_652 : i1 to i32
    %sign3A_654 = arith.subi %sign3A_650, %sign3A_653 : i32
    %ne3A_655 = arith.cmpi ne, %sign3A_647, %sign3A_654 : i32
    %rem3A_656 = arith.remsi %add3A_630, %jit3A_639 : i32
    %ne3A_657 = arith.constant 0 : i32
    %ne3A_658 = arith.cmpi ne, %rem3A_656, %ne3A_657 : i32
    %and3A_659 = arith.andi %ne3A_655, %ne3A_658 : i1
    %sub3A_660 = arith.constant 1 : i32
    %sub3A_661 = arith.subi %div3A_640, %sub3A_660 : i32
    %select_n3A_662 = arith.select %and3A_659, %sub3A_661, %div3A_640 : i32
    %mul3A_663 = arith.constant 128 : i32
    %mul3A_664 = arith.muli %select_n3A_662, %mul3A_663 : i32
    %sub3A_665 = arith.subi %add3A_630, %mul3A_664 : i32
    %mul3A_666 = arith.constant 128 : i32
    %mul3A_667 = arith.muli %sub3A_665, %mul3A_666 : i32
    %dma_start3A_668 = arith.constant 0 : i32
    %dma_start3A_669 = arith.constant 0 : i32
    %dma_start3A_670 = tpu.memref_slice %arg5[%dma_start3A_668, %dma_start3A_669] : memref<130x192xf32, #tpu.memory_space<vmem>> -> memref<128x192xf32, #tpu.memory_space<vmem>>
    %dma_start3A_671 = arith.constant 0 : i32
    %dma_start3A_672 = tpu.memref_slice %arg2[%select_n3A_662, %mul3A_667, %dma_start3A_671] : memref<8x16384x192xf32, #tpu.memory_space<hbm>> -> memref<1x128x192xf32, #tpu.memory_space<hbm>>
    %dma_start3A_673 = tpu.memref_squeeze %dma_start3A_672 : memref<1x128x192xf32, #tpu.memory_space<hbm>> -> memref<128x192xf32, #tpu.memory_space<hbm>>
    %dma_start3A_674 = arith.constant 0 : i32
    %dma_start3A_675 = arith.constant 0 : i32
    %dma_start3A_676 = tpu.memref_slice %arg5[%dma_start3A_674, %dma_start3A_675] : memref<130x192xf32, #tpu.memory_space<vmem>> -> memref<128x192xf32, #tpu.memory_space<vmem>>
    %dma_start3A_677 = arith.constant 0 : i32
    %dma_start3A_678 = tpu.memref_slice %arg2[%select_n3A_662, %mul3A_667, %dma_start3A_677] : memref<8x16384x192xf32, #tpu.memory_space<hbm>> -> memref<1x128x192xf32, #tpu.memory_space<hbm>>
    %dma_start3A_679 = tpu.memref_squeeze %dma_start3A_678 : memref<1x128x192xf32, #tpu.memory_space<hbm>> -> memref<128x192xf32, #tpu.memory_space<hbm>>
    tpu.enqueue_dma source(%dma_start3A_679 : memref<128x192xf32, #tpu.memory_space<hbm>>) target(%dma_start3A_676 : memref<128x192xf32, #tpu.memory_space<vmem>>) target_semaphore(%arg9 : memref<!tpu.dma_semaphore, #tpu.memory_space<semaphore_mem>>)
    %dma_wait3A_680 = arith.constant 0 : i32
    %dma_wait3A_681 = arith.constant 0 : i32
    %dma_wait3A_682 = tpu.memref_slice %arg5[%dma_wait3A_680, %dma_wait3A_681] : memref<130x192xf32, #tpu.memory_space<vmem>> -> memref<128x192xf32, #tpu.memory_space<vmem>>
    %dma_wait3A_683 = arith.constant 0 : i32
    %dma_wait3A_684 = tpu.memref_slice %arg2[%select_n3A_662, %mul3A_667, %dma_wait3A_683] : memref<8x16384x192xf32, #tpu.memory_space<hbm>> -> memref<1x128x192xf32, #tpu.memory_space<hbm>>
    %dma_wait3A_685 = tpu.memref_squeeze %dma_wait3A_684 : memref<1x128x192xf32, #tpu.memory_space<hbm>> -> memref<128x192xf32, #tpu.memory_space<hbm>>
    %dma_wait3A_686 = arith.constant 0 : i32
    %dma_wait3A_687 = arith.constant 0 : i32
    %dma_wait3A_688 = tpu.memref_slice %arg5[%dma_wait3A_686, %dma_wait3A_687] : memref<130x192xf32, #tpu.memory_space<vmem>> -> memref<128x192xf32, #tpu.memory_space<vmem>>
    %dma_wait3A_689 = arith.constant 0 : i32
    %dma_wait3A_690 = tpu.memref_slice %arg2[%select_n3A_662, %mul3A_667, %dma_wait3A_689] : memref<8x16384x192xf32, #tpu.memory_space<hbm>> -> memref<1x128x192xf32, #tpu.memory_space<hbm>>
    %dma_wait3A_691 = tpu.memref_squeeze %dma_wait3A_690 : memref<1x128x192xf32, #tpu.memory_space<hbm>> -> memref<128x192xf32, #tpu.memory_space<hbm>>
    tpu.wait_dma2 semaphore(%arg9 : memref<!tpu.dma_semaphore, #tpu.memory_space<semaphore_mem>>) src(%dma_wait3A_691 : memref<128x192xf32, #tpu.memory_space<hbm>>) dst(%dma_wait3A_688 : memref<128x192xf32, #tpu.memory_space<vmem>>)
    %dma_start3A_692 = arith.constant 0 : i32
    %dma_start3A_693 = arith.constant 0 : i32
    %dma_start3A_694 = tpu.memref_slice %arg4[%select_n3A_662, %sub3A_665, %dma_start3A_692, %dma_start3A_693] : memref<8x130x130x192xf32, #tpu.memory_space<hbm>> -> memref<1x1x130x192xf32, #tpu.memory_space<hbm>>
    %dma_start3A_695 = tpu.memref_squeeze %dma_start3A_694 : memref<1x1x130x192xf32, #tpu.memory_space<hbm>> -> memref<130x192xf32, #tpu.memory_space<hbm>>
    %dma_start3A_696 = arith.constant 0 : i32
    %dma_start3A_697 = arith.constant 0 : i32
    %dma_start3A_698 = tpu.memref_slice %arg4[%select_n3A_662, %sub3A_665, %dma_start3A_696, %dma_start3A_697] : memref<8x130x130x192xf32, #tpu.memory_space<hbm>> -> memref<1x1x130x192xf32, #tpu.memory_space<hbm>>
    %dma_start3A_699 = tpu.memref_squeeze %dma_start3A_698 : memref<1x1x130x192xf32, #tpu.memory_space<hbm>> -> memref<130x192xf32, #tpu.memory_space<hbm>>
    tpu.enqueue_dma source(%arg5 : memref<130x192xf32, #tpu.memory_space<vmem>>) target(%dma_start3A_699 : memref<130x192xf32, #tpu.memory_space<hbm>>) target_semaphore(%arg11 : memref<!tpu.dma_semaphore, #tpu.memory_space<semaphore_mem>>)
    %mul3A_700 = arith.constant 32 : i32
    %mul3A_701 = arith.muli %add3A, %mul3A_700 : i32
    %add3A_702 = arith.constant 5 : i32
    %add3A_703 = arith.addi %mul3A_701, %add3A_702 : i32
    %dma_wait3A_704 = arith.constant 0 : i32
    %dma_wait3A_705 = arith.constant 0 : i32
    %dma_wait3A_706 = tpu.memref_slice %arg4[%select_n3A_589, %sub3A_592, %dma_wait3A_704, %dma_wait3A_705] : memref<8x130x130x192xf32, #tpu.memory_space<hbm>> -> memref<1x1x130x192xf32, #tpu.memory_space<hbm>>
    %dma_wait3A_707 = tpu.memref_squeeze %dma_wait3A_706 : memref<1x1x130x192xf32, #tpu.memory_space<hbm>> -> memref<130x192xf32, #tpu.memory_space<hbm>>
    %dma_wait3A_708 = arith.constant 0 : i32
    %dma_wait3A_709 = arith.constant 0 : i32
    %dma_wait3A_710 = tpu.memref_slice %arg4[%select_n3A_589, %sub3A_592, %dma_wait3A_708, %dma_wait3A_709] : memref<8x130x130x192xf32, #tpu.memory_space<hbm>> -> memref<1x1x130x192xf32, #tpu.memory_space<hbm>>
    %dma_wait3A_711 = tpu.memref_squeeze %dma_wait3A_710 : memref<1x1x130x192xf32, #tpu.memory_space<hbm>> -> memref<130x192xf32, #tpu.memory_space<hbm>>
    tpu.wait_dma2 semaphore(%arg12 : memref<!tpu.dma_semaphore, #tpu.memory_space<semaphore_mem>>) src(%arg6 : memref<130x192xf32, #tpu.memory_space<vmem>>) dst(%dma_wait3A_711 : memref<130x192xf32, #tpu.memory_space<hbm>>)
    %jit3A_712 = arith.constant 128 : i32
    %div3A_713 = arith.divsi %add3A_703, %jit3A_712 : i32
    %sign3A_714 = arith.constant 0 : i32
    %sign3A_715 = arith.cmpi sgt, %add3A_703, %sign3A_714 : i32
    %sign3A_716 = arith.extui %sign3A_715 : i1 to i32
    %sign3A_717 = arith.constant 0 : i32
    %sign3A_718 = arith.cmpi slt, %add3A_703, %sign3A_717 : i32
    %sign3A_719 = arith.extui %sign3A_718 : i1 to i32
    %sign3A_720 = arith.subi %sign3A_716, %sign3A_719 : i32
    %sign3A_721 = arith.constant 0 : i32
    %sign3A_722 = arith.cmpi sgt, %jit3A_712, %sign3A_721 : i32
    %sign3A_723 = arith.extui %sign3A_722 : i1 to i32
    %sign3A_724 = arith.constant 0 : i32
    %sign3A_725 = arith.cmpi slt, %jit3A_712, %sign3A_724 : i32
    %sign3A_726 = arith.extui %sign3A_725 : i1 to i32
    %sign3A_727 = arith.subi %sign3A_723, %sign3A_726 : i32
    %ne3A_728 = arith.cmpi ne, %sign3A_720, %sign3A_727 : i32
    %rem3A_729 = arith.remsi %add3A_703, %jit3A_712 : i32
    %ne3A_730 = arith.constant 0 : i32
    %ne3A_731 = arith.cmpi ne, %rem3A_729, %ne3A_730 : i32
    %and3A_732 = arith.andi %ne3A_728, %ne3A_731 : i1
    %sub3A_733 = arith.constant 1 : i32
    %sub3A_734 = arith.subi %div3A_713, %sub3A_733 : i32
    %select_n3A_735 = arith.select %and3A_732, %sub3A_734, %div3A_713 : i32
    %mul3A_736 = arith.constant 128 : i32
    %mul3A_737 = arith.muli %select_n3A_735, %mul3A_736 : i32
    %sub3A_738 = arith.subi %add3A_703, %mul3A_737 : i32
    %mul3A_739 = arith.constant 128 : i32
    %mul3A_740 = arith.muli %sub3A_738, %mul3A_739 : i32
    %dma_start3A_741 = arith.constant 0 : i32
    %dma_start3A_742 = arith.constant 0 : i32
    %dma_start3A_743 = tpu.memref_slice %arg6[%dma_start3A_741, %dma_start3A_742] : memref<130x192xf32, #tpu.memory_space<vmem>> -> memref<128x192xf32, #tpu.memory_space<vmem>>
    %dma_start3A_744 = arith.constant 0 : i32
    %dma_start3A_745 = tpu.memref_slice %arg2[%select_n3A_735, %mul3A_740, %dma_start3A_744] : memref<8x16384x192xf32, #tpu.memory_space<hbm>> -> memref<1x128x192xf32, #tpu.memory_space<hbm>>
    %dma_start3A_746 = tpu.memref_squeeze %dma_start3A_745 : memref<1x128x192xf32, #tpu.memory_space<hbm>> -> memref<128x192xf32, #tpu.memory_space<hbm>>
    %dma_start3A_747 = arith.constant 0 : i32
    %dma_start3A_748 = arith.constant 0 : i32
    %dma_start3A_749 = tpu.memref_slice %arg6[%dma_start3A_747, %dma_start3A_748] : memref<130x192xf32, #tpu.memory_space<vmem>> -> memref<128x192xf32, #tpu.memory_space<vmem>>
    %dma_start3A_750 = arith.constant 0 : i32
    %dma_start3A_751 = tpu.memref_slice %arg2[%select_n3A_735, %mul3A_740, %dma_start3A_750] : memref<8x16384x192xf32, #tpu.memory_space<hbm>> -> memref<1x128x192xf32, #tpu.memory_space<hbm>>
    %dma_start3A_752 = tpu.memref_squeeze %dma_start3A_751 : memref<1x128x192xf32, #tpu.memory_space<hbm>> -> memref<128x192xf32, #tpu.memory_space<hbm>>
    tpu.enqueue_dma source(%dma_start3A_752 : memref<128x192xf32, #tpu.memory_space<hbm>>) target(%dma_start3A_749 : memref<128x192xf32, #tpu.memory_space<vmem>>) target_semaphore(%arg10 : memref<!tpu.dma_semaphore, #tpu.memory_space<semaphore_mem>>)
    %dma_wait3A_753 = arith.constant 0 : i32
    %dma_wait3A_754 = arith.constant 0 : i32
    %dma_wait3A_755 = tpu.memref_slice %arg6[%dma_wait3A_753, %dma_wait3A_754] : memref<130x192xf32, #tpu.memory_space<vmem>> -> memref<128x192xf32, #tpu.memory_space<vmem>>
    %dma_wait3A_756 = arith.constant 0 : i32
    %dma_wait3A_757 = tpu.memref_slice %arg2[%select_n3A_735, %mul3A_740, %dma_wait3A_756] : memref<8x16384x192xf32, #tpu.memory_space<hbm>> -> memref<1x128x192xf32, #tpu.memory_space<hbm>>
    %dma_wait3A_758 = tpu.memref_squeeze %dma_wait3A_757 : memref<1x128x192xf32, #tpu.memory_space<hbm>> -> memref<128x192xf32, #tpu.memory_space<hbm>>
    %dma_wait3A_759 = arith.constant 0 : i32
    %dma_wait3A_760 = arith.constant 0 : i32
    %dma_wait3A_761 = tpu.memref_slice %arg6[%dma_wait3A_759, %dma_wait3A_760] : memref<130x192xf32, #tpu.memory_space<vmem>> -> memref<128x192xf32, #tpu.memory_space<vmem>>
    %dma_wait3A_762 = arith.constant 0 : i32
    %dma_wait3A_763 = tpu.memref_slice %arg2[%select_n3A_735, %mul3A_740, %dma_wait3A_762] : memref<8x16384x192xf32, #tpu.memory_space<hbm>> -> memref<1x128x192xf32, #tpu.memory_space<hbm>>
    %dma_wait3A_764 = tpu.memref_squeeze %dma_wait3A_763 : memref<1x128x192xf32, #tpu.memory_space<hbm>> -> memref<128x192xf32, #tpu.memory_space<hbm>>
    tpu.wait_dma2 semaphore(%arg10 : memref<!tpu.dma_semaphore, #tpu.memory_space<semaphore_mem>>) src(%dma_wait3A_764 : memref<128x192xf32, #tpu.memory_space<hbm>>) dst(%dma_wait3A_761 : memref<128x192xf32, #tpu.memory_space<vmem>>)
    %dma_start3A_765 = arith.constant 0 : i32
    %dma_start3A_766 = arith.constant 0 : i32
    %dma_start3A_767 = tpu.memref_slice %arg4[%select_n3A_735, %sub3A_738, %dma_start3A_765, %dma_start3A_766] : memref<8x130x130x192xf32, #tpu.memory_space<hbm>> -> memref<1x1x130x192xf32, #tpu.memory_space<hbm>>
    %dma_start3A_768 = tpu.memref_squeeze %dma_start3A_767 : memref<1x1x130x192xf32, #tpu.memory_space<hbm>> -> memref<130x192xf32, #tpu.memory_space<hbm>>
    %dma_start3A_769 = arith.constant 0 : i32
    %dma_start3A_770 = arith.constant 0 : i32
    %dma_start3A_771 = tpu.memref_slice %arg4[%select_n3A_735, %sub3A_738, %dma_start3A_769, %dma_start3A_770] : memref<8x130x130x192xf32, #tpu.memory_space<hbm>> -> memref<1x1x130x192xf32, #tpu.memory_space<hbm>>
    %dma_start3A_772 = tpu.memref_squeeze %dma_start3A_771 : memref<1x1x130x192xf32, #tpu.memory_space<hbm>> -> memref<130x192xf32, #tpu.memory_space<hbm>>
    tpu.enqueue_dma source(%arg6 : memref<130x192xf32, #tpu.memory_space<vmem>>) target(%dma_start3A_772 : memref<130x192xf32, #tpu.memory_space<hbm>>) target_semaphore(%arg12 : memref<!tpu.dma_semaphore, #tpu.memory_space<semaphore_mem>>)
    %mul3A_773 = arith.constant 32 : i32
    %mul3A_774 = arith.muli %add3A, %mul3A_773 : i32
    %add3A_775 = arith.constant 6 : i32
    %add3A_776 = arith.addi %mul3A_774, %add3A_775 : i32
    %dma_wait3A_777 = arith.constant 0 : i32
    %dma_wait3A_778 = arith.constant 0 : i32
    %dma_wait3A_779 = tpu.memref_slice %arg4[%select_n3A_662, %sub3A_665, %dma_wait3A_777, %dma_wait3A_778] : memref<8x130x130x192xf32, #tpu.memory_space<hbm>> -> memref<1x1x130x192xf32, #tpu.memory_space<hbm>>
    %dma_wait3A_780 = tpu.memref_squeeze %dma_wait3A_779 : memref<1x1x130x192xf32, #tpu.memory_space<hbm>> -> memref<130x192xf32, #tpu.memory_space<hbm>>
    %dma_wait3A_781 = arith.constant 0 : i32
    %dma_wait3A_782 = arith.constant 0 : i32
    %dma_wait3A_783 = tpu.memref_slice %arg4[%select_n3A_662, %sub3A_665, %dma_wait3A_781, %dma_wait3A_782] : memref<8x130x130x192xf32, #tpu.memory_space<hbm>> -> memref<1x1x130x192xf32, #tpu.memory_space<hbm>>
    %dma_wait3A_784 = tpu.memref_squeeze %dma_wait3A_783 : memref<1x1x130x192xf32, #tpu.memory_space<hbm>> -> memref<130x192xf32, #tpu.memory_space<hbm>>
    tpu.wait_dma2 semaphore(%arg11 : memref<!tpu.dma_semaphore, #tpu.memory_space<semaphore_mem>>) src(%arg5 : memref<130x192xf32, #tpu.memory_space<vmem>>) dst(%dma_wait3A_784 : memref<130x192xf32, #tpu.memory_space<hbm>>)
    %jit3A_785 = arith.constant 128 : i32
    %div3A_786 = arith.divsi %add3A_776, %jit3A_785 : i32
    %sign3A_787 = arith.constant 0 : i32
    %sign3A_788 = arith.cmpi sgt, %add3A_776, %sign3A_787 : i32
    %sign3A_789 = arith.extui %sign3A_788 : i1 to i32
    %sign3A_790 = arith.constant 0 : i32
    %sign3A_791 = arith.cmpi slt, %add3A_776, %sign3A_790 : i32
    %sign3A_792 = arith.extui %sign3A_791 : i1 to i32
    %sign3A_793 = arith.subi %sign3A_789, %sign3A_792 : i32
    %sign3A_794 = arith.constant 0 : i32
    %sign3A_795 = arith.cmpi sgt, %jit3A_785, %sign3A_794 : i32
    %sign3A_796 = arith.extui %sign3A_795 : i1 to i32
    %sign3A_797 = arith.constant 0 : i32
    %sign3A_798 = arith.cmpi slt, %jit3A_785, %sign3A_797 : i32
    %sign3A_799 = arith.extui %sign3A_798 : i1 to i32
    %sign3A_800 = arith.subi %sign3A_796, %sign3A_799 : i32
    %ne3A_801 = arith.cmpi ne, %sign3A_793, %sign3A_800 : i32
    %rem3A_802 = arith.remsi %add3A_776, %jit3A_785 : i32
    %ne3A_803 = arith.constant 0 : i32
    %ne3A_804 = arith.cmpi ne, %rem3A_802, %ne3A_803 : i32
    %and3A_805 = arith.andi %ne3A_801, %ne3A_804 : i1
    %sub3A_806 = arith.constant 1 : i32
    %sub3A_807 = arith.subi %div3A_786, %sub3A_806 : i32
    %select_n3A_808 = arith.select %and3A_805, %sub3A_807, %div3A_786 : i32
    %mul3A_809 = arith.constant 128 : i32
    %mul3A_810 = arith.muli %select_n3A_808, %mul3A_809 : i32
    %sub3A_811 = arith.subi %add3A_776, %mul3A_810 : i32
    %mul3A_812 = arith.constant 128 : i32
    %mul3A_813 = arith.muli %sub3A_811, %mul3A_812 : i32
    %dma_start3A_814 = arith.constant 0 : i32
    %dma_start3A_815 = arith.constant 0 : i32
    %dma_start3A_816 = tpu.memref_slice %arg5[%dma_start3A_814, %dma_start3A_815] : memref<130x192xf32, #tpu.memory_space<vmem>> -> memref<128x192xf32, #tpu.memory_space<vmem>>
    %dma_start3A_817 = arith.constant 0 : i32
    %dma_start3A_818 = tpu.memref_slice %arg2[%select_n3A_808, %mul3A_813, %dma_start3A_817] : memref<8x16384x192xf32, #tpu.memory_space<hbm>> -> memref<1x128x192xf32, #tpu.memory_space<hbm>>
    %dma_start3A_819 = tpu.memref_squeeze %dma_start3A_818 : memref<1x128x192xf32, #tpu.memory_space<hbm>> -> memref<128x192xf32, #tpu.memory_space<hbm>>
    %dma_start3A_820 = arith.constant 0 : i32
    %dma_start3A_821 = arith.constant 0 : i32
    %dma_start3A_822 = tpu.memref_slice %arg5[%dma_start3A_820, %dma_start3A_821] : memref<130x192xf32, #tpu.memory_space<vmem>> -> memref<128x192xf32, #tpu.memory_space<vmem>>
    %dma_start3A_823 = arith.constant 0 : i32
    %dma_start3A_824 = tpu.memref_slice %arg2[%select_n3A_808, %mul3A_813, %dma_start3A_823] : memref<8x16384x192xf32, #tpu.memory_space<hbm>> -> memref<1x128x192xf32, #tpu.memory_space<hbm>>
    %dma_start3A_825 = tpu.memref_squeeze %dma_start3A_824 : memref<1x128x192xf32, #tpu.memory_space<hbm>> -> memref<128x192xf32, #tpu.memory_space<hbm>>
    tpu.enqueue_dma source(%dma_start3A_825 : memref<128x192xf32, #tpu.memory_space<hbm>>) target(%dma_start3A_822 : memref<128x192xf32, #tpu.memory_space<vmem>>) target_semaphore(%arg9 : memref<!tpu.dma_semaphore, #tpu.memory_space<semaphore_mem>>)
    %dma_wait3A_826 = arith.constant 0 : i32
    %dma_wait3A_827 = arith.constant 0 : i32
    %dma_wait3A_828 = tpu.memref_slice %arg5[%dma_wait3A_826, %dma_wait3A_827] : memref<130x192xf32, #tpu.memory_space<vmem>> -> memref<128x192xf32, #tpu.memory_space<vmem>>
    %dma_wait3A_829 = arith.constant 0 : i32
    %dma_wait3A_830 = tpu.memref_slice %arg2[%select_n3A_808, %mul3A_813, %dma_wait3A_829] : memref<8x16384x192xf32, #tpu.memory_space<hbm>> -> memref<1x128x192xf32, #tpu.memory_space<hbm>>
    %dma_wait3A_831 = tpu.memref_squeeze %dma_wait3A_830 : memref<1x128x192xf32, #tpu.memory_space<hbm>> -> memref<128x192xf32, #tpu.memory_space<hbm>>
    %dma_wait3A_832 = arith.constant 0 : i32
    %dma_wait3A_833 = arith.constant 0 : i32
    %dma_wait3A_834 = tpu.memref_slice %arg5[%dma_wait3A_832, %dma_wait3A_833] : memref<130x192xf32, #tpu.memory_space<vmem>> -> memref<128x192xf32, #tpu.memory_space<vmem>>
    %dma_wait3A_835 = arith.constant 0 : i32
    %dma_wait3A_836 = tpu.memref_slice %arg2[%select_n3A_808, %mul3A_813, %dma_wait3A_835] : memref<8x16384x192xf32, #tpu.memory_space<hbm>> -> memref<1x128x192xf32, #tpu.memory_space<hbm>>
    %dma_wait3A_837 = tpu.memref_squeeze %dma_wait3A_836 : memref<1x128x192xf32, #tpu.memory_space<hbm>> -> memref<128x192xf32, #tpu.memory_space<hbm>>
    tpu.wait_dma2 semaphore(%arg9 : memref<!tpu.dma_semaphore, #tpu.memory_space<semaphore_mem>>) src(%dma_wait3A_837 : memref<128x192xf32, #tpu.memory_space<hbm>>) dst(%dma_wait3A_834 : memref<128x192xf32, #tpu.memory_space<vmem>>)
    %dma_start3A_838 = arith.constant 0 : i32
    %dma_start3A_839 = arith.constant 0 : i32
    %dma_start3A_840 = tpu.memref_slice %arg4[%select_n3A_808, %sub3A_811, %dma_start3A_838, %dma_start3A_839] : memref<8x130x130x192xf32, #tpu.memory_space<hbm>> -> memref<1x1x130x192xf32, #tpu.memory_space<hbm>>
    %dma_start3A_841 = tpu.memref_squeeze %dma_start3A_840 : memref<1x1x130x192xf32, #tpu.memory_space<hbm>> -> memref<130x192xf32, #tpu.memory_space<hbm>>
    %dma_start3A_842 = arith.constant 0 : i32
    %dma_start3A_843 = arith.constant 0 : i32
    %dma_start3A_844 = tpu.memref_slice %arg4[%select_n3A_808, %sub3A_811, %dma_start3A_842, %dma_start3A_843] : memref<8x130x130x192xf32, #tpu.memory_space<hbm>> -> memref<1x1x130x192xf32, #tpu.memory_space<hbm>>
    %dma_start3A_845 = tpu.memref_squeeze %dma_start3A_844 : memref<1x1x130x192xf32, #tpu.memory_space<hbm>> -> memref<130x192xf32, #tpu.memory_space<hbm>>
    tpu.enqueue_dma source(%arg5 : memref<130x192xf32, #tpu.memory_space<vmem>>) target(%dma_start3A_845 : memref<130x192xf32, #tpu.memory_space<hbm>>) target_semaphore(%arg11 : memref<!tpu.dma_semaphore, #tpu.memory_space<semaphore_mem>>)
    %mul3A_846 = arith.constant 32 : i32
    %mul3A_847 = arith.muli %add3A, %mul3A_846 : i32
    %add3A_848 = arith.constant 7 : i32
    %add3A_849 = arith.addi %mul3A_847, %add3A_848 : i32
    %dma_wait3A_850 = arith.constant 0 : i32
    %dma_wait3A_851 = arith.constant 0 : i32
    %dma_wait3A_852 = tpu.memref_slice %arg4[%select_n3A_735, %sub3A_738, %dma_wait3A_850, %dma_wait3A_851] : memref<8x130x130x192xf32, #tpu.memory_space<hbm>> -> memref<1x1x130x192xf32, #tpu.memory_space<hbm>>
    %dma_wait3A_853 = tpu.memref_squeeze %dma_wait3A_852 : memref<1x1x130x192xf32, #tpu.memory_space<hbm>> -> memref<130x192xf32, #tpu.memory_space<hbm>>
    %dma_wait3A_854 = arith.constant 0 : i32
    %dma_wait3A_855 = arith.constant 0 : i32
    %dma_wait3A_856 = tpu.memref_slice %arg4[%select_n3A_735, %sub3A_738, %dma_wait3A_854, %dma_wait3A_855] : memref<8x130x130x192xf32, #tpu.memory_space<hbm>> -> memref<1x1x130x192xf32, #tpu.memory_space<hbm>>
    %dma_wait3A_857 = tpu.memref_squeeze %dma_wait3A_856 : memref<1x1x130x192xf32, #tpu.memory_space<hbm>> -> memref<130x192xf32, #tpu.memory_space<hbm>>
    tpu.wait_dma2 semaphore(%arg12 : memref<!tpu.dma_semaphore, #tpu.memory_space<semaphore_mem>>) src(%arg6 : memref<130x192xf32, #tpu.memory_space<vmem>>) dst(%dma_wait3A_857 : memref<130x192xf32, #tpu.memory_space<hbm>>)
    %jit3A_858 = arith.constant 128 : i32
    %div3A_859 = arith.divsi %add3A_849, %jit3A_858 : i32
    %sign3A_860 = arith.constant 0 : i32
    %sign3A_861 = arith.cmpi sgt, %add3A_849, %sign3A_860 : i32
    %sign3A_862 = arith.extui %sign3A_861 : i1 to i32
    %sign3A_863 = arith.constant 0 : i32
    %sign3A_864 = arith.cmpi slt, %add3A_849, %sign3A_863 : i32
    %sign3A_865 = arith.extui %sign3A_864 : i1 to i32
    %sign3A_866 = arith.subi %sign3A_862, %sign3A_865 : i32
    %sign3A_867 = arith.constant 0 : i32
    %sign3A_868 = arith.cmpi sgt, %jit3A_858, %sign3A_867 : i32
    %sign3A_869 = arith.extui %sign3A_868 : i1 to i32
    %sign3A_870 = arith.constant 0 : i32
    %sign3A_871 = arith.cmpi slt, %jit3A_858, %sign3A_870 : i32
    %sign3A_872 = arith.extui %sign3A_871 : i1 to i32
    %sign3A_873 = arith.subi %sign3A_869, %sign3A_872 : i32
    %ne3A_874 = arith.cmpi ne, %sign3A_866, %sign3A_873 : i32
    %rem3A_875 = arith.remsi %add3A_849, %jit3A_858 : i32
    %ne3A_876 = arith.constant 0 : i32
    %ne3A_877 = arith.cmpi ne, %rem3A_875, %ne3A_876 : i32
    %and3A_878 = arith.andi %ne3A_874, %ne3A_877 : i1
    %sub3A_879 = arith.constant 1 : i32
    %sub3A_880 = arith.subi %div3A_859, %sub3A_879 : i32
    %select_n3A_881 = arith.select %and3A_878, %sub3A_880, %div3A_859 : i32
    %mul3A_882 = arith.constant 128 : i32
    %mul3A_883 = arith.muli %select_n3A_881, %mul3A_882 : i32
    %sub3A_884 = arith.subi %add3A_849, %mul3A_883 : i32
    %mul3A_885 = arith.constant 128 : i32
    %mul3A_886 = arith.muli %sub3A_884, %mul3A_885 : i32
    %dma_start3A_887 = arith.constant 0 : i32
    %dma_start3A_888 = arith.constant 0 : i32
    %dma_start3A_889 = tpu.memref_slice %arg6[%dma_start3A_887, %dma_start3A_888] : memref<130x192xf32, #tpu.memory_space<vmem>> -> memref<128x192xf32, #tpu.memory_space<vmem>>
    %dma_start3A_890 = arith.constant 0 : i32
    %dma_start3A_891 = tpu.memref_slice %arg2[%select_n3A_881, %mul3A_886, %dma_start3A_890] : memref<8x16384x192xf32, #tpu.memory_space<hbm>> -> memref<1x128x192xf32, #tpu.memory_space<hbm>>
    %dma_start3A_892 = tpu.memref_squeeze %dma_start3A_891 : memref<1x128x192xf32, #tpu.memory_space<hbm>> -> memref<128x192xf32, #tpu.memory_space<hbm>>
    %dma_start3A_893 = arith.constant 0 : i32
    %dma_start3A_894 = arith.constant 0 : i32
    %dma_start3A_895 = tpu.memref_slice %arg6[%dma_start3A_893, %dma_start3A_894] : memref<130x192xf32, #tpu.memory_space<vmem>> -> memref<128x192xf32, #tpu.memory_space<vmem>>
    %dma_start3A_896 = arith.constant 0 : i32
    %dma_start3A_897 = tpu.memref_slice %arg2[%select_n3A_881, %mul3A_886, %dma_start3A_896] : memref<8x16384x192xf32, #tpu.memory_space<hbm>> -> memref<1x128x192xf32, #tpu.memory_space<hbm>>
    %dma_start3A_898 = tpu.memref_squeeze %dma_start3A_897 : memref<1x128x192xf32, #tpu.memory_space<hbm>> -> memref<128x192xf32, #tpu.memory_space<hbm>>
    tpu.enqueue_dma source(%dma_start3A_898 : memref<128x192xf32, #tpu.memory_space<hbm>>) target(%dma_start3A_895 : memref<128x192xf32, #tpu.memory_space<vmem>>) target_semaphore(%arg10 : memref<!tpu.dma_semaphore, #tpu.memory_space<semaphore_mem>>)
    %dma_wait3A_899 = arith.constant 0 : i32
    %dma_wait3A_900 = arith.constant 0 : i32
    %dma_wait3A_901 = tpu.memref_slice %arg6[%dma_wait3A_899, %dma_wait3A_900] : memref<130x192xf32, #tpu.memory_space<vmem>> -> memref<128x192xf32, #tpu.memory_space<vmem>>
    %dma_wait3A_902 = arith.constant 0 : i32
    %dma_wait3A_903 = tpu.memref_slice %arg2[%select_n3A_881, %mul3A_886, %dma_wait3A_902] : memref<8x16384x192xf32, #tpu.memory_space<hbm>> -> memref<1x128x192xf32, #tpu.memory_space<hbm>>
    %dma_wait3A_904 = tpu.memref_squeeze %dma_wait3A_903 : memref<1x128x192xf32, #tpu.memory_space<hbm>> -> memref<128x192xf32, #tpu.memory_space<hbm>>
    %dma_wait3A_905 = arith.constant 0 : i32
    %dma_wait3A_906 = arith.constant 0 : i32
    %dma_wait3A_907 = tpu.memref_slice %arg6[%dma_wait3A_905, %dma_wait3A_906] : memref<130x192xf32, #tpu.memory_space<vmem>> -> memref<128x192xf32, #tpu.memory_space<vmem>>
    %dma_wait3A_908 = arith.constant 0 : i32
    %dma_wait3A_909 = tpu.memref_slice %arg2[%select_n3A_881, %mul3A_886, %dma_wait3A_908] : memref<8x16384x192xf32, #tpu.memory_space<hbm>> -> memref<1x128x192xf32, #tpu.memory_space<hbm>>
    %dma_wait3A_910 = tpu.memref_squeeze %dma_wait3A_909 : memref<1x128x192xf32, #tpu.memory_space<hbm>> -> memref<128x192xf32, #tpu.memory_space<hbm>>
    tpu.wait_dma2 semaphore(%arg10 : memref<!tpu.dma_semaphore, #tpu.memory_space<semaphore_mem>>) src(%dma_wait3A_910 : memref<128x192xf32, #tpu.memory_space<hbm>>) dst(%dma_wait3A_907 : memref<128x192xf32, #tpu.memory_space<vmem>>)
    %dma_start3A_911 = arith.constant 0 : i32
    %dma_start3A_912 = arith.constant 0 : i32
    %dma_start3A_913 = tpu.memref_slice %arg4[%select_n3A_881, %sub3A_884, %dma_start3A_911, %dma_start3A_912] : memref<8x130x130x192xf32, #tpu.memory_space<hbm>> -> memref<1x1x130x192xf32, #tpu.memory_space<hbm>>
    %dma_start3A_914 = tpu.memref_squeeze %dma_start3A_913 : memref<1x1x130x192xf32, #tpu.memory_space<hbm>> -> memref<130x192xf32, #tpu.memory_space<hbm>>
    %dma_start3A_915 = arith.constant 0 : i32
    %dma_start3A_916 = arith.constant 0 : i32
    %dma_start3A_917 = tpu.memref_slice %arg4[%select_n3A_881, %sub3A_884, %dma_start3A_915, %dma_start3A_916] : memref<8x130x130x192xf32, #tpu.memory_space<hbm>> -> memref<1x1x130x192xf32, #tpu.memory_space<hbm>>
    %dma_start3A_918 = tpu.memref_squeeze %dma_start3A_917 : memref<1x1x130x192xf32, #tpu.memory_space<hbm>> -> memref<130x192xf32, #tpu.memory_space<hbm>>
    tpu.enqueue_dma source(%arg6 : memref<130x192xf32, #tpu.memory_space<vmem>>) target(%dma_start3A_918 : memref<130x192xf32, #tpu.memory_space<hbm>>) target_semaphore(%arg12 : memref<!tpu.dma_semaphore, #tpu.memory_space<semaphore_mem>>)
    %mul3A_919 = arith.constant 32 : i32
    %mul3A_920 = arith.muli %add3A, %mul3A_919 : i32
    %add3A_921 = arith.constant 8 : i32
    %add3A_922 = arith.addi %mul3A_920, %add3A_921 : i32
    %dma_wait3A_923 = arith.constant 0 : i32
    %dma_wait3A_924 = arith.constant 0 : i32
    %dma_wait3A_925 = tpu.memref_slice %arg4[%select_n3A_808, %sub3A_811, %dma_wait3A_923, %dma_wait3A_924] : memref<8x130x130x192xf32, #tpu.memory_space<hbm>> -> memref<1x1x130x192xf32, #tpu.memory_space<hbm>>
    %dma_wait3A_926 = tpu.memref_squeeze %dma_wait3A_925 : memref<1x1x130x192xf32, #tpu.memory_space<hbm>> -> memref<130x192xf32, #tpu.memory_space<hbm>>
    %dma_wait3A_927 = arith.constant 0 : i32
    %dma_wait3A_928 = arith.constant 0 : i32
    %dma_wait3A_929 = tpu.memref_slice %arg4[%select_n3A_808, %sub3A_811, %dma_wait3A_927, %dma_wait3A_928] : memref<8x130x130x192xf32, #tpu.memory_space<hbm>> -> memref<1x1x130x192xf32, #tpu.memory_space<hbm>>
    %dma_wait3A_930 = tpu.memref_squeeze %dma_wait3A_929 : memref<1x1x130x192xf32, #tpu.memory_space<hbm>> -> memref<130x192xf32, #tpu.memory_space<hbm>>
    tpu.wait_dma2 semaphore(%arg11 : memref<!tpu.dma_semaphore, #tpu.memory_space<semaphore_mem>>) src(%arg5 : memref<130x192xf32, #tpu.memory_space<vmem>>) dst(%dma_wait3A_930 : memref<130x192xf32, #tpu.memory_space<hbm>>)
    %jit3A_931 = arith.constant 128 : i32
    %div3A_932 = arith.divsi %add3A_922, %jit3A_931 : i32
    %sign3A_933 = arith.constant 0 : i32
    %sign3A_934 = arith.cmpi sgt, %add3A_922, %sign3A_933 : i32
    %sign3A_935 = arith.extui %sign3A_934 : i1 to i32
    %sign3A_936 = arith.constant 0 : i32
    %sign3A_937 = arith.cmpi slt, %add3A_922, %sign3A_936 : i32
    %sign3A_938 = arith.extui %sign3A_937 : i1 to i32
    %sign3A_939 = arith.subi %sign3A_935, %sign3A_938 : i32
    %sign3A_940 = arith.constant 0 : i32
    %sign3A_941 = arith.cmpi sgt, %jit3A_931, %sign3A_940 : i32
    %sign3A_942 = arith.extui %sign3A_941 : i1 to i32
    %sign3A_943 = arith.constant 0 : i32
    %sign3A_944 = arith.cmpi slt, %jit3A_931, %sign3A_943 : i32
    %sign3A_945 = arith.extui %sign3A_944 : i1 to i32
    %sign3A_946 = arith.subi %sign3A_942, %sign3A_945 : i32
    %ne3A_947 = arith.cmpi ne, %sign3A_939, %sign3A_946 : i32
    %rem3A_948 = arith.remsi %add3A_922, %jit3A_931 : i32
    %ne3A_949 = arith.constant 0 : i32
    %ne3A_950 = arith.cmpi ne, %rem3A_948, %ne3A_949 : i32
    %and3A_951 = arith.andi %ne3A_947, %ne3A_950 : i1
    %sub3A_952 = arith.constant 1 : i32
    %sub3A_953 = arith.subi %div3A_932, %sub3A_952 : i32
    %select_n3A_954 = arith.select %and3A_951, %sub3A_953, %div3A_932 : i32
    %mul3A_955 = arith.constant 128 : i32
    %mul3A_956 = arith.muli %select_n3A_954, %mul3A_955 : i32
    %sub3A_957 = arith.subi %add3A_922, %mul3A_956 : i32
    %mul3A_958 = arith.constant 128 : i32
    %mul3A_959 = arith.muli %sub3A_957, %mul3A_958 : i32
    %dma_start3A_960 = arith.constant 0 : i32
    %dma_start3A_961 = arith.constant 0 : i32
    %dma_start3A_962 = tpu.memref_slice %arg5[%dma_start3A_960, %dma_start3A_961] : memref<130x192xf32, #tpu.memory_space<vmem>> -> memref<128x192xf32, #tpu.memory_space<vmem>>
    %dma_start3A_963 = arith.constant 0 : i32
    %dma_start3A_964 = tpu.memref_slice %arg2[%select_n3A_954, %mul3A_959, %dma_start3A_963] : memref<8x16384x192xf32, #tpu.memory_space<hbm>> -> memref<1x128x192xf32, #tpu.memory_space<hbm>>
    %dma_start3A_965 = tpu.memref_squeeze %dma_start3A_964 : memref<1x128x192xf32, #tpu.memory_space<hbm>> -> memref<128x192xf32, #tpu.memory_space<hbm>>
    %dma_start3A_966 = arith.constant 0 : i32
    %dma_start3A_967 = arith.constant 0 : i32
    %dma_start3A_968 = tpu.memref_slice %arg5[%dma_start3A_966, %dma_start3A_967] : memref<130x192xf32, #tpu.memory_space<vmem>> -> memref<128x192xf32, #tpu.memory_space<vmem>>
    %dma_start3A_969 = arith.constant 0 : i32
    %dma_start3A_970 = tpu.memref_slice %arg2[%select_n3A_954, %mul3A_959, %dma_start3A_969] : memref<8x16384x192xf32, #tpu.memory_space<hbm>> -> memref<1x128x192xf32, #tpu.memory_space<hbm>>
    %dma_start3A_971 = tpu.memref_squeeze %dma_start3A_970 : memref<1x128x192xf32, #tpu.memory_space<hbm>> -> memref<128x192xf32, #tpu.memory_space<hbm>>
    tpu.enqueue_dma source(%dma_start3A_971 : memref<128x192xf32, #tpu.memory_space<hbm>>) target(%dma_start3A_968 : memref<128x192xf32, #tpu.memory_space<vmem>>) target_semaphore(%arg9 : memref<!tpu.dma_semaphore, #tpu.memory_space<semaphore_mem>>)
    %dma_wait3A_972 = arith.constant 0 : i32
    %dma_wait3A_973 = arith.constant 0 : i32
    %dma_wait3A_974 = tpu.memref_slice %arg5[%dma_wait3A_972, %dma_wait3A_973] : memref<130x192xf32, #tpu.memory_space<vmem>> -> memref<128x192xf32, #tpu.memory_space<vmem>>
    %dma_wait3A_975 = arith.constant 0 : i32
    %dma_wait3A_976 = tpu.memref_slice %arg2[%select_n3A_954, %mul3A_959, %dma_wait3A_975] : memref<8x16384x192xf32, #tpu.memory_space<hbm>> -> memref<1x128x192xf32, #tpu.memory_space<hbm>>
    %dma_wait3A_977 = tpu.memref_squeeze %dma_wait3A_976 : memref<1x128x192xf32, #tpu.memory_space<hbm>> -> memref<128x192xf32, #tpu.memory_space<hbm>>
    %dma_wait3A_978 = arith.constant 0 : i32
    %dma_wait3A_979 = arith.constant 0 : i32
    %dma_wait3A_980 = tpu.memref_slice %arg5[%dma_wait3A_978, %dma_wait3A_979] : memref<130x192xf32, #tpu.memory_space<vmem>> -> memref<128x192xf32, #tpu.memory_space<vmem>>
    %dma_wait3A_981 = arith.constant 0 : i32
    %dma_wait3A_982 = tpu.memref_slice %arg2[%select_n3A_954, %mul3A_959, %dma_wait3A_981] : memref<8x16384x192xf32, #tpu.memory_space<hbm>> -> memref<1x128x192xf32, #tpu.memory_space<hbm>>
    %dma_wait3A_983 = tpu.memref_squeeze %dma_wait3A_982 : memref<1x128x192xf32, #tpu.memory_space<hbm>> -> memref<128x192xf32, #tpu.memory_space<hbm>>
    tpu.wait_dma2 semaphore(%arg9 : memref<!tpu.dma_semaphore, #tpu.memory_space<semaphore_mem>>) src(%dma_wait3A_983 : memref<128x192xf32, #tpu.memory_space<hbm>>) dst(%dma_wait3A_980 : memref<128x192xf32, #tpu.memory_space<vmem>>)
    %dma_start3A_984 = arith.constant 0 : i32
    %dma_start3A_985 = arith.constant 0 : i32
    %dma_start3A_986 = tpu.memref_slice %arg4[%select_n3A_954, %sub3A_957, %dma_start3A_984, %dma_start3A_985] : memref<8x130x130x192xf32, #tpu.memory_space<hbm>> -> memref<1x1x130x192xf32, #tpu.memory_space<hbm>>
    %dma_start3A_987 = tpu.memref_squeeze %dma_start3A_986 : memref<1x1x130x192xf32, #tpu.memory_space<hbm>> -> memref<130x192xf32, #tpu.memory_space<hbm>>
    %dma_start3A_988 = arith.constant 0 : i32
    %dma_start3A_989 = arith.constant 0 : i32
    %dma_start3A_990 = tpu.memref_slice %arg4[%select_n3A_954, %sub3A_957, %dma_start3A_988, %dma_start3A_989] : memref<8x130x130x192xf32, #tpu.memory_space<hbm>> -> memref<1x1x130x192xf32, #tpu.memory_space<hbm>>
    %dma_start3A_991 = tpu.memref_squeeze %dma_start3A_990 : memref<1x1x130x192xf32, #tpu.memory_space<hbm>> -> memref<130x192xf32, #tpu.memory_space<hbm>>
    tpu.enqueue_dma source(%arg5 : memref<130x192xf32, #tpu.memory_space<vmem>>) target(%dma_start3A_991 : memref<130x192xf32, #tpu.memory_space<hbm>>) target_semaphore(%arg11 : memref<!tpu.dma_semaphore, #tpu.memory_space<semaphore_mem>>)
    %mul3A_992 = arith.constant 32 : i32
    %mul3A_993 = arith.muli %add3A, %mul3A_992 : i32
    %add3A_994 = arith.constant 9 : i32
    %add3A_995 = arith.addi %mul3A_993, %add3A_994 : i32
    %dma_wait3A_996 = arith.constant 0 : i32
    %dma_wait3A_997 = arith.constant 0 : i32
    %dma_wait3A_998 = tpu.memref_slice %arg4[%select_n3A_881, %sub3A_884, %dma_wait3A_996, %dma_wait3A_997] : memref<8x130x130x192xf32, #tpu.memory_space<hbm>> -> memref<1x1x130x192xf32, #tpu.memory_space<hbm>>
    %dma_wait3A_999 = tpu.memref_squeeze %dma_wait3A_998 : memref<1x1x130x192xf32, #tpu.memory_space<hbm>> -> memref<130x192xf32, #tpu.memory_space<hbm>>
    %dma_wait3A_1000 = arith.constant 0 : i32
    %dma_wait3A_1001 = arith.constant 0 : i32
    %dma_wait3A_1002 = tpu.memref_slice %arg4[%select_n3A_881, %sub3A_884, %dma_wait3A_1000, %dma_wait3A_1001] : memref<8x130x130x192xf32, #tpu.memory_space<hbm>> -> memref<1x1x130x192xf32, #tpu.memory_space<hbm>>
    %dma_wait3A_1003 = tpu.memref_squeeze %dma_wait3A_1002 : memref<1x1x130x192xf32, #tpu.memory_space<hbm>> -> memref<130x192xf32, #tpu.memory_space<hbm>>
    tpu.wait_dma2 semaphore(%arg12 : memref<!tpu.dma_semaphore, #tpu.memory_space<semaphore_mem>>) src(%arg6 : memref<130x192xf32, #tpu.memory_space<vmem>>) dst(%dma_wait3A_1003 : memref<130x192xf32, #tpu.memory_space<hbm>>)
    %jit3A_1004 = arith.constant 128 : i32
    %div3A_1005 = arith.divsi %add3A_995, %jit3A_1004 : i32
    %sign3A_1006 = arith.constant 0 : i32
    %sign3A_1007 = arith.cmpi sgt, %add3A_995, %sign3A_1006 : i32
    %sign3A_1008 = arith.extui %sign3A_1007 : i1 to i32
    %sign3A_1009 = arith.constant 0 : i32
    %sign3A_1010 = arith.cmpi slt, %add3A_995, %sign3A_1009 : i32
    %sign3A_1011 = arith.extui %sign3A_1010 : i1 to i32
    %sign3A_1012 = arith.subi %sign3A_1008, %sign3A_1011 : i32
    %sign3A_1013 = arith.constant 0 : i32
    %sign3A_1014 = arith.cmpi sgt, %jit3A_1004, %sign3A_1013 : i32
    %sign3A_1015 = arith.extui %sign3A_1014 : i1 to i32
    %sign3A_1016 = arith.constant 0 : i32
    %sign3A_1017 = arith.cmpi slt, %jit3A_1004, %sign3A_1016 : i32
    %sign3A_1018 = arith.extui %sign3A_1017 : i1 to i32
    %sign3A_1019 = arith.subi %sign3A_1015, %sign3A_1018 : i32
    %ne3A_1020 = arith.cmpi ne, %sign3A_1012, %sign3A_1019 : i32
    %rem3A_1021 = arith.remsi %add3A_995, %jit3A_1004 : i32
    %ne3A_1022 = arith.constant 0 : i32
    %ne3A_1023 = arith.cmpi ne, %rem3A_1021, %ne3A_1022 : i32
    %and3A_1024 = arith.andi %ne3A_1020, %ne3A_1023 : i1
    %sub3A_1025 = arith.constant 1 : i32
    %sub3A_1026 = arith.subi %div3A_1005, %sub3A_1025 : i32
    %select_n3A_1027 = arith.select %and3A_1024, %sub3A_1026, %div3A_1005 : i32
    %mul3A_1028 = arith.constant 128 : i32
    %mul3A_1029 = arith.muli %select_n3A_1027, %mul3A_1028 : i32
    %sub3A_1030 = arith.subi %add3A_995, %mul3A_1029 : i32
    %mul3A_1031 = arith.constant 128 : i32
    %mul3A_1032 = arith.muli %sub3A_1030, %mul3A_1031 : i32
    %dma_start3A_1033 = arith.constant 0 : i32
    %dma_start3A_1034 = arith.constant 0 : i32
    %dma_start3A_1035 = tpu.memref_slice %arg6[%dma_start3A_1033, %dma_start3A_1034] : memref<130x192xf32, #tpu.memory_space<vmem>> -> memref<128x192xf32, #tpu.memory_space<vmem>>
    %dma_start3A_1036 = arith.constant 0 : i32
    %dma_start3A_1037 = tpu.memref_slice %arg2[%select_n3A_1027, %mul3A_1032, %dma_start3A_1036] : memref<8x16384x192xf32, #tpu.memory_space<hbm>> -> memref<1x128x192xf32, #tpu.memory_space<hbm>>
    %dma_start3A_1038 = tpu.memref_squeeze %dma_start3A_1037 : memref<1x128x192xf32, #tpu.memory_space<hbm>> -> memref<128x192xf32, #tpu.memory_space<hbm>>
    %dma_start3A_1039 = arith.constant 0 : i32
    %dma_start3A_1040 = arith.constant 0 : i32
    %dma_start3A_1041 = tpu.memref_slice %arg6[%dma_start3A_1039, %dma_start3A_1040] : memref<130x192xf32, #tpu.memory_space<vmem>> -> memref<128x192xf32, #tpu.memory_space<vmem>>
    %dma_start3A_1042 = arith.constant 0 : i32
    %dma_start3A_1043 = tpu.memref_slice %arg2[%select_n3A_1027, %mul3A_1032, %dma_start3A_1042] : memref<8x16384x192xf32, #tpu.memory_space<hbm>> -> memref<1x128x192xf32, #tpu.memory_space<hbm>>
    %dma_start3A_1044 = tpu.memref_squeeze %dma_start3A_1043 : memref<1x128x192xf32, #tpu.memory_space<hbm>> -> memref<128x192xf32, #tpu.memory_space<hbm>>
    tpu.enqueue_dma source(%dma_start3A_1044 : memref<128x192xf32, #tpu.memory_space<hbm>>) target(%dma_start3A_1041 : memref<128x192xf32, #tpu.memory_space<vmem>>) target_semaphore(%arg10 : memref<!tpu.dma_semaphore, #tpu.memory_space<semaphore_mem>>)
    %dma_wait3A_1045 = arith.constant 0 : i32
    %dma_wait3A_1046 = arith.constant 0 : i32
    %dma_wait3A_1047 = tpu.memref_slice %arg6[%dma_wait3A_1045, %dma_wait3A_1046] : memref<130x192xf32, #tpu.memory_space<vmem>> -> memref<128x192xf32, #tpu.memory_space<vmem>>
    %dma_wait3A_1048 = arith.constant 0 : i32
    %dma_wait3A_1049 = tpu.memref_slice %arg2[%select_n3A_1027, %mul3A_1032, %dma_wait3A_1048] : memref<8x16384x192xf32, #tpu.memory_space<hbm>> -> memref<1x128x192xf32, #tpu.memory_space<hbm>>
    %dma_wait3A_1050 = tpu.memref_squeeze %dma_wait3A_1049 : memref<1x128x192xf32, #tpu.memory_space<hbm>> -> memref<128x192xf32, #tpu.memory_space<hbm>>
    %dma_wait3A_1051 = arith.constant 0 : i32
    %dma_wait3A_1052 = arith.constant 0 : i32
    %dma_wait3A_1053 = tpu.memref_slice %arg6[%dma_wait3A_1051, %dma_wait3A_1052] : memref<130x192xf32, #tpu.memory_space<vmem>> -> memref<128x192xf32, #tpu.memory_space<vmem>>
    %dma_wait3A_1054 = arith.constant 0 : i32
    %dma_wait3A_1055 = tpu.memref_slice %arg2[%select_n3A_1027, %mul3A_1032, %dma_wait3A_1054] : memref<8x16384x192xf32, #tpu.memory_space<hbm>> -> memref<1x128x192xf32, #tpu.memory_space<hbm>>
    %dma_wait3A_1056 = tpu.memref_squeeze %dma_wait3A_1055 : memref<1x128x192xf32, #tpu.memory_space<hbm>> -> memref<128x192xf32, #tpu.memory_space<hbm>>
    tpu.wait_dma2 semaphore(%arg10 : memref<!tpu.dma_semaphore, #tpu.memory_space<semaphore_mem>>) src(%dma_wait3A_1056 : memref<128x192xf32, #tpu.memory_space<hbm>>) dst(%dma_wait3A_1053 : memref<128x192xf32, #tpu.memory_space<vmem>>)
    %dma_start3A_1057 = arith.constant 0 : i32
    %dma_start3A_1058 = arith.constant 0 : i32
    %dma_start3A_1059 = tpu.memref_slice %arg4[%select_n3A_1027, %sub3A_1030, %dma_start3A_1057, %dma_start3A_1058] : memref<8x130x130x192xf32, #tpu.memory_space<hbm>> -> memref<1x1x130x192xf32, #tpu.memory_space<hbm>>
    %dma_start3A_1060 = tpu.memref_squeeze %dma_start3A_1059 : memref<1x1x130x192xf32, #tpu.memory_space<hbm>> -> memref<130x192xf32, #tpu.memory_space<hbm>>
    %dma_start3A_1061 = arith.constant 0 : i32
    %dma_start3A_1062 = arith.constant 0 : i32
    %dma_start3A_1063 = tpu.memref_slice %arg4[%select_n3A_1027, %sub3A_1030, %dma_start3A_1061, %dma_start3A_1062] : memref<8x130x130x192xf32, #tpu.memory_space<hbm>> -> memref<1x1x130x192xf32, #tpu.memory_space<hbm>>
    %dma_start3A_1064 = tpu.memref_squeeze %dma_start3A_1063 : memref<1x1x130x192xf32, #tpu.memory_space<hbm>> -> memref<130x192xf32, #tpu.memory_space<hbm>>
    tpu.enqueue_dma source(%arg6 : memref<130x192xf32, #tpu.memory_space<vmem>>) target(%dma_start3A_1064 : memref<130x192xf32, #tpu.memory_space<hbm>>) target_semaphore(%arg12 : memref<!tpu.dma_semaphore, #tpu.memory_space<semaphore_mem>>)
    %mul3A_1065 = arith.constant 32 : i32
    %mul3A_1066 = arith.muli %add3A, %mul3A_1065 : i32
    %add3A_1067 = arith.constant 10 : i32
    %add3A_1068 = arith.addi %mul3A_1066, %add3A_1067 : i32
    %dma_wait3A_1069 = arith.constant 0 : i32
    %dma_wait3A_1070 = arith.constant 0 : i32
    %dma_wait3A_1071 = tpu.memref_slice %arg4[%select_n3A_954, %sub3A_957, %dma_wait3A_1069, %dma_wait3A_1070] : memref<8x130x130x192xf32, #tpu.memory_space<hbm>> -> memref<1x1x130x192xf32, #tpu.memory_space<hbm>>
    %dma_wait3A_1072 = tpu.memref_squeeze %dma_wait3A_1071 : memref<1x1x130x192xf32, #tpu.memory_space<hbm>> -> memref<130x192xf32, #tpu.memory_space<hbm>>
    %dma_wait3A_1073 = arith.constant 0 : i32
    %dma_wait3A_1074 = arith.constant 0 : i32
    %dma_wait3A_1075 = tpu.memref_slice %arg4[%select_n3A_954, %sub3A_957, %dma_wait3A_1073, %dma_wait3A_1074] : memref<8x130x130x192xf32, #tpu.memory_space<hbm>> -> memref<1x1x130x192xf32, #tpu.memory_space<hbm>>
    %dma_wait3A_1076 = tpu.memref_squeeze %dma_wait3A_1075 : memref<1x1x130x192xf32, #tpu.memory_space<hbm>> -> memref<130x192xf32, #tpu.memory_space<hbm>>
    tpu.wait_dma2 semaphore(%arg11 : memref<!tpu.dma_semaphore, #tpu.memory_space<semaphore_mem>>) src(%arg5 : memref<130x192xf32, #tpu.memory_space<vmem>>) dst(%dma_wait3A_1076 : memref<130x192xf32, #tpu.memory_space<hbm>>)
    %jit3A_1077 = arith.constant 128 : i32
    %div3A_1078 = arith.divsi %add3A_1068, %jit3A_1077 : i32
    %sign3A_1079 = arith.constant 0 : i32
    %sign3A_1080 = arith.cmpi sgt, %add3A_1068, %sign3A_1079 : i32
    %sign3A_1081 = arith.extui %sign3A_1080 : i1 to i32
    %sign3A_1082 = arith.constant 0 : i32
    %sign3A_1083 = arith.cmpi slt, %add3A_1068, %sign3A_1082 : i32
    %sign3A_1084 = arith.extui %sign3A_1083 : i1 to i32
    %sign3A_1085 = arith.subi %sign3A_1081, %sign3A_1084 : i32
    %sign3A_1086 = arith.constant 0 : i32
    %sign3A_1087 = arith.cmpi sgt, %jit3A_1077, %sign3A_1086 : i32
    %sign3A_1088 = arith.extui %sign3A_1087 : i1 to i32
    %sign3A_1089 = arith.constant 0 : i32
    %sign3A_1090 = arith.cmpi slt, %jit3A_1077, %sign3A_1089 : i32
    %sign3A_1091 = arith.extui %sign3A_1090 : i1 to i32
    %sign3A_1092 = arith.subi %sign3A_1088, %sign3A_1091 : i32
    %ne3A_1093 = arith.cmpi ne, %sign3A_1085, %sign3A_1092 : i32
    %rem3A_1094 = arith.remsi %add3A_1068, %jit3A_1077 : i32
    %ne3A_1095 = arith.constant 0 : i32
    %ne3A_1096 = arith.cmpi ne, %rem3A_1094, %ne3A_1095 : i32
    %and3A_1097 = arith.andi %ne3A_1093, %ne3A_1096 : i1
    %sub3A_1098 = arith.constant 1 : i32
    %sub3A_1099 = arith.subi %div3A_1078, %sub3A_1098 : i32
    %select_n3A_1100 = arith.select %and3A_1097, %sub3A_1099, %div3A_1078 : i32
    %mul3A_1101 = arith.constant 128 : i32
    %mul3A_1102 = arith.muli %select_n3A_1100, %mul3A_1101 : i32
    %sub3A_1103 = arith.subi %add3A_1068, %mul3A_1102 : i32
    %mul3A_1104 = arith.constant 128 : i32
    %mul3A_1105 = arith.muli %sub3A_1103, %mul3A_1104 : i32
    %dma_start3A_1106 = arith.constant 0 : i32
    %dma_start3A_1107 = arith.constant 0 : i32
    %dma_start3A_1108 = tpu.memref_slice %arg5[%dma_start3A_1106, %dma_start3A_1107] : memref<130x192xf32, #tpu.memory_space<vmem>> -> memref<128x192xf32, #tpu.memory_space<vmem>>
    %dma_start3A_1109 = arith.constant 0 : i32
    %dma_start3A_1110 = tpu.memref_slice %arg2[%select_n3A_1100, %mul3A_1105, %dma_start3A_1109] : memref<8x16384x192xf32, #tpu.memory_space<hbm>> -> memref<1x128x192xf32, #tpu.memory_space<hbm>>
    %dma_start3A_1111 = tpu.memref_squeeze %dma_start3A_1110 : memref<1x128x192xf32, #tpu.memory_space<hbm>> -> memref<128x192xf32, #tpu.memory_space<hbm>>
    %dma_start3A_1112 = arith.constant 0 : i32
    %dma_start3A_1113 = arith.constant 0 : i32
    %dma_start3A_1114 = tpu.memref_slice %arg5[%dma_start3A_1112, %dma_start3A_1113] : memref<130x192xf32, #tpu.memory_space<vmem>> -> memref<128x192xf32, #tpu.memory_space<vmem>>
    %dma_start3A_1115 = arith.constant 0 : i32
    %dma_start3A_1116 = tpu.memref_slice %arg2[%select_n3A_1100, %mul3A_1105, %dma_start3A_1115] : memref<8x16384x192xf32, #tpu.memory_space<hbm>> -> memref<1x128x192xf32, #tpu.memory_space<hbm>>
    %dma_start3A_1117 = tpu.memref_squeeze %dma_start3A_1116 : memref<1x128x192xf32, #tpu.memory_space<hbm>> -> memref<128x192xf32, #tpu.memory_space<hbm>>
    tpu.enqueue_dma source(%dma_start3A_1117 : memref<128x192xf32, #tpu.memory_space<hbm>>) target(%dma_start3A_1114 : memref<128x192xf32, #tpu.memory_space<vmem>>) target_semaphore(%arg9 : memref<!tpu.dma_semaphore, #tpu.memory_space<semaphore_mem>>)
    %dma_wait3A_1118 = arith.constant 0 : i32
    %dma_wait3A_1119 = arith.constant 0 : i32
    %dma_wait3A_1120 = tpu.memref_slice %arg5[%dma_wait3A_1118, %dma_wait3A_1119] : memref<130x192xf32, #tpu.memory_space<vmem>> -> memref<128x192xf32, #tpu.memory_space<vmem>>
    %dma_wait3A_1121 = arith.constant 0 : i32
    %dma_wait3A_1122 = tpu.memref_slice %arg2[%select_n3A_1100, %mul3A_1105, %dma_wait3A_1121] : memref<8x16384x192xf32, #tpu.memory_space<hbm>> -> memref<1x128x192xf32, #tpu.memory_space<hbm>>
    %dma_wait3A_1123 = tpu.memref_squeeze %dma_wait3A_1122 : memref<1x128x192xf32, #tpu.memory_space<hbm>> -> memref<128x192xf32, #tpu.memory_space<hbm>>
    %dma_wait3A_1124 = arith.constant 0 : i32
    %dma_wait3A_1125 = arith.constant 0 : i32
    %dma_wait3A_1126 = tpu.memref_slice %arg5[%dma_wait3A_1124, %dma_wait3A_1125] : memref<130x192xf32, #tpu.memory_space<vmem>> -> memref<128x192xf32, #tpu.memory_space<vmem>>
    %dma_wait3A_1127 = arith.constant 0 : i32
    %dma_wait3A_1128 = tpu.memref_slice %arg2[%select_n3A_1100, %mul3A_1105, %dma_wait3A_1127] : memref<8x16384x192xf32, #tpu.memory_space<hbm>> -> memref<1x128x192xf32, #tpu.memory_space<hbm>>
    %dma_wait3A_1129 = tpu.memref_squeeze %dma_wait3A_1128 : memref<1x128x192xf32, #tpu.memory_space<hbm>> -> memref<128x192xf32, #tpu.memory_space<hbm>>
    tpu.wait_dma2 semaphore(%arg9 : memref<!tpu.dma_semaphore, #tpu.memory_space<semaphore_mem>>) src(%dma_wait3A_1129 : memref<128x192xf32, #tpu.memory_space<hbm>>) dst(%dma_wait3A_1126 : memref<128x192xf32, #tpu.memory_space<vmem>>)
    %dma_start3A_1130 = arith.constant 0 : i32
    %dma_start3A_1131 = arith.constant 0 : i32
    %dma_start3A_1132 = tpu.memref_slice %arg4[%select_n3A_1100, %sub3A_1103, %dma_start3A_1130, %dma_start3A_1131] : memref<8x130x130x192xf32, #tpu.memory_space<hbm>> -> memref<1x1x130x192xf32, #tpu.memory_space<hbm>>
    %dma_start3A_1133 = tpu.memref_squeeze %dma_start3A_1132 : memref<1x1x130x192xf32, #tpu.memory_space<hbm>> -> memref<130x192xf32, #tpu.memory_space<hbm>>
    %dma_start3A_1134 = arith.constant 0 : i32
    %dma_start3A_1135 = arith.constant 0 : i32
    %dma_start3A_1136 = tpu.memref_slice %arg4[%select_n3A_1100, %sub3A_1103, %dma_start3A_1134, %dma_start3A_1135] : memref<8x130x130x192xf32, #tpu.memory_space<hbm>> -> memref<1x1x130x192xf32, #tpu.memory_space<hbm>>
    %dma_start3A_1137 = tpu.memref_squeeze %dma_start3A_1136 : memref<1x1x130x192xf32, #tpu.memory_space<hbm>> -> memref<130x192xf32, #tpu.memory_space<hbm>>
    tpu.enqueue_dma source(%arg5 : memref<130x192xf32, #tpu.memory_space<vmem>>) target(%dma_start3A_1137 : memref<130x192xf32, #tpu.memory_space<hbm>>) target_semaphore(%arg11 : memref<!tpu.dma_semaphore, #tpu.memory_space<semaphore_mem>>)
    %mul3A_1138 = arith.constant 32 : i32
    %mul3A_1139 = arith.muli %add3A, %mul3A_1138 : i32
    %add3A_1140 = arith.constant 11 : i32
    %add3A_1141 = arith.addi %mul3A_1139, %add3A_1140 : i32
    %dma_wait3A_1142 = arith.constant 0 : i32
    %dma_wait3A_1143 = arith.constant 0 : i32
    %dma_wait3A_1144 = tpu.memref_slice %arg4[%select_n3A_1027, %sub3A_1030, %dma_wait3A_1142, %dma_wait3A_1143] : memref<8x130x130x192xf32, #tpu.memory_space<hbm>> -> memref<1x1x130x192xf32, #tpu.memory_space<hbm>>
    %dma_wait3A_1145 = tpu.memref_squeeze %dma_wait3A_1144 : memref<1x1x130x192xf32, #tpu.memory_space<hbm>> -> memref<130x192xf32, #tpu.memory_space<hbm>>
    %dma_wait3A_1146 = arith.constant 0 : i32
    %dma_wait3A_1147 = arith.constant 0 : i32
    %dma_wait3A_1148 = tpu.memref_slice %arg4[%select_n3A_1027, %sub3A_1030, %dma_wait3A_1146, %dma_wait3A_1147] : memref<8x130x130x192xf32, #tpu.memory_space<hbm>> -> memref<1x1x130x192xf32, #tpu.memory_space<hbm>>
    %dma_wait3A_1149 = tpu.memref_squeeze %dma_wait3A_1148 : memref<1x1x130x192xf32, #tpu.memory_space<hbm>> -> memref<130x192xf32, #tpu.memory_space<hbm>>
    tpu.wait_dma2 semaphore(%arg12 : memref<!tpu.dma_semaphore, #tpu.memory_space<semaphore_mem>>) src(%arg6 : memref<130x192xf32, #tpu.memory_space<vmem>>) dst(%dma_wait3A_1149 : memref<130x192xf32, #tpu.memory_space<hbm>>)
    %jit3A_1150 = arith.constant 128 : i32
    %div3A_1151 = arith.divsi %add3A_1141, %jit3A_1150 : i32
    %sign3A_1152 = arith.constant 0 : i32
    %sign3A_1153 = arith.cmpi sgt, %add3A_1141, %sign3A_1152 : i32
    %sign3A_1154 = arith.extui %sign3A_1153 : i1 to i32
    %sign3A_1155 = arith.constant 0 : i32
    %sign3A_1156 = arith.cmpi slt, %add3A_1141, %sign3A_1155 : i32
    %sign3A_1157 = arith.extui %sign3A_1156 : i1 to i32
    %sign3A_1158 = arith.subi %sign3A_1154, %sign3A_1157 : i32
    %sign3A_1159 = arith.constant 0 : i32
    %sign3A_1160 = arith.cmpi sgt, %jit3A_1150, %sign3A_1159 : i32
    %sign3A_1161 = arith.extui %sign3A_1160 : i1 to i32
    %sign3A_1162 = arith.constant 0 : i32
    %sign3A_1163 = arith.cmpi slt, %jit3A_1150, %sign3A_1162 : i32
    %sign3A_1164 = arith.extui %sign3A_1163 : i1 to i32
    %sign3A_1165 = arith.subi %sign3A_1161, %sign3A_1164 : i32
    %ne3A_1166 = arith.cmpi ne, %sign3A_1158, %sign3A_1165 : i32
    %rem3A_1167 = arith.remsi %add3A_1141, %jit3A_1150 : i32
    %ne3A_1168 = arith.constant 0 : i32
    %ne3A_1169 = arith.cmpi ne, %rem3A_1167, %ne3A_1168 : i32
    %and3A_1170 = arith.andi %ne3A_1166, %ne3A_1169 : i1
    %sub3A_1171 = arith.constant 1 : i32
    %sub3A_1172 = arith.subi %div3A_1151, %sub3A_1171 : i32
    %select_n3A_1173 = arith.select %and3A_1170, %sub3A_1172, %div3A_1151 : i32
    %mul3A_1174 = arith.constant 128 : i32
    %mul3A_1175 = arith.muli %select_n3A_1173, %mul3A_1174 : i32
    %sub3A_1176 = arith.subi %add3A_1141, %mul3A_1175 : i32
    %mul3A_1177 = arith.constant 128 : i32
    %mul3A_1178 = arith.muli %sub3A_1176, %mul3A_1177 : i32
    %dma_start3A_1179 = arith.constant 0 : i32
    %dma_start3A_1180 = arith.constant 0 : i32
    %dma_start3A_1181 = tpu.memref_slice %arg6[%dma_start3A_1179, %dma_start3A_1180] : memref<130x192xf32, #tpu.memory_space<vmem>> -> memref<128x192xf32, #tpu.memory_space<vmem>>
    %dma_start3A_1182 = arith.constant 0 : i32
    %dma_start3A_1183 = tpu.memref_slice %arg2[%select_n3A_1173, %mul3A_1178, %dma_start3A_1182] : memref<8x16384x192xf32, #tpu.memory_space<hbm>> -> memref<1x128x192xf32, #tpu.memory_space<hbm>>
    %dma_start3A_1184 = tpu.memref_squeeze %dma_start3A_1183 : memref<1x128x192xf32, #tpu.memory_space<hbm>> -> memref<128x192xf32, #tpu.memory_space<hbm>>
    %dma_start3A_1185 = arith.constant 0 : i32
    %dma_start3A_1186 = arith.constant 0 : i32
    %dma_start3A_1187 = tpu.memref_slice %arg6[%dma_start3A_1185, %dma_start3A_1186] : memref<130x192xf32, #tpu.memory_space<vmem>> -> memref<128x192xf32, #tpu.memory_space<vmem>>
    %dma_start3A_1188 = arith.constant 0 : i32
    %dma_start3A_1189 = tpu.memref_slice %arg2[%select_n3A_1173, %mul3A_1178, %dma_start3A_1188] : memref<8x16384x192xf32, #tpu.memory_space<hbm>> -> memref<1x128x192xf32, #tpu.memory_space<hbm>>
    %dma_start3A_1190 = tpu.memref_squeeze %dma_start3A_1189 : memref<1x128x192xf32, #tpu.memory_space<hbm>> -> memref<128x192xf32, #tpu.memory_space<hbm>>
    tpu.enqueue_dma source(%dma_start3A_1190 : memref<128x192xf32, #tpu.memory_space<hbm>>) target(%dma_start3A_1187 : memref<128x192xf32, #tpu.memory_space<vmem>>) target_semaphore(%arg10 : memref<!tpu.dma_semaphore, #tpu.memory_space<semaphore_mem>>)
    %dma_wait3A_1191 = arith.constant 0 : i32
    %dma_wait3A_1192 = arith.constant 0 : i32
    %dma_wait3A_1193 = tpu.memref_slice %arg6[%dma_wait3A_1191, %dma_wait3A_1192] : memref<130x192xf32, #tpu.memory_space<vmem>> -> memref<128x192xf32, #tpu.memory_space<vmem>>
    %dma_wait3A_1194 = arith.constant 0 : i32
    %dma_wait3A_1195 = tpu.memref_slice %arg2[%select_n3A_1173, %mul3A_1178, %dma_wait3A_1194] : memref<8x16384x192xf32, #tpu.memory_space<hbm>> -> memref<1x128x192xf32, #tpu.memory_space<hbm>>
    %dma_wait3A_1196 = tpu.memref_squeeze %dma_wait3A_1195 : memref<1x128x192xf32, #tpu.memory_space<hbm>> -> memref<128x192xf32, #tpu.memory_space<hbm>>
    %dma_wait3A_1197 = arith.constant 0 : i32
    %dma_wait3A_1198 = arith.constant 0 : i32
    %dma_wait3A_1199 = tpu.memref_slice %arg6[%dma_wait3A_1197, %dma_wait3A_1198] : memref<130x192xf32, #tpu.memory_space<vmem>> -> memref<128x192xf32, #tpu.memory_space<vmem>>
    %dma_wait3A_1200 = arith.constant 0 : i32
    %dma_wait3A_1201 = tpu.memref_slice %arg2[%select_n3A_1173, %mul3A_1178, %dma_wait3A_1200] : memref<8x16384x192xf32, #tpu.memory_space<hbm>> -> memref<1x128x192xf32, #tpu.memory_space<hbm>>
    %dma_wait3A_1202 = tpu.memref_squeeze %dma_wait3A_1201 : memref<1x128x192xf32, #tpu.memory_space<hbm>> -> memref<128x192xf32, #tpu.memory_space<hbm>>
    tpu.wait_dma2 semaphore(%arg10 : memref<!tpu.dma_semaphore, #tpu.memory_space<semaphore_mem>>) src(%dma_wait3A_1202 : memref<128x192xf32, #tpu.memory_space<hbm>>) dst(%dma_wait3A_1199 : memref<128x192xf32, #tpu.memory_space<vmem>>)
    %dma_start3A_1203 = arith.constant 0 : i32
    %dma_start3A_1204 = arith.constant 0 : i32
    %dma_start3A_1205 = tpu.memref_slice %arg4[%select_n3A_1173, %sub3A_1176, %dma_start3A_1203, %dma_start3A_1204] : memref<8x130x130x192xf32, #tpu.memory_space<hbm>> -> memref<1x1x130x192xf32, #tpu.memory_space<hbm>>
    %dma_start3A_1206 = tpu.memref_squeeze %dma_start3A_1205 : memref<1x1x130x192xf32, #tpu.memory_space<hbm>> -> memref<130x192xf32, #tpu.memory_space<hbm>>
    %dma_start3A_1207 = arith.constant 0 : i32
    %dma_start3A_1208 = arith.constant 0 : i32
    %dma_start3A_1209 = tpu.memref_slice %arg4[%select_n3A_1173, %sub3A_1176, %dma_start3A_1207, %dma_start3A_1208] : memref<8x130x130x192xf32, #tpu.memory_space<hbm>> -> memref<1x1x130x192xf32, #tpu.memory_space<hbm>>
    %dma_start3A_1210 = tpu.memref_squeeze %dma_start3A_1209 : memref<1x1x130x192xf32, #tpu.memory_space<hbm>> -> memref<130x192xf32, #tpu.memory_space<hbm>>
    tpu.enqueue_dma source(%arg6 : memref<130x192xf32, #tpu.memory_space<vmem>>) target(%dma_start3A_1210 : memref<130x192xf32, #tpu.memory_space<hbm>>) target_semaphore(%arg12 : memref<!tpu.dma_semaphore, #tpu.memory_space<semaphore_mem>>)
    %mul3A_1211 = arith.constant 32 : i32
    %mul3A_1212 = arith.muli %add3A, %mul3A_1211 : i32
    %add3A_1213 = arith.constant 12 : i32
    %add3A_1214 = arith.addi %mul3A_1212, %add3A_1213 : i32
    %dma_wait3A_1215 = arith.constant 0 : i32
    %dma_wait3A_1216 = arith.constant 0 : i32
    %dma_wait3A_1217 = tpu.memref_slice %arg4[%select_n3A_1100, %sub3A_1103, %dma_wait3A_1215, %dma_wait3A_1216] : memref<8x130x130x192xf32, #tpu.memory_space<hbm>> -> memref<1x1x130x192xf32, #tpu.memory_space<hbm>>
    %dma_wait3A_1218 = tpu.memref_squeeze %dma_wait3A_1217 : memref<1x1x130x192xf32, #tpu.memory_space<hbm>> -> memref<130x192xf32, #tpu.memory_space<hbm>>
    %dma_wait3A_1219 = arith.constant 0 : i32
    %dma_wait3A_1220 = arith.constant 0 : i32
    %dma_wait3A_1221 = tpu.memref_slice %arg4[%select_n3A_1100, %sub3A_1103, %dma_wait3A_1219, %dma_wait3A_1220] : memref<8x130x130x192xf32, #tpu.memory_space<hbm>> -> memref<1x1x130x192xf32, #tpu.memory_space<hbm>>
    %dma_wait3A_1222 = tpu.memref_squeeze %dma_wait3A_1221 : memref<1x1x130x192xf32, #tpu.memory_space<hbm>> -> memref<130x192xf32, #tpu.memory_space<hbm>>
    tpu.wait_dma2 semaphore(%arg11 : memref<!tpu.dma_semaphore, #tpu.memory_space<semaphore_mem>>) src(%arg5 : memref<130x192xf32, #tpu.memory_space<vmem>>) dst(%dma_wait3A_1222 : memref<130x192xf32, #tpu.memory_space<hbm>>)
    %jit3A_1223 = arith.constant 128 : i32
    %div3A_1224 = arith.divsi %add3A_1214, %jit3A_1223 : i32
    %sign3A_1225 = arith.constant 0 : i32
    %sign3A_1226 = arith.cmpi sgt, %add3A_1214, %sign3A_1225 : i32
    %sign3A_1227 = arith.extui %sign3A_1226 : i1 to i32
    %sign3A_1228 = arith.constant 0 : i32
    %sign3A_1229 = arith.cmpi slt, %add3A_1214, %sign3A_1228 : i32
    %sign3A_1230 = arith.extui %sign3A_1229 : i1 to i32
    %sign3A_1231 = arith.subi %sign3A_1227, %sign3A_1230 : i32
    %sign3A_1232 = arith.constant 0 : i32
    %sign3A_1233 = arith.cmpi sgt, %jit3A_1223, %sign3A_1232 : i32
    %sign3A_1234 = arith.extui %sign3A_1233 : i1 to i32
    %sign3A_1235 = arith.constant 0 : i32
    %sign3A_1236 = arith.cmpi slt, %jit3A_1223, %sign3A_1235 : i32
    %sign3A_1237 = arith.extui %sign3A_1236 : i1 to i32
    %sign3A_1238 = arith.subi %sign3A_1234, %sign3A_1237 : i32
    %ne3A_1239 = arith.cmpi ne, %sign3A_1231, %sign3A_1238 : i32
    %rem3A_1240 = arith.remsi %add3A_1214, %jit3A_1223 : i32
    %ne3A_1241 = arith.constant 0 : i32
    %ne3A_1242 = arith.cmpi ne, %rem3A_1240, %ne3A_1241 : i32
    %and3A_1243 = arith.andi %ne3A_1239, %ne3A_1242 : i1
    %sub3A_1244 = arith.constant 1 : i32
    %sub3A_1245 = arith.subi %div3A_1224, %sub3A_1244 : i32
    %select_n3A_1246 = arith.select %and3A_1243, %sub3A_1245, %div3A_1224 : i32
    %mul3A_1247 = arith.constant 128 : i32
    %mul3A_1248 = arith.muli %select_n3A_1246, %mul3A_1247 : i32
    %sub3A_1249 = arith.subi %add3A_1214, %mul3A_1248 : i32
    %mul3A_1250 = arith.constant 128 : i32
    %mul3A_1251 = arith.muli %sub3A_1249, %mul3A_1250 : i32
    %dma_start3A_1252 = arith.constant 0 : i32
    %dma_start3A_1253 = arith.constant 0 : i32
    %dma_start3A_1254 = tpu.memref_slice %arg5[%dma_start3A_1252, %dma_start3A_1253] : memref<130x192xf32, #tpu.memory_space<vmem>> -> memref<128x192xf32, #tpu.memory_space<vmem>>
    %dma_start3A_1255 = arith.constant 0 : i32
    %dma_start3A_1256 = tpu.memref_slice %arg2[%select_n3A_1246, %mul3A_1251, %dma_start3A_1255] : memref<8x16384x192xf32, #tpu.memory_space<hbm>> -> memref<1x128x192xf32, #tpu.memory_space<hbm>>
    %dma_start3A_1257 = tpu.memref_squeeze %dma_start3A_1256 : memref<1x128x192xf32, #tpu.memory_space<hbm>> -> memref<128x192xf32, #tpu.memory_space<hbm>>
    %dma_start3A_1258 = arith.constant 0 : i32
    %dma_start3A_1259 = arith.constant 0 : i32
    %dma_start3A_1260 = tpu.memref_slice %arg5[%dma_start3A_1258, %dma_start3A_1259] : memref<130x192xf32, #tpu.memory_space<vmem>> -> memref<128x192xf32, #tpu.memory_space<vmem>>
    %dma_start3A_1261 = arith.constant 0 : i32
    %dma_start3A_1262 = tpu.memref_slice %arg2[%select_n3A_1246, %mul3A_1251, %dma_start3A_1261] : memref<8x16384x192xf32, #tpu.memory_space<hbm>> -> memref<1x128x192xf32, #tpu.memory_space<hbm>>
    %dma_start3A_1263 = tpu.memref_squeeze %dma_start3A_1262 : memref<1x128x192xf32, #tpu.memory_space<hbm>> -> memref<128x192xf32, #tpu.memory_space<hbm>>
    tpu.enqueue_dma source(%dma_start3A_1263 : memref<128x192xf32, #tpu.memory_space<hbm>>) target(%dma_start3A_1260 : memref<128x192xf32, #tpu.memory_space<vmem>>) target_semaphore(%arg9 : memref<!tpu.dma_semaphore, #tpu.memory_space<semaphore_mem>>)
    %dma_wait3A_1264 = arith.constant 0 : i32
    %dma_wait3A_1265 = arith.constant 0 : i32
    %dma_wait3A_1266 = tpu.memref_slice %arg5[%dma_wait3A_1264, %dma_wait3A_1265] : memref<130x192xf32, #tpu.memory_space<vmem>> -> memref<128x192xf32, #tpu.memory_space<vmem>>
    %dma_wait3A_1267 = arith.constant 0 : i32
    %dma_wait3A_1268 = tpu.memref_slice %arg2[%select_n3A_1246, %mul3A_1251, %dma_wait3A_1267] : memref<8x16384x192xf32, #tpu.memory_space<hbm>> -> memref<1x128x192xf32, #tpu.memory_space<hbm>>
    %dma_wait3A_1269 = tpu.memref_squeeze %dma_wait3A_1268 : memref<1x128x192xf32, #tpu.memory_space<hbm>> -> memref<128x192xf32, #tpu.memory_space<hbm>>
    %dma_wait3A_1270 = arith.constant 0 : i32
    %dma_wait3A_1271 = arith.constant 0 : i32
    %dma_wait3A_1272 = tpu.memref_slice %arg5[%dma_wait3A_1270, %dma_wait3A_1271] : memref<130x192xf32, #tpu.memory_space<vmem>> -> memref<128x192xf32, #tpu.memory_space<vmem>>
    %dma_wait3A_1273 = arith.constant 0 : i32
    %dma_wait3A_1274 = tpu.memref_slice %arg2[%select_n3A_1246, %mul3A_1251, %dma_wait3A_1273] : memref<8x16384x192xf32, #tpu.memory_space<hbm>> -> memref<1x128x192xf32, #tpu.memory_space<hbm>>
    %dma_wait3A_1275 = tpu.memref_squeeze %dma_wait3A_1274 : memref<1x128x192xf32, #tpu.memory_space<hbm>> -> memref<128x192xf32, #tpu.memory_space<hbm>>
    tpu.wait_dma2 semaphore(%arg9 : memref<!tpu.dma_semaphore, #tpu.memory_space<semaphore_mem>>) src(%dma_wait3A_1275 : memref<128x192xf32, #tpu.memory_space<hbm>>) dst(%dma_wait3A_1272 : memref<128x192xf32, #tpu.memory_space<vmem>>)
    %dma_start3A_1276 = arith.constant 0 : i32
    %dma_start3A_1277 = arith.constant 0 : i32
    %dma_start3A_1278 = tpu.memref_slice %arg4[%select_n3A_1246, %sub3A_1249, %dma_start3A_1276, %dma_start3A_1277] : memref<8x130x130x192xf32, #tpu.memory_space<hbm>> -> memref<1x1x130x192xf32, #tpu.memory_space<hbm>>
    %dma_start3A_1279 = tpu.memref_squeeze %dma_start3A_1278 : memref<1x1x130x192xf32, #tpu.memory_space<hbm>> -> memref<130x192xf32, #tpu.memory_space<hbm>>
    %dma_start3A_1280 = arith.constant 0 : i32
    %dma_start3A_1281 = arith.constant 0 : i32
    %dma_start3A_1282 = tpu.memref_slice %arg4[%select_n3A_1246, %sub3A_1249, %dma_start3A_1280, %dma_start3A_1281] : memref<8x130x130x192xf32, #tpu.memory_space<hbm>> -> memref<1x1x130x192xf32, #tpu.memory_space<hbm>>
    %dma_start3A_1283 = tpu.memref_squeeze %dma_start3A_1282 : memref<1x1x130x192xf32, #tpu.memory_space<hbm>> -> memref<130x192xf32, #tpu.memory_space<hbm>>
    tpu.enqueue_dma source(%arg5 : memref<130x192xf32, #tpu.memory_space<vmem>>) target(%dma_start3A_1283 : memref<130x192xf32, #tpu.memory_space<hbm>>) target_semaphore(%arg11 : memref<!tpu.dma_semaphore, #tpu.memory_space<semaphore_mem>>)
    %mul3A_1284 = arith.constant 32 : i32
    %mul3A_1285 = arith.muli %add3A, %mul3A_1284 : i32
    %add3A_1286 = arith.constant 13 : i32
    %add3A_1287 = arith.addi %mul3A_1285, %add3A_1286 : i32
    %dma_wait3A_1288 = arith.constant 0 : i32
    %dma_wait3A_1289 = arith.constant 0 : i32
    %dma_wait3A_1290 = tpu.memref_slice %arg4[%select_n3A_1173, %sub3A_1176, %dma_wait3A_1288, %dma_wait3A_1289] : memref<8x130x130x192xf32, #tpu.memory_space<hbm>> -> memref<1x1x130x192xf32, #tpu.memory_space<hbm>>
    %dma_wait3A_1291 = tpu.memref_squeeze %dma_wait3A_1290 : memref<1x1x130x192xf32, #tpu.memory_space<hbm>> -> memref<130x192xf32, #tpu.memory_space<hbm>>
    %dma_wait3A_1292 = arith.constant 0 : i32
    %dma_wait3A_1293 = arith.constant 0 : i32
    %dma_wait3A_1294 = tpu.memref_slice %arg4[%select_n3A_1173, %sub3A_1176, %dma_wait3A_1292, %dma_wait3A_1293] : memref<8x130x130x192xf32, #tpu.memory_space<hbm>> -> memref<1x1x130x192xf32, #tpu.memory_space<hbm>>
    %dma_wait3A_1295 = tpu.memref_squeeze %dma_wait3A_1294 : memref<1x1x130x192xf32, #tpu.memory_space<hbm>> -> memref<130x192xf32, #tpu.memory_space<hbm>>
    tpu.wait_dma2 semaphore(%arg12 : memref<!tpu.dma_semaphore, #tpu.memory_space<semaphore_mem>>) src(%arg6 : memref<130x192xf32, #tpu.memory_space<vmem>>) dst(%dma_wait3A_1295 : memref<130x192xf32, #tpu.memory_space<hbm>>)
    %jit3A_1296 = arith.constant 128 : i32
    %div3A_1297 = arith.divsi %add3A_1287, %jit3A_1296 : i32
    %sign3A_1298 = arith.constant 0 : i32
    %sign3A_1299 = arith.cmpi sgt, %add3A_1287, %sign3A_1298 : i32
    %sign3A_1300 = arith.extui %sign3A_1299 : i1 to i32
    %sign3A_1301 = arith.constant 0 : i32
    %sign3A_1302 = arith.cmpi slt, %add3A_1287, %sign3A_1301 : i32
    %sign3A_1303 = arith.extui %sign3A_1302 : i1 to i32
    %sign3A_1304 = arith.subi %sign3A_1300, %sign3A_1303 : i32
    %sign3A_1305 = arith.constant 0 : i32
    %sign3A_1306 = arith.cmpi sgt, %jit3A_1296, %sign3A_1305 : i32
    %sign3A_1307 = arith.extui %sign3A_1306 : i1 to i32
    %sign3A_1308 = arith.constant 0 : i32
    %sign3A_1309 = arith.cmpi slt, %jit3A_1296, %sign3A_1308 : i32
    %sign3A_1310 = arith.extui %sign3A_1309 : i1 to i32
    %sign3A_1311 = arith.subi %sign3A_1307, %sign3A_1310 : i32
    %ne3A_1312 = arith.cmpi ne, %sign3A_1304, %sign3A_1311 : i32
    %rem3A_1313 = arith.remsi %add3A_1287, %jit3A_1296 : i32
    %ne3A_1314 = arith.constant 0 : i32
    %ne3A_1315 = arith.cmpi ne, %rem3A_1313, %ne3A_1314 : i32
    %and3A_1316 = arith.andi %ne3A_1312, %ne3A_1315 : i1
    %sub3A_1317 = arith.constant 1 : i32
    %sub3A_1318 = arith.subi %div3A_1297, %sub3A_1317 : i32
    %select_n3A_1319 = arith.select %and3A_1316, %sub3A_1318, %div3A_1297 : i32
    %mul3A_1320 = arith.constant 128 : i32
    %mul3A_1321 = arith.muli %select_n3A_1319, %mul3A_1320 : i32
    %sub3A_1322 = arith.subi %add3A_1287, %mul3A_1321 : i32
    %mul3A_1323 = arith.constant 128 : i32
    %mul3A_1324 = arith.muli %sub3A_1322, %mul3A_1323 : i32
    %dma_start3A_1325 = arith.constant 0 : i32
    %dma_start3A_1326 = arith.constant 0 : i32
    %dma_start3A_1327 = tpu.memref_slice %arg6[%dma_start3A_1325, %dma_start3A_1326] : memref<130x192xf32, #tpu.memory_space<vmem>> -> memref<128x192xf32, #tpu.memory_space<vmem>>
    %dma_start3A_1328 = arith.constant 0 : i32
    %dma_start3A_1329 = tpu.memref_slice %arg2[%select_n3A_1319, %mul3A_1324, %dma_start3A_1328] : memref<8x16384x192xf32, #tpu.memory_space<hbm>> -> memref<1x128x192xf32, #tpu.memory_space<hbm>>
    %dma_start3A_1330 = tpu.memref_squeeze %dma_start3A_1329 : memref<1x128x192xf32, #tpu.memory_space<hbm>> -> memref<128x192xf32, #tpu.memory_space<hbm>>
    %dma_start3A_1331 = arith.constant 0 : i32
    %dma_start3A_1332 = arith.constant 0 : i32
    %dma_start3A_1333 = tpu.memref_slice %arg6[%dma_start3A_1331, %dma_start3A_1332] : memref<130x192xf32, #tpu.memory_space<vmem>> -> memref<128x192xf32, #tpu.memory_space<vmem>>
    %dma_start3A_1334 = arith.constant 0 : i32
    %dma_start3A_1335 = tpu.memref_slice %arg2[%select_n3A_1319, %mul3A_1324, %dma_start3A_1334] : memref<8x16384x192xf32, #tpu.memory_space<hbm>> -> memref<1x128x192xf32, #tpu.memory_space<hbm>>
    %dma_start3A_1336 = tpu.memref_squeeze %dma_start3A_1335 : memref<1x128x192xf32, #tpu.memory_space<hbm>> -> memref<128x192xf32, #tpu.memory_space<hbm>>
    tpu.enqueue_dma source(%dma_start3A_1336 : memref<128x192xf32, #tpu.memory_space<hbm>>) target(%dma_start3A_1333 : memref<128x192xf32, #tpu.memory_space<vmem>>) target_semaphore(%arg10 : memref<!tpu.dma_semaphore, #tpu.memory_space<semaphore_mem>>)
    %dma_wait3A_1337 = arith.constant 0 : i32
    %dma_wait3A_1338 = arith.constant 0 : i32
    %dma_wait3A_1339 = tpu.memref_slice %arg6[%dma_wait3A_1337, %dma_wait3A_1338] : memref<130x192xf32, #tpu.memory_space<vmem>> -> memref<128x192xf32, #tpu.memory_space<vmem>>
    %dma_wait3A_1340 = arith.constant 0 : i32
    %dma_wait3A_1341 = tpu.memref_slice %arg2[%select_n3A_1319, %mul3A_1324, %dma_wait3A_1340] : memref<8x16384x192xf32, #tpu.memory_space<hbm>> -> memref<1x128x192xf32, #tpu.memory_space<hbm>>
    %dma_wait3A_1342 = tpu.memref_squeeze %dma_wait3A_1341 : memref<1x128x192xf32, #tpu.memory_space<hbm>> -> memref<128x192xf32, #tpu.memory_space<hbm>>
    %dma_wait3A_1343 = arith.constant 0 : i32
    %dma_wait3A_1344 = arith.constant 0 : i32
    %dma_wait3A_1345 = tpu.memref_slice %arg6[%dma_wait3A_1343, %dma_wait3A_1344] : memref<130x192xf32, #tpu.memory_space<vmem>> -> memref<128x192xf32, #tpu.memory_space<vmem>>
    %dma_wait3A_1346 = arith.constant 0 : i32
    %dma_wait3A_1347 = tpu.memref_slice %arg2[%select_n3A_1319, %mul3A_1324, %dma_wait3A_1346] : memref<8x16384x192xf32, #tpu.memory_space<hbm>> -> memref<1x128x192xf32, #tpu.memory_space<hbm>>
    %dma_wait3A_1348 = tpu.memref_squeeze %dma_wait3A_1347 : memref<1x128x192xf32, #tpu.memory_space<hbm>> -> memref<128x192xf32, #tpu.memory_space<hbm>>
    tpu.wait_dma2 semaphore(%arg10 : memref<!tpu.dma_semaphore, #tpu.memory_space<semaphore_mem>>) src(%dma_wait3A_1348 : memref<128x192xf32, #tpu.memory_space<hbm>>) dst(%dma_wait3A_1345 : memref<128x192xf32, #tpu.memory_space<vmem>>)
    %dma_start3A_1349 = arith.constant 0 : i32
    %dma_start3A_1350 = arith.constant 0 : i32
    %dma_start3A_1351 = tpu.memref_slice %arg4[%select_n3A_1319, %sub3A_1322, %dma_start3A_1349, %dma_start3A_1350] : memref<8x130x130x192xf32, #tpu.memory_space<hbm>> -> memref<1x1x130x192xf32, #tpu.memory_space<hbm>>
    %dma_start3A_1352 = tpu.memref_squeeze %dma_start3A_1351 : memref<1x1x130x192xf32, #tpu.memory_space<hbm>> -> memref<130x192xf32, #tpu.memory_space<hbm>>
    %dma_start3A_1353 = arith.constant 0 : i32
    %dma_start3A_1354 = arith.constant 0 : i32
    %dma_start3A_1355 = tpu.memref_slice %arg4[%select_n3A_1319, %sub3A_1322, %dma_start3A_1353, %dma_start3A_1354] : memref<8x130x130x192xf32, #tpu.memory_space<hbm>> -> memref<1x1x130x192xf32, #tpu.memory_space<hbm>>
    %dma_start3A_1356 = tpu.memref_squeeze %dma_start3A_1355 : memref<1x1x130x192xf32, #tpu.memory_space<hbm>> -> memref<130x192xf32, #tpu.memory_space<hbm>>
    tpu.enqueue_dma source(%arg6 : memref<130x192xf32, #tpu.memory_space<vmem>>) target(%dma_start3A_1356 : memref<130x192xf32, #tpu.memory_space<hbm>>) target_semaphore(%arg12 : memref<!tpu.dma_semaphore, #tpu.memory_space<semaphore_mem>>)
    %mul3A_1357 = arith.constant 32 : i32
    %mul3A_1358 = arith.muli %add3A, %mul3A_1357 : i32
    %add3A_1359 = arith.constant 14 : i32
    %add3A_1360 = arith.addi %mul3A_1358, %add3A_1359 : i32
    %dma_wait3A_1361 = arith.constant 0 : i32
    %dma_wait3A_1362 = arith.constant 0 : i32
    %dma_wait3A_1363 = tpu.memref_slice %arg4[%select_n3A_1246, %sub3A_1249, %dma_wait3A_1361, %dma_wait3A_1362] : memref<8x130x130x192xf32, #tpu.memory_space<hbm>> -> memref<1x1x130x192xf32, #tpu.memory_space<hbm>>
    %dma_wait3A_1364 = tpu.memref_squeeze %dma_wait3A_1363 : memref<1x1x130x192xf32, #tpu.memory_space<hbm>> -> memref<130x192xf32, #tpu.memory_space<hbm>>
    %dma_wait3A_1365 = arith.constant 0 : i32
    %dma_wait3A_1366 = arith.constant 0 : i32
    %dma_wait3A_1367 = tpu.memref_slice %arg4[%select_n3A_1246, %sub3A_1249, %dma_wait3A_1365, %dma_wait3A_1366] : memref<8x130x130x192xf32, #tpu.memory_space<hbm>> -> memref<1x1x130x192xf32, #tpu.memory_space<hbm>>
    %dma_wait3A_1368 = tpu.memref_squeeze %dma_wait3A_1367 : memref<1x1x130x192xf32, #tpu.memory_space<hbm>> -> memref<130x192xf32, #tpu.memory_space<hbm>>
    tpu.wait_dma2 semaphore(%arg11 : memref<!tpu.dma_semaphore, #tpu.memory_space<semaphore_mem>>) src(%arg5 : memref<130x192xf32, #tpu.memory_space<vmem>>) dst(%dma_wait3A_1368 : memref<130x192xf32, #tpu.memory_space<hbm>>)
    %jit3A_1369 = arith.constant 128 : i32
    %div3A_1370 = arith.divsi %add3A_1360, %jit3A_1369 : i32
    %sign3A_1371 = arith.constant 0 : i32
    %sign3A_1372 = arith.cmpi sgt, %add3A_1360, %sign3A_1371 : i32
    %sign3A_1373 = arith.extui %sign3A_1372 : i1 to i32
    %sign3A_1374 = arith.constant 0 : i32
    %sign3A_1375 = arith.cmpi slt, %add3A_1360, %sign3A_1374 : i32
    %sign3A_1376 = arith.extui %sign3A_1375 : i1 to i32
    %sign3A_1377 = arith.subi %sign3A_1373, %sign3A_1376 : i32
    %sign3A_1378 = arith.constant 0 : i32
    %sign3A_1379 = arith.cmpi sgt, %jit3A_1369, %sign3A_1378 : i32
    %sign3A_1380 = arith.extui %sign3A_1379 : i1 to i32
    %sign3A_1381 = arith.constant 0 : i32
    %sign3A_1382 = arith.cmpi slt, %jit3A_1369, %sign3A_1381 : i32
    %sign3A_1383 = arith.extui %sign3A_1382 : i1 to i32
    %sign3A_1384 = arith.subi %sign3A_1380, %sign3A_1383 : i32
    %ne3A_1385 = arith.cmpi ne, %sign3A_1377, %sign3A_1384 : i32
    %rem3A_1386 = arith.remsi %add3A_1360, %jit3A_1369 : i32
    %ne3A_1387 = arith.constant 0 : i32
    %ne3A_1388 = arith.cmpi ne, %rem3A_1386, %ne3A_1387 : i32
    %and3A_1389 = arith.andi %ne3A_1385, %ne3A_1388 : i1
    %sub3A_1390 = arith.constant 1 : i32
    %sub3A_1391 = arith.subi %div3A_1370, %sub3A_1390 : i32
    %select_n3A_1392 = arith.select %and3A_1389, %sub3A_1391, %div3A_1370 : i32
    %mul3A_1393 = arith.constant 128 : i32
    %mul3A_1394 = arith.muli %select_n3A_1392, %mul3A_1393 : i32
    %sub3A_1395 = arith.subi %add3A_1360, %mul3A_1394 : i32
    %mul3A_1396 = arith.constant 128 : i32
    %mul3A_1397 = arith.muli %sub3A_1395, %mul3A_1396 : i32
    %dma_start3A_1398 = arith.constant 0 : i32
    %dma_start3A_1399 = arith.constant 0 : i32
    %dma_start3A_1400 = tpu.memref_slice %arg5[%dma_start3A_1398, %dma_start3A_1399] : memref<130x192xf32, #tpu.memory_space<vmem>> -> memref<128x192xf32, #tpu.memory_space<vmem>>
    %dma_start3A_1401 = arith.constant 0 : i32
    %dma_start3A_1402 = tpu.memref_slice %arg2[%select_n3A_1392, %mul3A_1397, %dma_start3A_1401] : memref<8x16384x192xf32, #tpu.memory_space<hbm>> -> memref<1x128x192xf32, #tpu.memory_space<hbm>>
    %dma_start3A_1403 = tpu.memref_squeeze %dma_start3A_1402 : memref<1x128x192xf32, #tpu.memory_space<hbm>> -> memref<128x192xf32, #tpu.memory_space<hbm>>
    %dma_start3A_1404 = arith.constant 0 : i32
    %dma_start3A_1405 = arith.constant 0 : i32
    %dma_start3A_1406 = tpu.memref_slice %arg5[%dma_start3A_1404, %dma_start3A_1405] : memref<130x192xf32, #tpu.memory_space<vmem>> -> memref<128x192xf32, #tpu.memory_space<vmem>>
    %dma_start3A_1407 = arith.constant 0 : i32
    %dma_start3A_1408 = tpu.memref_slice %arg2[%select_n3A_1392, %mul3A_1397, %dma_start3A_1407] : memref<8x16384x192xf32, #tpu.memory_space<hbm>> -> memref<1x128x192xf32, #tpu.memory_space<hbm>>
    %dma_start3A_1409 = tpu.memref_squeeze %dma_start3A_1408 : memref<1x128x192xf32, #tpu.memory_space<hbm>> -> memref<128x192xf32, #tpu.memory_space<hbm>>
    tpu.enqueue_dma source(%dma_start3A_1409 : memref<128x192xf32, #tpu.memory_space<hbm>>) target(%dma_start3A_1406 : memref<128x192xf32, #tpu.memory_space<vmem>>) target_semaphore(%arg9 : memref<!tpu.dma_semaphore, #tpu.memory_space<semaphore_mem>>)
    %dma_wait3A_1410 = arith.constant 0 : i32
    %dma_wait3A_1411 = arith.constant 0 : i32
    %dma_wait3A_1412 = tpu.memref_slice %arg5[%dma_wait3A_1410, %dma_wait3A_1411] : memref<130x192xf32, #tpu.memory_space<vmem>> -> memref<128x192xf32, #tpu.memory_space<vmem>>
    %dma_wait3A_1413 = arith.constant 0 : i32
    %dma_wait3A_1414 = tpu.memref_slice %arg2[%select_n3A_1392, %mul3A_1397, %dma_wait3A_1413] : memref<8x16384x192xf32, #tpu.memory_space<hbm>> -> memref<1x128x192xf32, #tpu.memory_space<hbm>>
    %dma_wait3A_1415 = tpu.memref_squeeze %dma_wait3A_1414 : memref<1x128x192xf32, #tpu.memory_space<hbm>> -> memref<128x192xf32, #tpu.memory_space<hbm>>
    %dma_wait3A_1416 = arith.constant 0 : i32
    %dma_wait3A_1417 = arith.constant 0 : i32
    %dma_wait3A_1418 = tpu.memref_slice %arg5[%dma_wait3A_1416, %dma_wait3A_1417] : memref<130x192xf32, #tpu.memory_space<vmem>> -> memref<128x192xf32, #tpu.memory_space<vmem>>
    %dma_wait3A_1419 = arith.constant 0 : i32
    %dma_wait3A_1420 = tpu.memref_slice %arg2[%select_n3A_1392, %mul3A_1397, %dma_wait3A_1419] : memref<8x16384x192xf32, #tpu.memory_space<hbm>> -> memref<1x128x192xf32, #tpu.memory_space<hbm>>
    %dma_wait3A_1421 = tpu.memref_squeeze %dma_wait3A_1420 : memref<1x128x192xf32, #tpu.memory_space<hbm>> -> memref<128x192xf32, #tpu.memory_space<hbm>>
    tpu.wait_dma2 semaphore(%arg9 : memref<!tpu.dma_semaphore, #tpu.memory_space<semaphore_mem>>) src(%dma_wait3A_1421 : memref<128x192xf32, #tpu.memory_space<hbm>>) dst(%dma_wait3A_1418 : memref<128x192xf32, #tpu.memory_space<vmem>>)
    %dma_start3A_1422 = arith.constant 0 : i32
    %dma_start3A_1423 = arith.constant 0 : i32
    %dma_start3A_1424 = tpu.memref_slice %arg4[%select_n3A_1392, %sub3A_1395, %dma_start3A_1422, %dma_start3A_1423] : memref<8x130x130x192xf32, #tpu.memory_space<hbm>> -> memref<1x1x130x192xf32, #tpu.memory_space<hbm>>
    %dma_start3A_1425 = tpu.memref_squeeze %dma_start3A_1424 : memref<1x1x130x192xf32, #tpu.memory_space<hbm>> -> memref<130x192xf32, #tpu.memory_space<hbm>>
    %dma_start3A_1426 = arith.constant 0 : i32
    %dma_start3A_1427 = arith.constant 0 : i32
    %dma_start3A_1428 = tpu.memref_slice %arg4[%select_n3A_1392, %sub3A_1395, %dma_start3A_1426, %dma_start3A_1427] : memref<8x130x130x192xf32, #tpu.memory_space<hbm>> -> memref<1x1x130x192xf32, #tpu.memory_space<hbm>>
    %dma_start3A_1429 = tpu.memref_squeeze %dma_start3A_1428 : memref<1x1x130x192xf32, #tpu.memory_space<hbm>> -> memref<130x192xf32, #tpu.memory_space<hbm>>
    tpu.enqueue_dma source(%arg5 : memref<130x192xf32, #tpu.memory_space<vmem>>) target(%dma_start3A_1429 : memref<130x192xf32, #tpu.memory_space<hbm>>) target_semaphore(%arg11 : memref<!tpu.dma_semaphore, #tpu.memory_space<semaphore_mem>>)
    %mul3A_1430 = arith.constant 32 : i32
    %mul3A_1431 = arith.muli %add3A, %mul3A_1430 : i32
    %add3A_1432 = arith.constant 15 : i32
    %add3A_1433 = arith.addi %mul3A_1431, %add3A_1432 : i32
    %dma_wait3A_1434 = arith.constant 0 : i32
    %dma_wait3A_1435 = arith.constant 0 : i32
    %dma_wait3A_1436 = tpu.memref_slice %arg4[%select_n3A_1319, %sub3A_1322, %dma_wait3A_1434, %dma_wait3A_1435] : memref<8x130x130x192xf32, #tpu.memory_space<hbm>> -> memref<1x1x130x192xf32, #tpu.memory_space<hbm>>
    %dma_wait3A_1437 = tpu.memref_squeeze %dma_wait3A_1436 : memref<1x1x130x192xf32, #tpu.memory_space<hbm>> -> memref<130x192xf32, #tpu.memory_space<hbm>>
    %dma_wait3A_1438 = arith.constant 0 : i32
    %dma_wait3A_1439 = arith.constant 0 : i32
    %dma_wait3A_1440 = tpu.memref_slice %arg4[%select_n3A_1319, %sub3A_1322, %dma_wait3A_1438, %dma_wait3A_1439] : memref<8x130x130x192xf32, #tpu.memory_space<hbm>> -> memref<1x1x130x192xf32, #tpu.memory_space<hbm>>
    %dma_wait3A_1441 = tpu.memref_squeeze %dma_wait3A_1440 : memref<1x1x130x192xf32, #tpu.memory_space<hbm>> -> memref<130x192xf32, #tpu.memory_space<hbm>>
    tpu.wait_dma2 semaphore(%arg12 : memref<!tpu.dma_semaphore, #tpu.memory_space<semaphore_mem>>) src(%arg6 : memref<130x192xf32, #tpu.memory_space<vmem>>) dst(%dma_wait3A_1441 : memref<130x192xf32, #tpu.memory_space<hbm>>)
    %jit3A_1442 = arith.constant 128 : i32
    %div3A_1443 = arith.divsi %add3A_1433, %jit3A_1442 : i32
    %sign3A_1444 = arith.constant 0 : i32
    %sign3A_1445 = arith.cmpi sgt, %add3A_1433, %sign3A_1444 : i32
    %sign3A_1446 = arith.extui %sign3A_1445 : i1 to i32
    %sign3A_1447 = arith.constant 0 : i32
    %sign3A_1448 = arith.cmpi slt, %add3A_1433, %sign3A_1447 : i32
    %sign3A_1449 = arith.extui %sign3A_1448 : i1 to i32
    %sign3A_1450 = arith.subi %sign3A_1446, %sign3A_1449 : i32
    %sign3A_1451 = arith.constant 0 : i32
    %sign3A_1452 = arith.cmpi sgt, %jit3A_1442, %sign3A_1451 : i32
    %sign3A_1453 = arith.extui %sign3A_1452 : i1 to i32
    %sign3A_1454 = arith.constant 0 : i32
    %sign3A_1455 = arith.cmpi slt, %jit3A_1442, %sign3A_1454 : i32
    %sign3A_1456 = arith.extui %sign3A_1455 : i1 to i32
    %sign3A_1457 = arith.subi %sign3A_1453, %sign3A_1456 : i32
    %ne3A_1458 = arith.cmpi ne, %sign3A_1450, %sign3A_1457 : i32
    %rem3A_1459 = arith.remsi %add3A_1433, %jit3A_1442 : i32
    %ne3A_1460 = arith.constant 0 : i32
    %ne3A_1461 = arith.cmpi ne, %rem3A_1459, %ne3A_1460 : i32
    %and3A_1462 = arith.andi %ne3A_1458, %ne3A_1461 : i1
    %sub3A_1463 = arith.constant 1 : i32
    %sub3A_1464 = arith.subi %div3A_1443, %sub3A_1463 : i32
    %select_n3A_1465 = arith.select %and3A_1462, %sub3A_1464, %div3A_1443 : i32
    %mul3A_1466 = arith.constant 128 : i32
    %mul3A_1467 = arith.muli %select_n3A_1465, %mul3A_1466 : i32
    %sub3A_1468 = arith.subi %add3A_1433, %mul3A_1467 : i32
    %mul3A_1469 = arith.constant 128 : i32
    %mul3A_1470 = arith.muli %sub3A_1468, %mul3A_1469 : i32
    %dma_start3A_1471 = arith.constant 0 : i32
    %dma_start3A_1472 = arith.constant 0 : i32
    %dma_start3A_1473 = tpu.memref_slice %arg6[%dma_start3A_1471, %dma_start3A_1472] : memref<130x192xf32, #tpu.memory_space<vmem>> -> memref<128x192xf32, #tpu.memory_space<vmem>>
    %dma_start3A_1474 = arith.constant 0 : i32
    %dma_start3A_1475 = tpu.memref_slice %arg2[%select_n3A_1465, %mul3A_1470, %dma_start3A_1474] : memref<8x16384x192xf32, #tpu.memory_space<hbm>> -> memref<1x128x192xf32, #tpu.memory_space<hbm>>
    %dma_start3A_1476 = tpu.memref_squeeze %dma_start3A_1475 : memref<1x128x192xf32, #tpu.memory_space<hbm>> -> memref<128x192xf32, #tpu.memory_space<hbm>>
    %dma_start3A_1477 = arith.constant 0 : i32
    %dma_start3A_1478 = arith.constant 0 : i32
    %dma_start3A_1479 = tpu.memref_slice %arg6[%dma_start3A_1477, %dma_start3A_1478] : memref<130x192xf32, #tpu.memory_space<vmem>> -> memref<128x192xf32, #tpu.memory_space<vmem>>
    %dma_start3A_1480 = arith.constant 0 : i32
    %dma_start3A_1481 = tpu.memref_slice %arg2[%select_n3A_1465, %mul3A_1470, %dma_start3A_1480] : memref<8x16384x192xf32, #tpu.memory_space<hbm>> -> memref<1x128x192xf32, #tpu.memory_space<hbm>>
    %dma_start3A_1482 = tpu.memref_squeeze %dma_start3A_1481 : memref<1x128x192xf32, #tpu.memory_space<hbm>> -> memref<128x192xf32, #tpu.memory_space<hbm>>
    tpu.enqueue_dma source(%dma_start3A_1482 : memref<128x192xf32, #tpu.memory_space<hbm>>) target(%dma_start3A_1479 : memref<128x192xf32, #tpu.memory_space<vmem>>) target_semaphore(%arg10 : memref<!tpu.dma_semaphore, #tpu.memory_space<semaphore_mem>>)
    %dma_wait3A_1483 = arith.constant 0 : i32
    %dma_wait3A_1484 = arith.constant 0 : i32
    %dma_wait3A_1485 = tpu.memref_slice %arg6[%dma_wait3A_1483, %dma_wait3A_1484] : memref<130x192xf32, #tpu.memory_space<vmem>> -> memref<128x192xf32, #tpu.memory_space<vmem>>
    %dma_wait3A_1486 = arith.constant 0 : i32
    %dma_wait3A_1487 = tpu.memref_slice %arg2[%select_n3A_1465, %mul3A_1470, %dma_wait3A_1486] : memref<8x16384x192xf32, #tpu.memory_space<hbm>> -> memref<1x128x192xf32, #tpu.memory_space<hbm>>
    %dma_wait3A_1488 = tpu.memref_squeeze %dma_wait3A_1487 : memref<1x128x192xf32, #tpu.memory_space<hbm>> -> memref<128x192xf32, #tpu.memory_space<hbm>>
    %dma_wait3A_1489 = arith.constant 0 : i32
    %dma_wait3A_1490 = arith.constant 0 : i32
    %dma_wait3A_1491 = tpu.memref_slice %arg6[%dma_wait3A_1489, %dma_wait3A_1490] : memref<130x192xf32, #tpu.memory_space<vmem>> -> memref<128x192xf32, #tpu.memory_space<vmem>>
    %dma_wait3A_1492 = arith.constant 0 : i32
    %dma_wait3A_1493 = tpu.memref_slice %arg2[%select_n3A_1465, %mul3A_1470, %dma_wait3A_1492] : memref<8x16384x192xf32, #tpu.memory_space<hbm>> -> memref<1x128x192xf32, #tpu.memory_space<hbm>>
    %dma_wait3A_1494 = tpu.memref_squeeze %dma_wait3A_1493 : memref<1x128x192xf32, #tpu.memory_space<hbm>> -> memref<128x192xf32, #tpu.memory_space<hbm>>
    tpu.wait_dma2 semaphore(%arg10 : memref<!tpu.dma_semaphore, #tpu.memory_space<semaphore_mem>>) src(%dma_wait3A_1494 : memref<128x192xf32, #tpu.memory_space<hbm>>) dst(%dma_wait3A_1491 : memref<128x192xf32, #tpu.memory_space<vmem>>)
    %dma_start3A_1495 = arith.constant 0 : i32
    %dma_start3A_1496 = arith.constant 0 : i32
    %dma_start3A_1497 = tpu.memref_slice %arg4[%select_n3A_1465, %sub3A_1468, %dma_start3A_1495, %dma_start3A_1496] : memref<8x130x130x192xf32, #tpu.memory_space<hbm>> -> memref<1x1x130x192xf32, #tpu.memory_space<hbm>>
    %dma_start3A_1498 = tpu.memref_squeeze %dma_start3A_1497 : memref<1x1x130x192xf32, #tpu.memory_space<hbm>> -> memref<130x192xf32, #tpu.memory_space<hbm>>
    %dma_start3A_1499 = arith.constant 0 : i32
    %dma_start3A_1500 = arith.constant 0 : i32
    %dma_start3A_1501 = tpu.memref_slice %arg4[%select_n3A_1465, %sub3A_1468, %dma_start3A_1499, %dma_start3A_1500] : memref<8x130x130x192xf32, #tpu.memory_space<hbm>> -> memref<1x1x130x192xf32, #tpu.memory_space<hbm>>
    %dma_start3A_1502 = tpu.memref_squeeze %dma_start3A_1501 : memref<1x1x130x192xf32, #tpu.memory_space<hbm>> -> memref<130x192xf32, #tpu.memory_space<hbm>>
    tpu.enqueue_dma source(%arg6 : memref<130x192xf32, #tpu.memory_space<vmem>>) target(%dma_start3A_1502 : memref<130x192xf32, #tpu.memory_space<hbm>>) target_semaphore(%arg12 : memref<!tpu.dma_semaphore, #tpu.memory_space<semaphore_mem>>)
    %mul3A_1503 = arith.constant 32 : i32
    %mul3A_1504 = arith.muli %add3A, %mul3A_1503 : i32
    %add3A_1505 = arith.constant 16 : i32
    %add3A_1506 = arith.addi %mul3A_1504, %add3A_1505 : i32
    %dma_wait3A_1507 = arith.constant 0 : i32
    %dma_wait3A_1508 = arith.constant 0 : i32
    %dma_wait3A_1509 = tpu.memref_slice %arg4[%select_n3A_1392, %sub3A_1395, %dma_wait3A_1507, %dma_wait3A_1508] : memref<8x130x130x192xf32, #tpu.memory_space<hbm>> -> memref<1x1x130x192xf32, #tpu.memory_space<hbm>>
    %dma_wait3A_1510 = tpu.memref_squeeze %dma_wait3A_1509 : memref<1x1x130x192xf32, #tpu.memory_space<hbm>> -> memref<130x192xf32, #tpu.memory_space<hbm>>
    %dma_wait3A_1511 = arith.constant 0 : i32
    %dma_wait3A_1512 = arith.constant 0 : i32
    %dma_wait3A_1513 = tpu.memref_slice %arg4[%select_n3A_1392, %sub3A_1395, %dma_wait3A_1511, %dma_wait3A_1512] : memref<8x130x130x192xf32, #tpu.memory_space<hbm>> -> memref<1x1x130x192xf32, #tpu.memory_space<hbm>>
    %dma_wait3A_1514 = tpu.memref_squeeze %dma_wait3A_1513 : memref<1x1x130x192xf32, #tpu.memory_space<hbm>> -> memref<130x192xf32, #tpu.memory_space<hbm>>
    tpu.wait_dma2 semaphore(%arg11 : memref<!tpu.dma_semaphore, #tpu.memory_space<semaphore_mem>>) src(%arg5 : memref<130x192xf32, #tpu.memory_space<vmem>>) dst(%dma_wait3A_1514 : memref<130x192xf32, #tpu.memory_space<hbm>>)
    %jit3A_1515 = arith.constant 128 : i32
    %div3A_1516 = arith.divsi %add3A_1506, %jit3A_1515 : i32
    %sign3A_1517 = arith.constant 0 : i32
    %sign3A_1518 = arith.cmpi sgt, %add3A_1506, %sign3A_1517 : i32
    %sign3A_1519 = arith.extui %sign3A_1518 : i1 to i32
    %sign3A_1520 = arith.constant 0 : i32
    %sign3A_1521 = arith.cmpi slt, %add3A_1506, %sign3A_1520 : i32
    %sign3A_1522 = arith.extui %sign3A_1521 : i1 to i32
    %sign3A_1523 = arith.subi %sign3A_1519, %sign3A_1522 : i32
    %sign3A_1524 = arith.constant 0 : i32
    %sign3A_1525 = arith.cmpi sgt, %jit3A_1515, %sign3A_1524 : i32
    %sign3A_1526 = arith.extui %sign3A_1525 : i1 to i32
    %sign3A_1527 = arith.constant 0 : i32
    %sign3A_1528 = arith.cmpi slt, %jit3A_1515, %sign3A_1527 : i32
    %sign3A_1529 = arith.extui %sign3A_1528 : i1 to i32
    %sign3A_1530 = arith.subi %sign3A_1526, %sign3A_1529 : i32
    %ne3A_1531 = arith.cmpi ne, %sign3A_1523, %sign3A_1530 : i32
    %rem3A_1532 = arith.remsi %add3A_1506, %jit3A_1515 : i32
    %ne3A_1533 = arith.constant 0 : i32
    %ne3A_1534 = arith.cmpi ne, %rem3A_1532, %ne3A_1533 : i32
    %and3A_1535 = arith.andi %ne3A_1531, %ne3A_1534 : i1
    %sub3A_1536 = arith.constant 1 : i32
    %sub3A_1537 = arith.subi %div3A_1516, %sub3A_1536 : i32
    %select_n3A_1538 = arith.select %and3A_1535, %sub3A_1537, %div3A_1516 : i32
    %mul3A_1539 = arith.constant 128 : i32
    %mul3A_1540 = arith.muli %select_n3A_1538, %mul3A_1539 : i32
    %sub3A_1541 = arith.subi %add3A_1506, %mul3A_1540 : i32
    %mul3A_1542 = arith.constant 128 : i32
    %mul3A_1543 = arith.muli %sub3A_1541, %mul3A_1542 : i32
    %dma_start3A_1544 = arith.constant 0 : i32
    %dma_start3A_1545 = arith.constant 0 : i32
    %dma_start3A_1546 = tpu.memref_slice %arg5[%dma_start3A_1544, %dma_start3A_1545] : memref<130x192xf32, #tpu.memory_space<vmem>> -> memref<128x192xf32, #tpu.memory_space<vmem>>
    %dma_start3A_1547 = arith.constant 0 : i32
    %dma_start3A_1548 = tpu.memref_slice %arg2[%select_n3A_1538, %mul3A_1543, %dma_start3A_1547] : memref<8x16384x192xf32, #tpu.memory_space<hbm>> -> memref<1x128x192xf32, #tpu.memory_space<hbm>>
    %dma_start3A_1549 = tpu.memref_squeeze %dma_start3A_1548 : memref<1x128x192xf32, #tpu.memory_space<hbm>> -> memref<128x192xf32, #tpu.memory_space<hbm>>
    %dma_start3A_1550 = arith.constant 0 : i32
    %dma_start3A_1551 = arith.constant 0 : i32
    %dma_start3A_1552 = tpu.memref_slice %arg5[%dma_start3A_1550, %dma_start3A_1551] : memref<130x192xf32, #tpu.memory_space<vmem>> -> memref<128x192xf32, #tpu.memory_space<vmem>>
    %dma_start3A_1553 = arith.constant 0 : i32
    %dma_start3A_1554 = tpu.memref_slice %arg2[%select_n3A_1538, %mul3A_1543, %dma_start3A_1553] : memref<8x16384x192xf32, #tpu.memory_space<hbm>> -> memref<1x128x192xf32, #tpu.memory_space<hbm>>
    %dma_start3A_1555 = tpu.memref_squeeze %dma_start3A_1554 : memref<1x128x192xf32, #tpu.memory_space<hbm>> -> memref<128x192xf32, #tpu.memory_space<hbm>>
    tpu.enqueue_dma source(%dma_start3A_1555 : memref<128x192xf32, #tpu.memory_space<hbm>>) target(%dma_start3A_1552 : memref<128x192xf32, #tpu.memory_space<vmem>>) target_semaphore(%arg9 : memref<!tpu.dma_semaphore, #tpu.memory_space<semaphore_mem>>)
    %dma_wait3A_1556 = arith.constant 0 : i32
    %dma_wait3A_1557 = arith.constant 0 : i32
    %dma_wait3A_1558 = tpu.memref_slice %arg5[%dma_wait3A_1556, %dma_wait3A_1557] : memref<130x192xf32, #tpu.memory_space<vmem>> -> memref<128x192xf32, #tpu.memory_space<vmem>>
    %dma_wait3A_1559 = arith.constant 0 : i32
    %dma_wait3A_1560 = tpu.memref_slice %arg2[%select_n3A_1538, %mul3A_1543, %dma_wait3A_1559] : memref<8x16384x192xf32, #tpu.memory_space<hbm>> -> memref<1x128x192xf32, #tpu.memory_space<hbm>>
    %dma_wait3A_1561 = tpu.memref_squeeze %dma_wait3A_1560 : memref<1x128x192xf32, #tpu.memory_space<hbm>> -> memref<128x192xf32, #tpu.memory_space<hbm>>
    %dma_wait3A_1562 = arith.constant 0 : i32
    %dma_wait3A_1563 = arith.constant 0 : i32
    %dma_wait3A_1564 = tpu.memref_slice %arg5[%dma_wait3A_1562, %dma_wait3A_1563] : memref<130x192xf32, #tpu.memory_space<vmem>> -> memref<128x192xf32, #tpu.memory_space<vmem>>
    %dma_wait3A_1565 = arith.constant 0 : i32
    %dma_wait3A_1566 = tpu.memref_slice %arg2[%select_n3A_1538, %mul3A_1543, %dma_wait3A_1565] : memref<8x16384x192xf32, #tpu.memory_space<hbm>> -> memref<1x128x192xf32, #tpu.memory_space<hbm>>
    %dma_wait3A_1567 = tpu.memref_squeeze %dma_wait3A_1566 : memref<1x128x192xf32, #tpu.memory_space<hbm>> -> memref<128x192xf32, #tpu.memory_space<hbm>>
    tpu.wait_dma2 semaphore(%arg9 : memref<!tpu.dma_semaphore, #tpu.memory_space<semaphore_mem>>) src(%dma_wait3A_1567 : memref<128x192xf32, #tpu.memory_space<hbm>>) dst(%dma_wait3A_1564 : memref<128x192xf32, #tpu.memory_space<vmem>>)
    %dma_start3A_1568 = arith.constant 0 : i32
    %dma_start3A_1569 = arith.constant 0 : i32
    %dma_start3A_1570 = tpu.memref_slice %arg4[%select_n3A_1538, %sub3A_1541, %dma_start3A_1568, %dma_start3A_1569] : memref<8x130x130x192xf32, #tpu.memory_space<hbm>> -> memref<1x1x130x192xf32, #tpu.memory_space<hbm>>
    %dma_start3A_1571 = tpu.memref_squeeze %dma_start3A_1570 : memref<1x1x130x192xf32, #tpu.memory_space<hbm>> -> memref<130x192xf32, #tpu.memory_space<hbm>>
    %dma_start3A_1572 = arith.constant 0 : i32
    %dma_start3A_1573 = arith.constant 0 : i32
    %dma_start3A_1574 = tpu.memref_slice %arg4[%select_n3A_1538, %sub3A_1541, %dma_start3A_1572, %dma_start3A_1573] : memref<8x130x130x192xf32, #tpu.memory_space<hbm>> -> memref<1x1x130x192xf32, #tpu.memory_space<hbm>>
    %dma_start3A_1575 = tpu.memref_squeeze %dma_start3A_1574 : memref<1x1x130x192xf32, #tpu.memory_space<hbm>> -> memref<130x192xf32, #tpu.memory_space<hbm>>
    tpu.enqueue_dma source(%arg5 : memref<130x192xf32, #tpu.memory_space<vmem>>) target(%dma_start3A_1575 : memref<130x192xf32, #tpu.memory_space<hbm>>) target_semaphore(%arg11 : memref<!tpu.dma_semaphore, #tpu.memory_space<semaphore_mem>>)
    %mul3A_1576 = arith.constant 32 : i32
    %mul3A_1577 = arith.muli %add3A, %mul3A_1576 : i32
    %add3A_1578 = arith.constant 17 : i32
    %add3A_1579 = arith.addi %mul3A_1577, %add3A_1578 : i32
    %dma_wait3A_1580 = arith.constant 0 : i32
    %dma_wait3A_1581 = arith.constant 0 : i32
    %dma_wait3A_1582 = tpu.memref_slice %arg4[%select_n3A_1465, %sub3A_1468, %dma_wait3A_1580, %dma_wait3A_1581] : memref<8x130x130x192xf32, #tpu.memory_space<hbm>> -> memref<1x1x130x192xf32, #tpu.memory_space<hbm>>
    %dma_wait3A_1583 = tpu.memref_squeeze %dma_wait3A_1582 : memref<1x1x130x192xf32, #tpu.memory_space<hbm>> -> memref<130x192xf32, #tpu.memory_space<hbm>>
    %dma_wait3A_1584 = arith.constant 0 : i32
    %dma_wait3A_1585 = arith.constant 0 : i32
    %dma_wait3A_1586 = tpu.memref_slice %arg4[%select_n3A_1465, %sub3A_1468, %dma_wait3A_1584, %dma_wait3A_1585] : memref<8x130x130x192xf32, #tpu.memory_space<hbm>> -> memref<1x1x130x192xf32, #tpu.memory_space<hbm>>
    %dma_wait3A_1587 = tpu.memref_squeeze %dma_wait3A_1586 : memref<1x1x130x192xf32, #tpu.memory_space<hbm>> -> memref<130x192xf32, #tpu.memory_space<hbm>>
    tpu.wait_dma2 semaphore(%arg12 : memref<!tpu.dma_semaphore, #tpu.memory_space<semaphore_mem>>) src(%arg6 : memref<130x192xf32, #tpu.memory_space<vmem>>) dst(%dma_wait3A_1587 : memref<130x192xf32, #tpu.memory_space<hbm>>)
    %jit3A_1588 = arith.constant 128 : i32
    %div3A_1589 = arith.divsi %add3A_1579, %jit3A_1588 : i32
    %sign3A_1590 = arith.constant 0 : i32
    %sign3A_1591 = arith.cmpi sgt, %add3A_1579, %sign3A_1590 : i32
    %sign3A_1592 = arith.extui %sign3A_1591 : i1 to i32
    %sign3A_1593 = arith.constant 0 : i32
    %sign3A_1594 = arith.cmpi slt, %add3A_1579, %sign3A_1593 : i32
    %sign3A_1595 = arith.extui %sign3A_1594 : i1 to i32
    %sign3A_1596 = arith.subi %sign3A_1592, %sign3A_1595 : i32
    %sign3A_1597 = arith.constant 0 : i32
    %sign3A_1598 = arith.cmpi sgt, %jit3A_1588, %sign3A_1597 : i32
    %sign3A_1599 = arith.extui %sign3A_1598 : i1 to i32
    %sign3A_1600 = arith.constant 0 : i32
    %sign3A_1601 = arith.cmpi slt, %jit3A_1588, %sign3A_1600 : i32
    %sign3A_1602 = arith.extui %sign3A_1601 : i1 to i32
    %sign3A_1603 = arith.subi %sign3A_1599, %sign3A_1602 : i32
    %ne3A_1604 = arith.cmpi ne, %sign3A_1596, %sign3A_1603 : i32
    %rem3A_1605 = arith.remsi %add3A_1579, %jit3A_1588 : i32
    %ne3A_1606 = arith.constant 0 : i32
    %ne3A_1607 = arith.cmpi ne, %rem3A_1605, %ne3A_1606 : i32
    %and3A_1608 = arith.andi %ne3A_1604, %ne3A_1607 : i1
    %sub3A_1609 = arith.constant 1 : i32
    %sub3A_1610 = arith.subi %div3A_1589, %sub3A_1609 : i32
    %select_n3A_1611 = arith.select %and3A_1608, %sub3A_1610, %div3A_1589 : i32
    %mul3A_1612 = arith.constant 128 : i32
    %mul3A_1613 = arith.muli %select_n3A_1611, %mul3A_1612 : i32
    %sub3A_1614 = arith.subi %add3A_1579, %mul3A_1613 : i32
    %mul3A_1615 = arith.constant 128 : i32
    %mul3A_1616 = arith.muli %sub3A_1614, %mul3A_1615 : i32
    %dma_start3A_1617 = arith.constant 0 : i32
    %dma_start3A_1618 = arith.constant 0 : i32
    %dma_start3A_1619 = tpu.memref_slice %arg6[%dma_start3A_1617, %dma_start3A_1618] : memref<130x192xf32, #tpu.memory_space<vmem>> -> memref<128x192xf32, #tpu.memory_space<vmem>>
    %dma_start3A_1620 = arith.constant 0 : i32
    %dma_start3A_1621 = tpu.memref_slice %arg2[%select_n3A_1611, %mul3A_1616, %dma_start3A_1620] : memref<8x16384x192xf32, #tpu.memory_space<hbm>> -> memref<1x128x192xf32, #tpu.memory_space<hbm>>
    %dma_start3A_1622 = tpu.memref_squeeze %dma_start3A_1621 : memref<1x128x192xf32, #tpu.memory_space<hbm>> -> memref<128x192xf32, #tpu.memory_space<hbm>>
    %dma_start3A_1623 = arith.constant 0 : i32
    %dma_start3A_1624 = arith.constant 0 : i32
    %dma_start3A_1625 = tpu.memref_slice %arg6[%dma_start3A_1623, %dma_start3A_1624] : memref<130x192xf32, #tpu.memory_space<vmem>> -> memref<128x192xf32, #tpu.memory_space<vmem>>
    %dma_start3A_1626 = arith.constant 0 : i32
    %dma_start3A_1627 = tpu.memref_slice %arg2[%select_n3A_1611, %mul3A_1616, %dma_start3A_1626] : memref<8x16384x192xf32, #tpu.memory_space<hbm>> -> memref<1x128x192xf32, #tpu.memory_space<hbm>>
    %dma_start3A_1628 = tpu.memref_squeeze %dma_start3A_1627 : memref<1x128x192xf32, #tpu.memory_space<hbm>> -> memref<128x192xf32, #tpu.memory_space<hbm>>
    tpu.enqueue_dma source(%dma_start3A_1628 : memref<128x192xf32, #tpu.memory_space<hbm>>) target(%dma_start3A_1625 : memref<128x192xf32, #tpu.memory_space<vmem>>) target_semaphore(%arg10 : memref<!tpu.dma_semaphore, #tpu.memory_space<semaphore_mem>>)
    %dma_wait3A_1629 = arith.constant 0 : i32
    %dma_wait3A_1630 = arith.constant 0 : i32
    %dma_wait3A_1631 = tpu.memref_slice %arg6[%dma_wait3A_1629, %dma_wait3A_1630] : memref<130x192xf32, #tpu.memory_space<vmem>> -> memref<128x192xf32, #tpu.memory_space<vmem>>
    %dma_wait3A_1632 = arith.constant 0 : i32
    %dma_wait3A_1633 = tpu.memref_slice %arg2[%select_n3A_1611, %mul3A_1616, %dma_wait3A_1632] : memref<8x16384x192xf32, #tpu.memory_space<hbm>> -> memref<1x128x192xf32, #tpu.memory_space<hbm>>
    %dma_wait3A_1634 = tpu.memref_squeeze %dma_wait3A_1633 : memref<1x128x192xf32, #tpu.memory_space<hbm>> -> memref<128x192xf32, #tpu.memory_space<hbm>>
    %dma_wait3A_1635 = arith.constant 0 : i32
    %dma_wait3A_1636 = arith.constant 0 : i32
    %dma_wait3A_1637 = tpu.memref_slice %arg6[%dma_wait3A_1635, %dma_wait3A_1636] : memref<130x192xf32, #tpu.memory_space<vmem>> -> memref<128x192xf32, #tpu.memory_space<vmem>>
    %dma_wait3A_1638 = arith.constant 0 : i32
    %dma_wait3A_1639 = tpu.memref_slice %arg2[%select_n3A_1611, %mul3A_1616, %dma_wait3A_1638] : memref<8x16384x192xf32, #tpu.memory_space<hbm>> -> memref<1x128x192xf32, #tpu.memory_space<hbm>>
    %dma_wait3A_1640 = tpu.memref_squeeze %dma_wait3A_1639 : memref<1x128x192xf32, #tpu.memory_space<hbm>> -> memref<128x192xf32, #tpu.memory_space<hbm>>
    tpu.wait_dma2 semaphore(%arg10 : memref<!tpu.dma_semaphore, #tpu.memory_space<semaphore_mem>>) src(%dma_wait3A_1640 : memref<128x192xf32, #tpu.memory_space<hbm>>) dst(%dma_wait3A_1637 : memref<128x192xf32, #tpu.memory_space<vmem>>)
    %dma_start3A_1641 = arith.constant 0 : i32
    %dma_start3A_1642 = arith.constant 0 : i32
    %dma_start3A_1643 = tpu.memref_slice %arg4[%select_n3A_1611, %sub3A_1614, %dma_start3A_1641, %dma_start3A_1642] : memref<8x130x130x192xf32, #tpu.memory_space<hbm>> -> memref<1x1x130x192xf32, #tpu.memory_space<hbm>>
    %dma_start3A_1644 = tpu.memref_squeeze %dma_start3A_1643 : memref<1x1x130x192xf32, #tpu.memory_space<hbm>> -> memref<130x192xf32, #tpu.memory_space<hbm>>
    %dma_start3A_1645 = arith.constant 0 : i32
    %dma_start3A_1646 = arith.constant 0 : i32
    %dma_start3A_1647 = tpu.memref_slice %arg4[%select_n3A_1611, %sub3A_1614, %dma_start3A_1645, %dma_start3A_1646] : memref<8x130x130x192xf32, #tpu.memory_space<hbm>> -> memref<1x1x130x192xf32, #tpu.memory_space<hbm>>
    %dma_start3A_1648 = tpu.memref_squeeze %dma_start3A_1647 : memref<1x1x130x192xf32, #tpu.memory_space<hbm>> -> memref<130x192xf32, #tpu.memory_space<hbm>>
    tpu.enqueue_dma source(%arg6 : memref<130x192xf32, #tpu.memory_space<vmem>>) target(%dma_start3A_1648 : memref<130x192xf32, #tpu.memory_space<hbm>>) target_semaphore(%arg12 : memref<!tpu.dma_semaphore, #tpu.memory_space<semaphore_mem>>)
    %mul3A_1649 = arith.constant 32 : i32
    %mul3A_1650 = arith.muli %add3A, %mul3A_1649 : i32
    %add3A_1651 = arith.constant 18 : i32
    %add3A_1652 = arith.addi %mul3A_1650, %add3A_1651 : i32
    %dma_wait3A_1653 = arith.constant 0 : i32
    %dma_wait3A_1654 = arith.constant 0 : i32
    %dma_wait3A_1655 = tpu.memref_slice %arg4[%select_n3A_1538, %sub3A_1541, %dma_wait3A_1653, %dma_wait3A_1654] : memref<8x130x130x192xf32, #tpu.memory_space<hbm>> -> memref<1x1x130x192xf32, #tpu.memory_space<hbm>>
    %dma_wait3A_1656 = tpu.memref_squeeze %dma_wait3A_1655 : memref<1x1x130x192xf32, #tpu.memory_space<hbm>> -> memref<130x192xf32, #tpu.memory_space<hbm>>
    %dma_wait3A_1657 = arith.constant 0 : i32
    %dma_wait3A_1658 = arith.constant 0 : i32
    %dma_wait3A_1659 = tpu.memref_slice %arg4[%select_n3A_1538, %sub3A_1541, %dma_wait3A_1657, %dma_wait3A_1658] : memref<8x130x130x192xf32, #tpu.memory_space<hbm>> -> memref<1x1x130x192xf32, #tpu.memory_space<hbm>>
    %dma_wait3A_1660 = tpu.memref_squeeze %dma_wait3A_1659 : memref<1x1x130x192xf32, #tpu.memory_space<hbm>> -> memref<130x192xf32, #tpu.memory_space<hbm>>
    tpu.wait_dma2 semaphore(%arg11 : memref<!tpu.dma_semaphore, #tpu.memory_space<semaphore_mem>>) src(%arg5 : memref<130x192xf32, #tpu.memory_space<vmem>>) dst(%dma_wait3A_1660 : memref<130x192xf32, #tpu.memory_space<hbm>>)
    %jit3A_1661 = arith.constant 128 : i32
    %div3A_1662 = arith.divsi %add3A_1652, %jit3A_1661 : i32
    %sign3A_1663 = arith.constant 0 : i32
    %sign3A_1664 = arith.cmpi sgt, %add3A_1652, %sign3A_1663 : i32
    %sign3A_1665 = arith.extui %sign3A_1664 : i1 to i32
    %sign3A_1666 = arith.constant 0 : i32
    %sign3A_1667 = arith.cmpi slt, %add3A_1652, %sign3A_1666 : i32
    %sign3A_1668 = arith.extui %sign3A_1667 : i1 to i32
    %sign3A_1669 = arith.subi %sign3A_1665, %sign3A_1668 : i32
    %sign3A_1670 = arith.constant 0 : i32
    %sign3A_1671 = arith.cmpi sgt, %jit3A_1661, %sign3A_1670 : i32
    %sign3A_1672 = arith.extui %sign3A_1671 : i1 to i32
    %sign3A_1673 = arith.constant 0 : i32
    %sign3A_1674 = arith.cmpi slt, %jit3A_1661, %sign3A_1673 : i32
    %sign3A_1675 = arith.extui %sign3A_1674 : i1 to i32
    %sign3A_1676 = arith.subi %sign3A_1672, %sign3A_1675 : i32
    %ne3A_1677 = arith.cmpi ne, %sign3A_1669, %sign3A_1676 : i32
    %rem3A_1678 = arith.remsi %add3A_1652, %jit3A_1661 : i32
    %ne3A_1679 = arith.constant 0 : i32
    %ne3A_1680 = arith.cmpi ne, %rem3A_1678, %ne3A_1679 : i32
    %and3A_1681 = arith.andi %ne3A_1677, %ne3A_1680 : i1
    %sub3A_1682 = arith.constant 1 : i32
    %sub3A_1683 = arith.subi %div3A_1662, %sub3A_1682 : i32
    %select_n3A_1684 = arith.select %and3A_1681, %sub3A_1683, %div3A_1662 : i32
    %mul3A_1685 = arith.constant 128 : i32
    %mul3A_1686 = arith.muli %select_n3A_1684, %mul3A_1685 : i32
    %sub3A_1687 = arith.subi %add3A_1652, %mul3A_1686 : i32
    %mul3A_1688 = arith.constant 128 : i32
    %mul3A_1689 = arith.muli %sub3A_1687, %mul3A_1688 : i32
    %dma_start3A_1690 = arith.constant 0 : i32
    %dma_start3A_1691 = arith.constant 0 : i32
    %dma_start3A_1692 = tpu.memref_slice %arg5[%dma_start3A_1690, %dma_start3A_1691] : memref<130x192xf32, #tpu.memory_space<vmem>> -> memref<128x192xf32, #tpu.memory_space<vmem>>
    %dma_start3A_1693 = arith.constant 0 : i32
    %dma_start3A_1694 = tpu.memref_slice %arg2[%select_n3A_1684, %mul3A_1689, %dma_start3A_1693] : memref<8x16384x192xf32, #tpu.memory_space<hbm>> -> memref<1x128x192xf32, #tpu.memory_space<hbm>>
    %dma_start3A_1695 = tpu.memref_squeeze %dma_start3A_1694 : memref<1x128x192xf32, #tpu.memory_space<hbm>> -> memref<128x192xf32, #tpu.memory_space<hbm>>
    %dma_start3A_1696 = arith.constant 0 : i32
    %dma_start3A_1697 = arith.constant 0 : i32
    %dma_start3A_1698 = tpu.memref_slice %arg5[%dma_start3A_1696, %dma_start3A_1697] : memref<130x192xf32, #tpu.memory_space<vmem>> -> memref<128x192xf32, #tpu.memory_space<vmem>>
    %dma_start3A_1699 = arith.constant 0 : i32
    %dma_start3A_1700 = tpu.memref_slice %arg2[%select_n3A_1684, %mul3A_1689, %dma_start3A_1699] : memref<8x16384x192xf32, #tpu.memory_space<hbm>> -> memref<1x128x192xf32, #tpu.memory_space<hbm>>
    %dma_start3A_1701 = tpu.memref_squeeze %dma_start3A_1700 : memref<1x128x192xf32, #tpu.memory_space<hbm>> -> memref<128x192xf32, #tpu.memory_space<hbm>>
    tpu.enqueue_dma source(%dma_start3A_1701 : memref<128x192xf32, #tpu.memory_space<hbm>>) target(%dma_start3A_1698 : memref<128x192xf32, #tpu.memory_space<vmem>>) target_semaphore(%arg9 : memref<!tpu.dma_semaphore, #tpu.memory_space<semaphore_mem>>)
    %dma_wait3A_1702 = arith.constant 0 : i32
    %dma_wait3A_1703 = arith.constant 0 : i32
    %dma_wait3A_1704 = tpu.memref_slice %arg5[%dma_wait3A_1702, %dma_wait3A_1703] : memref<130x192xf32, #tpu.memory_space<vmem>> -> memref<128x192xf32, #tpu.memory_space<vmem>>
    %dma_wait3A_1705 = arith.constant 0 : i32
    %dma_wait3A_1706 = tpu.memref_slice %arg2[%select_n3A_1684, %mul3A_1689, %dma_wait3A_1705] : memref<8x16384x192xf32, #tpu.memory_space<hbm>> -> memref<1x128x192xf32, #tpu.memory_space<hbm>>
    %dma_wait3A_1707 = tpu.memref_squeeze %dma_wait3A_1706 : memref<1x128x192xf32, #tpu.memory_space<hbm>> -> memref<128x192xf32, #tpu.memory_space<hbm>>
    %dma_wait3A_1708 = arith.constant 0 : i32
    %dma_wait3A_1709 = arith.constant 0 : i32
    %dma_wait3A_1710 = tpu.memref_slice %arg5[%dma_wait3A_1708, %dma_wait3A_1709] : memref<130x192xf32, #tpu.memory_space<vmem>> -> memref<128x192xf32, #tpu.memory_space<vmem>>
    %dma_wait3A_1711 = arith.constant 0 : i32
    %dma_wait3A_1712 = tpu.memref_slice %arg2[%select_n3A_1684, %mul3A_1689, %dma_wait3A_1711] : memref<8x16384x192xf32, #tpu.memory_space<hbm>> -> memref<1x128x192xf32, #tpu.memory_space<hbm>>
    %dma_wait3A_1713 = tpu.memref_squeeze %dma_wait3A_1712 : memref<1x128x192xf32, #tpu.memory_space<hbm>> -> memref<128x192xf32, #tpu.memory_space<hbm>>
    tpu.wait_dma2 semaphore(%arg9 : memref<!tpu.dma_semaphore, #tpu.memory_space<semaphore_mem>>) src(%dma_wait3A_1713 : memref<128x192xf32, #tpu.memory_space<hbm>>) dst(%dma_wait3A_1710 : memref<128x192xf32, #tpu.memory_space<vmem>>)
    %dma_start3A_1714 = arith.constant 0 : i32
    %dma_start3A_1715 = arith.constant 0 : i32
    %dma_start3A_1716 = tpu.memref_slice %arg4[%select_n3A_1684, %sub3A_1687, %dma_start3A_1714, %dma_start3A_1715] : memref<8x130x130x192xf32, #tpu.memory_space<hbm>> -> memref<1x1x130x192xf32, #tpu.memory_space<hbm>>
    %dma_start3A_1717 = tpu.memref_squeeze %dma_start3A_1716 : memref<1x1x130x192xf32, #tpu.memory_space<hbm>> -> memref<130x192xf32, #tpu.memory_space<hbm>>
    %dma_start3A_1718 = arith.constant 0 : i32
    %dma_start3A_1719 = arith.constant 0 : i32
    %dma_start3A_1720 = tpu.memref_slice %arg4[%select_n3A_1684, %sub3A_1687, %dma_start3A_1718, %dma_start3A_1719] : memref<8x130x130x192xf32, #tpu.memory_space<hbm>> -> memref<1x1x130x192xf32, #tpu.memory_space<hbm>>
    %dma_start3A_1721 = tpu.memref_squeeze %dma_start3A_1720 : memref<1x1x130x192xf32, #tpu.memory_space<hbm>> -> memref<130x192xf32, #tpu.memory_space<hbm>>
    tpu.enqueue_dma source(%arg5 : memref<130x192xf32, #tpu.memory_space<vmem>>) target(%dma_start3A_1721 : memref<130x192xf32, #tpu.memory_space<hbm>>) target_semaphore(%arg11 : memref<!tpu.dma_semaphore, #tpu.memory_space<semaphore_mem>>)
    %mul3A_1722 = arith.constant 32 : i32
    %mul3A_1723 = arith.muli %add3A, %mul3A_1722 : i32
    %add3A_1724 = arith.constant 19 : i32
    %add3A_1725 = arith.addi %mul3A_1723, %add3A_1724 : i32
    %dma_wait3A_1726 = arith.constant 0 : i32
    %dma_wait3A_1727 = arith.constant 0 : i32
    %dma_wait3A_1728 = tpu.memref_slice %arg4[%select_n3A_1611, %sub3A_1614, %dma_wait3A_1726, %dma_wait3A_1727] : memref<8x130x130x192xf32, #tpu.memory_space<hbm>> -> memref<1x1x130x192xf32, #tpu.memory_space<hbm>>
    %dma_wait3A_1729 = tpu.memref_squeeze %dma_wait3A_1728 : memref<1x1x130x192xf32, #tpu.memory_space<hbm>> -> memref<130x192xf32, #tpu.memory_space<hbm>>
    %dma_wait3A_1730 = arith.constant 0 : i32
    %dma_wait3A_1731 = arith.constant 0 : i32
    %dma_wait3A_1732 = tpu.memref_slice %arg4[%select_n3A_1611, %sub3A_1614, %dma_wait3A_1730, %dma_wait3A_1731] : memref<8x130x130x192xf32, #tpu.memory_space<hbm>> -> memref<1x1x130x192xf32, #tpu.memory_space<hbm>>
    %dma_wait3A_1733 = tpu.memref_squeeze %dma_wait3A_1732 : memref<1x1x130x192xf32, #tpu.memory_space<hbm>> -> memref<130x192xf32, #tpu.memory_space<hbm>>
    tpu.wait_dma2 semaphore(%arg12 : memref<!tpu.dma_semaphore, #tpu.memory_space<semaphore_mem>>) src(%arg6 : memref<130x192xf32, #tpu.memory_space<vmem>>) dst(%dma_wait3A_1733 : memref<130x192xf32, #tpu.memory_space<hbm>>)
    %jit3A_1734 = arith.constant 128 : i32
    %div3A_1735 = arith.divsi %add3A_1725, %jit3A_1734 : i32
    %sign3A_1736 = arith.constant 0 : i32
    %sign3A_1737 = arith.cmpi sgt, %add3A_1725, %sign3A_1736 : i32
    %sign3A_1738 = arith.extui %sign3A_1737 : i1 to i32
    %sign3A_1739 = arith.constant 0 : i32
    %sign3A_1740 = arith.cmpi slt, %add3A_1725, %sign3A_1739 : i32
    %sign3A_1741 = arith.extui %sign3A_1740 : i1 to i32
    %sign3A_1742 = arith.subi %sign3A_1738, %sign3A_1741 : i32
    %sign3A_1743 = arith.constant 0 : i32
    %sign3A_1744 = arith.cmpi sgt, %jit3A_1734, %sign3A_1743 : i32
    %sign3A_1745 = arith.extui %sign3A_1744 : i1 to i32
    %sign3A_1746 = arith.constant 0 : i32
    %sign3A_1747 = arith.cmpi slt, %jit3A_1734, %sign3A_1746 : i32
    %sign3A_1748 = arith.extui %sign3A_1747 : i1 to i32
    %sign3A_1749 = arith.subi %sign3A_1745, %sign3A_1748 : i32
    %ne3A_1750 = arith.cmpi ne, %sign3A_1742, %sign3A_1749 : i32
    %rem3A_1751 = arith.remsi %add3A_1725, %jit3A_1734 : i32
    %ne3A_1752 = arith.constant 0 : i32
    %ne3A_1753 = arith.cmpi ne, %rem3A_1751, %ne3A_1752 : i32
    %and3A_1754 = arith.andi %ne3A_1750, %ne3A_1753 : i1
    %sub3A_1755 = arith.constant 1 : i32
    %sub3A_1756 = arith.subi %div3A_1735, %sub3A_1755 : i32
    %select_n3A_1757 = arith.select %and3A_1754, %sub3A_1756, %div3A_1735 : i32
    %mul3A_1758 = arith.constant 128 : i32
    %mul3A_1759 = arith.muli %select_n3A_1757, %mul3A_1758 : i32
    %sub3A_1760 = arith.subi %add3A_1725, %mul3A_1759 : i32
    %mul3A_1761 = arith.constant 128 : i32
    %mul3A_1762 = arith.muli %sub3A_1760, %mul3A_1761 : i32
    %dma_start3A_1763 = arith.constant 0 : i32
    %dma_start3A_1764 = arith.constant 0 : i32
    %dma_start3A_1765 = tpu.memref_slice %arg6[%dma_start3A_1763, %dma_start3A_1764] : memref<130x192xf32, #tpu.memory_space<vmem>> -> memref<128x192xf32, #tpu.memory_space<vmem>>
    %dma_start3A_1766 = arith.constant 0 : i32
    %dma_start3A_1767 = tpu.memref_slice %arg2[%select_n3A_1757, %mul3A_1762, %dma_start3A_1766] : memref<8x16384x192xf32, #tpu.memory_space<hbm>> -> memref<1x128x192xf32, #tpu.memory_space<hbm>>
    %dma_start3A_1768 = tpu.memref_squeeze %dma_start3A_1767 : memref<1x128x192xf32, #tpu.memory_space<hbm>> -> memref<128x192xf32, #tpu.memory_space<hbm>>
    %dma_start3A_1769 = arith.constant 0 : i32
    %dma_start3A_1770 = arith.constant 0 : i32
    %dma_start3A_1771 = tpu.memref_slice %arg6[%dma_start3A_1769, %dma_start3A_1770] : memref<130x192xf32, #tpu.memory_space<vmem>> -> memref<128x192xf32, #tpu.memory_space<vmem>>
    %dma_start3A_1772 = arith.constant 0 : i32
    %dma_start3A_1773 = tpu.memref_slice %arg2[%select_n3A_1757, %mul3A_1762, %dma_start3A_1772] : memref<8x16384x192xf32, #tpu.memory_space<hbm>> -> memref<1x128x192xf32, #tpu.memory_space<hbm>>
    %dma_start3A_1774 = tpu.memref_squeeze %dma_start3A_1773 : memref<1x128x192xf32, #tpu.memory_space<hbm>> -> memref<128x192xf32, #tpu.memory_space<hbm>>
    tpu.enqueue_dma source(%dma_start3A_1774 : memref<128x192xf32, #tpu.memory_space<hbm>>) target(%dma_start3A_1771 : memref<128x192xf32, #tpu.memory_space<vmem>>) target_semaphore(%arg10 : memref<!tpu.dma_semaphore, #tpu.memory_space<semaphore_mem>>)
    %dma_wait3A_1775 = arith.constant 0 : i32
    %dma_wait3A_1776 = arith.constant 0 : i32
    %dma_wait3A_1777 = tpu.memref_slice %arg6[%dma_wait3A_1775, %dma_wait3A_1776] : memref<130x192xf32, #tpu.memory_space<vmem>> -> memref<128x192xf32, #tpu.memory_space<vmem>>
    %dma_wait3A_1778 = arith.constant 0 : i32
    %dma_wait3A_1779 = tpu.memref_slice %arg2[%select_n3A_1757, %mul3A_1762, %dma_wait3A_1778] : memref<8x16384x192xf32, #tpu.memory_space<hbm>> -> memref<1x128x192xf32, #tpu.memory_space<hbm>>
    %dma_wait3A_1780 = tpu.memref_squeeze %dma_wait3A_1779 : memref<1x128x192xf32, #tpu.memory_space<hbm>> -> memref<128x192xf32, #tpu.memory_space<hbm>>
    %dma_wait3A_1781 = arith.constant 0 : i32
    %dma_wait3A_1782 = arith.constant 0 : i32
    %dma_wait3A_1783 = tpu.memref_slice %arg6[%dma_wait3A_1781, %dma_wait3A_1782] : memref<130x192xf32, #tpu.memory_space<vmem>> -> memref<128x192xf32, #tpu.memory_space<vmem>>
    %dma_wait3A_1784 = arith.constant 0 : i32
    %dma_wait3A_1785 = tpu.memref_slice %arg2[%select_n3A_1757, %mul3A_1762, %dma_wait3A_1784] : memref<8x16384x192xf32, #tpu.memory_space<hbm>> -> memref<1x128x192xf32, #tpu.memory_space<hbm>>
    %dma_wait3A_1786 = tpu.memref_squeeze %dma_wait3A_1785 : memref<1x128x192xf32, #tpu.memory_space<hbm>> -> memref<128x192xf32, #tpu.memory_space<hbm>>
    tpu.wait_dma2 semaphore(%arg10 : memref<!tpu.dma_semaphore, #tpu.memory_space<semaphore_mem>>) src(%dma_wait3A_1786 : memref<128x192xf32, #tpu.memory_space<hbm>>) dst(%dma_wait3A_1783 : memref<128x192xf32, #tpu.memory_space<vmem>>)
    %dma_start3A_1787 = arith.constant 0 : i32
    %dma_start3A_1788 = arith.constant 0 : i32
    %dma_start3A_1789 = tpu.memref_slice %arg4[%select_n3A_1757, %sub3A_1760, %dma_start3A_1787, %dma_start3A_1788] : memref<8x130x130x192xf32, #tpu.memory_space<hbm>> -> memref<1x1x130x192xf32, #tpu.memory_space<hbm>>
    %dma_start3A_1790 = tpu.memref_squeeze %dma_start3A_1789 : memref<1x1x130x192xf32, #tpu.memory_space<hbm>> -> memref<130x192xf32, #tpu.memory_space<hbm>>
    %dma_start3A_1791 = arith.constant 0 : i32
    %dma_start3A_1792 = arith.constant 0 : i32
    %dma_start3A_1793 = tpu.memref_slice %arg4[%select_n3A_1757, %sub3A_1760, %dma_start3A_1791, %dma_start3A_1792] : memref<8x130x130x192xf32, #tpu.memory_space<hbm>> -> memref<1x1x130x192xf32, #tpu.memory_space<hbm>>
    %dma_start3A_1794 = tpu.memref_squeeze %dma_start3A_1793 : memref<1x1x130x192xf32, #tpu.memory_space<hbm>> -> memref<130x192xf32, #tpu.memory_space<hbm>>
    tpu.enqueue_dma source(%arg6 : memref<130x192xf32, #tpu.memory_space<vmem>>) target(%dma_start3A_1794 : memref<130x192xf32, #tpu.memory_space<hbm>>) target_semaphore(%arg12 : memref<!tpu.dma_semaphore, #tpu.memory_space<semaphore_mem>>)
    %mul3A_1795 = arith.constant 32 : i32
    %mul3A_1796 = arith.muli %add3A, %mul3A_1795 : i32
    %add3A_1797 = arith.constant 20 : i32
    %add3A_1798 = arith.addi %mul3A_1796, %add3A_1797 : i32
    %dma_wait3A_1799 = arith.constant 0 : i32
    %dma_wait3A_1800 = arith.constant 0 : i32
    %dma_wait3A_1801 = tpu.memref_slice %arg4[%select_n3A_1684, %sub3A_1687, %dma_wait3A_1799, %dma_wait3A_1800] : memref<8x130x130x192xf32, #tpu.memory_space<hbm>> -> memref<1x1x130x192xf32, #tpu.memory_space<hbm>>
    %dma_wait3A_1802 = tpu.memref_squeeze %dma_wait3A_1801 : memref<1x1x130x192xf32, #tpu.memory_space<hbm>> -> memref<130x192xf32, #tpu.memory_space<hbm>>
    %dma_wait3A_1803 = arith.constant 0 : i32
    %dma_wait3A_1804 = arith.constant 0 : i32
    %dma_wait3A_1805 = tpu.memref_slice %arg4[%select_n3A_1684, %sub3A_1687, %dma_wait3A_1803, %dma_wait3A_1804] : memref<8x130x130x192xf32, #tpu.memory_space<hbm>> -> memref<1x1x130x192xf32, #tpu.memory_space<hbm>>
    %dma_wait3A_1806 = tpu.memref_squeeze %dma_wait3A_1805 : memref<1x1x130x192xf32, #tpu.memory_space<hbm>> -> memref<130x192xf32, #tpu.memory_space<hbm>>
    tpu.wait_dma2 semaphore(%arg11 : memref<!tpu.dma_semaphore, #tpu.memory_space<semaphore_mem>>) src(%arg5 : memref<130x192xf32, #tpu.memory_space<vmem>>) dst(%dma_wait3A_1806 : memref<130x192xf32, #tpu.memory_space<hbm>>)
    %jit3A_1807 = arith.constant 128 : i32
    %div3A_1808 = arith.divsi %add3A_1798, %jit3A_1807 : i32
    %sign3A_1809 = arith.constant 0 : i32
    %sign3A_1810 = arith.cmpi sgt, %add3A_1798, %sign3A_1809 : i32
    %sign3A_1811 = arith.extui %sign3A_1810 : i1 to i32
    %sign3A_1812 = arith.constant 0 : i32
    %sign3A_1813 = arith.cmpi slt, %add3A_1798, %sign3A_1812 : i32
    %sign3A_1814 = arith.extui %sign3A_1813 : i1 to i32
    %sign3A_1815 = arith.subi %sign3A_1811, %sign3A_1814 : i32
    %sign3A_1816 = arith.constant 0 : i32
    %sign3A_1817 = arith.cmpi sgt, %jit3A_1807, %sign3A_1816 : i32
    %sign3A_1818 = arith.extui %sign3A_1817 : i1 to i32
    %sign3A_1819 = arith.constant 0 : i32
    %sign3A_1820 = arith.cmpi slt, %jit3A_1807, %sign3A_1819 : i32
    %sign3A_1821 = arith.extui %sign3A_1820 : i1 to i32
    %sign3A_1822 = arith.subi %sign3A_1818, %sign3A_1821 : i32
    %ne3A_1823 = arith.cmpi ne, %sign3A_1815, %sign3A_1822 : i32
    %rem3A_1824 = arith.remsi %add3A_1798, %jit3A_1807 : i32
    %ne3A_1825 = arith.constant 0 : i32
    %ne3A_1826 = arith.cmpi ne, %rem3A_1824, %ne3A_1825 : i32
    %and3A_1827 = arith.andi %ne3A_1823, %ne3A_1826 : i1
    %sub3A_1828 = arith.constant 1 : i32
    %sub3A_1829 = arith.subi %div3A_1808, %sub3A_1828 : i32
    %select_n3A_1830 = arith.select %and3A_1827, %sub3A_1829, %div3A_1808 : i32
    %mul3A_1831 = arith.constant 128 : i32
    %mul3A_1832 = arith.muli %select_n3A_1830, %mul3A_1831 : i32
    %sub3A_1833 = arith.subi %add3A_1798, %mul3A_1832 : i32
    %mul3A_1834 = arith.constant 128 : i32
    %mul3A_1835 = arith.muli %sub3A_1833, %mul3A_1834 : i32
    %dma_start3A_1836 = arith.constant 0 : i32
    %dma_start3A_1837 = arith.constant 0 : i32
    %dma_start3A_1838 = tpu.memref_slice %arg5[%dma_start3A_1836, %dma_start3A_1837] : memref<130x192xf32, #tpu.memory_space<vmem>> -> memref<128x192xf32, #tpu.memory_space<vmem>>
    %dma_start3A_1839 = arith.constant 0 : i32
    %dma_start3A_1840 = tpu.memref_slice %arg2[%select_n3A_1830, %mul3A_1835, %dma_start3A_1839] : memref<8x16384x192xf32, #tpu.memory_space<hbm>> -> memref<1x128x192xf32, #tpu.memory_space<hbm>>
    %dma_start3A_1841 = tpu.memref_squeeze %dma_start3A_1840 : memref<1x128x192xf32, #tpu.memory_space<hbm>> -> memref<128x192xf32, #tpu.memory_space<hbm>>
    %dma_start3A_1842 = arith.constant 0 : i32
    %dma_start3A_1843 = arith.constant 0 : i32
    %dma_start3A_1844 = tpu.memref_slice %arg5[%dma_start3A_1842, %dma_start3A_1843] : memref<130x192xf32, #tpu.memory_space<vmem>> -> memref<128x192xf32, #tpu.memory_space<vmem>>
    %dma_start3A_1845 = arith.constant 0 : i32
    %dma_start3A_1846 = tpu.memref_slice %arg2[%select_n3A_1830, %mul3A_1835, %dma_start3A_1845] : memref<8x16384x192xf32, #tpu.memory_space<hbm>> -> memref<1x128x192xf32, #tpu.memory_space<hbm>>
    %dma_start3A_1847 = tpu.memref_squeeze %dma_start3A_1846 : memref<1x128x192xf32, #tpu.memory_space<hbm>> -> memref<128x192xf32, #tpu.memory_space<hbm>>
    tpu.enqueue_dma source(%dma_start3A_1847 : memref<128x192xf32, #tpu.memory_space<hbm>>) target(%dma_start3A_1844 : memref<128x192xf32, #tpu.memory_space<vmem>>) target_semaphore(%arg9 : memref<!tpu.dma_semaphore, #tpu.memory_space<semaphore_mem>>)
    %dma_wait3A_1848 = arith.constant 0 : i32
    %dma_wait3A_1849 = arith.constant 0 : i32
    %dma_wait3A_1850 = tpu.memref_slice %arg5[%dma_wait3A_1848, %dma_wait3A_1849] : memref<130x192xf32, #tpu.memory_space<vmem>> -> memref<128x192xf32, #tpu.memory_space<vmem>>
    %dma_wait3A_1851 = arith.constant 0 : i32
    %dma_wait3A_1852 = tpu.memref_slice %arg2[%select_n3A_1830, %mul3A_1835, %dma_wait3A_1851] : memref<8x16384x192xf32, #tpu.memory_space<hbm>> -> memref<1x128x192xf32, #tpu.memory_space<hbm>>
    %dma_wait3A_1853 = tpu.memref_squeeze %dma_wait3A_1852 : memref<1x128x192xf32, #tpu.memory_space<hbm>> -> memref<128x192xf32, #tpu.memory_space<hbm>>
    %dma_wait3A_1854 = arith.constant 0 : i32
    %dma_wait3A_1855 = arith.constant 0 : i32
    %dma_wait3A_1856 = tpu.memref_slice %arg5[%dma_wait3A_1854, %dma_wait3A_1855] : memref<130x192xf32, #tpu.memory_space<vmem>> -> memref<128x192xf32, #tpu.memory_space<vmem>>
    %dma_wait3A_1857 = arith.constant 0 : i32
    %dma_wait3A_1858 = tpu.memref_slice %arg2[%select_n3A_1830, %mul3A_1835, %dma_wait3A_1857] : memref<8x16384x192xf32, #tpu.memory_space<hbm>> -> memref<1x128x192xf32, #tpu.memory_space<hbm>>
    %dma_wait3A_1859 = tpu.memref_squeeze %dma_wait3A_1858 : memref<1x128x192xf32, #tpu.memory_space<hbm>> -> memref<128x192xf32, #tpu.memory_space<hbm>>
    tpu.wait_dma2 semaphore(%arg9 : memref<!tpu.dma_semaphore, #tpu.memory_space<semaphore_mem>>) src(%dma_wait3A_1859 : memref<128x192xf32, #tpu.memory_space<hbm>>) dst(%dma_wait3A_1856 : memref<128x192xf32, #tpu.memory_space<vmem>>)
    %dma_start3A_1860 = arith.constant 0 : i32
    %dma_start3A_1861 = arith.constant 0 : i32
    %dma_start3A_1862 = tpu.memref_slice %arg4[%select_n3A_1830, %sub3A_1833, %dma_start3A_1860, %dma_start3A_1861] : memref<8x130x130x192xf32, #tpu.memory_space<hbm>> -> memref<1x1x130x192xf32, #tpu.memory_space<hbm>>
    %dma_start3A_1863 = tpu.memref_squeeze %dma_start3A_1862 : memref<1x1x130x192xf32, #tpu.memory_space<hbm>> -> memref<130x192xf32, #tpu.memory_space<hbm>>
    %dma_start3A_1864 = arith.constant 0 : i32
    %dma_start3A_1865 = arith.constant 0 : i32
    %dma_start3A_1866 = tpu.memref_slice %arg4[%select_n3A_1830, %sub3A_1833, %dma_start3A_1864, %dma_start3A_1865] : memref<8x130x130x192xf32, #tpu.memory_space<hbm>> -> memref<1x1x130x192xf32, #tpu.memory_space<hbm>>
    %dma_start3A_1867 = tpu.memref_squeeze %dma_start3A_1866 : memref<1x1x130x192xf32, #tpu.memory_space<hbm>> -> memref<130x192xf32, #tpu.memory_space<hbm>>
    tpu.enqueue_dma source(%arg5 : memref<130x192xf32, #tpu.memory_space<vmem>>) target(%dma_start3A_1867 : memref<130x192xf32, #tpu.memory_space<hbm>>) target_semaphore(%arg11 : memref<!tpu.dma_semaphore, #tpu.memory_space<semaphore_mem>>)
    %mul3A_1868 = arith.constant 32 : i32
    %mul3A_1869 = arith.muli %add3A, %mul3A_1868 : i32
    %add3A_1870 = arith.constant 21 : i32
    %add3A_1871 = arith.addi %mul3A_1869, %add3A_1870 : i32
    %dma_wait3A_1872 = arith.constant 0 : i32
    %dma_wait3A_1873 = arith.constant 0 : i32
    %dma_wait3A_1874 = tpu.memref_slice %arg4[%select_n3A_1757, %sub3A_1760, %dma_wait3A_1872, %dma_wait3A_1873] : memref<8x130x130x192xf32, #tpu.memory_space<hbm>> -> memref<1x1x130x192xf32, #tpu.memory_space<hbm>>
    %dma_wait3A_1875 = tpu.memref_squeeze %dma_wait3A_1874 : memref<1x1x130x192xf32, #tpu.memory_space<hbm>> -> memref<130x192xf32, #tpu.memory_space<hbm>>
    %dma_wait3A_1876 = arith.constant 0 : i32
    %dma_wait3A_1877 = arith.constant 0 : i32
    %dma_wait3A_1878 = tpu.memref_slice %arg4[%select_n3A_1757, %sub3A_1760, %dma_wait3A_1876, %dma_wait3A_1877] : memref<8x130x130x192xf32, #tpu.memory_space<hbm>> -> memref<1x1x130x192xf32, #tpu.memory_space<hbm>>
    %dma_wait3A_1879 = tpu.memref_squeeze %dma_wait3A_1878 : memref<1x1x130x192xf32, #tpu.memory_space<hbm>> -> memref<130x192xf32, #tpu.memory_space<hbm>>
    tpu.wait_dma2 semaphore(%arg12 : memref<!tpu.dma_semaphore, #tpu.memory_space<semaphore_mem>>) src(%arg6 : memref<130x192xf32, #tpu.memory_space<vmem>>) dst(%dma_wait3A_1879 : memref<130x192xf32, #tpu.memory_space<hbm>>)
    %jit3A_1880 = arith.constant 128 : i32
    %div3A_1881 = arith.divsi %add3A_1871, %jit3A_1880 : i32
    %sign3A_1882 = arith.constant 0 : i32
    %sign3A_1883 = arith.cmpi sgt, %add3A_1871, %sign3A_1882 : i32
    %sign3A_1884 = arith.extui %sign3A_1883 : i1 to i32
    %sign3A_1885 = arith.constant 0 : i32
    %sign3A_1886 = arith.cmpi slt, %add3A_1871, %sign3A_1885 : i32
    %sign3A_1887 = arith.extui %sign3A_1886 : i1 to i32
    %sign3A_1888 = arith.subi %sign3A_1884, %sign3A_1887 : i32
    %sign3A_1889 = arith.constant 0 : i32
    %sign3A_1890 = arith.cmpi sgt, %jit3A_1880, %sign3A_1889 : i32
    %sign3A_1891 = arith.extui %sign3A_1890 : i1 to i32
    %sign3A_1892 = arith.constant 0 : i32
    %sign3A_1893 = arith.cmpi slt, %jit3A_1880, %sign3A_1892 : i32
    %sign3A_1894 = arith.extui %sign3A_1893 : i1 to i32
    %sign3A_1895 = arith.subi %sign3A_1891, %sign3A_1894 : i32
    %ne3A_1896 = arith.cmpi ne, %sign3A_1888, %sign3A_1895 : i32
    %rem3A_1897 = arith.remsi %add3A_1871, %jit3A_1880 : i32
    %ne3A_1898 = arith.constant 0 : i32
    %ne3A_1899 = arith.cmpi ne, %rem3A_1897, %ne3A_1898 : i32
    %and3A_1900 = arith.andi %ne3A_1896, %ne3A_1899 : i1
    %sub3A_1901 = arith.constant 1 : i32
    %sub3A_1902 = arith.subi %div3A_1881, %sub3A_1901 : i32
    %select_n3A_1903 = arith.select %and3A_1900, %sub3A_1902, %div3A_1881 : i32
    %mul3A_1904 = arith.constant 128 : i32
    %mul3A_1905 = arith.muli %select_n3A_1903, %mul3A_1904 : i32
    %sub3A_1906 = arith.subi %add3A_1871, %mul3A_1905 : i32
    %mul3A_1907 = arith.constant 128 : i32
    %mul3A_1908 = arith.muli %sub3A_1906, %mul3A_1907 : i32
    %dma_start3A_1909 = arith.constant 0 : i32
    %dma_start3A_1910 = arith.constant 0 : i32
    %dma_start3A_1911 = tpu.memref_slice %arg6[%dma_start3A_1909, %dma_start3A_1910] : memref<130x192xf32, #tpu.memory_space<vmem>> -> memref<128x192xf32, #tpu.memory_space<vmem>>
    %dma_start3A_1912 = arith.constant 0 : i32
    %dma_start3A_1913 = tpu.memref_slice %arg2[%select_n3A_1903, %mul3A_1908, %dma_start3A_1912] : memref<8x16384x192xf32, #tpu.memory_space<hbm>> -> memref<1x128x192xf32, #tpu.memory_space<hbm>>
    %dma_start3A_1914 = tpu.memref_squeeze %dma_start3A_1913 : memref<1x128x192xf32, #tpu.memory_space<hbm>> -> memref<128x192xf32, #tpu.memory_space<hbm>>
    %dma_start3A_1915 = arith.constant 0 : i32
    %dma_start3A_1916 = arith.constant 0 : i32
    %dma_start3A_1917 = tpu.memref_slice %arg6[%dma_start3A_1915, %dma_start3A_1916] : memref<130x192xf32, #tpu.memory_space<vmem>> -> memref<128x192xf32, #tpu.memory_space<vmem>>
    %dma_start3A_1918 = arith.constant 0 : i32
    %dma_start3A_1919 = tpu.memref_slice %arg2[%select_n3A_1903, %mul3A_1908, %dma_start3A_1918] : memref<8x16384x192xf32, #tpu.memory_space<hbm>> -> memref<1x128x192xf32, #tpu.memory_space<hbm>>
    %dma_start3A_1920 = tpu.memref_squeeze %dma_start3A_1919 : memref<1x128x192xf32, #tpu.memory_space<hbm>> -> memref<128x192xf32, #tpu.memory_space<hbm>>
    tpu.enqueue_dma source(%dma_start3A_1920 : memref<128x192xf32, #tpu.memory_space<hbm>>) target(%dma_start3A_1917 : memref<128x192xf32, #tpu.memory_space<vmem>>) target_semaphore(%arg10 : memref<!tpu.dma_semaphore, #tpu.memory_space<semaphore_mem>>)
    %dma_wait3A_1921 = arith.constant 0 : i32
    %dma_wait3A_1922 = arith.constant 0 : i32
    %dma_wait3A_1923 = tpu.memref_slice %arg6[%dma_wait3A_1921, %dma_wait3A_1922] : memref<130x192xf32, #tpu.memory_space<vmem>> -> memref<128x192xf32, #tpu.memory_space<vmem>>
    %dma_wait3A_1924 = arith.constant 0 : i32
    %dma_wait3A_1925 = tpu.memref_slice %arg2[%select_n3A_1903, %mul3A_1908, %dma_wait3A_1924] : memref<8x16384x192xf32, #tpu.memory_space<hbm>> -> memref<1x128x192xf32, #tpu.memory_space<hbm>>
    %dma_wait3A_1926 = tpu.memref_squeeze %dma_wait3A_1925 : memref<1x128x192xf32, #tpu.memory_space<hbm>> -> memref<128x192xf32, #tpu.memory_space<hbm>>
    %dma_wait3A_1927 = arith.constant 0 : i32
    %dma_wait3A_1928 = arith.constant 0 : i32
    %dma_wait3A_1929 = tpu.memref_slice %arg6[%dma_wait3A_1927, %dma_wait3A_1928] : memref<130x192xf32, #tpu.memory_space<vmem>> -> memref<128x192xf32, #tpu.memory_space<vmem>>
    %dma_wait3A_1930 = arith.constant 0 : i32
    %dma_wait3A_1931 = tpu.memref_slice %arg2[%select_n3A_1903, %mul3A_1908, %dma_wait3A_1930] : memref<8x16384x192xf32, #tpu.memory_space<hbm>> -> memref<1x128x192xf32, #tpu.memory_space<hbm>>
    %dma_wait3A_1932 = tpu.memref_squeeze %dma_wait3A_1931 : memref<1x128x192xf32, #tpu.memory_space<hbm>> -> memref<128x192xf32, #tpu.memory_space<hbm>>
    tpu.wait_dma2 semaphore(%arg10 : memref<!tpu.dma_semaphore, #tpu.memory_space<semaphore_mem>>) src(%dma_wait3A_1932 : memref<128x192xf32, #tpu.memory_space<hbm>>) dst(%dma_wait3A_1929 : memref<128x192xf32, #tpu.memory_space<vmem>>)
    %dma_start3A_1933 = arith.constant 0 : i32
    %dma_start3A_1934 = arith.constant 0 : i32
    %dma_start3A_1935 = tpu.memref_slice %arg4[%select_n3A_1903, %sub3A_1906, %dma_start3A_1933, %dma_start3A_1934] : memref<8x130x130x192xf32, #tpu.memory_space<hbm>> -> memref<1x1x130x192xf32, #tpu.memory_space<hbm>>
    %dma_start3A_1936 = tpu.memref_squeeze %dma_start3A_1935 : memref<1x1x130x192xf32, #tpu.memory_space<hbm>> -> memref<130x192xf32, #tpu.memory_space<hbm>>
    %dma_start3A_1937 = arith.constant 0 : i32
    %dma_start3A_1938 = arith.constant 0 : i32
    %dma_start3A_1939 = tpu.memref_slice %arg4[%select_n3A_1903, %sub3A_1906, %dma_start3A_1937, %dma_start3A_1938] : memref<8x130x130x192xf32, #tpu.memory_space<hbm>> -> memref<1x1x130x192xf32, #tpu.memory_space<hbm>>
    %dma_start3A_1940 = tpu.memref_squeeze %dma_start3A_1939 : memref<1x1x130x192xf32, #tpu.memory_space<hbm>> -> memref<130x192xf32, #tpu.memory_space<hbm>>
    tpu.enqueue_dma source(%arg6 : memref<130x192xf32, #tpu.memory_space<vmem>>) target(%dma_start3A_1940 : memref<130x192xf32, #tpu.memory_space<hbm>>) target_semaphore(%arg12 : memref<!tpu.dma_semaphore, #tpu.memory_space<semaphore_mem>>)
    %mul3A_1941 = arith.constant 32 : i32
    %mul3A_1942 = arith.muli %add3A, %mul3A_1941 : i32
    %add3A_1943 = arith.constant 22 : i32
    %add3A_1944 = arith.addi %mul3A_1942, %add3A_1943 : i32
    %dma_wait3A_1945 = arith.constant 0 : i32
    %dma_wait3A_1946 = arith.constant 0 : i32
    %dma_wait3A_1947 = tpu.memref_slice %arg4[%select_n3A_1830, %sub3A_1833, %dma_wait3A_1945, %dma_wait3A_1946] : memref<8x130x130x192xf32, #tpu.memory_space<hbm>> -> memref<1x1x130x192xf32, #tpu.memory_space<hbm>>
    %dma_wait3A_1948 = tpu.memref_squeeze %dma_wait3A_1947 : memref<1x1x130x192xf32, #tpu.memory_space<hbm>> -> memref<130x192xf32, #tpu.memory_space<hbm>>
    %dma_wait3A_1949 = arith.constant 0 : i32
    %dma_wait3A_1950 = arith.constant 0 : i32
    %dma_wait3A_1951 = tpu.memref_slice %arg4[%select_n3A_1830, %sub3A_1833, %dma_wait3A_1949, %dma_wait3A_1950] : memref<8x130x130x192xf32, #tpu.memory_space<hbm>> -> memref<1x1x130x192xf32, #tpu.memory_space<hbm>>
    %dma_wait3A_1952 = tpu.memref_squeeze %dma_wait3A_1951 : memref<1x1x130x192xf32, #tpu.memory_space<hbm>> -> memref<130x192xf32, #tpu.memory_space<hbm>>
    tpu.wait_dma2 semaphore(%arg11 : memref<!tpu.dma_semaphore, #tpu.memory_space<semaphore_mem>>) src(%arg5 : memref<130x192xf32, #tpu.memory_space<vmem>>) dst(%dma_wait3A_1952 : memref<130x192xf32, #tpu.memory_space<hbm>>)
    %jit3A_1953 = arith.constant 128 : i32
    %div3A_1954 = arith.divsi %add3A_1944, %jit3A_1953 : i32
    %sign3A_1955 = arith.constant 0 : i32
    %sign3A_1956 = arith.cmpi sgt, %add3A_1944, %sign3A_1955 : i32
    %sign3A_1957 = arith.extui %sign3A_1956 : i1 to i32
    %sign3A_1958 = arith.constant 0 : i32
    %sign3A_1959 = arith.cmpi slt, %add3A_1944, %sign3A_1958 : i32
    %sign3A_1960 = arith.extui %sign3A_1959 : i1 to i32
    %sign3A_1961 = arith.subi %sign3A_1957, %sign3A_1960 : i32
    %sign3A_1962 = arith.constant 0 : i32
    %sign3A_1963 = arith.cmpi sgt, %jit3A_1953, %sign3A_1962 : i32
    %sign3A_1964 = arith.extui %sign3A_1963 : i1 to i32
    %sign3A_1965 = arith.constant 0 : i32
    %sign3A_1966 = arith.cmpi slt, %jit3A_1953, %sign3A_1965 : i32
    %sign3A_1967 = arith.extui %sign3A_1966 : i1 to i32
    %sign3A_1968 = arith.subi %sign3A_1964, %sign3A_1967 : i32
    %ne3A_1969 = arith.cmpi ne, %sign3A_1961, %sign3A_1968 : i32
    %rem3A_1970 = arith.remsi %add3A_1944, %jit3A_1953 : i32
    %ne3A_1971 = arith.constant 0 : i32
    %ne3A_1972 = arith.cmpi ne, %rem3A_1970, %ne3A_1971 : i32
    %and3A_1973 = arith.andi %ne3A_1969, %ne3A_1972 : i1
    %sub3A_1974 = arith.constant 1 : i32
    %sub3A_1975 = arith.subi %div3A_1954, %sub3A_1974 : i32
    %select_n3A_1976 = arith.select %and3A_1973, %sub3A_1975, %div3A_1954 : i32
    %mul3A_1977 = arith.constant 128 : i32
    %mul3A_1978 = arith.muli %select_n3A_1976, %mul3A_1977 : i32
    %sub3A_1979 = arith.subi %add3A_1944, %mul3A_1978 : i32
    %mul3A_1980 = arith.constant 128 : i32
    %mul3A_1981 = arith.muli %sub3A_1979, %mul3A_1980 : i32
    %dma_start3A_1982 = arith.constant 0 : i32
    %dma_start3A_1983 = arith.constant 0 : i32
    %dma_start3A_1984 = tpu.memref_slice %arg5[%dma_start3A_1982, %dma_start3A_1983] : memref<130x192xf32, #tpu.memory_space<vmem>> -> memref<128x192xf32, #tpu.memory_space<vmem>>
    %dma_start3A_1985 = arith.constant 0 : i32
    %dma_start3A_1986 = tpu.memref_slice %arg2[%select_n3A_1976, %mul3A_1981, %dma_start3A_1985] : memref<8x16384x192xf32, #tpu.memory_space<hbm>> -> memref<1x128x192xf32, #tpu.memory_space<hbm>>
    %dma_start3A_1987 = tpu.memref_squeeze %dma_start3A_1986 : memref<1x128x192xf32, #tpu.memory_space<hbm>> -> memref<128x192xf32, #tpu.memory_space<hbm>>
    %dma_start3A_1988 = arith.constant 0 : i32
    %dma_start3A_1989 = arith.constant 0 : i32
    %dma_start3A_1990 = tpu.memref_slice %arg5[%dma_start3A_1988, %dma_start3A_1989] : memref<130x192xf32, #tpu.memory_space<vmem>> -> memref<128x192xf32, #tpu.memory_space<vmem>>
    %dma_start3A_1991 = arith.constant 0 : i32
    %dma_start3A_1992 = tpu.memref_slice %arg2[%select_n3A_1976, %mul3A_1981, %dma_start3A_1991] : memref<8x16384x192xf32, #tpu.memory_space<hbm>> -> memref<1x128x192xf32, #tpu.memory_space<hbm>>
    %dma_start3A_1993 = tpu.memref_squeeze %dma_start3A_1992 : memref<1x128x192xf32, #tpu.memory_space<hbm>> -> memref<128x192xf32, #tpu.memory_space<hbm>>
    tpu.enqueue_dma source(%dma_start3A_1993 : memref<128x192xf32, #tpu.memory_space<hbm>>) target(%dma_start3A_1990 : memref<128x192xf32, #tpu.memory_space<vmem>>) target_semaphore(%arg9 : memref<!tpu.dma_semaphore, #tpu.memory_space<semaphore_mem>>)
    %dma_wait3A_1994 = arith.constant 0 : i32
    %dma_wait3A_1995 = arith.constant 0 : i32
    %dma_wait3A_1996 = tpu.memref_slice %arg5[%dma_wait3A_1994, %dma_wait3A_1995] : memref<130x192xf32, #tpu.memory_space<vmem>> -> memref<128x192xf32, #tpu.memory_space<vmem>>
    %dma_wait3A_1997 = arith.constant 0 : i32
    %dma_wait3A_1998 = tpu.memref_slice %arg2[%select_n3A_1976, %mul3A_1981, %dma_wait3A_1997] : memref<8x16384x192xf32, #tpu.memory_space<hbm>> -> memref<1x128x192xf32, #tpu.memory_space<hbm>>
    %dma_wait3A_1999 = tpu.memref_squeeze %dma_wait3A_1998 : memref<1x128x192xf32, #tpu.memory_space<hbm>> -> memref<128x192xf32, #tpu.memory_space<hbm>>
    %dma_wait3A_2000 = arith.constant 0 : i32
    %dma_wait3A_2001 = arith.constant 0 : i32
    %dma_wait3A_2002 = tpu.memref_slice %arg5[%dma_wait3A_2000, %dma_wait3A_2001] : memref<130x192xf32, #tpu.memory_space<vmem>> -> memref<128x192xf32, #tpu.memory_space<vmem>>
    %dma_wait3A_2003 = arith.constant 0 : i32
    %dma_wait3A_2004 = tpu.memref_slice %arg2[%select_n3A_1976, %mul3A_1981, %dma_wait3A_2003] : memref<8x16384x192xf32, #tpu.memory_space<hbm>> -> memref<1x128x192xf32, #tpu.memory_space<hbm>>
    %dma_wait3A_2005 = tpu.memref_squeeze %dma_wait3A_2004 : memref<1x128x192xf32, #tpu.memory_space<hbm>> -> memref<128x192xf32, #tpu.memory_space<hbm>>
    tpu.wait_dma2 semaphore(%arg9 : memref<!tpu.dma_semaphore, #tpu.memory_space<semaphore_mem>>) src(%dma_wait3A_2005 : memref<128x192xf32, #tpu.memory_space<hbm>>) dst(%dma_wait3A_2002 : memref<128x192xf32, #tpu.memory_space<vmem>>)
    %dma_start3A_2006 = arith.constant 0 : i32
    %dma_start3A_2007 = arith.constant 0 : i32
    %dma_start3A_2008 = tpu.memref_slice %arg4[%select_n3A_1976, %sub3A_1979, %dma_start3A_2006, %dma_start3A_2007] : memref<8x130x130x192xf32, #tpu.memory_space<hbm>> -> memref<1x1x130x192xf32, #tpu.memory_space<hbm>>
    %dma_start3A_2009 = tpu.memref_squeeze %dma_start3A_2008 : memref<1x1x130x192xf32, #tpu.memory_space<hbm>> -> memref<130x192xf32, #tpu.memory_space<hbm>>
    %dma_start3A_2010 = arith.constant 0 : i32
    %dma_start3A_2011 = arith.constant 0 : i32
    %dma_start3A_2012 = tpu.memref_slice %arg4[%select_n3A_1976, %sub3A_1979, %dma_start3A_2010, %dma_start3A_2011] : memref<8x130x130x192xf32, #tpu.memory_space<hbm>> -> memref<1x1x130x192xf32, #tpu.memory_space<hbm>>
    %dma_start3A_2013 = tpu.memref_squeeze %dma_start3A_2012 : memref<1x1x130x192xf32, #tpu.memory_space<hbm>> -> memref<130x192xf32, #tpu.memory_space<hbm>>
    tpu.enqueue_dma source(%arg5 : memref<130x192xf32, #tpu.memory_space<vmem>>) target(%dma_start3A_2013 : memref<130x192xf32, #tpu.memory_space<hbm>>) target_semaphore(%arg11 : memref<!tpu.dma_semaphore, #tpu.memory_space<semaphore_mem>>)
    %mul3A_2014 = arith.constant 32 : i32
    %mul3A_2015 = arith.muli %add3A, %mul3A_2014 : i32
    %add3A_2016 = arith.constant 23 : i32
    %add3A_2017 = arith.addi %mul3A_2015, %add3A_2016 : i32
    %dma_wait3A_2018 = arith.constant 0 : i32
    %dma_wait3A_2019 = arith.constant 0 : i32
    %dma_wait3A_2020 = tpu.memref_slice %arg4[%select_n3A_1903, %sub3A_1906, %dma_wait3A_2018, %dma_wait3A_2019] : memref<8x130x130x192xf32, #tpu.memory_space<hbm>> -> memref<1x1x130x192xf32, #tpu.memory_space<hbm>>
    %dma_wait3A_2021 = tpu.memref_squeeze %dma_wait3A_2020 : memref<1x1x130x192xf32, #tpu.memory_space<hbm>> -> memref<130x192xf32, #tpu.memory_space<hbm>>
    %dma_wait3A_2022 = arith.constant 0 : i32
    %dma_wait3A_2023 = arith.constant 0 : i32
    %dma_wait3A_2024 = tpu.memref_slice %arg4[%select_n3A_1903, %sub3A_1906, %dma_wait3A_2022, %dma_wait3A_2023] : memref<8x130x130x192xf32, #tpu.memory_space<hbm>> -> memref<1x1x130x192xf32, #tpu.memory_space<hbm>>
    %dma_wait3A_2025 = tpu.memref_squeeze %dma_wait3A_2024 : memref<1x1x130x192xf32, #tpu.memory_space<hbm>> -> memref<130x192xf32, #tpu.memory_space<hbm>>
    tpu.wait_dma2 semaphore(%arg12 : memref<!tpu.dma_semaphore, #tpu.memory_space<semaphore_mem>>) src(%arg6 : memref<130x192xf32, #tpu.memory_space<vmem>>) dst(%dma_wait3A_2025 : memref<130x192xf32, #tpu.memory_space<hbm>>)
    %jit3A_2026 = arith.constant 128 : i32
    %div3A_2027 = arith.divsi %add3A_2017, %jit3A_2026 : i32
    %sign3A_2028 = arith.constant 0 : i32
    %sign3A_2029 = arith.cmpi sgt, %add3A_2017, %sign3A_2028 : i32
    %sign3A_2030 = arith.extui %sign3A_2029 : i1 to i32
    %sign3A_2031 = arith.constant 0 : i32
    %sign3A_2032 = arith.cmpi slt, %add3A_2017, %sign3A_2031 : i32
    %sign3A_2033 = arith.extui %sign3A_2032 : i1 to i32
    %sign3A_2034 = arith.subi %sign3A_2030, %sign3A_2033 : i32
    %sign3A_2035 = arith.constant 0 : i32
    %sign3A_2036 = arith.cmpi sgt, %jit3A_2026, %sign3A_2035 : i32
    %sign3A_2037 = arith.extui %sign3A_2036 : i1 to i32
    %sign3A_2038 = arith.constant 0 : i32
    %sign3A_2039 = arith.cmpi slt, %jit3A_2026, %sign3A_2038 : i32
    %sign3A_2040 = arith.extui %sign3A_2039 : i1 to i32
    %sign3A_2041 = arith.subi %sign3A_2037, %sign3A_2040 : i32
    %ne3A_2042 = arith.cmpi ne, %sign3A_2034, %sign3A_2041 : i32
    %rem3A_2043 = arith.remsi %add3A_2017, %jit3A_2026 : i32
    %ne3A_2044 = arith.constant 0 : i32
    %ne3A_2045 = arith.cmpi ne, %rem3A_2043, %ne3A_2044 : i32
    %and3A_2046 = arith.andi %ne3A_2042, %ne3A_2045 : i1
    %sub3A_2047 = arith.constant 1 : i32
    %sub3A_2048 = arith.subi %div3A_2027, %sub3A_2047 : i32
    %select_n3A_2049 = arith.select %and3A_2046, %sub3A_2048, %div3A_2027 : i32
    %mul3A_2050 = arith.constant 128 : i32
    %mul3A_2051 = arith.muli %select_n3A_2049, %mul3A_2050 : i32
    %sub3A_2052 = arith.subi %add3A_2017, %mul3A_2051 : i32
    %mul3A_2053 = arith.constant 128 : i32
    %mul3A_2054 = arith.muli %sub3A_2052, %mul3A_2053 : i32
    %dma_start3A_2055 = arith.constant 0 : i32
    %dma_start3A_2056 = arith.constant 0 : i32
    %dma_start3A_2057 = tpu.memref_slice %arg6[%dma_start3A_2055, %dma_start3A_2056] : memref<130x192xf32, #tpu.memory_space<vmem>> -> memref<128x192xf32, #tpu.memory_space<vmem>>
    %dma_start3A_2058 = arith.constant 0 : i32
    %dma_start3A_2059 = tpu.memref_slice %arg2[%select_n3A_2049, %mul3A_2054, %dma_start3A_2058] : memref<8x16384x192xf32, #tpu.memory_space<hbm>> -> memref<1x128x192xf32, #tpu.memory_space<hbm>>
    %dma_start3A_2060 = tpu.memref_squeeze %dma_start3A_2059 : memref<1x128x192xf32, #tpu.memory_space<hbm>> -> memref<128x192xf32, #tpu.memory_space<hbm>>
    %dma_start3A_2061 = arith.constant 0 : i32
    %dma_start3A_2062 = arith.constant 0 : i32
    %dma_start3A_2063 = tpu.memref_slice %arg6[%dma_start3A_2061, %dma_start3A_2062] : memref<130x192xf32, #tpu.memory_space<vmem>> -> memref<128x192xf32, #tpu.memory_space<vmem>>
    %dma_start3A_2064 = arith.constant 0 : i32
    %dma_start3A_2065 = tpu.memref_slice %arg2[%select_n3A_2049, %mul3A_2054, %dma_start3A_2064] : memref<8x16384x192xf32, #tpu.memory_space<hbm>> -> memref<1x128x192xf32, #tpu.memory_space<hbm>>
    %dma_start3A_2066 = tpu.memref_squeeze %dma_start3A_2065 : memref<1x128x192xf32, #tpu.memory_space<hbm>> -> memref<128x192xf32, #tpu.memory_space<hbm>>
    tpu.enqueue_dma source(%dma_start3A_2066 : memref<128x192xf32, #tpu.memory_space<hbm>>) target(%dma_start3A_2063 : memref<128x192xf32, #tpu.memory_space<vmem>>) target_semaphore(%arg10 : memref<!tpu.dma_semaphore, #tpu.memory_space<semaphore_mem>>)
    %dma_wait3A_2067 = arith.constant 0 : i32
    %dma_wait3A_2068 = arith.constant 0 : i32
    %dma_wait3A_2069 = tpu.memref_slice %arg6[%dma_wait3A_2067, %dma_wait3A_2068] : memref<130x192xf32, #tpu.memory_space<vmem>> -> memref<128x192xf32, #tpu.memory_space<vmem>>
    %dma_wait3A_2070 = arith.constant 0 : i32
    %dma_wait3A_2071 = tpu.memref_slice %arg2[%select_n3A_2049, %mul3A_2054, %dma_wait3A_2070] : memref<8x16384x192xf32, #tpu.memory_space<hbm>> -> memref<1x128x192xf32, #tpu.memory_space<hbm>>
    %dma_wait3A_2072 = tpu.memref_squeeze %dma_wait3A_2071 : memref<1x128x192xf32, #tpu.memory_space<hbm>> -> memref<128x192xf32, #tpu.memory_space<hbm>>
    %dma_wait3A_2073 = arith.constant 0 : i32
    %dma_wait3A_2074 = arith.constant 0 : i32
    %dma_wait3A_2075 = tpu.memref_slice %arg6[%dma_wait3A_2073, %dma_wait3A_2074] : memref<130x192xf32, #tpu.memory_space<vmem>> -> memref<128x192xf32, #tpu.memory_space<vmem>>
    %dma_wait3A_2076 = arith.constant 0 : i32
    %dma_wait3A_2077 = tpu.memref_slice %arg2[%select_n3A_2049, %mul3A_2054, %dma_wait3A_2076] : memref<8x16384x192xf32, #tpu.memory_space<hbm>> -> memref<1x128x192xf32, #tpu.memory_space<hbm>>
    %dma_wait3A_2078 = tpu.memref_squeeze %dma_wait3A_2077 : memref<1x128x192xf32, #tpu.memory_space<hbm>> -> memref<128x192xf32, #tpu.memory_space<hbm>>
    tpu.wait_dma2 semaphore(%arg10 : memref<!tpu.dma_semaphore, #tpu.memory_space<semaphore_mem>>) src(%dma_wait3A_2078 : memref<128x192xf32, #tpu.memory_space<hbm>>) dst(%dma_wait3A_2075 : memref<128x192xf32, #tpu.memory_space<vmem>>)
    %dma_start3A_2079 = arith.constant 0 : i32
    %dma_start3A_2080 = arith.constant 0 : i32
    %dma_start3A_2081 = tpu.memref_slice %arg4[%select_n3A_2049, %sub3A_2052, %dma_start3A_2079, %dma_start3A_2080] : memref<8x130x130x192xf32, #tpu.memory_space<hbm>> -> memref<1x1x130x192xf32, #tpu.memory_space<hbm>>
    %dma_start3A_2082 = tpu.memref_squeeze %dma_start3A_2081 : memref<1x1x130x192xf32, #tpu.memory_space<hbm>> -> memref<130x192xf32, #tpu.memory_space<hbm>>
    %dma_start3A_2083 = arith.constant 0 : i32
    %dma_start3A_2084 = arith.constant 0 : i32
    %dma_start3A_2085 = tpu.memref_slice %arg4[%select_n3A_2049, %sub3A_2052, %dma_start3A_2083, %dma_start3A_2084] : memref<8x130x130x192xf32, #tpu.memory_space<hbm>> -> memref<1x1x130x192xf32, #tpu.memory_space<hbm>>
    %dma_start3A_2086 = tpu.memref_squeeze %dma_start3A_2085 : memref<1x1x130x192xf32, #tpu.memory_space<hbm>> -> memref<130x192xf32, #tpu.memory_space<hbm>>
    tpu.enqueue_dma source(%arg6 : memref<130x192xf32, #tpu.memory_space<vmem>>) target(%dma_start3A_2086 : memref<130x192xf32, #tpu.memory_space<hbm>>) target_semaphore(%arg12 : memref<!tpu.dma_semaphore, #tpu.memory_space<semaphore_mem>>)
    %mul3A_2087 = arith.constant 32 : i32
    %mul3A_2088 = arith.muli %add3A, %mul3A_2087 : i32
    %add3A_2089 = arith.constant 24 : i32
    %add3A_2090 = arith.addi %mul3A_2088, %add3A_2089 : i32
    %dma_wait3A_2091 = arith.constant 0 : i32
    %dma_wait3A_2092 = arith.constant 0 : i32
    %dma_wait3A_2093 = tpu.memref_slice %arg4[%select_n3A_1976, %sub3A_1979, %dma_wait3A_2091, %dma_wait3A_2092] : memref<8x130x130x192xf32, #tpu.memory_space<hbm>> -> memref<1x1x130x192xf32, #tpu.memory_space<hbm>>
    %dma_wait3A_2094 = tpu.memref_squeeze %dma_wait3A_2093 : memref<1x1x130x192xf32, #tpu.memory_space<hbm>> -> memref<130x192xf32, #tpu.memory_space<hbm>>
    %dma_wait3A_2095 = arith.constant 0 : i32
    %dma_wait3A_2096 = arith.constant 0 : i32
    %dma_wait3A_2097 = tpu.memref_slice %arg4[%select_n3A_1976, %sub3A_1979, %dma_wait3A_2095, %dma_wait3A_2096] : memref<8x130x130x192xf32, #tpu.memory_space<hbm>> -> memref<1x1x130x192xf32, #tpu.memory_space<hbm>>
    %dma_wait3A_2098 = tpu.memref_squeeze %dma_wait3A_2097 : memref<1x1x130x192xf32, #tpu.memory_space<hbm>> -> memref<130x192xf32, #tpu.memory_space<hbm>>
    tpu.wait_dma2 semaphore(%arg11 : memref<!tpu.dma_semaphore, #tpu.memory_space<semaphore_mem>>) src(%arg5 : memref<130x192xf32, #tpu.memory_space<vmem>>) dst(%dma_wait3A_2098 : memref<130x192xf32, #tpu.memory_space<hbm>>)
    %jit3A_2099 = arith.constant 128 : i32
    %div3A_2100 = arith.divsi %add3A_2090, %jit3A_2099 : i32
    %sign3A_2101 = arith.constant 0 : i32
    %sign3A_2102 = arith.cmpi sgt, %add3A_2090, %sign3A_2101 : i32
    %sign3A_2103 = arith.extui %sign3A_2102 : i1 to i32
    %sign3A_2104 = arith.constant 0 : i32
    %sign3A_2105 = arith.cmpi slt, %add3A_2090, %sign3A_2104 : i32
    %sign3A_2106 = arith.extui %sign3A_2105 : i1 to i32
    %sign3A_2107 = arith.subi %sign3A_2103, %sign3A_2106 : i32
    %sign3A_2108 = arith.constant 0 : i32
    %sign3A_2109 = arith.cmpi sgt, %jit3A_2099, %sign3A_2108 : i32
    %sign3A_2110 = arith.extui %sign3A_2109 : i1 to i32
    %sign3A_2111 = arith.constant 0 : i32
    %sign3A_2112 = arith.cmpi slt, %jit3A_2099, %sign3A_2111 : i32
    %sign3A_2113 = arith.extui %sign3A_2112 : i1 to i32
    %sign3A_2114 = arith.subi %sign3A_2110, %sign3A_2113 : i32
    %ne3A_2115 = arith.cmpi ne, %sign3A_2107, %sign3A_2114 : i32
    %rem3A_2116 = arith.remsi %add3A_2090, %jit3A_2099 : i32
    %ne3A_2117 = arith.constant 0 : i32
    %ne3A_2118 = arith.cmpi ne, %rem3A_2116, %ne3A_2117 : i32
    %and3A_2119 = arith.andi %ne3A_2115, %ne3A_2118 : i1
    %sub3A_2120 = arith.constant 1 : i32
    %sub3A_2121 = arith.subi %div3A_2100, %sub3A_2120 : i32
    %select_n3A_2122 = arith.select %and3A_2119, %sub3A_2121, %div3A_2100 : i32
    %mul3A_2123 = arith.constant 128 : i32
    %mul3A_2124 = arith.muli %select_n3A_2122, %mul3A_2123 : i32
    %sub3A_2125 = arith.subi %add3A_2090, %mul3A_2124 : i32
    %mul3A_2126 = arith.constant 128 : i32
    %mul3A_2127 = arith.muli %sub3A_2125, %mul3A_2126 : i32
    %dma_start3A_2128 = arith.constant 0 : i32
    %dma_start3A_2129 = arith.constant 0 : i32
    %dma_start3A_2130 = tpu.memref_slice %arg5[%dma_start3A_2128, %dma_start3A_2129] : memref<130x192xf32, #tpu.memory_space<vmem>> -> memref<128x192xf32, #tpu.memory_space<vmem>>
    %dma_start3A_2131 = arith.constant 0 : i32
    %dma_start3A_2132 = tpu.memref_slice %arg2[%select_n3A_2122, %mul3A_2127, %dma_start3A_2131] : memref<8x16384x192xf32, #tpu.memory_space<hbm>> -> memref<1x128x192xf32, #tpu.memory_space<hbm>>
    %dma_start3A_2133 = tpu.memref_squeeze %dma_start3A_2132 : memref<1x128x192xf32, #tpu.memory_space<hbm>> -> memref<128x192xf32, #tpu.memory_space<hbm>>
    %dma_start3A_2134 = arith.constant 0 : i32
    %dma_start3A_2135 = arith.constant 0 : i32
    %dma_start3A_2136 = tpu.memref_slice %arg5[%dma_start3A_2134, %dma_start3A_2135] : memref<130x192xf32, #tpu.memory_space<vmem>> -> memref<128x192xf32, #tpu.memory_space<vmem>>
    %dma_start3A_2137 = arith.constant 0 : i32
    %dma_start3A_2138 = tpu.memref_slice %arg2[%select_n3A_2122, %mul3A_2127, %dma_start3A_2137] : memref<8x16384x192xf32, #tpu.memory_space<hbm>> -> memref<1x128x192xf32, #tpu.memory_space<hbm>>
    %dma_start3A_2139 = tpu.memref_squeeze %dma_start3A_2138 : memref<1x128x192xf32, #tpu.memory_space<hbm>> -> memref<128x192xf32, #tpu.memory_space<hbm>>
    tpu.enqueue_dma source(%dma_start3A_2139 : memref<128x192xf32, #tpu.memory_space<hbm>>) target(%dma_start3A_2136 : memref<128x192xf32, #tpu.memory_space<vmem>>) target_semaphore(%arg9 : memref<!tpu.dma_semaphore, #tpu.memory_space<semaphore_mem>>)
    %dma_wait3A_2140 = arith.constant 0 : i32
    %dma_wait3A_2141 = arith.constant 0 : i32
    %dma_wait3A_2142 = tpu.memref_slice %arg5[%dma_wait3A_2140, %dma_wait3A_2141] : memref<130x192xf32, #tpu.memory_space<vmem>> -> memref<128x192xf32, #tpu.memory_space<vmem>>
    %dma_wait3A_2143 = arith.constant 0 : i32
    %dma_wait3A_2144 = tpu.memref_slice %arg2[%select_n3A_2122, %mul3A_2127, %dma_wait3A_2143] : memref<8x16384x192xf32, #tpu.memory_space<hbm>> -> memref<1x128x192xf32, #tpu.memory_space<hbm>>
    %dma_wait3A_2145 = tpu.memref_squeeze %dma_wait3A_2144 : memref<1x128x192xf32, #tpu.memory_space<hbm>> -> memref<128x192xf32, #tpu.memory_space<hbm>>
    %dma_wait3A_2146 = arith.constant 0 : i32
    %dma_wait3A_2147 = arith.constant 0 : i32
    %dma_wait3A_2148 = tpu.memref_slice %arg5[%dma_wait3A_2146, %dma_wait3A_2147] : memref<130x192xf32, #tpu.memory_space<vmem>> -> memref<128x192xf32, #tpu.memory_space<vmem>>
    %dma_wait3A_2149 = arith.constant 0 : i32
    %dma_wait3A_2150 = tpu.memref_slice %arg2[%select_n3A_2122, %mul3A_2127, %dma_wait3A_2149] : memref<8x16384x192xf32, #tpu.memory_space<hbm>> -> memref<1x128x192xf32, #tpu.memory_space<hbm>>
    %dma_wait3A_2151 = tpu.memref_squeeze %dma_wait3A_2150 : memref<1x128x192xf32, #tpu.memory_space<hbm>> -> memref<128x192xf32, #tpu.memory_space<hbm>>
    tpu.wait_dma2 semaphore(%arg9 : memref<!tpu.dma_semaphore, #tpu.memory_space<semaphore_mem>>) src(%dma_wait3A_2151 : memref<128x192xf32, #tpu.memory_space<hbm>>) dst(%dma_wait3A_2148 : memref<128x192xf32, #tpu.memory_space<vmem>>)
    %dma_start3A_2152 = arith.constant 0 : i32
    %dma_start3A_2153 = arith.constant 0 : i32
    %dma_start3A_2154 = tpu.memref_slice %arg4[%select_n3A_2122, %sub3A_2125, %dma_start3A_2152, %dma_start3A_2153] : memref<8x130x130x192xf32, #tpu.memory_space<hbm>> -> memref<1x1x130x192xf32, #tpu.memory_space<hbm>>
    %dma_start3A_2155 = tpu.memref_squeeze %dma_start3A_2154 : memref<1x1x130x192xf32, #tpu.memory_space<hbm>> -> memref<130x192xf32, #tpu.memory_space<hbm>>
    %dma_start3A_2156 = arith.constant 0 : i32
    %dma_start3A_2157 = arith.constant 0 : i32
    %dma_start3A_2158 = tpu.memref_slice %arg4[%select_n3A_2122, %sub3A_2125, %dma_start3A_2156, %dma_start3A_2157] : memref<8x130x130x192xf32, #tpu.memory_space<hbm>> -> memref<1x1x130x192xf32, #tpu.memory_space<hbm>>
    %dma_start3A_2159 = tpu.memref_squeeze %dma_start3A_2158 : memref<1x1x130x192xf32, #tpu.memory_space<hbm>> -> memref<130x192xf32, #tpu.memory_space<hbm>>
    tpu.enqueue_dma source(%arg5 : memref<130x192xf32, #tpu.memory_space<vmem>>) target(%dma_start3A_2159 : memref<130x192xf32, #tpu.memory_space<hbm>>) target_semaphore(%arg11 : memref<!tpu.dma_semaphore, #tpu.memory_space<semaphore_mem>>)
    %mul3A_2160 = arith.constant 32 : i32
    %mul3A_2161 = arith.muli %add3A, %mul3A_2160 : i32
    %add3A_2162 = arith.constant 25 : i32
    %add3A_2163 = arith.addi %mul3A_2161, %add3A_2162 : i32
    %dma_wait3A_2164 = arith.constant 0 : i32
    %dma_wait3A_2165 = arith.constant 0 : i32
    %dma_wait3A_2166 = tpu.memref_slice %arg4[%select_n3A_2049, %sub3A_2052, %dma_wait3A_2164, %dma_wait3A_2165] : memref<8x130x130x192xf32, #tpu.memory_space<hbm>> -> memref<1x1x130x192xf32, #tpu.memory_space<hbm>>
    %dma_wait3A_2167 = tpu.memref_squeeze %dma_wait3A_2166 : memref<1x1x130x192xf32, #tpu.memory_space<hbm>> -> memref<130x192xf32, #tpu.memory_space<hbm>>
    %dma_wait3A_2168 = arith.constant 0 : i32
    %dma_wait3A_2169 = arith.constant 0 : i32
    %dma_wait3A_2170 = tpu.memref_slice %arg4[%select_n3A_2049, %sub3A_2052, %dma_wait3A_2168, %dma_wait3A_2169] : memref<8x130x130x192xf32, #tpu.memory_space<hbm>> -> memref<1x1x130x192xf32, #tpu.memory_space<hbm>>
    %dma_wait3A_2171 = tpu.memref_squeeze %dma_wait3A_2170 : memref<1x1x130x192xf32, #tpu.memory_space<hbm>> -> memref<130x192xf32, #tpu.memory_space<hbm>>
    tpu.wait_dma2 semaphore(%arg12 : memref<!tpu.dma_semaphore, #tpu.memory_space<semaphore_mem>>) src(%arg6 : memref<130x192xf32, #tpu.memory_space<vmem>>) dst(%dma_wait3A_2171 : memref<130x192xf32, #tpu.memory_space<hbm>>)
    %jit3A_2172 = arith.constant 128 : i32
    %div3A_2173 = arith.divsi %add3A_2163, %jit3A_2172 : i32
    %sign3A_2174 = arith.constant 0 : i32
    %sign3A_2175 = arith.cmpi sgt, %add3A_2163, %sign3A_2174 : i32
    %sign3A_2176 = arith.extui %sign3A_2175 : i1 to i32
    %sign3A_2177 = arith.constant 0 : i32
    %sign3A_2178 = arith.cmpi slt, %add3A_2163, %sign3A_2177 : i32
    %sign3A_2179 = arith.extui %sign3A_2178 : i1 to i32
    %sign3A_2180 = arith.subi %sign3A_2176, %sign3A_2179 : i32
    %sign3A_2181 = arith.constant 0 : i32
    %sign3A_2182 = arith.cmpi sgt, %jit3A_2172, %sign3A_2181 : i32
    %sign3A_2183 = arith.extui %sign3A_2182 : i1 to i32
    %sign3A_2184 = arith.constant 0 : i32
    %sign3A_2185 = arith.cmpi slt, %jit3A_2172, %sign3A_2184 : i32
    %sign3A_2186 = arith.extui %sign3A_2185 : i1 to i32
    %sign3A_2187 = arith.subi %sign3A_2183, %sign3A_2186 : i32
    %ne3A_2188 = arith.cmpi ne, %sign3A_2180, %sign3A_2187 : i32
    %rem3A_2189 = arith.remsi %add3A_2163, %jit3A_2172 : i32
    %ne3A_2190 = arith.constant 0 : i32
    %ne3A_2191 = arith.cmpi ne, %rem3A_2189, %ne3A_2190 : i32
    %and3A_2192 = arith.andi %ne3A_2188, %ne3A_2191 : i1
    %sub3A_2193 = arith.constant 1 : i32
    %sub3A_2194 = arith.subi %div3A_2173, %sub3A_2193 : i32
    %select_n3A_2195 = arith.select %and3A_2192, %sub3A_2194, %div3A_2173 : i32
    %mul3A_2196 = arith.constant 128 : i32
    %mul3A_2197 = arith.muli %select_n3A_2195, %mul3A_2196 : i32
    %sub3A_2198 = arith.subi %add3A_2163, %mul3A_2197 : i32
    %mul3A_2199 = arith.constant 128 : i32
    %mul3A_2200 = arith.muli %sub3A_2198, %mul3A_2199 : i32
    %dma_start3A_2201 = arith.constant 0 : i32
    %dma_start3A_2202 = arith.constant 0 : i32
    %dma_start3A_2203 = tpu.memref_slice %arg6[%dma_start3A_2201, %dma_start3A_2202] : memref<130x192xf32, #tpu.memory_space<vmem>> -> memref<128x192xf32, #tpu.memory_space<vmem>>
    %dma_start3A_2204 = arith.constant 0 : i32
    %dma_start3A_2205 = tpu.memref_slice %arg2[%select_n3A_2195, %mul3A_2200, %dma_start3A_2204] : memref<8x16384x192xf32, #tpu.memory_space<hbm>> -> memref<1x128x192xf32, #tpu.memory_space<hbm>>
    %dma_start3A_2206 = tpu.memref_squeeze %dma_start3A_2205 : memref<1x128x192xf32, #tpu.memory_space<hbm>> -> memref<128x192xf32, #tpu.memory_space<hbm>>
    %dma_start3A_2207 = arith.constant 0 : i32
    %dma_start3A_2208 = arith.constant 0 : i32
    %dma_start3A_2209 = tpu.memref_slice %arg6[%dma_start3A_2207, %dma_start3A_2208] : memref<130x192xf32, #tpu.memory_space<vmem>> -> memref<128x192xf32, #tpu.memory_space<vmem>>
    %dma_start3A_2210 = arith.constant 0 : i32
    %dma_start3A_2211 = tpu.memref_slice %arg2[%select_n3A_2195, %mul3A_2200, %dma_start3A_2210] : memref<8x16384x192xf32, #tpu.memory_space<hbm>> -> memref<1x128x192xf32, #tpu.memory_space<hbm>>
    %dma_start3A_2212 = tpu.memref_squeeze %dma_start3A_2211 : memref<1x128x192xf32, #tpu.memory_space<hbm>> -> memref<128x192xf32, #tpu.memory_space<hbm>>
    tpu.enqueue_dma source(%dma_start3A_2212 : memref<128x192xf32, #tpu.memory_space<hbm>>) target(%dma_start3A_2209 : memref<128x192xf32, #tpu.memory_space<vmem>>) target_semaphore(%arg10 : memref<!tpu.dma_semaphore, #tpu.memory_space<semaphore_mem>>)
    %dma_wait3A_2213 = arith.constant 0 : i32
    %dma_wait3A_2214 = arith.constant 0 : i32
    %dma_wait3A_2215 = tpu.memref_slice %arg6[%dma_wait3A_2213, %dma_wait3A_2214] : memref<130x192xf32, #tpu.memory_space<vmem>> -> memref<128x192xf32, #tpu.memory_space<vmem>>
    %dma_wait3A_2216 = arith.constant 0 : i32
    %dma_wait3A_2217 = tpu.memref_slice %arg2[%select_n3A_2195, %mul3A_2200, %dma_wait3A_2216] : memref<8x16384x192xf32, #tpu.memory_space<hbm>> -> memref<1x128x192xf32, #tpu.memory_space<hbm>>
    %dma_wait3A_2218 = tpu.memref_squeeze %dma_wait3A_2217 : memref<1x128x192xf32, #tpu.memory_space<hbm>> -> memref<128x192xf32, #tpu.memory_space<hbm>>
    %dma_wait3A_2219 = arith.constant 0 : i32
    %dma_wait3A_2220 = arith.constant 0 : i32
    %dma_wait3A_2221 = tpu.memref_slice %arg6[%dma_wait3A_2219, %dma_wait3A_2220] : memref<130x192xf32, #tpu.memory_space<vmem>> -> memref<128x192xf32, #tpu.memory_space<vmem>>
    %dma_wait3A_2222 = arith.constant 0 : i32
    %dma_wait3A_2223 = tpu.memref_slice %arg2[%select_n3A_2195, %mul3A_2200, %dma_wait3A_2222] : memref<8x16384x192xf32, #tpu.memory_space<hbm>> -> memref<1x128x192xf32, #tpu.memory_space<hbm>>
    %dma_wait3A_2224 = tpu.memref_squeeze %dma_wait3A_2223 : memref<1x128x192xf32, #tpu.memory_space<hbm>> -> memref<128x192xf32, #tpu.memory_space<hbm>>
    tpu.wait_dma2 semaphore(%arg10 : memref<!tpu.dma_semaphore, #tpu.memory_space<semaphore_mem>>) src(%dma_wait3A_2224 : memref<128x192xf32, #tpu.memory_space<hbm>>) dst(%dma_wait3A_2221 : memref<128x192xf32, #tpu.memory_space<vmem>>)
    %dma_start3A_2225 = arith.constant 0 : i32
    %dma_start3A_2226 = arith.constant 0 : i32
    %dma_start3A_2227 = tpu.memref_slice %arg4[%select_n3A_2195, %sub3A_2198, %dma_start3A_2225, %dma_start3A_2226] : memref<8x130x130x192xf32, #tpu.memory_space<hbm>> -> memref<1x1x130x192xf32, #tpu.memory_space<hbm>>
    %dma_start3A_2228 = tpu.memref_squeeze %dma_start3A_2227 : memref<1x1x130x192xf32, #tpu.memory_space<hbm>> -> memref<130x192xf32, #tpu.memory_space<hbm>>
    %dma_start3A_2229 = arith.constant 0 : i32
    %dma_start3A_2230 = arith.constant 0 : i32
    %dma_start3A_2231 = tpu.memref_slice %arg4[%select_n3A_2195, %sub3A_2198, %dma_start3A_2229, %dma_start3A_2230] : memref<8x130x130x192xf32, #tpu.memory_space<hbm>> -> memref<1x1x130x192xf32, #tpu.memory_space<hbm>>
    %dma_start3A_2232 = tpu.memref_squeeze %dma_start3A_2231 : memref<1x1x130x192xf32, #tpu.memory_space<hbm>> -> memref<130x192xf32, #tpu.memory_space<hbm>>
    tpu.enqueue_dma source(%arg6 : memref<130x192xf32, #tpu.memory_space<vmem>>) target(%dma_start3A_2232 : memref<130x192xf32, #tpu.memory_space<hbm>>) target_semaphore(%arg12 : memref<!tpu.dma_semaphore, #tpu.memory_space<semaphore_mem>>)
    %mul3A_2233 = arith.constant 32 : i32
    %mul3A_2234 = arith.muli %add3A, %mul3A_2233 : i32
    %add3A_2235 = arith.constant 26 : i32
    %add3A_2236 = arith.addi %mul3A_2234, %add3A_2235 : i32
    %dma_wait3A_2237 = arith.constant 0 : i32
    %dma_wait3A_2238 = arith.constant 0 : i32
    %dma_wait3A_2239 = tpu.memref_slice %arg4[%select_n3A_2122, %sub3A_2125, %dma_wait3A_2237, %dma_wait3A_2238] : memref<8x130x130x192xf32, #tpu.memory_space<hbm>> -> memref<1x1x130x192xf32, #tpu.memory_space<hbm>>
    %dma_wait3A_2240 = tpu.memref_squeeze %dma_wait3A_2239 : memref<1x1x130x192xf32, #tpu.memory_space<hbm>> -> memref<130x192xf32, #tpu.memory_space<hbm>>
    %dma_wait3A_2241 = arith.constant 0 : i32
    %dma_wait3A_2242 = arith.constant 0 : i32
    %dma_wait3A_2243 = tpu.memref_slice %arg4[%select_n3A_2122, %sub3A_2125, %dma_wait3A_2241, %dma_wait3A_2242] : memref<8x130x130x192xf32, #tpu.memory_space<hbm>> -> memref<1x1x130x192xf32, #tpu.memory_space<hbm>>
    %dma_wait3A_2244 = tpu.memref_squeeze %dma_wait3A_2243 : memref<1x1x130x192xf32, #tpu.memory_space<hbm>> -> memref<130x192xf32, #tpu.memory_space<hbm>>
    tpu.wait_dma2 semaphore(%arg11 : memref<!tpu.dma_semaphore, #tpu.memory_space<semaphore_mem>>) src(%arg5 : memref<130x192xf32, #tpu.memory_space<vmem>>) dst(%dma_wait3A_2244 : memref<130x192xf32, #tpu.memory_space<hbm>>)
    %jit3A_2245 = arith.constant 128 : i32
    %div3A_2246 = arith.divsi %add3A_2236, %jit3A_2245 : i32
    %sign3A_2247 = arith.constant 0 : i32
    %sign3A_2248 = arith.cmpi sgt, %add3A_2236, %sign3A_2247 : i32
    %sign3A_2249 = arith.extui %sign3A_2248 : i1 to i32
    %sign3A_2250 = arith.constant 0 : i32
    %sign3A_2251 = arith.cmpi slt, %add3A_2236, %sign3A_2250 : i32
    %sign3A_2252 = arith.extui %sign3A_2251 : i1 to i32
    %sign3A_2253 = arith.subi %sign3A_2249, %sign3A_2252 : i32
    %sign3A_2254 = arith.constant 0 : i32
    %sign3A_2255 = arith.cmpi sgt, %jit3A_2245, %sign3A_2254 : i32
    %sign3A_2256 = arith.extui %sign3A_2255 : i1 to i32
    %sign3A_2257 = arith.constant 0 : i32
    %sign3A_2258 = arith.cmpi slt, %jit3A_2245, %sign3A_2257 : i32
    %sign3A_2259 = arith.extui %sign3A_2258 : i1 to i32
    %sign3A_2260 = arith.subi %sign3A_2256, %sign3A_2259 : i32
    %ne3A_2261 = arith.cmpi ne, %sign3A_2253, %sign3A_2260 : i32
    %rem3A_2262 = arith.remsi %add3A_2236, %jit3A_2245 : i32
    %ne3A_2263 = arith.constant 0 : i32
    %ne3A_2264 = arith.cmpi ne, %rem3A_2262, %ne3A_2263 : i32
    %and3A_2265 = arith.andi %ne3A_2261, %ne3A_2264 : i1
    %sub3A_2266 = arith.constant 1 : i32
    %sub3A_2267 = arith.subi %div3A_2246, %sub3A_2266 : i32
    %select_n3A_2268 = arith.select %and3A_2265, %sub3A_2267, %div3A_2246 : i32
    %mul3A_2269 = arith.constant 128 : i32
    %mul3A_2270 = arith.muli %select_n3A_2268, %mul3A_2269 : i32
    %sub3A_2271 = arith.subi %add3A_2236, %mul3A_2270 : i32
    %mul3A_2272 = arith.constant 128 : i32
    %mul3A_2273 = arith.muli %sub3A_2271, %mul3A_2272 : i32
    %dma_start3A_2274 = arith.constant 0 : i32
    %dma_start3A_2275 = arith.constant 0 : i32
    %dma_start3A_2276 = tpu.memref_slice %arg5[%dma_start3A_2274, %dma_start3A_2275] : memref<130x192xf32, #tpu.memory_space<vmem>> -> memref<128x192xf32, #tpu.memory_space<vmem>>
    %dma_start3A_2277 = arith.constant 0 : i32
    %dma_start3A_2278 = tpu.memref_slice %arg2[%select_n3A_2268, %mul3A_2273, %dma_start3A_2277] : memref<8x16384x192xf32, #tpu.memory_space<hbm>> -> memref<1x128x192xf32, #tpu.memory_space<hbm>>
    %dma_start3A_2279 = tpu.memref_squeeze %dma_start3A_2278 : memref<1x128x192xf32, #tpu.memory_space<hbm>> -> memref<128x192xf32, #tpu.memory_space<hbm>>
    %dma_start3A_2280 = arith.constant 0 : i32
    %dma_start3A_2281 = arith.constant 0 : i32
    %dma_start3A_2282 = tpu.memref_slice %arg5[%dma_start3A_2280, %dma_start3A_2281] : memref<130x192xf32, #tpu.memory_space<vmem>> -> memref<128x192xf32, #tpu.memory_space<vmem>>
    %dma_start3A_2283 = arith.constant 0 : i32
    %dma_start3A_2284 = tpu.memref_slice %arg2[%select_n3A_2268, %mul3A_2273, %dma_start3A_2283] : memref<8x16384x192xf32, #tpu.memory_space<hbm>> -> memref<1x128x192xf32, #tpu.memory_space<hbm>>
    %dma_start3A_2285 = tpu.memref_squeeze %dma_start3A_2284 : memref<1x128x192xf32, #tpu.memory_space<hbm>> -> memref<128x192xf32, #tpu.memory_space<hbm>>
    tpu.enqueue_dma source(%dma_start3A_2285 : memref<128x192xf32, #tpu.memory_space<hbm>>) target(%dma_start3A_2282 : memref<128x192xf32, #tpu.memory_space<vmem>>) target_semaphore(%arg9 : memref<!tpu.dma_semaphore, #tpu.memory_space<semaphore_mem>>)
    %dma_wait3A_2286 = arith.constant 0 : i32
    %dma_wait3A_2287 = arith.constant 0 : i32
    %dma_wait3A_2288 = tpu.memref_slice %arg5[%dma_wait3A_2286, %dma_wait3A_2287] : memref<130x192xf32, #tpu.memory_space<vmem>> -> memref<128x192xf32, #tpu.memory_space<vmem>>
    %dma_wait3A_2289 = arith.constant 0 : i32
    %dma_wait3A_2290 = tpu.memref_slice %arg2[%select_n3A_2268, %mul3A_2273, %dma_wait3A_2289] : memref<8x16384x192xf32, #tpu.memory_space<hbm>> -> memref<1x128x192xf32, #tpu.memory_space<hbm>>
    %dma_wait3A_2291 = tpu.memref_squeeze %dma_wait3A_2290 : memref<1x128x192xf32, #tpu.memory_space<hbm>> -> memref<128x192xf32, #tpu.memory_space<hbm>>
    %dma_wait3A_2292 = arith.constant 0 : i32
    %dma_wait3A_2293 = arith.constant 0 : i32
    %dma_wait3A_2294 = tpu.memref_slice %arg5[%dma_wait3A_2292, %dma_wait3A_2293] : memref<130x192xf32, #tpu.memory_space<vmem>> -> memref<128x192xf32, #tpu.memory_space<vmem>>
    %dma_wait3A_2295 = arith.constant 0 : i32
    %dma_wait3A_2296 = tpu.memref_slice %arg2[%select_n3A_2268, %mul3A_2273, %dma_wait3A_2295] : memref<8x16384x192xf32, #tpu.memory_space<hbm>> -> memref<1x128x192xf32, #tpu.memory_space<hbm>>
    %dma_wait3A_2297 = tpu.memref_squeeze %dma_wait3A_2296 : memref<1x128x192xf32, #tpu.memory_space<hbm>> -> memref<128x192xf32, #tpu.memory_space<hbm>>
    tpu.wait_dma2 semaphore(%arg9 : memref<!tpu.dma_semaphore, #tpu.memory_space<semaphore_mem>>) src(%dma_wait3A_2297 : memref<128x192xf32, #tpu.memory_space<hbm>>) dst(%dma_wait3A_2294 : memref<128x192xf32, #tpu.memory_space<vmem>>)
    %dma_start3A_2298 = arith.constant 0 : i32
    %dma_start3A_2299 = arith.constant 0 : i32
    %dma_start3A_2300 = tpu.memref_slice %arg4[%select_n3A_2268, %sub3A_2271, %dma_start3A_2298, %dma_start3A_2299] : memref<8x130x130x192xf32, #tpu.memory_space<hbm>> -> memref<1x1x130x192xf32, #tpu.memory_space<hbm>>
    %dma_start3A_2301 = tpu.memref_squeeze %dma_start3A_2300 : memref<1x1x130x192xf32, #tpu.memory_space<hbm>> -> memref<130x192xf32, #tpu.memory_space<hbm>>
    %dma_start3A_2302 = arith.constant 0 : i32
    %dma_start3A_2303 = arith.constant 0 : i32
    %dma_start3A_2304 = tpu.memref_slice %arg4[%select_n3A_2268, %sub3A_2271, %dma_start3A_2302, %dma_start3A_2303] : memref<8x130x130x192xf32, #tpu.memory_space<hbm>> -> memref<1x1x130x192xf32, #tpu.memory_space<hbm>>
    %dma_start3A_2305 = tpu.memref_squeeze %dma_start3A_2304 : memref<1x1x130x192xf32, #tpu.memory_space<hbm>> -> memref<130x192xf32, #tpu.memory_space<hbm>>
    tpu.enqueue_dma source(%arg5 : memref<130x192xf32, #tpu.memory_space<vmem>>) target(%dma_start3A_2305 : memref<130x192xf32, #tpu.memory_space<hbm>>) target_semaphore(%arg11 : memref<!tpu.dma_semaphore, #tpu.memory_space<semaphore_mem>>)
    %mul3A_2306 = arith.constant 32 : i32
    %mul3A_2307 = arith.muli %add3A, %mul3A_2306 : i32
    %add3A_2308 = arith.constant 27 : i32
    %add3A_2309 = arith.addi %mul3A_2307, %add3A_2308 : i32
    %dma_wait3A_2310 = arith.constant 0 : i32
    %dma_wait3A_2311 = arith.constant 0 : i32
    %dma_wait3A_2312 = tpu.memref_slice %arg4[%select_n3A_2195, %sub3A_2198, %dma_wait3A_2310, %dma_wait3A_2311] : memref<8x130x130x192xf32, #tpu.memory_space<hbm>> -> memref<1x1x130x192xf32, #tpu.memory_space<hbm>>
    %dma_wait3A_2313 = tpu.memref_squeeze %dma_wait3A_2312 : memref<1x1x130x192xf32, #tpu.memory_space<hbm>> -> memref<130x192xf32, #tpu.memory_space<hbm>>
    %dma_wait3A_2314 = arith.constant 0 : i32
    %dma_wait3A_2315 = arith.constant 0 : i32
    %dma_wait3A_2316 = tpu.memref_slice %arg4[%select_n3A_2195, %sub3A_2198, %dma_wait3A_2314, %dma_wait3A_2315] : memref<8x130x130x192xf32, #tpu.memory_space<hbm>> -> memref<1x1x130x192xf32, #tpu.memory_space<hbm>>
    %dma_wait3A_2317 = tpu.memref_squeeze %dma_wait3A_2316 : memref<1x1x130x192xf32, #tpu.memory_space<hbm>> -> memref<130x192xf32, #tpu.memory_space<hbm>>
    tpu.wait_dma2 semaphore(%arg12 : memref<!tpu.dma_semaphore, #tpu.memory_space<semaphore_mem>>) src(%arg6 : memref<130x192xf32, #tpu.memory_space<vmem>>) dst(%dma_wait3A_2317 : memref<130x192xf32, #tpu.memory_space<hbm>>)
    %jit3A_2318 = arith.constant 128 : i32
    %div3A_2319 = arith.divsi %add3A_2309, %jit3A_2318 : i32
    %sign3A_2320 = arith.constant 0 : i32
    %sign3A_2321 = arith.cmpi sgt, %add3A_2309, %sign3A_2320 : i32
    %sign3A_2322 = arith.extui %sign3A_2321 : i1 to i32
    %sign3A_2323 = arith.constant 0 : i32
    %sign3A_2324 = arith.cmpi slt, %add3A_2309, %sign3A_2323 : i32
    %sign3A_2325 = arith.extui %sign3A_2324 : i1 to i32
    %sign3A_2326 = arith.subi %sign3A_2322, %sign3A_2325 : i32
    %sign3A_2327 = arith.constant 0 : i32
    %sign3A_2328 = arith.cmpi sgt, %jit3A_2318, %sign3A_2327 : i32
    %sign3A_2329 = arith.extui %sign3A_2328 : i1 to i32
    %sign3A_2330 = arith.constant 0 : i32
    %sign3A_2331 = arith.cmpi slt, %jit3A_2318, %sign3A_2330 : i32
    %sign3A_2332 = arith.extui %sign3A_2331 : i1 to i32
    %sign3A_2333 = arith.subi %sign3A_2329, %sign3A_2332 : i32
    %ne3A_2334 = arith.cmpi ne, %sign3A_2326, %sign3A_2333 : i32
    %rem3A_2335 = arith.remsi %add3A_2309, %jit3A_2318 : i32
    %ne3A_2336 = arith.constant 0 : i32
    %ne3A_2337 = arith.cmpi ne, %rem3A_2335, %ne3A_2336 : i32
    %and3A_2338 = arith.andi %ne3A_2334, %ne3A_2337 : i1
    %sub3A_2339 = arith.constant 1 : i32
    %sub3A_2340 = arith.subi %div3A_2319, %sub3A_2339 : i32
    %select_n3A_2341 = arith.select %and3A_2338, %sub3A_2340, %div3A_2319 : i32
    %mul3A_2342 = arith.constant 128 : i32
    %mul3A_2343 = arith.muli %select_n3A_2341, %mul3A_2342 : i32
    %sub3A_2344 = arith.subi %add3A_2309, %mul3A_2343 : i32
    %mul3A_2345 = arith.constant 128 : i32
    %mul3A_2346 = arith.muli %sub3A_2344, %mul3A_2345 : i32
    %dma_start3A_2347 = arith.constant 0 : i32
    %dma_start3A_2348 = arith.constant 0 : i32
    %dma_start3A_2349 = tpu.memref_slice %arg6[%dma_start3A_2347, %dma_start3A_2348] : memref<130x192xf32, #tpu.memory_space<vmem>> -> memref<128x192xf32, #tpu.memory_space<vmem>>
    %dma_start3A_2350 = arith.constant 0 : i32
    %dma_start3A_2351 = tpu.memref_slice %arg2[%select_n3A_2341, %mul3A_2346, %dma_start3A_2350] : memref<8x16384x192xf32, #tpu.memory_space<hbm>> -> memref<1x128x192xf32, #tpu.memory_space<hbm>>
    %dma_start3A_2352 = tpu.memref_squeeze %dma_start3A_2351 : memref<1x128x192xf32, #tpu.memory_space<hbm>> -> memref<128x192xf32, #tpu.memory_space<hbm>>
    %dma_start3A_2353 = arith.constant 0 : i32
    %dma_start3A_2354 = arith.constant 0 : i32
    %dma_start3A_2355 = tpu.memref_slice %arg6[%dma_start3A_2353, %dma_start3A_2354] : memref<130x192xf32, #tpu.memory_space<vmem>> -> memref<128x192xf32, #tpu.memory_space<vmem>>
    %dma_start3A_2356 = arith.constant 0 : i32
    %dma_start3A_2357 = tpu.memref_slice %arg2[%select_n3A_2341, %mul3A_2346, %dma_start3A_2356] : memref<8x16384x192xf32, #tpu.memory_space<hbm>> -> memref<1x128x192xf32, #tpu.memory_space<hbm>>
    %dma_start3A_2358 = tpu.memref_squeeze %dma_start3A_2357 : memref<1x128x192xf32, #tpu.memory_space<hbm>> -> memref<128x192xf32, #tpu.memory_space<hbm>>
    tpu.enqueue_dma source(%dma_start3A_2358 : memref<128x192xf32, #tpu.memory_space<hbm>>) target(%dma_start3A_2355 : memref<128x192xf32, #tpu.memory_space<vmem>>) target_semaphore(%arg10 : memref<!tpu.dma_semaphore, #tpu.memory_space<semaphore_mem>>)
    %dma_wait3A_2359 = arith.constant 0 : i32
    %dma_wait3A_2360 = arith.constant 0 : i32
    %dma_wait3A_2361 = tpu.memref_slice %arg6[%dma_wait3A_2359, %dma_wait3A_2360] : memref<130x192xf32, #tpu.memory_space<vmem>> -> memref<128x192xf32, #tpu.memory_space<vmem>>
    %dma_wait3A_2362 = arith.constant 0 : i32
    %dma_wait3A_2363 = tpu.memref_slice %arg2[%select_n3A_2341, %mul3A_2346, %dma_wait3A_2362] : memref<8x16384x192xf32, #tpu.memory_space<hbm>> -> memref<1x128x192xf32, #tpu.memory_space<hbm>>
    %dma_wait3A_2364 = tpu.memref_squeeze %dma_wait3A_2363 : memref<1x128x192xf32, #tpu.memory_space<hbm>> -> memref<128x192xf32, #tpu.memory_space<hbm>>
    %dma_wait3A_2365 = arith.constant 0 : i32
    %dma_wait3A_2366 = arith.constant 0 : i32
    %dma_wait3A_2367 = tpu.memref_slice %arg6[%dma_wait3A_2365, %dma_wait3A_2366] : memref<130x192xf32, #tpu.memory_space<vmem>> -> memref<128x192xf32, #tpu.memory_space<vmem>>
    %dma_wait3A_2368 = arith.constant 0 : i32
    %dma_wait3A_2369 = tpu.memref_slice %arg2[%select_n3A_2341, %mul3A_2346, %dma_wait3A_2368] : memref<8x16384x192xf32, #tpu.memory_space<hbm>> -> memref<1x128x192xf32, #tpu.memory_space<hbm>>
    %dma_wait3A_2370 = tpu.memref_squeeze %dma_wait3A_2369 : memref<1x128x192xf32, #tpu.memory_space<hbm>> -> memref<128x192xf32, #tpu.memory_space<hbm>>
    tpu.wait_dma2 semaphore(%arg10 : memref<!tpu.dma_semaphore, #tpu.memory_space<semaphore_mem>>) src(%dma_wait3A_2370 : memref<128x192xf32, #tpu.memory_space<hbm>>) dst(%dma_wait3A_2367 : memref<128x192xf32, #tpu.memory_space<vmem>>)
    %dma_start3A_2371 = arith.constant 0 : i32
    %dma_start3A_2372 = arith.constant 0 : i32
    %dma_start3A_2373 = tpu.memref_slice %arg4[%select_n3A_2341, %sub3A_2344, %dma_start3A_2371, %dma_start3A_2372] : memref<8x130x130x192xf32, #tpu.memory_space<hbm>> -> memref<1x1x130x192xf32, #tpu.memory_space<hbm>>
    %dma_start3A_2374 = tpu.memref_squeeze %dma_start3A_2373 : memref<1x1x130x192xf32, #tpu.memory_space<hbm>> -> memref<130x192xf32, #tpu.memory_space<hbm>>
    %dma_start3A_2375 = arith.constant 0 : i32
    %dma_start3A_2376 = arith.constant 0 : i32
    %dma_start3A_2377 = tpu.memref_slice %arg4[%select_n3A_2341, %sub3A_2344, %dma_start3A_2375, %dma_start3A_2376] : memref<8x130x130x192xf32, #tpu.memory_space<hbm>> -> memref<1x1x130x192xf32, #tpu.memory_space<hbm>>
    %dma_start3A_2378 = tpu.memref_squeeze %dma_start3A_2377 : memref<1x1x130x192xf32, #tpu.memory_space<hbm>> -> memref<130x192xf32, #tpu.memory_space<hbm>>
    tpu.enqueue_dma source(%arg6 : memref<130x192xf32, #tpu.memory_space<vmem>>) target(%dma_start3A_2378 : memref<130x192xf32, #tpu.memory_space<hbm>>) target_semaphore(%arg12 : memref<!tpu.dma_semaphore, #tpu.memory_space<semaphore_mem>>)
    %mul3A_2379 = arith.constant 32 : i32
    %mul3A_2380 = arith.muli %add3A, %mul3A_2379 : i32
    %add3A_2381 = arith.constant 28 : i32
    %add3A_2382 = arith.addi %mul3A_2380, %add3A_2381 : i32
    %dma_wait3A_2383 = arith.constant 0 : i32
    %dma_wait3A_2384 = arith.constant 0 : i32
    %dma_wait3A_2385 = tpu.memref_slice %arg4[%select_n3A_2268, %sub3A_2271, %dma_wait3A_2383, %dma_wait3A_2384] : memref<8x130x130x192xf32, #tpu.memory_space<hbm>> -> memref<1x1x130x192xf32, #tpu.memory_space<hbm>>
    %dma_wait3A_2386 = tpu.memref_squeeze %dma_wait3A_2385 : memref<1x1x130x192xf32, #tpu.memory_space<hbm>> -> memref<130x192xf32, #tpu.memory_space<hbm>>
    %dma_wait3A_2387 = arith.constant 0 : i32
    %dma_wait3A_2388 = arith.constant 0 : i32
    %dma_wait3A_2389 = tpu.memref_slice %arg4[%select_n3A_2268, %sub3A_2271, %dma_wait3A_2387, %dma_wait3A_2388] : memref<8x130x130x192xf32, #tpu.memory_space<hbm>> -> memref<1x1x130x192xf32, #tpu.memory_space<hbm>>
    %dma_wait3A_2390 = tpu.memref_squeeze %dma_wait3A_2389 : memref<1x1x130x192xf32, #tpu.memory_space<hbm>> -> memref<130x192xf32, #tpu.memory_space<hbm>>
    tpu.wait_dma2 semaphore(%arg11 : memref<!tpu.dma_semaphore, #tpu.memory_space<semaphore_mem>>) src(%arg5 : memref<130x192xf32, #tpu.memory_space<vmem>>) dst(%dma_wait3A_2390 : memref<130x192xf32, #tpu.memory_space<hbm>>)
    %jit3A_2391 = arith.constant 128 : i32
    %div3A_2392 = arith.divsi %add3A_2382, %jit3A_2391 : i32
    %sign3A_2393 = arith.constant 0 : i32
    %sign3A_2394 = arith.cmpi sgt, %add3A_2382, %sign3A_2393 : i32
    %sign3A_2395 = arith.extui %sign3A_2394 : i1 to i32
    %sign3A_2396 = arith.constant 0 : i32
    %sign3A_2397 = arith.cmpi slt, %add3A_2382, %sign3A_2396 : i32
    %sign3A_2398 = arith.extui %sign3A_2397 : i1 to i32
    %sign3A_2399 = arith.subi %sign3A_2395, %sign3A_2398 : i32
    %sign3A_2400 = arith.constant 0 : i32
    %sign3A_2401 = arith.cmpi sgt, %jit3A_2391, %sign3A_2400 : i32
    %sign3A_2402 = arith.extui %sign3A_2401 : i1 to i32
    %sign3A_2403 = arith.constant 0 : i32
    %sign3A_2404 = arith.cmpi slt, %jit3A_2391, %sign3A_2403 : i32
    %sign3A_2405 = arith.extui %sign3A_2404 : i1 to i32
    %sign3A_2406 = arith.subi %sign3A_2402, %sign3A_2405 : i32
    %ne3A_2407 = arith.cmpi ne, %sign3A_2399, %sign3A_2406 : i32
    %rem3A_2408 = arith.remsi %add3A_2382, %jit3A_2391 : i32
    %ne3A_2409 = arith.constant 0 : i32
    %ne3A_2410 = arith.cmpi ne, %rem3A_2408, %ne3A_2409 : i32
    %and3A_2411 = arith.andi %ne3A_2407, %ne3A_2410 : i1
    %sub3A_2412 = arith.constant 1 : i32
    %sub3A_2413 = arith.subi %div3A_2392, %sub3A_2412 : i32
    %select_n3A_2414 = arith.select %and3A_2411, %sub3A_2413, %div3A_2392 : i32
    %mul3A_2415 = arith.constant 128 : i32
    %mul3A_2416 = arith.muli %select_n3A_2414, %mul3A_2415 : i32
    %sub3A_2417 = arith.subi %add3A_2382, %mul3A_2416 : i32
    %mul3A_2418 = arith.constant 128 : i32
    %mul3A_2419 = arith.muli %sub3A_2417, %mul3A_2418 : i32
    %dma_start3A_2420 = arith.constant 0 : i32
    %dma_start3A_2421 = arith.constant 0 : i32
    %dma_start3A_2422 = tpu.memref_slice %arg5[%dma_start3A_2420, %dma_start3A_2421] : memref<130x192xf32, #tpu.memory_space<vmem>> -> memref<128x192xf32, #tpu.memory_space<vmem>>
    %dma_start3A_2423 = arith.constant 0 : i32
    %dma_start3A_2424 = tpu.memref_slice %arg2[%select_n3A_2414, %mul3A_2419, %dma_start3A_2423] : memref<8x16384x192xf32, #tpu.memory_space<hbm>> -> memref<1x128x192xf32, #tpu.memory_space<hbm>>
    %dma_start3A_2425 = tpu.memref_squeeze %dma_start3A_2424 : memref<1x128x192xf32, #tpu.memory_space<hbm>> -> memref<128x192xf32, #tpu.memory_space<hbm>>
    %dma_start3A_2426 = arith.constant 0 : i32
    %dma_start3A_2427 = arith.constant 0 : i32
    %dma_start3A_2428 = tpu.memref_slice %arg5[%dma_start3A_2426, %dma_start3A_2427] : memref<130x192xf32, #tpu.memory_space<vmem>> -> memref<128x192xf32, #tpu.memory_space<vmem>>
    %dma_start3A_2429 = arith.constant 0 : i32
    %dma_start3A_2430 = tpu.memref_slice %arg2[%select_n3A_2414, %mul3A_2419, %dma_start3A_2429] : memref<8x16384x192xf32, #tpu.memory_space<hbm>> -> memref<1x128x192xf32, #tpu.memory_space<hbm>>
    %dma_start3A_2431 = tpu.memref_squeeze %dma_start3A_2430 : memref<1x128x192xf32, #tpu.memory_space<hbm>> -> memref<128x192xf32, #tpu.memory_space<hbm>>
    tpu.enqueue_dma source(%dma_start3A_2431 : memref<128x192xf32, #tpu.memory_space<hbm>>) target(%dma_start3A_2428 : memref<128x192xf32, #tpu.memory_space<vmem>>) target_semaphore(%arg9 : memref<!tpu.dma_semaphore, #tpu.memory_space<semaphore_mem>>)
    %dma_wait3A_2432 = arith.constant 0 : i32
    %dma_wait3A_2433 = arith.constant 0 : i32
    %dma_wait3A_2434 = tpu.memref_slice %arg5[%dma_wait3A_2432, %dma_wait3A_2433] : memref<130x192xf32, #tpu.memory_space<vmem>> -> memref<128x192xf32, #tpu.memory_space<vmem>>
    %dma_wait3A_2435 = arith.constant 0 : i32
    %dma_wait3A_2436 = tpu.memref_slice %arg2[%select_n3A_2414, %mul3A_2419, %dma_wait3A_2435] : memref<8x16384x192xf32, #tpu.memory_space<hbm>> -> memref<1x128x192xf32, #tpu.memory_space<hbm>>
    %dma_wait3A_2437 = tpu.memref_squeeze %dma_wait3A_2436 : memref<1x128x192xf32, #tpu.memory_space<hbm>> -> memref<128x192xf32, #tpu.memory_space<hbm>>
    %dma_wait3A_2438 = arith.constant 0 : i32
    %dma_wait3A_2439 = arith.constant 0 : i32
    %dma_wait3A_2440 = tpu.memref_slice %arg5[%dma_wait3A_2438, %dma_wait3A_2439] : memref<130x192xf32, #tpu.memory_space<vmem>> -> memref<128x192xf32, #tpu.memory_space<vmem>>
    %dma_wait3A_2441 = arith.constant 0 : i32
    %dma_wait3A_2442 = tpu.memref_slice %arg2[%select_n3A_2414, %mul3A_2419, %dma_wait3A_2441] : memref<8x16384x192xf32, #tpu.memory_space<hbm>> -> memref<1x128x192xf32, #tpu.memory_space<hbm>>
    %dma_wait3A_2443 = tpu.memref_squeeze %dma_wait3A_2442 : memref<1x128x192xf32, #tpu.memory_space<hbm>> -> memref<128x192xf32, #tpu.memory_space<hbm>>
    tpu.wait_dma2 semaphore(%arg9 : memref<!tpu.dma_semaphore, #tpu.memory_space<semaphore_mem>>) src(%dma_wait3A_2443 : memref<128x192xf32, #tpu.memory_space<hbm>>) dst(%dma_wait3A_2440 : memref<128x192xf32, #tpu.memory_space<vmem>>)
    %dma_start3A_2444 = arith.constant 0 : i32
    %dma_start3A_2445 = arith.constant 0 : i32
    %dma_start3A_2446 = tpu.memref_slice %arg4[%select_n3A_2414, %sub3A_2417, %dma_start3A_2444, %dma_start3A_2445] : memref<8x130x130x192xf32, #tpu.memory_space<hbm>> -> memref<1x1x130x192xf32, #tpu.memory_space<hbm>>
    %dma_start3A_2447 = tpu.memref_squeeze %dma_start3A_2446 : memref<1x1x130x192xf32, #tpu.memory_space<hbm>> -> memref<130x192xf32, #tpu.memory_space<hbm>>
    %dma_start3A_2448 = arith.constant 0 : i32
    %dma_start3A_2449 = arith.constant 0 : i32
    %dma_start3A_2450 = tpu.memref_slice %arg4[%select_n3A_2414, %sub3A_2417, %dma_start3A_2448, %dma_start3A_2449] : memref<8x130x130x192xf32, #tpu.memory_space<hbm>> -> memref<1x1x130x192xf32, #tpu.memory_space<hbm>>
    %dma_start3A_2451 = tpu.memref_squeeze %dma_start3A_2450 : memref<1x1x130x192xf32, #tpu.memory_space<hbm>> -> memref<130x192xf32, #tpu.memory_space<hbm>>
    tpu.enqueue_dma source(%arg5 : memref<130x192xf32, #tpu.memory_space<vmem>>) target(%dma_start3A_2451 : memref<130x192xf32, #tpu.memory_space<hbm>>) target_semaphore(%arg11 : memref<!tpu.dma_semaphore, #tpu.memory_space<semaphore_mem>>)
    %mul3A_2452 = arith.constant 32 : i32
    %mul3A_2453 = arith.muli %add3A, %mul3A_2452 : i32
    %add3A_2454 = arith.constant 29 : i32
    %add3A_2455 = arith.addi %mul3A_2453, %add3A_2454 : i32
    %dma_wait3A_2456 = arith.constant 0 : i32
    %dma_wait3A_2457 = arith.constant 0 : i32
    %dma_wait3A_2458 = tpu.memref_slice %arg4[%select_n3A_2341, %sub3A_2344, %dma_wait3A_2456, %dma_wait3A_2457] : memref<8x130x130x192xf32, #tpu.memory_space<hbm>> -> memref<1x1x130x192xf32, #tpu.memory_space<hbm>>
    %dma_wait3A_2459 = tpu.memref_squeeze %dma_wait3A_2458 : memref<1x1x130x192xf32, #tpu.memory_space<hbm>> -> memref<130x192xf32, #tpu.memory_space<hbm>>
    %dma_wait3A_2460 = arith.constant 0 : i32
    %dma_wait3A_2461 = arith.constant 0 : i32
    %dma_wait3A_2462 = tpu.memref_slice %arg4[%select_n3A_2341, %sub3A_2344, %dma_wait3A_2460, %dma_wait3A_2461] : memref<8x130x130x192xf32, #tpu.memory_space<hbm>> -> memref<1x1x130x192xf32, #tpu.memory_space<hbm>>
    %dma_wait3A_2463 = tpu.memref_squeeze %dma_wait3A_2462 : memref<1x1x130x192xf32, #tpu.memory_space<hbm>> -> memref<130x192xf32, #tpu.memory_space<hbm>>
    tpu.wait_dma2 semaphore(%arg12 : memref<!tpu.dma_semaphore, #tpu.memory_space<semaphore_mem>>) src(%arg6 : memref<130x192xf32, #tpu.memory_space<vmem>>) dst(%dma_wait3A_2463 : memref<130x192xf32, #tpu.memory_space<hbm>>)
    %jit3A_2464 = arith.constant 128 : i32
    %div3A_2465 = arith.divsi %add3A_2455, %jit3A_2464 : i32
    %sign3A_2466 = arith.constant 0 : i32
    %sign3A_2467 = arith.cmpi sgt, %add3A_2455, %sign3A_2466 : i32
    %sign3A_2468 = arith.extui %sign3A_2467 : i1 to i32
    %sign3A_2469 = arith.constant 0 : i32
    %sign3A_2470 = arith.cmpi slt, %add3A_2455, %sign3A_2469 : i32
    %sign3A_2471 = arith.extui %sign3A_2470 : i1 to i32
    %sign3A_2472 = arith.subi %sign3A_2468, %sign3A_2471 : i32
    %sign3A_2473 = arith.constant 0 : i32
    %sign3A_2474 = arith.cmpi sgt, %jit3A_2464, %sign3A_2473 : i32
    %sign3A_2475 = arith.extui %sign3A_2474 : i1 to i32
    %sign3A_2476 = arith.constant 0 : i32
    %sign3A_2477 = arith.cmpi slt, %jit3A_2464, %sign3A_2476 : i32
    %sign3A_2478 = arith.extui %sign3A_2477 : i1 to i32
    %sign3A_2479 = arith.subi %sign3A_2475, %sign3A_2478 : i32
    %ne3A_2480 = arith.cmpi ne, %sign3A_2472, %sign3A_2479 : i32
    %rem3A_2481 = arith.remsi %add3A_2455, %jit3A_2464 : i32
    %ne3A_2482 = arith.constant 0 : i32
    %ne3A_2483 = arith.cmpi ne, %rem3A_2481, %ne3A_2482 : i32
    %and3A_2484 = arith.andi %ne3A_2480, %ne3A_2483 : i1
    %sub3A_2485 = arith.constant 1 : i32
    %sub3A_2486 = arith.subi %div3A_2465, %sub3A_2485 : i32
    %select_n3A_2487 = arith.select %and3A_2484, %sub3A_2486, %div3A_2465 : i32
    %mul3A_2488 = arith.constant 128 : i32
    %mul3A_2489 = arith.muli %select_n3A_2487, %mul3A_2488 : i32
    %sub3A_2490 = arith.subi %add3A_2455, %mul3A_2489 : i32
    %mul3A_2491 = arith.constant 128 : i32
    %mul3A_2492 = arith.muli %sub3A_2490, %mul3A_2491 : i32
    %dma_start3A_2493 = arith.constant 0 : i32
    %dma_start3A_2494 = arith.constant 0 : i32
    %dma_start3A_2495 = tpu.memref_slice %arg6[%dma_start3A_2493, %dma_start3A_2494] : memref<130x192xf32, #tpu.memory_space<vmem>> -> memref<128x192xf32, #tpu.memory_space<vmem>>
    %dma_start3A_2496 = arith.constant 0 : i32
    %dma_start3A_2497 = tpu.memref_slice %arg2[%select_n3A_2487, %mul3A_2492, %dma_start3A_2496] : memref<8x16384x192xf32, #tpu.memory_space<hbm>> -> memref<1x128x192xf32, #tpu.memory_space<hbm>>
    %dma_start3A_2498 = tpu.memref_squeeze %dma_start3A_2497 : memref<1x128x192xf32, #tpu.memory_space<hbm>> -> memref<128x192xf32, #tpu.memory_space<hbm>>
    %dma_start3A_2499 = arith.constant 0 : i32
    %dma_start3A_2500 = arith.constant 0 : i32
    %dma_start3A_2501 = tpu.memref_slice %arg6[%dma_start3A_2499, %dma_start3A_2500] : memref<130x192xf32, #tpu.memory_space<vmem>> -> memref<128x192xf32, #tpu.memory_space<vmem>>
    %dma_start3A_2502 = arith.constant 0 : i32
    %dma_start3A_2503 = tpu.memref_slice %arg2[%select_n3A_2487, %mul3A_2492, %dma_start3A_2502] : memref<8x16384x192xf32, #tpu.memory_space<hbm>> -> memref<1x128x192xf32, #tpu.memory_space<hbm>>
    %dma_start3A_2504 = tpu.memref_squeeze %dma_start3A_2503 : memref<1x128x192xf32, #tpu.memory_space<hbm>> -> memref<128x192xf32, #tpu.memory_space<hbm>>
    tpu.enqueue_dma source(%dma_start3A_2504 : memref<128x192xf32, #tpu.memory_space<hbm>>) target(%dma_start3A_2501 : memref<128x192xf32, #tpu.memory_space<vmem>>) target_semaphore(%arg10 : memref<!tpu.dma_semaphore, #tpu.memory_space<semaphore_mem>>)
    %dma_wait3A_2505 = arith.constant 0 : i32
    %dma_wait3A_2506 = arith.constant 0 : i32
    %dma_wait3A_2507 = tpu.memref_slice %arg6[%dma_wait3A_2505, %dma_wait3A_2506] : memref<130x192xf32, #tpu.memory_space<vmem>> -> memref<128x192xf32, #tpu.memory_space<vmem>>
    %dma_wait3A_2508 = arith.constant 0 : i32
    %dma_wait3A_2509 = tpu.memref_slice %arg2[%select_n3A_2487, %mul3A_2492, %dma_wait3A_2508] : memref<8x16384x192xf32, #tpu.memory_space<hbm>> -> memref<1x128x192xf32, #tpu.memory_space<hbm>>
    %dma_wait3A_2510 = tpu.memref_squeeze %dma_wait3A_2509 : memref<1x128x192xf32, #tpu.memory_space<hbm>> -> memref<128x192xf32, #tpu.memory_space<hbm>>
    %dma_wait3A_2511 = arith.constant 0 : i32
    %dma_wait3A_2512 = arith.constant 0 : i32
    %dma_wait3A_2513 = tpu.memref_slice %arg6[%dma_wait3A_2511, %dma_wait3A_2512] : memref<130x192xf32, #tpu.memory_space<vmem>> -> memref<128x192xf32, #tpu.memory_space<vmem>>
    %dma_wait3A_2514 = arith.constant 0 : i32
    %dma_wait3A_2515 = tpu.memref_slice %arg2[%select_n3A_2487, %mul3A_2492, %dma_wait3A_2514] : memref<8x16384x192xf32, #tpu.memory_space<hbm>> -> memref<1x128x192xf32, #tpu.memory_space<hbm>>
    %dma_wait3A_2516 = tpu.memref_squeeze %dma_wait3A_2515 : memref<1x128x192xf32, #tpu.memory_space<hbm>> -> memref<128x192xf32, #tpu.memory_space<hbm>>
    tpu.wait_dma2 semaphore(%arg10 : memref<!tpu.dma_semaphore, #tpu.memory_space<semaphore_mem>>) src(%dma_wait3A_2516 : memref<128x192xf32, #tpu.memory_space<hbm>>) dst(%dma_wait3A_2513 : memref<128x192xf32, #tpu.memory_space<vmem>>)
    %dma_start3A_2517 = arith.constant 0 : i32
    %dma_start3A_2518 = arith.constant 0 : i32
    %dma_start3A_2519 = tpu.memref_slice %arg4[%select_n3A_2487, %sub3A_2490, %dma_start3A_2517, %dma_start3A_2518] : memref<8x130x130x192xf32, #tpu.memory_space<hbm>> -> memref<1x1x130x192xf32, #tpu.memory_space<hbm>>
    %dma_start3A_2520 = tpu.memref_squeeze %dma_start3A_2519 : memref<1x1x130x192xf32, #tpu.memory_space<hbm>> -> memref<130x192xf32, #tpu.memory_space<hbm>>
    %dma_start3A_2521 = arith.constant 0 : i32
    %dma_start3A_2522 = arith.constant 0 : i32
    %dma_start3A_2523 = tpu.memref_slice %arg4[%select_n3A_2487, %sub3A_2490, %dma_start3A_2521, %dma_start3A_2522] : memref<8x130x130x192xf32, #tpu.memory_space<hbm>> -> memref<1x1x130x192xf32, #tpu.memory_space<hbm>>
    %dma_start3A_2524 = tpu.memref_squeeze %dma_start3A_2523 : memref<1x1x130x192xf32, #tpu.memory_space<hbm>> -> memref<130x192xf32, #tpu.memory_space<hbm>>
    tpu.enqueue_dma source(%arg6 : memref<130x192xf32, #tpu.memory_space<vmem>>) target(%dma_start3A_2524 : memref<130x192xf32, #tpu.memory_space<hbm>>) target_semaphore(%arg12 : memref<!tpu.dma_semaphore, #tpu.memory_space<semaphore_mem>>)
    %mul3A_2525 = arith.constant 32 : i32
    %mul3A_2526 = arith.muli %add3A, %mul3A_2525 : i32
    %add3A_2527 = arith.constant 30 : i32
    %add3A_2528 = arith.addi %mul3A_2526, %add3A_2527 : i32
    %dma_wait3A_2529 = arith.constant 0 : i32
    %dma_wait3A_2530 = arith.constant 0 : i32
    %dma_wait3A_2531 = tpu.memref_slice %arg4[%select_n3A_2414, %sub3A_2417, %dma_wait3A_2529, %dma_wait3A_2530] : memref<8x130x130x192xf32, #tpu.memory_space<hbm>> -> memref<1x1x130x192xf32, #tpu.memory_space<hbm>>
    %dma_wait3A_2532 = tpu.memref_squeeze %dma_wait3A_2531 : memref<1x1x130x192xf32, #tpu.memory_space<hbm>> -> memref<130x192xf32, #tpu.memory_space<hbm>>
    %dma_wait3A_2533 = arith.constant 0 : i32
    %dma_wait3A_2534 = arith.constant 0 : i32
    %dma_wait3A_2535 = tpu.memref_slice %arg4[%select_n3A_2414, %sub3A_2417, %dma_wait3A_2533, %dma_wait3A_2534] : memref<8x130x130x192xf32, #tpu.memory_space<hbm>> -> memref<1x1x130x192xf32, #tpu.memory_space<hbm>>
    %dma_wait3A_2536 = tpu.memref_squeeze %dma_wait3A_2535 : memref<1x1x130x192xf32, #tpu.memory_space<hbm>> -> memref<130x192xf32, #tpu.memory_space<hbm>>
    tpu.wait_dma2 semaphore(%arg11 : memref<!tpu.dma_semaphore, #tpu.memory_space<semaphore_mem>>) src(%arg5 : memref<130x192xf32, #tpu.memory_space<vmem>>) dst(%dma_wait3A_2536 : memref<130x192xf32, #tpu.memory_space<hbm>>)
    %jit3A_2537 = arith.constant 128 : i32
    %div3A_2538 = arith.divsi %add3A_2528, %jit3A_2537 : i32
    %sign3A_2539 = arith.constant 0 : i32
    %sign3A_2540 = arith.cmpi sgt, %add3A_2528, %sign3A_2539 : i32
    %sign3A_2541 = arith.extui %sign3A_2540 : i1 to i32
    %sign3A_2542 = arith.constant 0 : i32
    %sign3A_2543 = arith.cmpi slt, %add3A_2528, %sign3A_2542 : i32
    %sign3A_2544 = arith.extui %sign3A_2543 : i1 to i32
    %sign3A_2545 = arith.subi %sign3A_2541, %sign3A_2544 : i32
    %sign3A_2546 = arith.constant 0 : i32
    %sign3A_2547 = arith.cmpi sgt, %jit3A_2537, %sign3A_2546 : i32
    %sign3A_2548 = arith.extui %sign3A_2547 : i1 to i32
    %sign3A_2549 = arith.constant 0 : i32
    %sign3A_2550 = arith.cmpi slt, %jit3A_2537, %sign3A_2549 : i32
    %sign3A_2551 = arith.extui %sign3A_2550 : i1 to i32
    %sign3A_2552 = arith.subi %sign3A_2548, %sign3A_2551 : i32
    %ne3A_2553 = arith.cmpi ne, %sign3A_2545, %sign3A_2552 : i32
    %rem3A_2554 = arith.remsi %add3A_2528, %jit3A_2537 : i32
    %ne3A_2555 = arith.constant 0 : i32
    %ne3A_2556 = arith.cmpi ne, %rem3A_2554, %ne3A_2555 : i32
    %and3A_2557 = arith.andi %ne3A_2553, %ne3A_2556 : i1
    %sub3A_2558 = arith.constant 1 : i32
    %sub3A_2559 = arith.subi %div3A_2538, %sub3A_2558 : i32
    %select_n3A_2560 = arith.select %and3A_2557, %sub3A_2559, %div3A_2538 : i32
    %mul3A_2561 = arith.constant 128 : i32
    %mul3A_2562 = arith.muli %select_n3A_2560, %mul3A_2561 : i32
    %sub3A_2563 = arith.subi %add3A_2528, %mul3A_2562 : i32
    %mul3A_2564 = arith.constant 128 : i32
    %mul3A_2565 = arith.muli %sub3A_2563, %mul3A_2564 : i32
    %dma_start3A_2566 = arith.constant 0 : i32
    %dma_start3A_2567 = arith.constant 0 : i32
    %dma_start3A_2568 = tpu.memref_slice %arg5[%dma_start3A_2566, %dma_start3A_2567] : memref<130x192xf32, #tpu.memory_space<vmem>> -> memref<128x192xf32, #tpu.memory_space<vmem>>
    %dma_start3A_2569 = arith.constant 0 : i32
    %dma_start3A_2570 = tpu.memref_slice %arg2[%select_n3A_2560, %mul3A_2565, %dma_start3A_2569] : memref<8x16384x192xf32, #tpu.memory_space<hbm>> -> memref<1x128x192xf32, #tpu.memory_space<hbm>>
    %dma_start3A_2571 = tpu.memref_squeeze %dma_start3A_2570 : memref<1x128x192xf32, #tpu.memory_space<hbm>> -> memref<128x192xf32, #tpu.memory_space<hbm>>
    %dma_start3A_2572 = arith.constant 0 : i32
    %dma_start3A_2573 = arith.constant 0 : i32
    %dma_start3A_2574 = tpu.memref_slice %arg5[%dma_start3A_2572, %dma_start3A_2573] : memref<130x192xf32, #tpu.memory_space<vmem>> -> memref<128x192xf32, #tpu.memory_space<vmem>>
    %dma_start3A_2575 = arith.constant 0 : i32
    %dma_start3A_2576 = tpu.memref_slice %arg2[%select_n3A_2560, %mul3A_2565, %dma_start3A_2575] : memref<8x16384x192xf32, #tpu.memory_space<hbm>> -> memref<1x128x192xf32, #tpu.memory_space<hbm>>
    %dma_start3A_2577 = tpu.memref_squeeze %dma_start3A_2576 : memref<1x128x192xf32, #tpu.memory_space<hbm>> -> memref<128x192xf32, #tpu.memory_space<hbm>>
    tpu.enqueue_dma source(%dma_start3A_2577 : memref<128x192xf32, #tpu.memory_space<hbm>>) target(%dma_start3A_2574 : memref<128x192xf32, #tpu.memory_space<vmem>>) target_semaphore(%arg9 : memref<!tpu.dma_semaphore, #tpu.memory_space<semaphore_mem>>)
    %dma_wait3A_2578 = arith.constant 0 : i32
    %dma_wait3A_2579 = arith.constant 0 : i32
    %dma_wait3A_2580 = tpu.memref_slice %arg5[%dma_wait3A_2578, %dma_wait3A_2579] : memref<130x192xf32, #tpu.memory_space<vmem>> -> memref<128x192xf32, #tpu.memory_space<vmem>>
    %dma_wait3A_2581 = arith.constant 0 : i32
    %dma_wait3A_2582 = tpu.memref_slice %arg2[%select_n3A_2560, %mul3A_2565, %dma_wait3A_2581] : memref<8x16384x192xf32, #tpu.memory_space<hbm>> -> memref<1x128x192xf32, #tpu.memory_space<hbm>>
    %dma_wait3A_2583 = tpu.memref_squeeze %dma_wait3A_2582 : memref<1x128x192xf32, #tpu.memory_space<hbm>> -> memref<128x192xf32, #tpu.memory_space<hbm>>
    %dma_wait3A_2584 = arith.constant 0 : i32
    %dma_wait3A_2585 = arith.constant 0 : i32
    %dma_wait3A_2586 = tpu.memref_slice %arg5[%dma_wait3A_2584, %dma_wait3A_2585] : memref<130x192xf32, #tpu.memory_space<vmem>> -> memref<128x192xf32, #tpu.memory_space<vmem>>
    %dma_wait3A_2587 = arith.constant 0 : i32
    %dma_wait3A_2588 = tpu.memref_slice %arg2[%select_n3A_2560, %mul3A_2565, %dma_wait3A_2587] : memref<8x16384x192xf32, #tpu.memory_space<hbm>> -> memref<1x128x192xf32, #tpu.memory_space<hbm>>
    %dma_wait3A_2589 = tpu.memref_squeeze %dma_wait3A_2588 : memref<1x128x192xf32, #tpu.memory_space<hbm>> -> memref<128x192xf32, #tpu.memory_space<hbm>>
    tpu.wait_dma2 semaphore(%arg9 : memref<!tpu.dma_semaphore, #tpu.memory_space<semaphore_mem>>) src(%dma_wait3A_2589 : memref<128x192xf32, #tpu.memory_space<hbm>>) dst(%dma_wait3A_2586 : memref<128x192xf32, #tpu.memory_space<vmem>>)
    %dma_start3A_2590 = arith.constant 0 : i32
    %dma_start3A_2591 = arith.constant 0 : i32
    %dma_start3A_2592 = tpu.memref_slice %arg4[%select_n3A_2560, %sub3A_2563, %dma_start3A_2590, %dma_start3A_2591] : memref<8x130x130x192xf32, #tpu.memory_space<hbm>> -> memref<1x1x130x192xf32, #tpu.memory_space<hbm>>
    %dma_start3A_2593 = tpu.memref_squeeze %dma_start3A_2592 : memref<1x1x130x192xf32, #tpu.memory_space<hbm>> -> memref<130x192xf32, #tpu.memory_space<hbm>>
    %dma_start3A_2594 = arith.constant 0 : i32
    %dma_start3A_2595 = arith.constant 0 : i32
    %dma_start3A_2596 = tpu.memref_slice %arg4[%select_n3A_2560, %sub3A_2563, %dma_start3A_2594, %dma_start3A_2595] : memref<8x130x130x192xf32, #tpu.memory_space<hbm>> -> memref<1x1x130x192xf32, #tpu.memory_space<hbm>>
    %dma_start3A_2597 = tpu.memref_squeeze %dma_start3A_2596 : memref<1x1x130x192xf32, #tpu.memory_space<hbm>> -> memref<130x192xf32, #tpu.memory_space<hbm>>
    tpu.enqueue_dma source(%arg5 : memref<130x192xf32, #tpu.memory_space<vmem>>) target(%dma_start3A_2597 : memref<130x192xf32, #tpu.memory_space<hbm>>) target_semaphore(%arg11 : memref<!tpu.dma_semaphore, #tpu.memory_space<semaphore_mem>>)
    %mul3A_2598 = arith.constant 32 : i32
    %mul3A_2599 = arith.muli %add3A, %mul3A_2598 : i32
    %add3A_2600 = arith.constant 31 : i32
    %add3A_2601 = arith.addi %mul3A_2599, %add3A_2600 : i32
    %dma_wait3A_2602 = arith.constant 0 : i32
    %dma_wait3A_2603 = arith.constant 0 : i32
    %dma_wait3A_2604 = tpu.memref_slice %arg4[%select_n3A_2487, %sub3A_2490, %dma_wait3A_2602, %dma_wait3A_2603] : memref<8x130x130x192xf32, #tpu.memory_space<hbm>> -> memref<1x1x130x192xf32, #tpu.memory_space<hbm>>
    %dma_wait3A_2605 = tpu.memref_squeeze %dma_wait3A_2604 : memref<1x1x130x192xf32, #tpu.memory_space<hbm>> -> memref<130x192xf32, #tpu.memory_space<hbm>>
    %dma_wait3A_2606 = arith.constant 0 : i32
    %dma_wait3A_2607 = arith.constant 0 : i32
    %dma_wait3A_2608 = tpu.memref_slice %arg4[%select_n3A_2487, %sub3A_2490, %dma_wait3A_2606, %dma_wait3A_2607] : memref<8x130x130x192xf32, #tpu.memory_space<hbm>> -> memref<1x1x130x192xf32, #tpu.memory_space<hbm>>
    %dma_wait3A_2609 = tpu.memref_squeeze %dma_wait3A_2608 : memref<1x1x130x192xf32, #tpu.memory_space<hbm>> -> memref<130x192xf32, #tpu.memory_space<hbm>>
    tpu.wait_dma2 semaphore(%arg12 : memref<!tpu.dma_semaphore, #tpu.memory_space<semaphore_mem>>) src(%arg6 : memref<130x192xf32, #tpu.memory_space<vmem>>) dst(%dma_wait3A_2609 : memref<130x192xf32, #tpu.memory_space<hbm>>)
    %jit3A_2610 = arith.constant 128 : i32
    %div3A_2611 = arith.divsi %add3A_2601, %jit3A_2610 : i32
    %sign3A_2612 = arith.constant 0 : i32
    %sign3A_2613 = arith.cmpi sgt, %add3A_2601, %sign3A_2612 : i32
    %sign3A_2614 = arith.extui %sign3A_2613 : i1 to i32
    %sign3A_2615 = arith.constant 0 : i32
    %sign3A_2616 = arith.cmpi slt, %add3A_2601, %sign3A_2615 : i32
    %sign3A_2617 = arith.extui %sign3A_2616 : i1 to i32
    %sign3A_2618 = arith.subi %sign3A_2614, %sign3A_2617 : i32
    %sign3A_2619 = arith.constant 0 : i32
    %sign3A_2620 = arith.cmpi sgt, %jit3A_2610, %sign3A_2619 : i32
    %sign3A_2621 = arith.extui %sign3A_2620 : i1 to i32
    %sign3A_2622 = arith.constant 0 : i32
    %sign3A_2623 = arith.cmpi slt, %jit3A_2610, %sign3A_2622 : i32
    %sign3A_2624 = arith.extui %sign3A_2623 : i1 to i32
    %sign3A_2625 = arith.subi %sign3A_2621, %sign3A_2624 : i32
    %ne3A_2626 = arith.cmpi ne, %sign3A_2618, %sign3A_2625 : i32
    %rem3A_2627 = arith.remsi %add3A_2601, %jit3A_2610 : i32
    %ne3A_2628 = arith.constant 0 : i32
    %ne3A_2629 = arith.cmpi ne, %rem3A_2627, %ne3A_2628 : i32
    %and3A_2630 = arith.andi %ne3A_2626, %ne3A_2629 : i1
    %sub3A_2631 = arith.constant 1 : i32
    %sub3A_2632 = arith.subi %div3A_2611, %sub3A_2631 : i32
    %select_n3A_2633 = arith.select %and3A_2630, %sub3A_2632, %div3A_2611 : i32
    %mul3A_2634 = arith.constant 128 : i32
    %mul3A_2635 = arith.muli %select_n3A_2633, %mul3A_2634 : i32
    %sub3A_2636 = arith.subi %add3A_2601, %mul3A_2635 : i32
    %mul3A_2637 = arith.constant 128 : i32
    %mul3A_2638 = arith.muli %sub3A_2636, %mul3A_2637 : i32
    %dma_start3A_2639 = arith.constant 0 : i32
    %dma_start3A_2640 = arith.constant 0 : i32
    %dma_start3A_2641 = tpu.memref_slice %arg6[%dma_start3A_2639, %dma_start3A_2640] : memref<130x192xf32, #tpu.memory_space<vmem>> -> memref<128x192xf32, #tpu.memory_space<vmem>>
    %dma_start3A_2642 = arith.constant 0 : i32
    %dma_start3A_2643 = tpu.memref_slice %arg2[%select_n3A_2633, %mul3A_2638, %dma_start3A_2642] : memref<8x16384x192xf32, #tpu.memory_space<hbm>> -> memref<1x128x192xf32, #tpu.memory_space<hbm>>
    %dma_start3A_2644 = tpu.memref_squeeze %dma_start3A_2643 : memref<1x128x192xf32, #tpu.memory_space<hbm>> -> memref<128x192xf32, #tpu.memory_space<hbm>>
    %dma_start3A_2645 = arith.constant 0 : i32
    %dma_start3A_2646 = arith.constant 0 : i32
    %dma_start3A_2647 = tpu.memref_slice %arg6[%dma_start3A_2645, %dma_start3A_2646] : memref<130x192xf32, #tpu.memory_space<vmem>> -> memref<128x192xf32, #tpu.memory_space<vmem>>
    %dma_start3A_2648 = arith.constant 0 : i32
    %dma_start3A_2649 = tpu.memref_slice %arg2[%select_n3A_2633, %mul3A_2638, %dma_start3A_2648] : memref<8x16384x192xf32, #tpu.memory_space<hbm>> -> memref<1x128x192xf32, #tpu.memory_space<hbm>>
    %dma_start3A_2650 = tpu.memref_squeeze %dma_start3A_2649 : memref<1x128x192xf32, #tpu.memory_space<hbm>> -> memref<128x192xf32, #tpu.memory_space<hbm>>
    tpu.enqueue_dma source(%dma_start3A_2650 : memref<128x192xf32, #tpu.memory_space<hbm>>) target(%dma_start3A_2647 : memref<128x192xf32, #tpu.memory_space<vmem>>) target_semaphore(%arg10 : memref<!tpu.dma_semaphore, #tpu.memory_space<semaphore_mem>>)
    %dma_wait3A_2651 = arith.constant 0 : i32
    %dma_wait3A_2652 = arith.constant 0 : i32
    %dma_wait3A_2653 = tpu.memref_slice %arg6[%dma_wait3A_2651, %dma_wait3A_2652] : memref<130x192xf32, #tpu.memory_space<vmem>> -> memref<128x192xf32, #tpu.memory_space<vmem>>
    %dma_wait3A_2654 = arith.constant 0 : i32
    %dma_wait3A_2655 = tpu.memref_slice %arg2[%select_n3A_2633, %mul3A_2638, %dma_wait3A_2654] : memref<8x16384x192xf32, #tpu.memory_space<hbm>> -> memref<1x128x192xf32, #tpu.memory_space<hbm>>
    %dma_wait3A_2656 = tpu.memref_squeeze %dma_wait3A_2655 : memref<1x128x192xf32, #tpu.memory_space<hbm>> -> memref<128x192xf32, #tpu.memory_space<hbm>>
    %dma_wait3A_2657 = arith.constant 0 : i32
    %dma_wait3A_2658 = arith.constant 0 : i32
    %dma_wait3A_2659 = tpu.memref_slice %arg6[%dma_wait3A_2657, %dma_wait3A_2658] : memref<130x192xf32, #tpu.memory_space<vmem>> -> memref<128x192xf32, #tpu.memory_space<vmem>>
    %dma_wait3A_2660 = arith.constant 0 : i32
    %dma_wait3A_2661 = tpu.memref_slice %arg2[%select_n3A_2633, %mul3A_2638, %dma_wait3A_2660] : memref<8x16384x192xf32, #tpu.memory_space<hbm>> -> memref<1x128x192xf32, #tpu.memory_space<hbm>>
    %dma_wait3A_2662 = tpu.memref_squeeze %dma_wait3A_2661 : memref<1x128x192xf32, #tpu.memory_space<hbm>> -> memref<128x192xf32, #tpu.memory_space<hbm>>
    tpu.wait_dma2 semaphore(%arg10 : memref<!tpu.dma_semaphore, #tpu.memory_space<semaphore_mem>>) src(%dma_wait3A_2662 : memref<128x192xf32, #tpu.memory_space<hbm>>) dst(%dma_wait3A_2659 : memref<128x192xf32, #tpu.memory_space<vmem>>)
    %dma_start3A_2663 = arith.constant 0 : i32
    %dma_start3A_2664 = arith.constant 0 : i32
    %dma_start3A_2665 = tpu.memref_slice %arg4[%select_n3A_2633, %sub3A_2636, %dma_start3A_2663, %dma_start3A_2664] : memref<8x130x130x192xf32, #tpu.memory_space<hbm>> -> memref<1x1x130x192xf32, #tpu.memory_space<hbm>>
    %dma_start3A_2666 = tpu.memref_squeeze %dma_start3A_2665 : memref<1x1x130x192xf32, #tpu.memory_space<hbm>> -> memref<130x192xf32, #tpu.memory_space<hbm>>
    %dma_start3A_2667 = arith.constant 0 : i32
    %dma_start3A_2668 = arith.constant 0 : i32
    %dma_start3A_2669 = tpu.memref_slice %arg4[%select_n3A_2633, %sub3A_2636, %dma_start3A_2667, %dma_start3A_2668] : memref<8x130x130x192xf32, #tpu.memory_space<hbm>> -> memref<1x1x130x192xf32, #tpu.memory_space<hbm>>
    %dma_start3A_2670 = tpu.memref_squeeze %dma_start3A_2669 : memref<1x1x130x192xf32, #tpu.memory_space<hbm>> -> memref<130x192xf32, #tpu.memory_space<hbm>>
    tpu.enqueue_dma source(%arg6 : memref<130x192xf32, #tpu.memory_space<vmem>>) target(%dma_start3A_2670 : memref<130x192xf32, #tpu.memory_space<hbm>>) target_semaphore(%arg12 : memref<!tpu.dma_semaphore, #tpu.memory_space<semaphore_mem>>)
    %dma_wait3A_2671 = arith.constant 0 : i32
    %dma_wait3A_2672 = arith.constant 0 : i32
    %dma_wait3A_2673 = tpu.memref_slice %arg4[%select_n3A_2560, %sub3A_2563, %dma_wait3A_2671, %dma_wait3A_2672] : memref<8x130x130x192xf32, #tpu.memory_space<hbm>> -> memref<1x1x130x192xf32, #tpu.memory_space<hbm>>
    %dma_wait3A_2674 = tpu.memref_squeeze %dma_wait3A_2673 : memref<1x1x130x192xf32, #tpu.memory_space<hbm>> -> memref<130x192xf32, #tpu.memory_space<hbm>>
    %dma_wait3A_2675 = arith.constant 0 : i32
    %dma_wait3A_2676 = arith.constant 0 : i32
    %dma_wait3A_2677 = tpu.memref_slice %arg4[%select_n3A_2560, %sub3A_2563, %dma_wait3A_2675, %dma_wait3A_2676] : memref<8x130x130x192xf32, #tpu.memory_space<hbm>> -> memref<1x1x130x192xf32, #tpu.memory_space<hbm>>
    %dma_wait3A_2678 = tpu.memref_squeeze %dma_wait3A_2677 : memref<1x1x130x192xf32, #tpu.memory_space<hbm>> -> memref<130x192xf32, #tpu.memory_space<hbm>>
    tpu.wait_dma2 semaphore(%arg11 : memref<!tpu.dma_semaphore, #tpu.memory_space<semaphore_mem>>) src(%arg5 : memref<130x192xf32, #tpu.memory_space<vmem>>) dst(%dma_wait3A_2678 : memref<130x192xf32, #tpu.memory_space<hbm>>)
    %dma_wait3A_2679 = arith.constant 0 : i32
    %dma_wait3A_2680 = arith.constant 0 : i32
    %dma_wait3A_2681 = tpu.memref_slice %arg4[%select_n3A_2633, %sub3A_2636, %dma_wait3A_2679, %dma_wait3A_2680] : memref<8x130x130x192xf32, #tpu.memory_space<hbm>> -> memref<1x1x130x192xf32, #tpu.memory_space<hbm>>
    %dma_wait3A_2682 = tpu.memref_squeeze %dma_wait3A_2681 : memref<1x1x130x192xf32, #tpu.memory_space<hbm>> -> memref<130x192xf32, #tpu.memory_space<hbm>>
    %dma_wait3A_2683 = arith.constant 0 : i32
    %dma_wait3A_2684 = arith.constant 0 : i32
    %dma_wait3A_2685 = tpu.memref_slice %arg4[%select_n3A_2633, %sub3A_2636, %dma_wait3A_2683, %dma_wait3A_2684] : memref<8x130x130x192xf32, #tpu.memory_space<hbm>> -> memref<1x1x130x192xf32, #tpu.memory_space<hbm>>
    %dma_wait3A_2686 = tpu.memref_squeeze %dma_wait3A_2685 : memref<1x1x130x192xf32, #tpu.memory_space<hbm>> -> memref<130x192xf32, #tpu.memory_space<hbm>>
    tpu.wait_dma2 semaphore(%arg12 : memref<!tpu.dma_semaphore, #tpu.memory_space<semaphore_mem>>) src(%arg6 : memref<130x192xf32, #tpu.memory_space<vmem>>) dst(%dma_wait3A_2686 : memref<130x192xf32, #tpu.memory_space<hbm>>)
    %lt3A_2687 = arith.constant 16 : i32
    %lt3A_2688 = arith.cmpi slt, %add3A, %lt3A_2687 : i32
    %convert_element_type3A_2689 = arith.extui %lt3A_2688 : i1 to i32
    %cond3A_2690 = arith.constant 0 : i32
    %cond3A_2691 = arith.cmpi ne, %convert_element_type3A_2689, %cond3A_2690 : i32
    scf.if %cond3A_2691 {
      %dma_wait3A_2692 = arith.constant 0 : i32
      %dma_wait3A_2693 = arith.constant 0 : i32
      %dma_wait3A_2694 = arith.constant 0 : i32
      %dma_wait3A_2695 = arith.constant 0 : i32
      %dma_wait3A_2696 = tpu.memref_slice %arg4[%dma_wait3A_2692, %dma_wait3A_2693, %dma_wait3A_2694, %dma_wait3A_2695] : memref<8x130x130x192xf32, #tpu.memory_space<hbm>> -> memref<1x1x130x192xf32, #tpu.memory_space<hbm>>
      %dma_wait3A_2697 = tpu.memref_squeeze %dma_wait3A_2696 : memref<1x1x130x192xf32, #tpu.memory_space<hbm>> -> memref<130x192xf32, #tpu.memory_space<hbm>>
      %dma_wait3A_2698 = arith.constant 0 : i32
      %dma_wait3A_2699 = arith.constant 0 : i32
      %dma_wait3A_2700 = tpu.memref_slice %arg4[%dma_wait3A_2692, %dma_wait3A_2693, %dma_wait3A_2698, %dma_wait3A_2699] : memref<8x130x130x192xf32, #tpu.memory_space<hbm>> -> memref<1x1x130x192xf32, #tpu.memory_space<hbm>>
      %dma_wait3A_2701 = tpu.memref_squeeze %dma_wait3A_2700 : memref<1x1x130x192xf32, #tpu.memory_space<hbm>> -> memref<130x192xf32, #tpu.memory_space<hbm>>
      tpu.wait_dma2 semaphore(%arg13 : memref<!tpu.dma_semaphore, #tpu.memory_space<semaphore_mem>>) src(%arg7 : memref<130x192xf32, #tpu.memory_space<vmem>>) dst(%dma_wait3A_2701 : memref<130x192xf32, #tpu.memory_space<hbm>>)
    } else {
    }
    return
  }
}

</mosaic_0001>

<sc_bundles>
// kernel: _scatter_pad.3.cloned.1.call-start
scs
__scs_entry_jumppad:
0x0: {  	(pc) =	sbr.rel $0x88, $3  }
0x1: {  	(tag) =	ssettag $0x0;
	lr =	simm.s32 $0x1  }
0x2: {  	[smem:$0x3F9F] =	sst lr;
	_ =	strace $0xD0000000  }
0x3: {  	_ = 	snop  }
0x4: {  	_ = 	snop  }
0x5: {  	_ = 	snop  }
0x6: {  	_ = 	snop  }
0x7: {  	_ = 	snop  }
__scs_overlays_trampoline_lowered:
0x8: {  	[smem:$0x3FAE] =	sst s0  }
0x9: {  	[smem:$0x3FAF] =	sst s1  }
0xa: {  	[smem:$0x3FB0] =	sst s2  }
0xb: {  	[smem:$0x3FB1] =	sst s3  }
0xc: {  	[smem:$0x3FB2] =	sst s4  }
0xd: {  	[smem:$0x3FB3] =	sst s5  }
0xe: {  	[smem:$0x3FB4] =	sst s6  }
0xf: {  	[smem:$0x3FB5] =	sst s7  }
0x10: {  	[smem:$0x3FB6] =	sst s8  }
0x11: {  	[smem:$0x3FB7] =	sst s9;
	s0 =	simm.s32 @!p0 $0x0  }
0x12: {  	s1 =	sld [smem:$0x3F9D];
	s0 =	simm.s32 @p0 $0x1  }
0x13: {  	[smem:$0x3FB8] =	sst s0;
	s0 =	simm.s32 @!p1 $0x0  }
0x14: {  	s2 =	sld [smem:$0x3F9C];
	s0 =	simm.s32 @p1 $0x1  }
0x15: {  	[smem:$0x3FB9] =	sst s0;
	s0 =	simm.s32 @!p2 $0x0  }
0x16: {  	s3 =	sld [smem:$0x3FDB];
	s0 =	simm.s32 @p2 $0x1  }
0x17: {  	s4 =	simm.s32 $0x1BF5;
	[smem:$0x3FBB] =	sst s0  }
0x18: {  	s0 =	sld [smem:$0x3F9E];
	_ =	swait.ge [sflag:s4], $0x0  }
0x19: {  	s7 =	sld [smem:$0x3F9F]  }
0x1a: {  	s8 =	sadd.s32 $0xFFFFE003, lr  }
0x1b: {  	s9 =	sadd.s32 $0xFFFFFEF7, lr;
	s5 =	simm.s32 $0xFFFFFFFF;
	p2 =	slt.u32 s8, $0xFFFFF086  }
0x1c: {  	p1 =	slt.u32 s9, $0xF7A;
	s5 =	simm.s32 @!p2 $0x0  }
0x1d: {  	s5 =	simm.s32 @p1 $0x1;
	p0 =	seq.s32 s7, s2  }
0x1e: {  	s7 =	smul.u32 @!p0 $0xF7A, s2;
	p2 =	seq.s32 @!p0 s5, $0x0  }
0x1f: {  	s9 =	smul.u32 $0xF7A, s1;
	s8 =	simm.s32 @!p0 $0x1BF5;
	p2 =	por !p2, p0  }
0x20: {  	[sflag:s8] =	ssyncset.s32 @!p0 $0xFFFFF086;
	s6 =	sadd.s32 @!p0 s3, s7;
	s7 =	simm.s32 @!p0 $0x108  }
0x21: {  	s3 =	sadd.s32 s3, s9;
	s6 =	sadd.s32 @!p0 $0x88, s6;
	s7 =	simm.s32 @p2 $0x1082  }
0x22: {  	[simem:s7], [sflag:s8] =	dma.local @!p0 [hbm:s6], $0xF7A  }
0x23: {  	s9 =	sor.u32 $0xD0000000, s2;
	s6 =	simm.s32 $0x108;
	_ =	swait.ge @!p0 [sflag:s8], $0x0  }
0x24: {  	s3 =	sadd.s32 $0x88, s3;
	s6 =	simm.s32 @!p1 $0x1082;
	[sflag:s4] =	ssyncset.s32 $0xFFFFF086  }
0x25: {  	[simem:s6], [sflag:s4] =	dma.local [hbm:s3], $0xF7A  }
0x26: {  	[smem:$0x3F9F] =	sst s1;
	(tag) =	ssettag s2;
	_ =	strace s9  }
0x27: {  	s1 =	sld [smem:$0x3FAF]  }
0x28: {  	s2 =	sld [smem:$0x3FB0]  }
0x29: {  	s4 =	sld [smem:$0x3FB2]  }
0x2a: {  	p0 =	seq.s32 s5, $0x0;
	s5 =	sld [smem:$0x3FB3]  }
0x2b: {  	s6 =	sld [smem:$0x3FB4]  }
0x2c: {  	s7 =	sld [smem:$0x3FB5]  }
0x2d: {  	s3 =	simm.s32 $0x108;
	s8 =	sld [smem:$0x3FB6]  }
0x2e: {  	s3 =	simm.s32 @!p0 $0x1082;
	s9 =	sld [smem:$0x3FB7]  }
0x2f: {  	lr =	sadd.s32 s0, s3;
	s0 =	sld [smem:$0x3FAE]  }
0x30: {  	s3 =	sld [smem:$0x3FB1]  }
0x31: {  	[smem:$0x3FBA] =	sst s10  }
0x32: {  	s10 =	sld [smem:$0x3FB8];
	_ =	sdelay $0x3  }
0x33: {  	p0 =	seq.s32 s10, $0x1;
	s10 =	sld [smem:$0x3FBA];
	_ =	sdelay $0x3  }
0x34: {  	[smem:$0x3FBA] =	sst s10  }
0x35: {  	s10 =	sld [smem:$0x3FB9];
	_ =	sdelay $0x3  }
0x36: {  	p1 =	seq.s32 s10, $0x1;
	s10 =	sld [smem:$0x3FBA];
	_ =	sdelay $0x3  }
0x37: {  	[smem:$0x3FBA] =	sst s10  }
0x38: {  	s10 =	sld [smem:$0x3FBB]  }
0x39: {  	_ = 	snop;
	(pc) =	sbr.ind lr, $3  }
0x3a: {  	_ = 	snop  }
0x3b: {  	_ = 	snop  }
0x3c: {  	p2 =	seq.s32 s10, $0x1;
	s10 =	sld [smem:$0x3FBA]  }
0x3d: {  	_ =	shalt  }
0x3e: {  	_ =	shalt  }
0x3f: {  	_ =	shalt  }
0x40: {  	_ =	shalt  }
0x41: {  	_ =	shalt  }
0x42: {  	_ =	shalt  }
0x43: {  	_ =	shalt  }
0x44: {  	_ =	shalt  }
0x45: {  	_ =	shalt  }
0x46: {  	_ =	shalt  }
0x47: {  	_ =	shalt  }
0x48: {  	_ =	shalt  }
0x49: {  	_ =	shalt  }
0x4a: {  	_ =	shalt  }
0x4b: {  	_ =	shalt  }
0x4c: {  	_ =	shalt  }
0x4d: {  	_ =	shalt  }
0x4e: {  	_ =	shalt  }
0x4f: {  	_ =	shalt  }
0x50: {  	_ =	shalt  }
0x51: {  	_ =	shalt  }
0x52: {  	_ =	shalt  }
0x53: {  	_ =	shalt  }
0x54: {  	_ =	shalt  }
0x55: {  	_ =	shalt  }
0x56: {  	_ =	shalt  }
0x57: {  	_ =	shalt  }
0x58: {  	_ =	shalt  }
0x59: {  	_ =	shalt  }
0x5a: {  	_ =	shalt  }
0x5b: {  	_ =	shalt  }
0x5c: {  	_ =	shalt  }
0x5d: {  	_ =	shalt  }
0x5e: {  	_ =	shalt  }
0x5f: {  	_ =	shalt  }
0x60: {  	_ =	shalt  }
0x61: {  	_ =	shalt  }
0x62: {  	_ =	shalt  }
0x63: {  	_ =	shalt  }
0x64: {  	_ =	shalt  }
0x65: {  	_ =	shalt  }
0x66: {  	_ =	shalt  }
0x67: {  	_ =	shalt  }
0x68: {  	_ =	shalt  }
0x69: {  	_ =	shalt  }
0x6a: {  	_ =	shalt  }
0x6b: {  	_ =	shalt  }
0x6c: {  	_ =	shalt  }
0x6d: {  	_ =	shalt  }
0x6e: {  	_ =	shalt  }
0x6f: {  	_ =	shalt  }
0x70: {  	_ =	shalt  }
0x71: {  	_ =	shalt  }
0x72: {  	_ =	shalt  }
0x73: {  	_ =	shalt  }
0x74: {  	_ =	shalt  }
0x75: {  	_ =	shalt  }
0x76: {  	_ =	shalt  }
0x77: {  	_ =	shalt  }
0x78: {  	_ =	shalt  }
0x79: {  	_ =	shalt  }
0x7a: {  	_ =	shalt  }
0x7b: {  	_ =	shalt  }
0x7c: {  	_ =	shalt  }
0x7d: {  	_ =	shalt  }
0x7e: {  	_ =	shalt  }
0x7f: {  	_ =	shalt  }
0x80: {  	_ =	shalt  }
0x81: {  	_ =	shalt  }
0x82: {  	_ =	shalt  }
0x83: {  	_ =	shalt  }
0x84: {  	_ =	shalt  }
0x85: {  	_ =	shalt  }
0x86: {  	_ =	shalt  }
0x87: {  	_ =	shalt  }
.Lfunc_end0:
.L_simem_size_0:
called_computation.1_lowered:
.L_overlay_start_0:
0x88: {  	s2 =	sld [smem:$0x3FD9]  }
0x89: {  	s3 =	sld [smem:$0x3FFE];
	_ =	sdelay $0x1  }
0x8a: {  	s1 =	srdreg.scid  }
0x8b: {  	s0 =	sand.u32 $0x1, s1  }
0x8c: {  	s17 =	sshll.u32 s0, $0xA;
	s2 =	sadd.s32 s3, s2  }
0x8d: {  	s2 =	sadd.s32 s2, s17  }
0x8e: {  	[smem:$0x3FC6] =	sst s2  }
0x8f: {  	_ = 	snop  }
0x90: {  	s2 =	sld [smem:$0x3FC8];
	(tm) =	ssettm $0x1  }
0x91: {  	s18 =	sld [smem:$0x3FFB];
	_ =	sdelay $0x3  }
0x92: {  	_ =	strace s18  }
0x93: {  	s3 =	sld [smem:$0x3FFC];
	_ =	sdelay $0x3  }
0x94: {  	_ =	strace s3  }
0x95: {  	s3 =	sld [smem:$0x3FFD];
	_ =	sdelay $0x3  }
0x96: {  	_ =	strace s3  }
0x97: {  	_ =	strace $0x8FFFFFFF  }
0x98: {  	s19 =	sld [smem:$0x3FDB];
	_ =	sdelay $0x1  }
0x99: {  	s4 =	simm.s32 $_scs_section_size  }
0x9a: {  	s5 =	simm.s32 $_size__tile_overlayer_lowered;
	s6 =	simm.s32 $_tile_overlayer_lowered  }
0x9b: {  	s22 =	simm.s32 $0x1BFF;
	s21 =	sshll.u32 s6, $0x1;
	s3 =	sadd.s32 s4, s19  }
0x9c: {  	s7 =	simm.s32 $0x0;
	s20 =	sshll.u32 s5, $0x1;
	s5 =	sadd.s32 s21, s3  }
0x9d: {  	[timem:s7], [sflag:s22] =	dma.local [hbm:s5], s20  }
0x9e: {  	_ =	swait.ge [sflag:s22], s20  }
0x9f: {  	s4 =	ssub.s32 $0x0, s20;
	[sflag:s22] =	ssyncset.done $0x0  }
0xa0: {  	[sflag:s22] =	ssyncadd.s32 s4;
	_ =	sdelay $0x1  }
0xa1: {  	s23 =	simm.s32 $0x1B8B  }
0xa2: {  	_ =	swait.ge [sflag:s23], $0x1  }
0xa3: {  	[sflag:s23] =	ssyncset.done $0x0  }
0xa4: {  	s25 =	simm.s32 $0x1B8E;
	s24 =	sld [smem:$0x3FFE];
	[sflag:s23] =	ssyncadd.s32 $0xFFFFFFFF  }
0xa5: {  	s26 =	simm.s32 $execute0_lowered;
	[smem:$0x3FD2] =	sst s25  }
0xa6: {  	s5 =	sshll.u32 s26, $0x1;
	_ =	strace $0x80000046;
	[dreg:$0x1] =	wrdreg $0xFFFFFFFF  }
0xa7: {  	s28 =	simm.s32 $_size_execute0_lowered;
	s3 =	sadd.s32 s3, s5;
	[dreg:$0x0] =	wrdreg $0x0  }
0xa8: {  	s5 =	sshll.u32 s28, $0x1;
	[dreg:$0x2] =	wrdreg s3  }
0xa9: {  	[dreg:$0x3] =	wrdreg s5  }
0xaa: {  	[dreg:$0x4] =	wrdreg $0xC0  }
0xab: {  	_ =	task [dreg:s7], $0x5FFFF  }
0xac: {  	[dreg:$0x1] =	wrdreg $0xFFFFFFFF  }
0xad: {  	[dreg:$0x0] =	wrdreg $0x60  }
0xae: {  	[dreg:$0x2] =	wrdreg s24  }
0xaf: {  	[dreg:$0x3] =	wrdreg s2  }
0xb0: {  	[dreg:$0x4] =	wrdreg $0x9  }
0xb1: {  	_ =	task.clear_ibuf [dreg:s7], $0x5FFFF;
	_ =	strace $0x90000046  }
0xb2: {  	s29 =	simm.s32 $0x9;
	_ =	strace $0x80000048  }
0xb3: {  	_ =	swait.ge [sflag:s29], $0x1  }
0xb4: {  	[sflag:s29] =	ssyncadd.s32 $0xFFFFFFFF  }
0xb5: {  	_ =	strace $0x90000048  }
0xb6: {  	_ =	sfence  }
0xb7: {  	s30 =	sld [smem:$0x0];
	_ =	sdelay $0x2  }
0xb8: {  	s31 =	sshll.u32 s1, $0xD;
	s1 =	sshrl.u32 s1, $0x2  }
0xb9: {  	s3 =	sand.u32 $0x4000, s31;
	s1 =	sadd.s32 s1, s30  }
0xba: {  	s0 =	sor.u32 s3, s0;
	s1 =	sshll.u32 s1, $0x11  }
0xbb: {  	s0 =	sor.u32 s1, s0  }
0xbc: {  	s0 =	sadd.s32 $0x8F2B, s0  }
0xbd: {  	[sflag:s0] =	ssyncadd.remote.s32 $0x1  }
0xbe: {  	_ =	sfence.sel $0xFFFF  }
0xbf: {  	[dreg:$0x0] =	wrdreg $0xFFFFFFFF;
	(pc) =	sbr.abs _section_cstart, $3  }
0xc0: {  	[dreg:$0x1] =	wrdreg $0xFFFFFFFF  }
0xc1: {  	_ =	task.clear_ibuf [dreg:s7], $0x2FFFF;
	_ =	strace $0x9FFFFFFF  }
0xc2: {  	(tm) =	ssettm $0x7FFFFFFF  }
0xc3: {  	_ =	shalt  }
tec
execute0_lowered:
.L_overlay_start_1:
0x0: {  	(tag) =	ssettag $0x1  }
0x1: {  	s0 =	srdreg.scid;
	s5 =	stileid.u32  }
0x2: {  	s1 =	sand.u32 $0x1, s0;
	s25 =	sshll.u32 s5, $0x1  }
0x3: {  	s10 =	sor.u32 s1, s25  }
0x4: {  	p1 =	seq.s32 s1, $0x1;
	p0 =	seq.s32 s10, $0x0  }
0x5: {  	p0 =	por !p0, !p1  }
0x6: {  	s2 =	simm.s32 $0x1;
	s1 =	ssub.s32 $0x2, s1;
	p0 =	por !p0, !p0  }
0x7: {  	s7 =	sshrl.u32 s5, $0x1;
	s4 =	sshrl.u32 s1, $0x1;
	s2 =	simm.s32 @!p0 $0x0  }
0x8: {  	s1 =	ssub.s32 s1, s4;
	s4 =	sshll.u32 s10, $0x5;
	s2 =	ssub.s32 s5, s2  }
0x9: {  	[smem:$0x7FC] =	sst s1;
	s26 =	sor.u32 $0x1, s4;
	s3 =	sshll.u32 s2, $0x1  }
0xa: {  	s0 =	sor.u32 $0x2, s4;
	s2 =	smul.u32 $0x451000, s2;
	s3 =	ssub.s32 s10, s3  }
0xb: {  	s1 =	sor.u32 $0x3, s4;
	s6 =	sor.u32 $0x4, s4;
	s3 =	smul.u32 $0x8800, s3  }
0xc: {  	s9 =	sor.u32 $0x5, s4;
	s12 =	sor.u32 $0x6, s4;
	s14 =	sor.u32 $0x7, s4  }
0xd: {  	s15 =	sor.u32 $0x8, s4;
	s2 =	sadd.s32 s3, s2;
	s3 =	sshll.u32 s7, $0x7  }
0xe: {  	s16 =	sor.u32 $0x9, s4;
	[smem:$0x7D7] =	sst s2;
	s11 =	ssub.s32 s26, s3  }
0xf: {  	s17 =	sor.u32 $0xA, s4;
	s2 =	ssub.s32 s0, s3;
	[smem:$0x7B6] =	sst s11  }
0x10: {  	s19 =	sor.u32 $0xB, s4;
	s29 =	ssub.s32 s1, s3;
	[smem:$0x7AD] =	sst s2  }
0x11: {  	s20 =	sor.u32 $0xC, s4;
	s8 =	ssub.s32 s6, s3;
	[smem:$0x7B8] =	sst s29  }
0x12: {  	s22 =	sor.u32 $0xD, s4;
	s13 =	ssub.s32 s9, s3;
	[smem:$0x7AE] =	sst s8  }
0x13: {  	s23 =	sor.u32 $0xE, s4;
	s31 =	ssub.s32 s12, s3;
	[smem:$0x7AF] =	sst s13  }
0x14: {  	s24 =	sor.u32 $0xF, s4;
	s18 =	ssub.s32 s15, s3;
	[smem:$0x7BB] =	sst s31  }
0x15: {  	s5 =	sor.u32 $0x11, s4;
	s26 =	ssub.s32 s16, s3;
	[smem:$0x7BE] =	sst s18  }
0x16: {  	s17 =	ssub.s32 s17, s3;
	s16 =	ssub.s32 s19, s3;
	[smem:$0x7C0] =	sst s26  }
0x17: {  	s21 =	ssub.s32 s20, s3;
	s15 =	ssub.s32 s22, s3;
	[smem:$0x7C1] =	sst s17  }
0x18: {  	s25 =	ssub.s32 s23, s3;
	s19 =	ssub.s32 s24, s3;
	[smem:$0x7C4] =	sst s16  }
0x19: {  	s1 =	sor.u32 $0x10, s4;
	s6 =	sor.u32 $0x12, s4;
	[smem:$0x7C5] =	sst s21  }
0x1a: {  	s9 =	sor.u32 $0x13, s4;
	s12 =	sor.u32 $0x14, s4;
	[smem:$0x7C7] =	sst s15  }
0x1b: {  	s20 =	sor.u32 $0x15, s4;
	s13 =	ssub.s32 s14, s3;
	[smem:$0x7B0] =	sst s25  }
0x1c: {  	s22 =	sor.u32 $0x17, s4;
	s8 =	ssub.s32 s5, s3;
	[smem:$0x7BD] =	sst s13  }
0x1d: {  	s23 =	sor.u32 $0x18, s4;
	s28 =	ssub.s32 s6, s3;
	[smem:$0x7B1] =	sst s8  }
0x1e: {  	s24 =	sor.u32 $0x19, s4;
	s9 =	ssub.s32 s9, s3;
	[smem:$0x7DA] =	sst s28  }
0x1f: {  	s12 =	ssub.s32 s12, s3;
	s21 =	sor.u32 $0x16, s4;
	[smem:$0x7DB] =	sst s9  }
0x20: {  	s0 =	sor.u32 $0x1B, s4;
	[smem:$0x7DC] =	sst s12;
	s21 =	ssub.s32 s21, s3  }
0x21: {  	s14 =	ssub.s32 s1, s3;
	s8 =	ssub.s32 s22, s3;
	[smem:$0x7DD] =	sst s21  }
0x22: {  	s25 =	sor.u32 $0x1A, s4;
	s22 =	ssub.s32 s23, s3;
	[smem:$0x7DE] =	sst s8  }
0x23: {  	s20 =	ssub.s32 s20, s3;
	s2 =	ssub.s32 s25, s3;
	[smem:$0x7DF] =	sst s22  }
0x24: {  	s24 =	ssub.s32 s24, s3;
	s23 =	ssub.s32 s0, s3;
	[smem:$0x7E0] =	sst s2  }
0x25: {  	s1 =	sor.u32 $0x1C, s4;
	s0 =	ssub.s32 s4, s3;
	[smem:$0x7E1] =	sst s23  }
0x26: {  	s6 =	sor.u32 $0x1D, s4;
	s1 =	ssub.s32 s1, s3;
	[smem:$0x7B3] =	sst s0  }
0x27: {  	s4 =	sor.u32 $0x1E, s4;
	s30 =	ssub.s32 s6, s3;
	[smem:$0x7E2] =	sst s1  }
0x28: {  	s11 =	sshll.u32 s11, $0xF;
	[smem:$0x7E3] =	sst s30;
	s25 =	ssub.s32 s4, s3  }
0x29: {  	s4 =	sshllo.u32 s10, $0x5;
	s10 =	sshll.u32 s7, $0x16;
	[smem:$0x7E4] =	sst s25  }
0x2a: {  	s6 =	sshll.u32 s0, $0xF;
	s3 =	ssub.s32 s4, s3;
	s4 =	sld [smem:$0x7AD]  }
0x2b: {  	s5 =	sadd.s32 s10, s11;
	s11 =	sshll.u32 s29, $0xF;
	s29 =	sld [smem:$0x7AE]  }
0x2c: {  	s13 =	sshll.u32 s13, $0xF;
	s0 =	sadd.s32 s10, s6;
	[smem:$0x7E5] =	sst s3  }
0x2d: {  	s13 =	sadd.s32 s10, s13;
	s0 =	sshrl.u32 s0, $0x3;
	[smem:$0x7B4] =	sst s5  }
0x2e: {  	[smem:$0x7B2] =	sst s0;
	s6 =	sshll.u32 s4, $0xF;
	s5 =	sshll.u32 s29, $0xF  }
0x2f: {  	s0 =	sadd.s32 s10, s6;
	s6 =	sadd.s32 s10, s5;
	s5 =	sld [smem:$0x7AF]  }
0x30: {  	[smem:$0x7BC] =	sst s13  }
0x31: {  	s13 =	sshll.u32 s26, $0xF;
	s26 =	sld [smem:$0x7C5]  }
0x32: {  	[smem:$0x7B5] =	sst s0;
	s0 =	sadd.s32 s10, s11;
	s11 =	sshll.u32 s5, $0xF  }
0x33: {  	[smem:$0x7B7] =	sst s0;
	s0 =	sadd.s32 s10, s11;
	s11 =	sshll.u32 s31, $0xF  }
0x34: {  	[smem:$0x7B9] =	sst s0;
	s0 =	sadd.s32 s10, s11;
	s11 =	sshll.u32 s18, $0xF  }
0x35: {  	s18 =	sshll.u32 s16, $0xF;
	s16 =	sshll.u32 s15, $0xF;
	s15 =	sld [smem:$0x7B0]  }
0x36: {  	s17 =	sshll.u32 s17, $0xF;
	[smem:$0x7BA] =	sst s0;
	s0 =	sadd.s32 s10, s13  }
0x37: {  	s13 =	sadd.s32 s10, s17;
	s17 =	sadd.s32 s10, s16;
	[smem:$0x7BF] =	sst s0  }
0x38: {  	s12 =	sshll.u32 s12, $0xF;
	s0 =	sadd.s32 s10, s18;
	[smem:$0x7C6] =	sst s17  }
0x39: {  	s16 =	smov.u32 s14;
	[smem:$0x7C2] =	sst s0;
	s0 =	sshll.u32 s26, $0xF  }
0x3a: {  	s18 =	sshll.u32 s15, $0xF;
	s26 =	sshll.u32 s14, $0xF;
	s14 =	sld [smem:$0x7B1]  }
0x3b: {  	s0 =	sadd.s32 s10, s0;
	s17 =	sadd.s32 s10, s18;
	s18 =	smov.u32 s19  }
0x3c: {  	[smem:$0x7C3] =	sst s0;
	s0 =	sshll.u32 s19, $0xF;
	s19 =	sadd.s32 s10, s26  }
0x3d: {  	s0 =	sadd.s32 s10, s0;
	[smem:$0x7C9] =	sst s19;
	s26 =	sshll.u32 s14, $0xF  }
0x3e: {  	s19 =	sshll.u32 s28, $0xF;
	[smem:$0x7C8] =	sst s0;
	s0 =	sadd.s32 s10, s26  }
0x3f: {  	s26 =	sshll.u32 s9, $0xF;
	[smem:$0x7CA] =	sst s0;
	s0 =	sadd.s32 s10, s19  }
0x40: {  	s21 =	sshll.u32 s21, $0xF;
	s9 =	sadd.s32 s10, s26;
	[smem:$0x7CB] =	sst s0  }
0x41: {  	s31 =	smov.u32 s24;
	s28 =	smov.u32 s20;
	[smem:$0x7CC] =	sst s9  }
0x42: {  	s0 =	sadd.s32 s10, s12;
	s12 =	sshll.u32 s2, $0xF;
	s2 =	rddreg [dreg:$0x0]  }
0x43: {  	s19 =	sshll.u32 s20, $0xF;
	s9 =	sshll.u32 s24, $0xF;
	s24 =	sld [smem:$0x7B5]  }
0x44: {  	s26 =	sshll.u32 s8, $0xF;
	s8 =	sshll.u32 s22, $0xF;
	[smem:$0x7CD] =	sst s0  }
0x45: {  	s0 =	sadd.s32 s10, s19;
	s22 =	sadd.s32 s10, s9;
	s9 =	sld [smem:$0x7B2]  }
0x46: {  	s20 =	sadd.s32 s10, s21;
	s19 =	sshll.u32 s23, $0xF;
	[smem:$0x7CE] =	sst s0  }
0x47: {  	s21 =	sshll.u32 s1, $0xF;
	s23 =	sadd.s32 s10, s19;
	s19 =	sld [smem:$0x7B3]  }
0x48: {  	s0 =	sadd.s32 s10, s26;
	s26 =	sadd.s32 s10, s21;
	s21 =	sld [smem:$0x7B4]  }
0x49: {  	[smem:$0x7CF] =	sst s0  }
0x4a: {  	[smem:$0x7D2] =	sst s26  }
0x4b: {  	s1 =	sshll.u32 s30, $0xF;
	s30 =	sshll.u32 s3, $0xF;
	s26 =	sld [smem:$0x7B6]  }
0x4c: {  	s0 =	sadd.s32 s10, s8;
	s3 =	sshrl.u32 s24, $0x3;
	s24 =	sld [smem:$0x7BA]  }
0x4d: {  	s11 =	sadd.s32 s10, s11;
	[smem:$0x7D0] =	sst s0;
	s0 =	sadd.s32 s10, s12  }
0x4e: {  	s8 =	sshll.u32 s25, $0xF;
	[smem:$0x7D1] =	sst s0;
	s0 =	sadd.s32 s10, s1  }
0x4f: {  	s25 =	sadd.s32 s10, s8;
	[smem:$0x7D3] =	sst s0;
	s0 =	sadd.s32 $0x800, s2  }
0x50: {  	s8 =	sld [smem:$0x7B7];
	s2 =	smul.u32 $0x8800, s19;
	s12 =	sadd.s32 s0, s9  }
0x51: {  	s9 =	sshrl.u32 s6, $0x3;
	s6 =	sshrl.u32 s11, $0x3;
	s11 =	sld [smem:$0x7BF]  }
0x52: {  	[dreg:$0x3] =	wrdreg s12  }
0x53: {  	s1 =	smul.u32 $0x451000, s7;
	s7 =	sadd.s32 s0, s3;
	[smem:$0x7D8] =	sst s2  }
0x54: {  	[dreg:$0x5] =	wrdreg s7  }
0x55: {  	s12 =	sld [smem:$0x7B8]  }
0x56: {  	s2 =	sshrl.u32 s21, $0x3;
	s21 =	sld [smem:$0x7B9]  }
0x57: {  	s3 =	sshrl.u32 s8, $0x3;
	s7 =	sld [smem:$0x7BD]  }
0x58: {  	s3 =	sadd.s32 s0, s3;
	s19 =	sadd.s32 s0, s9;
	s9 =	sld [smem:$0x7BE]  }
0x59: {  	[dreg:$0x6] =	wrdreg s3  }
0x5a: {  	s13 =	sshrl.u32 s13, $0x3;
	s8 =	sadd.s32 s0, s6;
	[dreg:$0x7] =	wrdreg s19  }
0x5b: {  	s6 =	sadd.s32 s0, s13;
	[dreg:$0xb] =	wrdreg s8  }
0x5c: {  	[dreg:$0xd] =	wrdreg s6  }
0x5d: {  	s2 =	sadd.s32 s0, s2;
	s8 =	sld [smem:$0x7C2]  }
0x5e: {  	s10 =	sadd.s32 s10, s30;
	[dreg:$0x4] =	wrdreg s2;
	s2 =	smul.u32 $0x8800, s26  }
0x5f: {  	s3 =	sshrl.u32 s21, $0x3;
	s21 =	smul.u32 $0x8800, s5;
	s5 =	sld [smem:$0x7BC]  }
0x60: {  	s30 =	smul.u32 $0x8800, s12;
	s12 =	sshrl.u32 s11, $0x3;
	s11 =	sld [smem:$0x7C3]  }
0x61: {  	[smem:$0x7D9] =	sst s2;
	s2 =	smul.u32 $0x8800, s4;
	s4 =	sshrl.u32 s24, $0x3  }
0x62: {  	s3 =	sadd.s32 s0, s3;
	s24 =	smul.u32 $0x8800, s7;
	s7 =	sld [smem:$0x7C1]  }
0x63: {  	[dreg:$0x8] =	wrdreg s3  }
0x64: {  	s26 =	sadd.s32 s0, s4;
	s4 =	sld [smem:$0x7BB]  }
0x65: {  	[dreg:$0x9] =	wrdreg s26  }
0x66: {  	s3 =	sshrl.u32 s5, $0x3;
	s5 =	sld [smem:$0x7C0]  }
0x67: {  	s3 =	sadd.s32 s0, s3;
	s6 =	smul.u32 $0x8800, s7;
	s7 =	sld [smem:$0x7C4]  }
0x68: {  	s17 =	sshrl.u32 s17, $0x3;
	s26 =	smul.u32 $0x8800, s4;
	[dreg:$0xa] =	wrdreg s3  }
0x69: {  	s3 =	sadd.s32 s0, s12;
	s12 =	sshrl.u32 s11, $0x3;
	s11 =	sld [smem:$0x7C5]  }
0x6a: {  	s4 =	smul.u32 $0x8800, s9;
	s9 =	sshrl.u32 s8, $0x3;
	[dreg:$0xc] =	wrdreg s3  }
0x6b: {  	s13 =	sadd.s32 s0, s9;
	s9 =	sadd.s32 s0, s12;
	s12 =	sld [smem:$0x7C6]  }
0x6c: {  	[dreg:$0xe] =	wrdreg s13;
	s8 =	smul.u32 $0x8800, s11;
	s11 =	sadd.s32 s0, s17  }
0x6d: {  	[dreg:$0x11] =	wrdreg s11  }
0x6e: {  	s13 =	sshrl.u32 s12, $0x3;
	s12 =	sld [smem:$0x7C8]  }
0x6f: {  	s11 =	smul.u32 $0x8800, s15;
	s15 =	sld [smem:$0x7C9]  }
0x70: {  	[dreg:$0xf] =	wrdreg s9  }
0x71: {  	s9 =	sld [smem:$0x7C7]  }
0x72: {  	s3 =	sadd.s32 s0, s13;
	s13 =	sshrl.u32 s12, $0x3;
	s17 =	sshrl.u32 s15, $0x3  }
0x73: {  	s12 =	sadd.s32 s0, s13;
	s15 =	sadd.s32 s0, s17;
	s17 =	sld [smem:$0x7CA]  }
0x74: {  	[dreg:$0x12] =	wrdreg s12  }
0x75: {  	[dreg:$0x13] =	wrdreg s15  }
0x76: {  	s12 =	sld [smem:$0x7CB]  }
0x77: {  	s7 =	smul.u32 $0x8800, s7;
	s15 =	sld [smem:$0x7CC]  }
0x78: {  	s19 =	smul.u32 $0x8800, s29;
	[dreg:$0x10] =	wrdreg s3;
	s3 =	sshrl.u32 s17, $0x3  }
0x79: {  	s29 =	sadd.s32 s1, s7;
	s7 =	sld [smem:$0x7DF];
	s3 =	sadd.s32 s0, s3  }
0x7a: {  	s13 =	sshrl.u32 s12, $0x3;
	s17 =	sshrl.u32 s15, $0x3;
	[dreg:$0x14] =	wrdreg s3  }
0x7b: {  	s12 =	sadd.s32 s0, s13;
	s15 =	sadd.s32 s0, s17;
	s17 =	sld [smem:$0x7CD]  }
0x7c: {  	[dreg:$0x15] =	wrdreg s12  }
0x7d: {  	[dreg:$0x16] =	wrdreg s15  }
0x7e: {  	s12 =	sld [smem:$0x7CE];
	s15 =	sshrl.u32 s20, $0x3  }
0x7f: {  	s20 =	sld [smem:$0x7CF];
	s3 =	sshrl.u32 s17, $0x3;
	s17 =	sadd.s32 s0, s15  }
0x80: {  	s15 =	sshrl.u32 s22, $0x3;
	[dreg:$0x19] =	wrdreg s17  }
0x81: {  	s3 =	sadd.s32 s0, s3;
	s13 =	sshrl.u32 s12, $0x3;
	s12 =	sld [smem:$0x7D0]  }
0x82: {  	s17 =	sadd.s32 s0, s15;
	[dreg:$0x17] =	wrdreg s3  }
0x83: {  	s3 =	sadd.s32 s0, s13;
	[dreg:$0x1c] =	wrdreg s17  }
0x84: {  	s23 =	sshrl.u32 s23, $0x3;
	[dreg:$0x18] =	wrdreg s3  }
0x85: {  	s17 =	sadd.s32 s0, s23;
	s3 =	sshrl.u32 s20, $0x3;
	s20 =	sld [smem:$0x7D1]  }
0x86: {  	[dreg:$0x1e] =	wrdreg s17;
	s3 =	sadd.s32 s0, s3  }
0x87: {  	s13 =	sshrl.u32 s12, $0x3;
	[dreg:$0x1a] =	wrdreg s3  }
0x88: {  	s3 =	sadd.s32 s0, s13;
	s13 =	sld [smem:$0x7D2]  }
0x89: {  	[dreg:$0x1b] =	wrdreg s3;
	s22 =	sshrl.u32 s20, $0x3  }
0x8a: {  	s3 =	sadd.s32 s0, s22;
	s22 =	sld [smem:$0x7D3]  }
0x8b: {  	[dreg:$0x1d] =	wrdreg s3  }
0x8c: {  	s15 =	sshrl.u32 s13, $0x3;
	s13 =	rddreg [dreg:$0x0]  }
0x8d: {  	s14 =	smul.u32 $0x8800, s14;
	s20 =	sadd.s32 s0, s15;
	s15 =	sld [smem:$0x7D7]  }
0x8e: {  	s10 =	sshrl.u32 s10, $0x3;
	s19 =	sadd.s32 s1, s19;
	[dreg:$0x1f] =	wrdreg s20  }
0x8f: {  	s14 =	sadd.s32 s1, s14;
	s19 =	sshrl.u32 s19, $0x3;
	s20 =	sld [smem:$0x7D8]  }
0x90: {  	s5 =	smul.u32 $0x8800, s5;
	s23 =	sshrl.u32 s22, $0x3;
	s22 =	sld [smem:$0x7D9]  }
0x91: {  	s9 =	smul.u32 $0x8800, s9;
	s3 =	sadd.s32 s0, s23;
	s23 =	sld [smem:$0x7DA]  }
0x92: {  	[smem:$0x7D4] =	sst s3;
	s3 =	sshrl.u32 s25, $0x3;
	s17 =	sadd.s32 $0x440000, s15  }
0x93: {  	s25 =	sld [smem:$0x7DB];
	s12 =	sadd.s32 s0, s3;
	s3 =	smul.u32 $0x8800, s18  }
0x94: {  	s15 =	sadd.s32 s1, s22;
	s22 =	sadd.s32 s1, s26;
	s26 =	sld [smem:$0x7DC]  }
0x95: {  	s0 =	sadd.s32 s0, s10;
	[smem:$0x7D5] =	sst s12;
	s12 =	smul.u32 $0x8800, s16  }
0x96: {  	[smem:$0x7D6] =	sst s0;
	s16 =	sadd.s32 s1, s2;
	s2 =	smul.u32 $0x8800, s23  }
0x97: {  	s23 =	smul.u32 $0x8800, s26;
	s26 =	sadd.s32 s1, s5;
	s5 =	sld [smem:$0x7DD]  }
0x98: {  	s0 =	smul.u32 $0x8800, s28;
	s28 =	sadd.s32 s1, s6;
	s6 =	sld [smem:$0x7DE]  }
0x99: {  	s18 =	sadd.s32 $0x400800, s13;
	s13 =	sadd.s32 s1, s20;
	s20 =	smul.u32 $0x8800, s25  }
0x9a: {  	s21 =	sadd.s32 s1, s21;
	s25 =	sadd.s32 s1, s4;
	s4 =	smul.u32 $0x8800, s5  }
0x9b: {  	s24 =	sadd.s32 s1, s24;
	s21 =	sshrl.u32 s21, $0x3;
	s5 =	smul.u32 $0x8800, s6  }
0x9c: {  	s24 =	sshrl.u32 s24, $0x3;
	s6 =	smul.u32 $0x8800, s7;
	s7 =	sld [smem:$0x7E0]  }
0x9d: {  	s10 =	sshrl.u32 s17, $0x3;
	s17 =	sadd.s32 s1, s30;
	s30 =	sadd.s32 s1, s3  }
0x9e: {  	s3 =	smul.u32 $0x8800, s31;
	s31 =	sadd.s32 s1, s2;
	s4 =	sadd.s32 s1, s4  }
0x9f: {  	s2 =	smul.u32 $0x8800, s7;
	s7 =	sadd.s32 s1, s20;
	s20 =	sld [smem:$0x7E1]  }
0xa0: {  	s8 =	sadd.s32 s1, s8;
	s11 =	sadd.s32 s1, s11;
	[smem:$0x7EE] =	sst s4  }
0xa1: {  	s8 =	sshrl.u32 s8, $0x3;
	s0 =	sadd.s32 s1, s0;
	s4 =	sld [smem:$0x7E2]  }
0xa2: {  	s9 =	sadd.s32 s1, s9;
	[smem:$0x7ED] =	sst s0;
	s6 =	sadd.s32 s1, s6  }
0xa3: {  	s9 =	sshrl.u32 s9, $0x3;
	[smem:$0x7F2] =	sst s6;
	s20 =	smul.u32 $0x8800, s20  }
0xa4: {  	s17 =	sshrl.u32 s17, $0x3;
	s6 =	sld [smem:$0x7E3];
	s0 =	smul.u32 $0x8800, s4  }
0xa5: {  	s4 =	sadd.s32 s1, s5;
	s5 =	sadd.s32 s1, s2;
	s2 =	sld [smem:$0x7E4]  }
0xa6: {  	s19 =	sadd.s32 s18, s19;
	s21 =	sadd.s32 s18, s21;
	s20 =	sadd.s32 s1, s20  }
0xa7: {  	s22 =	sshrl.u32 s22, $0x3;
	s6 =	smul.u32 $0x8800, s6;
	[smem:$0x7F6] =	sst s20  }
0xa8: {  	s12 =	sadd.s32 s1, s12;
	s2 =	smul.u32 $0x8800, s2;
	s20 =	sld [smem:$0x7E5]  }
0xa9: {  	s3 =	sadd.s32 s1, s3;
	s23 =	sadd.s32 s1, s23;
	s0 =	sadd.s32 s1, s0  }
0xaa: {  	s6 =	sadd.s32 s1, s6;
	[smem:$0x7F7] =	sst s0;
	s2 =	sadd.s32 s1, s2  }
0xab: {  	s0 =	smul.u32 $0x8800, s20;
	[smem:$0x7FA] =	sst s2;
	s2 =	simm.s32 $0x0  }
0xac: {  	s20 =	sadd.s32 s18, s10;
	s10 =	sshrl.u32 s15, $0x3;
	[smem:$0x7FF] =	sst s2  }
0xad: {  	[smem:$0x7E6] =	sst s20;
	s0 =	sadd.s32 s1, s0;
	s1 =	sshrl.u32 s13, $0x3  }
0xae: {  	s13 =	sshrl.u32 s16, $0x3;
	s16 =	sadd.s32 s18, s10;
	s10 =	sshrl.u32 s28, $0x3  }
0xaf: {  	[smem:$0x7FB] =	sst s0;
	s20 =	sadd.s32 s18, s13;
	s13 =	sshrl.u32 s29, $0x3  }
0xb0: {  	s28 =	sadd.s32 s18, s10;
	s10 =	sshrl.u32 s11, $0x3;
	s0 =	sadd.s32 s18, s8  }
0xb1: {  	s11 =	sadd.s32 s18, s9;
	s8 =	sshrl.u32 s12, $0x3;
	[smem:$0x7E7] =	sst s0  }
0xb2: {  	s9 =	sshrl.u32 s14, $0x3;
	s29 =	sadd.s32 s18, s13;
	[smem:$0x7E8] =	sst s11  }
0xb3: {  	s13 =	sadd.s32 s18, s10;
	s10 =	sadd.s32 s18, s8;
	s8 =	sld [smem:$0x7ED]  }
0xb4: {  	s12 =	sshrl.u32 s31, $0x3;
	s11 =	sadd.s32 s18, s9;
	s9 =	sld [smem:$0x7EE]  }
0xb5: {  	s14 =	sshrl.u32 s23, $0x3;
	s23 =	sadd.s32 s18, s12;
	s12 =	sld [smem:$0x7F2]  }
0xb6: {  	s24 =	sadd.s32 s18, s24;
	s4 =	sshrl.u32 s4, $0x3;
	[smem:$0x7E9] =	sst s13  }
0xb7: {  	s15 =	sadd.s32 s18, s1;
	s1 =	sshrl.u32 s26, $0x3;
	[smem:$0x7EA] =	sst s10  }
0xb8: {  	s26 =	sadd.s32 s18, s1;
	[smem:$0x7EB] =	sst s11;
	s13 =	sshrl.u32 s7, $0x3  }
0xb9: {  	s7 =	sadd.s32 s18, s14;
	s14 =	sshrl.u32 s5, $0x3;
	s5 =	sld [smem:$0x7F6]  }
0xba: {  	s1 =	sshrl.u32 s30, $0x3;
	s11 =	sadd.s32 s18, s4;
	[smem:$0x7EC] =	sst s7  }
0xbb: {  	s30 =	sadd.s32 s18, s1;
	s31 =	sadd.s32 s18, s13;
	[smem:$0x7F1] =	sst s11  }
0xbc: {  	s4 =	sadd.s32 s18, s14;
	s7 =	sld [smem:$0x7F7];
	s0 =	sshrl.u32 s8, $0x3  }
0xbd: {  	s1 =	sshrl.u32 s9, $0x3;
	[smem:$0x7F5] =	sst s4;
	s0 =	sadd.s32 s18, s0  }
0xbe: {  	s13 =	sshrl.u32 s3, $0x3;
	s10 =	sadd.s32 s18, s1;
	[smem:$0x7EF] =	sst s0  }
0xbf: {  	s8 =	sshrl.u32 s6, $0x3;
	s1 =	sadd.s32 s18, s13;
	[smem:$0x7F0] =	sst s10  }
0xc0: {  	s17 =	sadd.s32 s18, s17;
	s9 =	sadd.s32 s18, s8;
	[smem:$0x7F4] =	sst s1  }
0xc1: {  	v0 =	vlaneseq.u32;
	s22 =	sadd.s32 s18, s22;
	s0 =	sshrl.u32 s12, $0x3;
	[smem:$0x7F9] =	sst s9  }
0xc2: {  	v0 =	vmul.u32 $0x2, v0;
	s25 =	sshrl.u32 s25, $0x3;
	s10 =	sld [smem:$0x7FA];
	s0 =	sadd.s32 s18, s0  }
0xc3: {  	s25 =	sadd.s32 s18, s25;
	[smem:$0x7F3] =	sst s0;
	s0 =	sshrl.u32 s5, $0x3  }
0xc4: {  	v1 =	vor.u32 $0x20, v0;
	v2 =	vor.u32 $0x40, v0;
	v3 =	vor.u32 $0x60, v0;
	s6 =	simm.s32 $0x1;
	s12 =	sld [smem:$0x7FB];
	s0 =	sadd.s32 s18, s0  }
0xc5: {  	v4 =	vor.u32 $0x80, v0;
	v5 =	vor.u32 $0xA0, v0;
	v6 =	vor.u32 $0xC0, v0;
	s8 =	simm.s32 $0x6;
	s1 =	sshrl.u32 s7, $0x3;
	[smem:$0x7F8] =	sst s0  }
0xc6: {  	v7 =	vor.u32 $0xE0, v0;
	v8 =	vor.u32 $0x100, v0;
	s7 =	simm.s32 $0x19800;
	s9 =	simm.s32 $0x8800;
	_ =	strace $0x80000047  }
.Ltmp0:
0xc7: {  	v9 =	vor.u32 $0x120, v0;
	v10 =	vor.u32 $0x140, v0;
	v11 =	vor.u32 $0x160, v0;
	s1 =	sadd.s32 s18, s1;
	s14 =	sld [smem:$0x7FC];
	(pc) =	sbr.rel .LBB2_1-.Ltmp0, $4  }
0xc8: {  	v12 =	vor.u32 $0x1, v0;
	v13 =	vor.u32 $0x21, v0;
	v14 =	vor.u32 $0x41, v0;
	s11 =	sshrl.u32 s10, $0x3;
	s13 =	sshrl.u32 s12, $0x3;
	s10 =	simm.s32 $0x2  }
0xc9: {  	v15 =	vor.u32 $0x61, v0;
	v16 =	vor.u32 $0x81, v0;
	v17 =	vor.u32 $0xA1, v0;
	s12 =	simm.s32 $0x4;
	s3 =	sadd.s32 s18, s11;
	s4 =	sadd.s32 s18, s13  }
0xca: {  	v18 =	vor.u32 $0xC1, v0;
	v19 =	vor.u32 $0xE1, v0;
	v20 =	vor.u32 $0x101, v0;
	s18 =	stileid.u32;
	s11 =	simm.s32 $0x3;
	s5 =	smax.u32 s14, $0x1  }
0xcb: {  	v21 =	vor.u32 $0x121, v0;
	v22 =	vor.u32 $0x141, v0;
	v23 =	vor.u32 $0x161, v0;
	s13 =	simm.s32 $0x0;
	p0 =	sgt.u32 s18, $0x7;
	[smem:$0x7FD] =	sst s5  }
.LBB2_4:
0xcc: {  	s14 =	sor.u32 s14, s17;
	[tilespmem:s18+$0x4B0] =	vst v47  }
0xcd: {  	s15 =	sadd.s32 $0x11000, s14;
	[tilespmem:s14+$0x11000] =	vst v24  }
0xce: {  	[tilespmem:s15+$0x10] =	vst v25  }
0xcf: {  	[tilespmem:s15+$0x20] =	vst v26  }
0xd0: {  	[tilespmem:s15+$0x30] =	vst v27  }
0xd1: {  	[tilespmem:s15+$0x40] =	vst v28  }
0xd2: {  	[tilespmem:s15+$0x50] =	vst v29  }
0xd3: {  	[tilespmem:s15+$0x60] =	vst v30  }
0xd4: {  	[tilespmem:s15+$0x70] =	vst v31  }
0xd5: {  	[tilespmem:s15+$0x400] =	vst v32  }
0xd6: {  	[tilespmem:s15+$0x410] =	vst v33  }
0xd7: {  	[tilespmem:s15+$0x420] =	vst v34  }
0xd8: {  	[tilespmem:s15+$0x430] =	vst v35  }
0xd9: {  	[tilespmem:s15+$0x80] =	vst v36  }
0xda: {  	[tilespmem:s15+$0x90] =	vst v37  }
0xdb: {  	[tilespmem:s15+$0xA0] =	vst v38  }
0xdc: {  	[tilespmem:s15+$0xB0] =	vst v39  }
0xdd: {  	[tilespmem:s15+$0xC0] =	vst v40  }
0xde: {  	[tilespmem:s15+$0xD0] =	vst v41  }
0xdf: {  	[tilespmem:s15+$0xE0] =	vst v42  }
0xe0: {  	s17 =	sld [smem:$0x7E6];
	[tilespmem:s15+$0xF0] =	vst v43  }
0xe1: {  	s18 =	simm.s32 $0x11000;
	s16 =	smov.u32 s20;
	s20 =	smov.u32 s21;
	[tilespmem:s15+$0x480] =	vst v44  }
0xe2: {  	s21 =	smov.u32 s24;
	s24 =	smov.u32 s26;
	s26 =	smov.u32 s29;
	[tilespmem:s15+$0x490] =	vst v45  }
0xe3: {  	s29 =	smov.u32 s31;
	s31 =	smov.u32 s3;
	s3 =	smov.u32 s5;
	[tilespmem:s15+$0x4A0] =	vst v46  }
0xe4: {  	s5 =	sld [smem:$0x7FD];
	[tilespmem:s15+$0x4B0] =	vst v47;
	s15 =	smov.u32 s19;
	s19 =	smov.u32 s23  }
0xe5: {  	s23 =	smov.u32 s1;
	s1 =	smov.u32 s4;
	s4 =	smov.u32 s8  }
0xe6: {  	[hbm4b:s17+s2] =	stream.linear.scatter [tilespmem:s18], [sflag:$0x5], $0x8800, $0x38;
	[tilespmem:$0x19980] =	vst v63  }
0xe7: {  	s8 =	simm.s32 $0x6;
	s17 =	smov.u32 s22;
	s22 =	smov.u32 s25  }
0xe8: {  	s25 =	smov.u32 s28;
	s28 =	smov.u32 s30;
	s30 =	smov.u32 s0  }
.LBB2_5:
0xe9: {  	s14 =	rddreg [dreg:$0x3]  }
0xea: {  	[tilespmem:s2], [sflag:$0x1] =	stream.linear.gather [hbm4b:s14+s2], $0x8000, $0x38;
	[tilespmem:$0x19980] =	vst v63  }
0xeb: {  	_ =	swait.ge [sflag:s6], $0x8000  }
0xec: {  	[sflag:s6] =	ssyncset.done $0x0  }
0xed: {  	[sflag:s6] =	ssyncadd.s32 $0xFFFF8000  }
0xee: {  	[hbm4b:s15+s2] =	stream.linear.scatter [tilespmem:s2], [sflag:$0x3], $0x8800, $0x38;
	[tilespmem:$0x19980] =	vst v63  }
0xef: {  	s18 =	rddreg [dreg:$0x4]  }
0xf0: {  	[tilespmem:s9], [sflag:$0x2] =	stream.linear.gather [hbm4b:s18+s2], $0x8000, $0x38;
	[tilespmem:$0x19980] =	vst v63  }
0xf1: {  	_ =	swait.ge [sflag:s10], $0x8000  }
0xf2: {  	[sflag:s10] =	ssyncset.done $0x0  }
0xf3: {  	[sflag:s10] =	ssyncadd.s32 $0xFFFF8000  }
0xf4: {  	[hbm4b:s16+s2] =	stream.linear.scatter [tilespmem:s9], [sflag:$0x4], $0x8800, $0x38;
	[tilespmem:$0x19980] =	vst v63  }
0xf5: {  	_ =	swait.ge [sflag:s11], $0x8800  }
0xf6: {  	[sflag:s11] =	ssyncset.done $0x0  }
0xf7: {  	s0 =	rddreg [dreg:$0x5];
	[sflag:s11] =	ssyncadd.s32 $0xFFFF7800  }
0xf8: {  	[tilespmem:s2], [sflag:$0x1] =	stream.linear.gather [hbm4b:s0+s2], $0x8000, $0x38;
	[tilespmem:$0x19980] =	vst v63  }
0xf9: {  	_ =	swait.ge [sflag:s6], $0x8000  }
0xfa: {  	[sflag:s6] =	ssyncset.done $0x0  }
0xfb: {  	[sflag:s6] =	ssyncadd.s32 $0xFFFF8000  }
0xfc: {  	[hbm4b:s20+s2] =	stream.linear.scatter [tilespmem:s2], [sflag:$0x3], $0x8800, $0x38;
	[tilespmem:$0x19980] =	vst v63  }
0xfd: {  	_ =	swait.ge [sflag:s12], $0x8800  }
0xfe: {  	[sflag:s12] =	ssyncset.done $0x0  }
0xff: {  	s18 =	rddreg [dreg:$0x6];
	[sflag:s12] =	ssyncadd.s32 $0xFFFF7800  }
0x100: {  	[tilespmem:s9], [sflag:$0x2] =	stream.linear.gather [hbm4b:s18+s2], $0x8000, $0x38;
	[tilespmem:$0x19980] =	vst v63  }
0x101: {  	_ =	swait.ge [sflag:s10], $0x8000  }
0x102: {  	[sflag:s10] =	ssyncset.done $0x0  }
0x103: {  	[sflag:s10] =	ssyncadd.s32 $0xFFFF8000  }
0x104: {  	[hbm4b:s17+s2] =	stream.linear.scatter [tilespmem:s9], [sflag:$0x4], $0x8800, $0x38;
	[tilespmem:$0x19980] =	vst v63  }
0x105: {  	_ =	swait.ge [sflag:s11], $0x8800  }
0x106: {  	[sflag:s11] =	ssyncset.done $0x0  }
0x107: {  	s0 =	rddreg [dreg:$0x7];
	[sflag:s11] =	ssyncadd.s32 $0xFFFF7800  }
0x108: {  	[tilespmem:s2], [sflag:$0x1] =	stream.linear.gather [hbm4b:s0+s2], $0x8000, $0x38;
	[tilespmem:$0x19980] =	vst v63  }
0x109: {  	_ =	swait.ge [sflag:s6], $0x8000  }
0x10a: {  	[sflag:s6] =	ssyncset.done $0x0  }
0x10b: {  	[sflag:s6] =	ssyncadd.s32 $0xFFFF8000  }
0x10c: {  	[hbm4b:s19+s2] =	stream.linear.scatter [tilespmem:s2], [sflag:$0x3], $0x8800, $0x38;
	[tilespmem:$0x19980] =	vst v63  }
0x10d: {  	_ =	swait.ge [sflag:s12], $0x8800  }
0x10e: {  	[sflag:s12] =	ssyncset.done $0x0  }
0x10f: {  	s18 =	rddreg [dreg:$0x8];
	[sflag:s12] =	ssyncadd.s32 $0xFFFF7800  }
0x110: {  	[tilespmem:s9], [sflag:$0x2] =	stream.linear.gather [hbm4b:s18+s2], $0x8000, $0x38;
	[tilespmem:$0x19980] =	vst v63  }
0x111: {  	_ =	swait.ge [sflag:s10], $0x8000  }
0x112: {  	[sflag:s10] =	ssyncset.done $0x0  }
0x113: {  	[sflag:s10] =	ssyncadd.s32 $0xFFFF8000  }
0x114: {  	[hbm4b:s21+s2] =	stream.linear.scatter [tilespmem:s9], [sflag:$0x4], $0x8800, $0x38;
	[tilespmem:$0x19980] =	vst v63  }
0x115: {  	_ =	swait.ge [sflag:s11], $0x8800  }
0x116: {  	[sflag:s11] =	ssyncset.done $0x0  }
0x117: {  	s0 =	rddreg [dreg:$0x9];
	[sflag:s11] =	ssyncadd.s32 $0xFFFF7800  }
0x118: {  	[tilespmem:s2], [sflag:$0x1] =	stream.linear.gather [hbm4b:s0+s2], $0x8000, $0x38;
	[tilespmem:$0x19980] =	vst v63  }
0x119: {  	_ =	swait.ge [sflag:s6], $0x8000  }
0x11a: {  	[sflag:s6] =	ssyncset.done $0x0  }
0x11b: {  	[sflag:s6] =	ssyncadd.s32 $0xFFFF8000  }
0x11c: {  	[hbm4b:s22+s2] =	stream.linear.scatter [tilespmem:s2], [sflag:$0x3], $0x8800, $0x38;
	[tilespmem:$0x19980] =	vst v63  }
0x11d: {  	_ =	swait.ge [sflag:s12], $0x8800  }
0x11e: {  	[sflag:s12] =	ssyncset.done $0x0  }
0x11f: {  	s18 =	rddreg [dreg:$0xa];
	[sflag:s12] =	ssyncadd.s32 $0xFFFF7800  }
0x120: {  	[tilespmem:s9], [sflag:$0x2] =	stream.linear.gather [hbm4b:s18+s2], $0x8000, $0x38;
	[tilespmem:$0x19980] =	vst v63  }
0x121: {  	_ =	swait.ge [sflag:s10], $0x8000  }
0x122: {  	[sflag:s10] =	ssyncset.done $0x0  }
0x123: {  	[sflag:s10] =	ssyncadd.s32 $0xFFFF8000  }
0x124: {  	[hbm4b:s24+s2] =	stream.linear.scatter [tilespmem:s9], [sflag:$0x4], $0x8800, $0x38;
	[tilespmem:$0x19980] =	vst v63  }
0x125: {  	_ =	swait.ge [sflag:s11], $0x8800  }
0x126: {  	[sflag:s11] =	ssyncset.done $0x0  }
0x127: {  	s0 =	rddreg [dreg:$0xb];
	[sflag:s11] =	ssyncadd.s32 $0xFFFF7800  }
0x128: {  	[tilespmem:s2], [sflag:$0x1] =	stream.linear.gather [hbm4b:s0+s2], $0x8000, $0x38;
	[tilespmem:$0x19980] =	vst v63  }
0x129: {  	_ =	swait.ge [sflag:s6], $0x8000  }
0x12a: {  	[sflag:s6] =	ssyncset.done $0x0  }
0x12b: {  	[sflag:s6] =	ssyncadd.s32 $0xFFFF8000  }
0x12c: {  	[hbm4b:s25+s2] =	stream.linear.scatter [tilespmem:s2], [sflag:$0x3], $0x8800, $0x38;
	[tilespmem:$0x19980] =	vst v63  }
0x12d: {  	_ =	swait.ge [sflag:s12], $0x8800  }
0x12e: {  	[sflag:s12] =	ssyncset.done $0x0  }
0x12f: {  	s18 =	rddreg [dreg:$0xc];
	[sflag:s12] =	ssyncadd.s32 $0xFFFF7800  }
0x130: {  	[tilespmem:s9], [sflag:$0x2] =	stream.linear.gather [hbm4b:s18+s2], $0x8000, $0x38;
	[tilespmem:$0x19980] =	vst v63  }
0x131: {  	_ =	swait.ge [sflag:s10], $0x8000  }
0x132: {  	[sflag:s10] =	ssyncset.done $0x0  }
0x133: {  	[sflag:s10] =	ssyncadd.s32 $0xFFFF8000  }
0x134: {  	[hbm4b:s26+s2] =	stream.linear.scatter [tilespmem:s9], [sflag:$0x4], $0x8800, $0x38;
	[tilespmem:$0x19980] =	vst v63  }
0x135: {  	_ =	swait.ge [sflag:s11], $0x8800  }
0x136: {  	[sflag:s11] =	ssyncset.done $0x0  }
0x137: {  	s0 =	rddreg [dreg:$0xd];
	[sflag:s11] =	ssyncadd.s32 $0xFFFF7800  }
0x138: {  	[tilespmem:s2], [sflag:$0x1] =	stream.linear.gather [hbm4b:s0+s2], $0x8000, $0x38;
	[tilespmem:$0x19980] =	vst v63  }
0x139: {  	_ =	swait.ge [sflag:s6], $0x8000  }
0x13a: {  	[sflag:s6] =	ssyncset.done $0x0  }
0x13b: {  	[sflag:s6] =	ssyncadd.s32 $0xFFFF8000  }
0x13c: {  	[hbm4b:s28+s2] =	stream.linear.scatter [tilespmem:s2], [sflag:$0x3], $0x8800, $0x38;
	[tilespmem:$0x19980] =	vst v63  }
0x13d: {  	_ =	swait.ge [sflag:s12], $0x8800  }
0x13e: {  	[sflag:s12] =	ssyncset.done $0x0  }
0x13f: {  	s18 =	rddreg [dreg:$0xe];
	[sflag:s12] =	ssyncadd.s32 $0xFFFF7800  }
0x140: {  	[tilespmem:s9], [sflag:$0x2] =	stream.linear.gather [hbm4b:s18+s2], $0x8000, $0x38;
	[tilespmem:$0x19980] =	vst v63  }
0x141: {  	_ =	swait.ge [sflag:s10], $0x8000  }
0x142: {  	[sflag:s10] =	ssyncset.done $0x0  }
0x143: {  	[sflag:s10] =	ssyncadd.s32 $0xFFFF8000  }
0x144: {  	[hbm4b:s29+s2] =	stream.linear.scatter [tilespmem:s9], [sflag:$0x4], $0x8800, $0x38;
	[tilespmem:$0x19980] =	vst v63  }
0x145: {  	_ =	swait.ge [sflag:s11], $0x8800  }
0x146: {  	[sflag:s11] =	ssyncset.done $0x0  }
0x147: {  	s0 =	rddreg [dreg:$0xf];
	[sflag:s11] =	ssyncadd.s32 $0xFFFF7800  }
0x148: {  	[tilespmem:s2], [sflag:$0x1] =	stream.linear.gather [hbm4b:s0+s2], $0x8000, $0x38;
	[tilespmem:$0x19980] =	vst v63  }
0x149: {  	_ =	swait.ge [sflag:s6], $0x8000  }
0x14a: {  	s18 =	sld [smem:$0x7E7]  }
0x14b: {  	[sflag:s6] =	ssyncset.done $0x0  }
0x14c: {  	[sflag:s6] =	ssyncadd.s32 $0xFFFF8000  }
0x14d: {  	[hbm4b:s18+s2] =	stream.linear.scatter [tilespmem:s2], [sflag:$0x3], $0x8800, $0x38;
	[tilespmem:$0x19980] =	vst v63  }
0x14e: {  	_ =	swait.ge [sflag:s12], $0x8800  }
0x14f: {  	[sflag:s12] =	ssyncset.done $0x0  }
0x150: {  	s0 =	rddreg [dreg:$0x10];
	[sflag:s12] =	ssyncadd.s32 $0xFFFF7800  }
0x151: {  	[tilespmem:s9], [sflag:$0x2] =	stream.linear.gather [hbm4b:s0+s2], $0x8000, $0x38;
	[tilespmem:$0x19980] =	vst v63  }
0x152: {  	_ =	swait.ge [sflag:s10], $0x8000  }
0x153: {  	s18 =	sld [smem:$0x7E8]  }
0x154: {  	[sflag:s10] =	ssyncset.done $0x0  }
0x155: {  	[sflag:s10] =	ssyncadd.s32 $0xFFFF8000  }
0x156: {  	[hbm4b:s18+s2] =	stream.linear.scatter [tilespmem:s9], [sflag:$0x4], $0x8800, $0x38;
	[tilespmem:$0x19980] =	vst v63  }
0x157: {  	_ =	swait.ge [sflag:s11], $0x8800  }
0x158: {  	[sflag:s11] =	ssyncset.done $0x0  }
0x159: {  	s0 =	rddreg [dreg:$0x11];
	[sflag:s11] =	ssyncadd.s32 $0xFFFF7800  }
0x15a: {  	[tilespmem:s2], [sflag:$0x1] =	stream.linear.gather [hbm4b:s0+s2], $0x8000, $0x38;
	[tilespmem:$0x19980] =	vst v63  }
0x15b: {  	_ =	swait.ge [sflag:s6], $0x8000  }
0x15c: {  	s18 =	sld [smem:$0x7E9]  }
0x15d: {  	[sflag:s6] =	ssyncset.done $0x0  }
0x15e: {  	[sflag:s6] =	ssyncadd.s32 $0xFFFF8000  }
0x15f: {  	[hbm4b:s18+s2] =	stream.linear.scatter [tilespmem:s2], [sflag:$0x3], $0x8800, $0x38;
	[tilespmem:$0x19980] =	vst v63  }
0x160: {  	_ =	swait.ge [sflag:s12], $0x8800  }
0x161: {  	[sflag:s12] =	ssyncset.done $0x0  }
0x162: {  	s0 =	rddreg [dreg:$0x12];
	[sflag:s12] =	ssyncadd.s32 $0xFFFF7800  }
0x163: {  	[tilespmem:s9], [sflag:$0x2] =	stream.linear.gather [hbm4b:s0+s2], $0x8000, $0x38;
	[tilespmem:$0x19980] =	vst v63  }
0x164: {  	_ =	swait.ge [sflag:s10], $0x8000  }
0x165: {  	[sflag:s10] =	ssyncset.done $0x0  }
0x166: {  	[sflag:s10] =	ssyncadd.s32 $0xFFFF8000  }
0x167: {  	[hbm4b:s30+s2] =	stream.linear.scatter [tilespmem:s9], [sflag:$0x4], $0x8800, $0x38;
	[tilespmem:$0x19980] =	vst v63  }
0x168: {  	_ =	swait.ge [sflag:s11], $0x8800  }
0x169: {  	[sflag:s11] =	ssyncset.done $0x0  }
0x16a: {  	s18 =	rddreg [dreg:$0x13];
	[sflag:s11] =	ssyncadd.s32 $0xFFFF7800  }
0x16b: {  	[tilespmem:s2], [sflag:$0x1] =	stream.linear.gather [hbm4b:s18+s2], $0x8000, $0x38;
	[tilespmem:$0x19980] =	vst v63  }
0x16c: {  	_ =	swait.ge [sflag:s6], $0x8000  }
0x16d: {  	s0 =	sld [smem:$0x7EA]  }
0x16e: {  	[sflag:s6] =	ssyncset.done $0x0  }
0x16f: {  	[sflag:s6] =	ssyncadd.s32 $0xFFFF8000  }
0x170: {  	[hbm4b:s0+s2] =	stream.linear.scatter [tilespmem:s2], [sflag:$0x3], $0x8800, $0x38;
	[tilespmem:$0x19980] =	vst v63  }
0x171: {  	_ =	swait.ge [sflag:s12], $0x8800  }
0x172: {  	[sflag:s12] =	ssyncset.done $0x0  }
0x173: {  	s0 =	rddreg [dreg:$0x14];
	[sflag:s12] =	ssyncadd.s32 $0xFFFF7800  }
0x174: {  	[tilespmem:s9], [sflag:$0x2] =	stream.linear.gather [hbm4b:s0+s2], $0x8000, $0x38;
	[tilespmem:$0x19980] =	vst v63  }
0x175: {  	_ =	swait.ge [sflag:s10], $0x8000  }
0x176: {  	s18 =	sld [smem:$0x7EB]  }
0x177: {  	[sflag:s10] =	ssyncset.done $0x0  }
0x178: {  	[sflag:s10] =	ssyncadd.s32 $0xFFFF8000  }
0x179: {  	[hbm4b:s18+s2] =	stream.linear.scatter [tilespmem:s9], [sflag:$0x4], $0x8800, $0x38;
	[tilespmem:$0x19980] =	vst v63  }
0x17a: {  	_ =	swait.ge [sflag:s11], $0x8800  }
0x17b: {  	[sflag:s11] =	ssyncset.done $0x0  }
0x17c: {  	s0 =	rddreg [dreg:$0x15];
	[sflag:s11] =	ssyncadd.s32 $0xFFFF7800  }
0x17d: {  	[tilespmem:s2], [sflag:$0x1] =	stream.linear.gather [hbm4b:s0+s2], $0x8000, $0x38;
	[tilespmem:$0x19980] =	vst v63  }
0x17e: {  	_ =	swait.ge [sflag:s6], $0x8000  }
0x17f: {  	[sflag:s6] =	ssyncset.done $0x0  }
0x180: {  	[sflag:s6] =	ssyncadd.s32 $0xFFFF8000  }
0x181: {  	[hbm4b:s23+s2] =	stream.linear.scatter [tilespmem:s2], [sflag:$0x3], $0x8800, $0x38;
	[tilespmem:$0x19980] =	vst v63  }
0x182: {  	_ =	swait.ge [sflag:s12], $0x8800  }
0x183: {  	[sflag:s12] =	ssyncset.done $0x0  }
0x184: {  	s18 =	rddreg [dreg:$0x16];
	[sflag:s12] =	ssyncadd.s32 $0xFFFF7800  }
0x185: {  	[tilespmem:s9], [sflag:$0x2] =	stream.linear.gather [hbm4b:s18+s2], $0x8000, $0x38;
	[tilespmem:$0x19980] =	vst v63  }
0x186: {  	_ =	swait.ge [sflag:s10], $0x8000  }
0x187: {  	[sflag:s10] =	ssyncset.done $0x0  }
0x188: {  	[sflag:s10] =	ssyncadd.s32 $0xFFFF8000  }
0x189: {  	[hbm4b:s31+s2] =	stream.linear.scatter [tilespmem:s9], [sflag:$0x4], $0x8800, $0x38;
	[tilespmem:$0x19980] =	vst v63  }
0x18a: {  	_ =	swait.ge [sflag:s11], $0x8800  }
0x18b: {  	[sflag:s11] =	ssyncset.done $0x0  }
0x18c: {  	s0 =	rddreg [dreg:$0x17];
	[sflag:s11] =	ssyncadd.s32 $0xFFFF7800  }
0x18d: {  	[tilespmem:s2], [sflag:$0x1] =	stream.linear.gather [hbm4b:s0+s2], $0x8000, $0x38;
	[tilespmem:$0x19980] =	vst v63  }
0x18e: {  	_ =	swait.ge [sflag:s6], $0x8000  }
0x18f: {  	s18 =	sld [smem:$0x7EC]  }
0x190: {  	[sflag:s6] =	ssyncset.done $0x0  }
0x191: {  	[sflag:s6] =	ssyncadd.s32 $0xFFFF8000  }
0x192: {  	[hbm4b:s18+s2] =	stream.linear.scatter [tilespmem:s2], [sflag:$0x3], $0x8800, $0x38;
	[tilespmem:$0x19980] =	vst v63  }
0x193: {  	_ =	swait.ge [sflag:s12], $0x8800  }
0x194: {  	[sflag:s12] =	ssyncset.done $0x0  }
0x195: {  	s0 =	rddreg [dreg:$0x18];
	[sflag:s12] =	ssyncadd.s32 $0xFFFF7800  }
0x196: {  	[tilespmem:s9], [sflag:$0x2] =	stream.linear.gather [hbm4b:s0+s2], $0x8000, $0x38;
	[tilespmem:$0x19980] =	vst v63  }
0x197: {  	_ =	swait.ge [sflag:s10], $0x8000  }
0x198: {  	s18 =	sld [smem:$0x7EF]  }
0x199: {  	[sflag:s10] =	ssyncset.done $0x0  }
0x19a: {  	[sflag:s10] =	ssyncadd.s32 $0xFFFF8000  }
0x19b: {  	[hbm4b:s18+s2] =	stream.linear.scatter [tilespmem:s9], [sflag:$0x4], $0x8800, $0x38;
	[tilespmem:$0x19980] =	vst v63  }
0x19c: {  	_ =	swait.ge [sflag:s11], $0x8800  }
0x19d: {  	[sflag:s11] =	ssyncset.done $0x0  }
0x19e: {  	s0 =	rddreg [dreg:$0x19];
	[sflag:s11] =	ssyncadd.s32 $0xFFFF7800  }
0x19f: {  	[tilespmem:s2], [sflag:$0x1] =	stream.linear.gather [hbm4b:s0+s2], $0x8000, $0x38;
	[tilespmem:$0x19980] =	vst v63  }
0x1a0: {  	_ =	swait.ge [sflag:s6], $0x8000  }
0x1a1: {  	s18 =	sld [smem:$0x7F0]  }
0x1a2: {  	[sflag:s6] =	ssyncset.done $0x0  }
0x1a3: {  	[sflag:s6] =	ssyncadd.s32 $0xFFFF8000  }
0x1a4: {  	[hbm4b:s18+s2] =	stream.linear.scatter [tilespmem:s2], [sflag:$0x3], $0x8800, $0x38;
	[tilespmem:$0x19980] =	vst v63  }
0x1a5: {  	_ =	swait.ge [sflag:s12], $0x8800  }
0x1a6: {  	[sflag:s12] =	ssyncset.done $0x0  }
0x1a7: {  	s0 =	rddreg [dreg:$0x1a];
	[sflag:s12] =	ssyncadd.s32 $0xFFFF7800  }
0x1a8: {  	[tilespmem:s9], [sflag:$0x2] =	stream.linear.gather [hbm4b:s0+s2], $0x8000, $0x38;
	[tilespmem:$0x19980] =	vst v63  }
0x1a9: {  	_ =	swait.ge [sflag:s10], $0x8000  }
0x1aa: {  	s18 =	sld [smem:$0x7F1]  }
0x1ab: {  	[sflag:s10] =	ssyncset.done $0x0  }
0x1ac: {  	[sflag:s10] =	ssyncadd.s32 $0xFFFF8000  }
0x1ad: {  	[hbm4b:s18+s2] =	stream.linear.scatter [tilespmem:s9], [sflag:$0x4], $0x8800, $0x38;
	[tilespmem:$0x19980] =	vst v63  }
0x1ae: {  	_ =	swait.ge [sflag:s11], $0x8800  }
0x1af: {  	[sflag:s11] =	ssyncset.done $0x0  }
0x1b0: {  	s0 =	rddreg [dreg:$0x1b];
	[sflag:s11] =	ssyncadd.s32 $0xFFFF7800  }
0x1b1: {  	[tilespmem:s2], [sflag:$0x1] =	stream.linear.gather [hbm4b:s0+s2], $0x8000, $0x38;
	[tilespmem:$0x19980] =	vst v63  }
0x1b2: {  	_ =	swait.ge [sflag:s6], $0x8000  }
0x1b3: {  	s18 =	sld [smem:$0x7F3]  }
0x1b4: {  	[sflag:s6] =	ssyncset.done $0x0  }
0x1b5: {  	[sflag:s6] =	ssyncadd.s32 $0xFFFF8000  }
0x1b6: {  	[hbm4b:s18+s2] =	stream.linear.scatter [tilespmem:s2], [sflag:$0x3], $0x8800, $0x38;
	[tilespmem:$0x19980] =	vst v63  }
0x1b7: {  	_ =	swait.ge [sflag:s12], $0x8800  }
0x1b8: {  	[sflag:s12] =	ssyncset.done $0x0  }
0x1b9: {  	s0 =	rddreg [dreg:$0x1c];
	[sflag:s12] =	ssyncadd.s32 $0xFFFF7800  }
0x1ba: {  	[tilespmem:s9], [sflag:$0x2] =	stream.linear.gather [hbm4b:s0+s2], $0x8000, $0x38;
	[tilespmem:$0x19980] =	vst v63  }
0x1bb: {  	_ =	swait.ge [sflag:s10], $0x8000  }
0x1bc: {  	s18 =	sld [smem:$0x7F4]  }
0x1bd: {  	[sflag:s10] =	ssyncset.done $0x0  }
0x1be: {  	[sflag:s10] =	ssyncadd.s32 $0xFFFF8000  }
0x1bf: {  	[hbm4b:s18+s2] =	stream.linear.scatter [tilespmem:s9], [sflag:$0x4], $0x8800, $0x38;
	[tilespmem:$0x19980] =	vst v63  }
0x1c0: {  	_ =	swait.ge [sflag:s11], $0x8800  }
0x1c1: {  	[sflag:s11] =	ssyncset.done $0x0  }
0x1c2: {  	s0 =	rddreg [dreg:$0x1d];
	[sflag:s11] =	ssyncadd.s32 $0xFFFF7800  }
0x1c3: {  	[tilespmem:s2], [sflag:$0x1] =	stream.linear.gather [hbm4b:s0+s2], $0x8000, $0x38;
	[tilespmem:$0x19980] =	vst v63  }
0x1c4: {  	_ =	swait.ge [sflag:s6], $0x8000  }
0x1c5: {  	s18 =	sld [smem:$0x7F5]  }
0x1c6: {  	[sflag:s6] =	ssyncset.done $0x0  }
0x1c7: {  	[sflag:s6] =	ssyncadd.s32 $0xFFFF8000  }
0x1c8: {  	[hbm4b:s18+s2] =	stream.linear.scatter [tilespmem:s2], [sflag:$0x3], $0x8800, $0x38;
	[tilespmem:$0x19980] =	vst v63  }
0x1c9: {  	_ =	swait.ge [sflag:s12], $0x8800  }
0x1ca: {  	[sflag:s12] =	ssyncset.done $0x0  }
0x1cb: {  	s0 =	rddreg [dreg:$0x1e];
	[sflag:s12] =	ssyncadd.s32 $0xFFFF7800  }
0x1cc: {  	[tilespmem:s9], [sflag:$0x2] =	stream.linear.gather [hbm4b:s0+s2], $0x8000, $0x38;
	[tilespmem:$0x19980] =	vst v63  }
0x1cd: {  	_ =	swait.ge [sflag:s10], $0x8000  }
0x1ce: {  	s14 =	sld [smem:$0x7F8]  }
0x1cf: {  	[sflag:s10] =	ssyncset.done $0x0  }
0x1d0: {  	[sflag:s10] =	ssyncadd.s32 $0xFFFF8000  }
0x1d1: {  	[hbm4b:s14+s2] =	stream.linear.scatter [tilespmem:s9], [sflag:$0x4], $0x8800, $0x38;
	[tilespmem:$0x19980] =	vst v63  }
0x1d2: {  	_ =	swait.ge [sflag:s11], $0x8800  }
0x1d3: {  	[sflag:s11] =	ssyncset.done $0x0  }
0x1d4: {  	s18 =	rddreg [dreg:$0x1f];
	[sflag:s11] =	ssyncadd.s32 $0xFFFF7800  }
0x1d5: {  	[tilespmem:s2], [sflag:$0x1] =	stream.linear.gather [hbm4b:s18+s2], $0x8000, $0x38;
	[tilespmem:$0x19980] =	vst v63  }
0x1d6: {  	_ =	swait.ge [sflag:s6], $0x8000  }
0x1d7: {  	[sflag:s6] =	ssyncset.done $0x0  }
0x1d8: {  	[sflag:s6] =	ssyncadd.s32 $0xFFFF8000  }
0x1d9: {  	[hbm4b:s1+s2] =	stream.linear.scatter [tilespmem:s2], [sflag:$0x3], $0x8800, $0x38;
	[tilespmem:$0x19980] =	vst v63  }
0x1da: {  	_ =	swait.ge [sflag:s12], $0x8800  }
0x1db: {  	s0 =	sld [smem:$0x7D4]  }
0x1dc: {  	[sflag:s12] =	ssyncset.done $0x0  }
0x1dd: {  	[sflag:s12] =	ssyncadd.s32 $0xFFFF7800  }
0x1de: {  	[tilespmem:s9], [sflag:$0x2] =	stream.linear.gather [hbm4b:s0+s2], $0x8000, $0x38;
	[tilespmem:$0x19980] =	vst v63  }
0x1df: {  	_ =	swait.ge [sflag:s10], $0x8000  }
0x1e0: {  	s18 =	sld [smem:$0x7F9]  }
0x1e1: {  	[sflag:s10] =	ssyncset.done $0x0  }
0x1e2: {  	[sflag:s10] =	ssyncadd.s32 $0xFFFF8000  }
0x1e3: {  	[hbm4b:s18+s2] =	stream.linear.scatter [tilespmem:s9], [sflag:$0x4], $0x8800, $0x38;
	[tilespmem:$0x19980] =	vst v63  }
0x1e4: {  	_ =	swait.ge [sflag:s11], $0x8800  }
0x1e5: {  	s0 =	sld [smem:$0x7D5]  }
0x1e6: {  	[sflag:s11] =	ssyncset.done $0x0  }
0x1e7: {  	[sflag:s11] =	ssyncadd.s32 $0xFFFF7800  }
0x1e8: {  	[tilespmem:s2], [sflag:$0x1] =	stream.linear.gather [hbm4b:s0+s2], $0x8000, $0x38;
	[tilespmem:$0x19980] =	vst v63  }
0x1e9: {  	_ =	swait.ge [sflag:s6], $0x8000  }
0x1ea: {  	[sflag:s6] =	ssyncset.done $0x0  }
0x1eb: {  	[sflag:s6] =	ssyncadd.s32 $0xFFFF8000  }
0x1ec: {  	[hbm4b:s3+s2] =	stream.linear.scatter [tilespmem:s2], [sflag:$0x3], $0x8800, $0x38;
	[tilespmem:$0x19980] =	vst v63  }
0x1ed: {  	_ =	swait.ge [sflag:s12], $0x8800  }
0x1ee: {  	s18 =	sld [smem:$0x7D6]  }
0x1ef: {  	[sflag:s12] =	ssyncset.done $0x0  }
0x1f0: {  	[sflag:s12] =	ssyncadd.s32 $0xFFFF7800  }
0x1f1: {  	[tilespmem:s9], [sflag:$0x2] =	stream.linear.gather [hbm4b:s18+s2], $0x8000, $0x38;
	[tilespmem:$0x19980] =	vst v63  }
0x1f2: {  	_ =	swait.ge [sflag:s10], $0x8000  }
0x1f3: {  	[sflag:s10] =	ssyncset.done $0x0  }
0x1f4: {  	[sflag:s10] =	ssyncadd.s32 $0xFFFF8000  }
0x1f5: {  	[hbm4b:s4+s2] =	stream.linear.scatter [tilespmem:s9], [sflag:$0x4], $0x8800, $0x38;
	[tilespmem:$0x19980] =	vst v63  }
0x1f6: {  	_ =	swait.ge [sflag:s11], $0x8800  }
0x1f7: {  	[sflag:s11] =	ssyncset.done $0x0  }
0x1f8: {  	s13 =	sadd.s32 $0x1, s13;
	[sflag:s11] =	ssyncadd.s32 $0xFFFF7800  }
0x1f9: {  	p1 =	sne.s32 s13, s5;
	_ =	swait.ge [sflag:s12], $0x8800  }
.Ltmp1:
0x1fa: {  	[sflag:s12] =	ssyncset.done $0x0;
	(pc) =	sbr.rel @!p1 .LBB2_6-.Ltmp1, $4  }
0x1fb: {  	s14 =	simm.s32 @!p0 $0x5;
	[sflag:s12] =	ssyncadd.s32 $0xFFFF7800  }
0x1fc: {  	_ =	swait.ge @!p0 [sflag:s14], $0x8800  }
0x1fd: {  	[sflag:s14] =	ssyncset.done @!p0 $0x0  }
0x1fe: {  	[sflag:s14] =	ssyncadd.s32 @!p0 $0xFFFF7800  }
.LBB2_1:
0x1ff: {  	s0 =	rddreg [dreg:$0x1]  }
0x200: {  	[tilespmem:s7], [sflag:$0x6] =	stream.linear.gather [hbm4b:s0+s2], $0x180, $0x38;
	[tilespmem:$0x19980] =	vst v63  }
0x201: {  	_ =	swait.ge [sflag:s8], $0x180  }
0x202: {  	[sflag:s8] =	ssyncset.done $0x0  }
0x203: {  	[sflag:s8] =	ssyncadd.s32 $0xFFFFFE80  }
0x204: {  	v24 =	vld.idx.msk [tilespmem:v0+s7+$0x0], $0xffff  }
0x205: {  	v25 =	vld.idx.msk [tilespmem:v1+s7+$0x0], $0xffff  }
0x206: {  	v26 =	vld.idx.msk [tilespmem:v2+s7+$0x0], $0xffff  }
0x207: {  	v27 =	vld.idx.msk [tilespmem:v3+s7+$0x0], $0xffff  }
0x208: {  	v28 =	vld.idx.msk [tilespmem:v4+s7+$0x0], $0xffff  }
0x209: {  	v29 =	vld.idx.msk [tilespmem:v5+s7+$0x0], $0xffff  }
0x20a: {  	v30 =	vld.idx.msk [tilespmem:v6+s7+$0x0], $0xffff  }
0x20b: {  	v31 =	vld.idx.msk [tilespmem:v7+s7+$0x0], $0xffff  }
0x20c: {  	v32 =	vld.idx.msk [tilespmem:v8+s7+$0x0], $0xffff  }
0x20d: {  	v33 =	vld.idx.msk [tilespmem:v9+s7+$0x0], $0xffff  }
0x20e: {  	v34 =	vld.idx.msk [tilespmem:v10+s7+$0x0], $0xffff  }
0x20f: {  	v35 =	vld.idx.msk [tilespmem:v11+s7+$0x0], $0xffff  }
0x210: {  	v36 =	vld.idx.msk [tilespmem:v12+s7+$0x0], $0xffff  }
0x211: {  	v37 =	vld.idx.msk [tilespmem:v13+s7+$0x0], $0xffff  }
0x212: {  	v38 =	vld.idx.msk [tilespmem:v14+s7+$0x0], $0xffff  }
0x213: {  	v39 =	vld.idx.msk [tilespmem:v15+s7+$0x0], $0xffff  }
0x214: {  	v40 =	vld.idx.msk [tilespmem:v16+s7+$0x0], $0xffff  }
0x215: {  	v41 =	vld.idx.msk [tilespmem:v17+s7+$0x0], $0xffff  }
0x216: {  	v42 =	vld.idx.msk [tilespmem:v18+s7+$0x0], $0xffff  }
0x217: {  	v43 =	vld.idx.msk [tilespmem:v19+s7+$0x0], $0xffff  }
0x218: {  	v44 =	vld.idx.msk [tilespmem:v20+s7+$0x0], $0xffff  }
0x219: {  	v45 =	vld.idx.msk [tilespmem:v21+s7+$0x0], $0xffff  }
0x21a: {  	v46 =	vld.idx.msk [tilespmem:v22+s7+$0x0], $0xffff  }
0x21b: {  	v47 =	vld.idx.msk [tilespmem:v23+s7+$0x0], $0xffff;
	[tilespmem:$0x8000] =	vst v24  }
0x21c: {  	[tilespmem:$0x10800] =	vst v24  }
0x21d: {  	[tilespmem:$0x8010] =	vst v25  }
0x21e: {  	[tilespmem:$0x10810] =	vst v25  }
0x21f: {  	[tilespmem:$0x8020] =	vst v26  }
0x220: {  	[tilespmem:$0x10820] =	vst v26  }
0x221: {  	[tilespmem:$0x8030] =	vst v27  }
0x222: {  	[tilespmem:$0x10830] =	vst v27  }
0x223: {  	[tilespmem:$0x8040] =	vst v28  }
0x224: {  	[tilespmem:$0x10840] =	vst v28  }
0x225: {  	[tilespmem:$0x8050] =	vst v29  }
0x226: {  	[tilespmem:$0x10850] =	vst v29  }
0x227: {  	[tilespmem:$0x8060] =	vst v30  }
0x228: {  	[tilespmem:$0x10860] =	vst v30  }
0x229: {  	[tilespmem:$0x8070] =	vst v31  }
0x22a: {  	[tilespmem:$0x10870] =	vst v31  }
0x22b: {  	[tilespmem:$0x8400] =	vst v32  }
0x22c: {  	[tilespmem:$0x10C00] =	vst v32  }
0x22d: {  	[tilespmem:$0x8410] =	vst v33  }
0x22e: {  	[tilespmem:$0x10C10] =	vst v33  }
0x22f: {  	[tilespmem:$0x8420] =	vst v34  }
0x230: {  	[tilespmem:$0x10C20] =	vst v34  }
0x231: {  	[tilespmem:$0x8430] =	vst v35  }
0x232: {  	[tilespmem:$0x10C30] =	vst v35  }
0x233: {  	[tilespmem:$0x8080] =	vst v36  }
0x234: {  	[tilespmem:$0x10880] =	vst v36  }
0x235: {  	[tilespmem:$0x8090] =	vst v37  }
0x236: {  	[tilespmem:$0x10890] =	vst v37  }
0x237: {  	[tilespmem:$0x80A0] =	vst v38  }
0x238: {  	[tilespmem:$0x108A0] =	vst v38  }
0x239: {  	[tilespmem:$0x80B0] =	vst v39  }
0x23a: {  	[tilespmem:$0x108B0] =	vst v39  }
0x23b: {  	[tilespmem:$0x80C0] =	vst v40  }
0x23c: {  	[tilespmem:$0x108C0] =	vst v40  }
0x23d: {  	[tilespmem:$0x80D0] =	vst v41  }
0x23e: {  	[tilespmem:$0x108D0] =	vst v41  }
0x23f: {  	[tilespmem:$0x80E0] =	vst v42  }
0x240: {  	[tilespmem:$0x108E0] =	vst v42  }
0x241: {  	[tilespmem:$0x80F0] =	vst v43  }
0x242: {  	[tilespmem:$0x108F0] =	vst v43  }
0x243: {  	[tilespmem:$0x8480] =	vst v44  }
0x244: {  	[tilespmem:$0x10C80] =	vst v44  }
0x245: {  	[tilespmem:$0x8490] =	vst v45  }
.Ltmp2:
0x246: {  	[tilespmem:$0x10C90] =	vst v45;
	(pc) =	sbr.rel @p0 .LBB2_5-.Ltmp2, $4  }
0x247: {  	[tilespmem:$0x84A0] =	vst v46  }
0x248: {  	[tilespmem:$0x10CA0] =	vst v46  }
0x249: {  	[tilespmem:$0x84B0] =	vst v47  }
0x24a: {  	[tilespmem:$0x10CB0] =	vst v47  }
0x24b: {  	s14 =	sand.u32 $0xF800, s2;
	s18 =	sand.u32 $0x300, s2  }
0x24c: {  	s14 =	sor.u32 s18, s14  }
0x24d: {  	s18 =	sadd.s32 $0x11000, s14;
	[tilespmem:s14+$0x11000] =	vst v24  }
0x24e: {  	[tilespmem:s18+$0x10] =	vst v25  }
0x24f: {  	[tilespmem:s18+$0x20] =	vst v26  }
0x250: {  	[tilespmem:s18+$0x30] =	vst v27  }
0x251: {  	[tilespmem:s18+$0x40] =	vst v28  }
0x252: {  	[tilespmem:s18+$0x50] =	vst v29  }
0x253: {  	[tilespmem:s18+$0x60] =	vst v30  }
0x254: {  	[tilespmem:s18+$0x70] =	vst v31  }
0x255: {  	[tilespmem:s18+$0x400] =	vst v32  }
0x256: {  	[tilespmem:s18+$0x410] =	vst v33  }
0x257: {  	[tilespmem:s18+$0x420] =	vst v34  }
0x258: {  	[tilespmem:s18+$0x430] =	vst v35  }
0x259: {  	[tilespmem:s18+$0x80] =	vst v36  }
0x25a: {  	[tilespmem:s18+$0x90] =	vst v37  }
0x25b: {  	[tilespmem:s18+$0xA0] =	vst v38  }
0x25c: {  	s8 =	smov.u32 s4;
	s5 =	smov.u32 s3;
	[tilespmem:s18+$0xB0] =	vst v39  }
0x25d: {  	s4 =	smov.u32 s1;
	s3 =	smov.u32 s31;
	s1 =	smov.u32 s23;
	[tilespmem:s18+$0xC0] =	vst v40  }
0x25e: {  	s0 =	smov.u32 s30;
	s31 =	smov.u32 s29;
	s30 =	smov.u32 s28;
	[tilespmem:s18+$0xD0] =	vst v41  }
0x25f: {  	s29 =	smov.u32 s26;
	s28 =	smov.u32 s25;
	s26 =	smov.u32 s24;
	[tilespmem:s18+$0xE0] =	vst v42  }
0x260: {  	s25 =	smov.u32 s22;
	s24 =	smov.u32 s21;
	s23 =	smov.u32 s19;
	[tilespmem:s18+$0xF0] =	vst v43  }
0x261: {  	s22 =	smov.u32 s17;
	s21 =	smov.u32 s20;
	s20 =	smov.u32 s16;
	[tilespmem:s18+$0x480] =	vst v44  }
0x262: {  	s19 =	smov.u32 s15;
	s16 =	sadd.s32 $0x100, s2;
	s15 =	sadd.s32 $0x200, s2;
	[tilespmem:s18+$0x490] =	vst v45  }
0x263: {  	s17 =	sand.u32 $0xF800, s15;
	s14 =	sand.u32 $0x300, s16;
	s16 =	sadd.s32 $0x100, s16;
	[tilespmem:s18+$0x4A0] =	vst v46  }
.LBB2_3:
0x264: {  	p1 =	sne.s32 s16, $0x4000;
	s14 =	sor.u32 s14, s17;
	[tilespmem:s18+$0x4B0] =	vst v47  }
0x265: {  	s18 =	sadd.s32 $0x11000, s14;
	[tilespmem:s14+$0x11000] =	vst v24  }
0x266: {  	[tilespmem:s18+$0x10] =	vst v25  }
0x267: {  	[tilespmem:s18+$0x20] =	vst v26  }
0x268: {  	[tilespmem:s18+$0x30] =	vst v27  }
0x269: {  	[tilespmem:s18+$0x40] =	vst v28  }
0x26a: {  	[tilespmem:s18+$0x50] =	vst v29  }
0x26b: {  	[tilespmem:s18+$0x60] =	vst v30  }
0x26c: {  	[tilespmem:s18+$0x70] =	vst v31  }
0x26d: {  	[tilespmem:s18+$0x400] =	vst v32  }
0x26e: {  	[tilespmem:s18+$0x410] =	vst v33  }
0x26f: {  	[tilespmem:s18+$0x420] =	vst v34  }
0x270: {  	[tilespmem:s18+$0x430] =	vst v35  }
0x271: {  	[tilespmem:s18+$0x80] =	vst v36  }
0x272: {  	[tilespmem:s18+$0x90] =	vst v37  }
0x273: {  	[tilespmem:s18+$0xA0] =	vst v38  }
0x274: {  	[tilespmem:s18+$0xB0] =	vst v39  }
0x275: {  	[tilespmem:s18+$0xC0] =	vst v40  }
0x276: {  	[tilespmem:s18+$0xD0] =	vst v41  }
.Ltmp3:
0x277: {  	[tilespmem:s18+$0xE0] =	vst v42;
	(pc) =	sbr.rel @p1 .LBB2_3-.Ltmp3, $4  }
0x278: {  	[tilespmem:s18+$0xF0] =	vst v43  }
0x279: {  	[tilespmem:s18+$0x480] =	vst v44  }
0x27a: {  	s15 =	sadd.s32 $0x200, s15;
	[tilespmem:s18+$0x490] =	vst v45  }
0x27b: {  	s17 =	sand.u32 $0xF800, s15;
	s14 =	sand.u32 $0x300, s16;
	s16 =	sadd.s32 $0x100, s16;
	[tilespmem:s18+$0x4A0] =	vst v46  }
.Ltmp4:
0x27c: {  	_ = 	snop;
	(pc) =	sbr.rel .LBB2_4-.Ltmp4, $1  }
0x27d: {  	_ =	sdelay $0x3  }
.LBB2_6:
0x27e: {  	_ =	sfence.sel $0x180000  }
0x27f: {  	[bflag:$0x0] =	sbarrier.arrive $0xFFFF  }
0x280: {  	_ =	strace $0x90000047  }
0x281: {  	s0 =	stileid.u32;
	[bflag:$0x2] =	sbarrier.arrive $0xFFFF  }
0x282: {  	p0 =	sne.s32 s0, $0x0;
	s0 =	rddreg [dreg:$0x2]  }
0x283: {  	s0 =	sadd.s32 @!p0 $0x100000, s0  }
0x284: {  	[sflag:s0] =	ssyncadd.tile.s32 @!p0 $0x1;
	_ =	shalt  }
.Lfunc_end2:
_tile_overlayer_lowered:
.L_overlay_start_2:
0x285: {  	(tag) =	ssettag $0x2  }
0x286: {  	s0 =	rddreg [dreg:$0x0];
	s2 =	stileid.u32  }
0x287: {  	s1 =	rddreg [dreg:$0x1];
	p0 =	sne.s32 s2, $0x0  }
0x288: {  	s3 =	rddreg [dreg:$0x2];
	[bflag:$0x3] =	sbarrier.arrive $0xFFFF;
	s2 =	simm.s32 @!p0 $0x1C06  }
0x289: {  	[timem:s3], [sflag:s2] =	dma.local @!p0 [hbm:s0], s1  }
0x28a: {  	s0 =	simm.s32 @!p0 $0x6  }
0x28b: {  	_ =	swait.ge @!p0 [sflag:s0], s1  }
0x28c: {  	s1 =	ssub.s32 @!p0 $0x0, s1;
	[sflag:s0] =	ssyncset.done @!p0 $0x0  }
0x28d: {  	[sflag:s0] =	ssyncadd.s32 @!p0 s1  }
0x28e: {  	[bflag:$0x3] =	sbarrier.arrive $0xFFFF  }
0x28f: {  	_ =	shalt  }

// kernel: sparse-core-data-format-call.cloned.1.call-start
scs
called_computation_lowered:
.L_overlay_start_0:
0x0: {  	s2 =	sld [smem:$0x3FD9]  }
0x1: {  	s3 =	sld [smem:$0x3FFE];
	_ =	sdelay $0x1  }
0x2: {  	s1 =	srdreg.scid  }
0x3: {  	s0 =	sand.u32 $0x1, s1  }
0x4: {  	s18 =	sshll.u32 s0, $0xA;
	s2 =	sadd.s32 s3, s2  }
0x5: {  	s2 =	sadd.s32 s2, s18  }
0x6: {  	[smem:$0x3FC6] =	sst s2  }
0x7: {  	_ = 	snop  }
0x8: {  	s2 =	sld [smem:$0x3FD0];
	(tm) =	ssettm $0x1  }
0x9: {  	s19 =	sld [smem:$0x3FFB];
	_ =	sdelay $0x3  }
0xa: {  	_ =	strace s19  }
0xb: {  	s3 =	sld [smem:$0x3FFC];
	_ =	sdelay $0x3  }
0xc: {  	_ =	strace s3  }
0xd: {  	s3 =	sld [smem:$0x3FFD];
	_ =	sdelay $0x3  }
0xe: {  	_ =	strace s3  }
0xf: {  	_ =	strace $0x8FFFFFFF  }
0x10: {  	s20 =	sld [smem:$0x3FDB];
	_ =	sdelay $0x1  }
0x11: {  	s4 =	simm.s32 $_scs_section_size  }
0x12: {  	s5 =	simm.s32 $_size__tile_overlayer_lowered;
	s6 =	simm.s32 $_tile_overlayer_lowered  }
0x13: {  	s23 =	simm.s32 $0x1BFF;
	s22 =	sshll.u32 s6, $0x1;
	s3 =	sadd.s32 s4, s20  }
0x14: {  	s7 =	simm.s32 $0x0;
	s21 =	sshll.u32 s5, $0x1;
	s5 =	sadd.s32 s22, s3  }
0x15: {  	[timem:s7], [sflag:s23] =	dma.local [hbm:s5], s21  }
0x16: {  	_ =	swait.ge [sflag:s23], s21  }
0x17: {  	s4 =	ssub.s32 $0x0, s21;
	[sflag:s23] =	ssyncset.done $0x0  }
0x18: {  	[sflag:s23] =	ssyncadd.s32 s4;
	_ =	sdelay $0x1  }
0x19: {  	s24 =	simm.s32 $0x1B8B  }
0x1a: {  	_ =	swait.ge [sflag:s24], $0x1  }
0x1b: {  	[sflag:s24] =	ssyncset.done $0x0  }
0x1c: {  	s26 =	simm.s32 $0x1B8E;
	s25 =	sld [smem:$0x3FFE];
	[sflag:s24] =	ssyncadd.s32 $0xFFFFFFFF  }
0x1d: {  	s27 =	simm.s32 $execute0_lowered;
	[smem:$0x3FD2] =	sst s26  }
0x1e: {  	s5 =	sshll.u32 s27, $0x1;
	_ =	strace $0x80000049;
	[dreg:$0x1] =	wrdreg $0xFFFFFFFF  }
0x1f: {  	s28 =	simm.s32 $_size_execute0_lowered;
	s3 =	sadd.s32 s3, s5;
	[dreg:$0x0] =	wrdreg $0x0  }
0x20: {  	s5 =	sshll.u32 s28, $0x1;
	[dreg:$0x2] =	wrdreg s3  }
0x21: {  	[dreg:$0x3] =	wrdreg s5  }
0x22: {  	[dreg:$0x4] =	wrdreg $0xC0  }
0x23: {  	_ =	task [dreg:s7], $0x5FFFF  }
0x24: {  	[dreg:$0x1] =	wrdreg $0xFFFFFFFF  }
0x25: {  	[dreg:$0x0] =	wrdreg $0x60  }
0x26: {  	[dreg:$0x2] =	wrdreg s25  }
0x27: {  	[dreg:$0x3] =	wrdreg s2  }
0x28: {  	[dreg:$0x4] =	wrdreg $0x9  }
0x29: {  	_ =	task.clear_ibuf [dreg:s7], $0x5FFFF;
	_ =	strace $0x90000049  }
0x2a: {  	s29 =	simm.s32 $0x9;
	_ =	strace $0x8000004B  }
0x2b: {  	_ =	swait.ge [sflag:s29], $0x1  }
0x2c: {  	[sflag:s29] =	ssyncadd.s32 $0xFFFFFFFF  }
0x2d: {  	_ =	strace $0x9000004B  }
0x2e: {  	_ =	sfence  }
0x2f: {  	s30 =	sld [smem:$0x0];
	_ =	sdelay $0x2  }
0x30: {  	s31 =	sshll.u32 s1, $0xD;
	s1 =	sshrl.u32 s1, $0x2  }
0x31: {  	s3 =	sand.u32 $0x4000, s31;
	s1 =	sadd.s32 s1, s30  }
0x32: {  	s0 =	sor.u32 s3, s0;
	s1 =	sshll.u32 s1, $0x11  }
0x33: {  	s0 =	sor.u32 s1, s0  }
0x34: {  	s0 =	sadd.s32 $0x8F2B, s0  }
0x35: {  	[sflag:s0] =	ssyncadd.remote.s32 $0x1  }
0x36: {  	_ =	sfence.sel $0xFFFF  }
0x37: {  	[dreg:$0x0] =	wrdreg $0xFFFFFFFF;
	(pc) =	sbr.abs _section_cstart, $3  }
0x38: {  	[dreg:$0x1] =	wrdreg $0xFFFFFFFF  }
0x39: {  	_ =	task.clear_ibuf [dreg:s7], $0x2FFFF;
	_ =	strace $0x9FFFFFFF  }
0x3a: {  	(tm) =	ssettm $0x7FFFFFFF  }
0x3b: {  	_ =	shalt  }
tec
execute0_lowered:
.L_overlay_start_1:
0x0: {  	(tag) =	ssettag $0x1  }
0x1: {  	s4 =	rddreg [dreg:$0x0]  }
0x2: {  	s2 =	rddreg [dreg:$0x1]  }
0x3: {  	s1 =	srdreg.scid;
	s0 =	rddreg [dreg:$0x2]  }
0x4: {  	_ =	strace $0x8000004A;
	s7 =	simm.s32 $0x2;
	s14 =	simm.s32 $0x0  }
0x5: {  	s16 =	simm.s32 $0x0;
	s11 =	simm.s32 $0x0;
	s1 =	sshll.u32 s1, $0x7  }
0x6: {  	s17 =	simm.s32 $0x0;
	s12 =	simm.s32 $0x0;
	s3 =	sand.u32 $0x80, s1  }
0x7: {  	s15 =	simm.s32 $0x0;
	s1 =	stileid.u32;
	s8 =	sadd.s32 s3, s4  }
.Ltmp0:
0x8: {  	s6 =	sshll.u32 s1, $0x7;
	s4 =	simm.s32 $0x1;
	(pc) =	sbr.rel .LBB1_1-.Ltmp0, $4  }
0x9: {  	s5 =	sshrl.u32 s1, $0x1;
	s6 =	sand.u32 $0x80, s6;
	[sflag:s4] =	ssyncpa.u1 $0x0  }
0xa: {  	s10 =	sshll.u32 s5, $0x4;
	s9 =	ssub.s32 $0x4200, s6;
	[sflag:s7] =	ssyncpa.u1 $0x0  }
0xb: {  	s8 =	sadd.s32 s10, s8;
	s10 =	simm.s32 $0x21400;
	s7 =	sshrl.u32 s9, $0x8  }
0xc: {  	s13 =	smov.u32 s6;
	s8 =	sadd.s32 $0x851800, s8;
	s9 =	sadd.s32 $0x2, s7  }
.LBB1_7:
0xd: {  	s20 =	sshrl.u32 s11, $0x3  }
0xe: {  	s21 =	sshll.u32 s12, $0x3;
	s20 =	smul.u32 $0x21400, s20  }
0xf: {  	s22 =	sand.u32 $0x7F, s12;
	s21 =	sand.u32 $0xFFFFFC00, s21  }
0x10: {  	p0 =	sgt.s32 s12, $0x4200;
	s20 =	sadd.s32 s21, s20;
	s21 =	smov.u32 s12  }
0x11: {  	s22 =	sor.u32 s22, s20;
	s20 =	smulhi.u32 $0xF6603D99, s20;
	s21 =	simm.s32 @!p0 $0x4200  }
0x12: {  	p0 =	sgt.s32 s11, $0x40;
	s23 =	smulhi.u32 $0xF6603D99, s22;
	s18 =	sadd.s32 s18, s21  }
0x13: {  	s21 =	smov.u32 s11;
	s20 =	sshrl.u32 s20, $0xE;
	s24 =	sadd.s32 $0xFFFFBE00, s18  }
0x14: {  	s21 =	simm.s32 @!p0 $0x40;
	s18 =	ssub.s32 $0x4280, s18;
	p0 =	sgt.s32 s24, $0x7F  }
0x15: {  	s28 =	smulhi.u32 $0x1555556, s20;
	s21 =	ssub.s32 $0xC0, s21;
	s18 =	simm.s32 @p0 $0x0  }
0x16: {  	s18 =	smul.u32 s21, s18  }
0x17: {  	s29 =	sshrl.u32 s23, $0xE;
	s30 =	smul.u32 $0xC0, s28  }
0x18: {  	s21 =	smul.u32 $0x4280, s29  }
0x19: {  	s17 =	smul.u32 $0x63C00, s17;
	s20 =	ssub.s32 s20, s30  }
0x1a: {  	s21 =	ssub.s32 s22, s21;
	s20 =	smul.u32 $0x850, s20  }
0x1b: {  	s19 =	sor.u32 $0x8000, s19;
	s17 =	sadd.s32 s2, s17;
	s22 =	sand.u32 $0x7, s21  }
0x1c: {  	s21 =	sshrl.u32 s21, $0x3;
	s31 =	sshll.u32 s22, $0x12;
	s17 =	sadd.s32 s20, s17  }
0x1d: {  	s18 =	sand.u32 $0x3FFFFFC0, s18;
	s20 =	sor.u32 $0x400, s31;
	s17 =	sadd.s32 s21, s17  }
0x1e: {  	[hbm4b:s17+s20] =	stream.strided.scatter [tilespmem:s19], [sflag:$0x2], s18, s10, s20, $0x20;
	[tilespmem:$0x10100] =	vst v63  }
.LBB1_8:
0x1f: {  	p0 =	slt.u32 s15, $0x2  }
0x20: {  	p1 =	sgt.s32 @!p0 s16, $0x4200  }
0x21: {  	s17 =	smov.u32 s16;
	s18 =	sshra.s32 @!p0 s16, $0x1F;
	p1 =	por !p1, p0  }
0x22: {  	s16 =	sand.u32 @!p0 s18, s16;
	s17 =	simm.s32 @p1 $0x4200  }
0x23: {  	s16 =	ssub.s32 @!p0 s17, s16  }
0x24: {  	p1 =	sgt.s32 @!p0 s14, $0x40;
	s17 =	sadd.s32 @!p0 $0xFFFFBE00, s16  }
0x25: {  	s18 =	sadd.s32 $0x100, s13;
	p1 =	por !p1, p0;
	p2 =	sgt.s32 @!p0 s17, $0x7F  }
0x26: {  	s14 =	simm.s32 @p1 $0x40;
	s16 =	ssub.s32 @!p0 $0x4280, s16;
	p1 =	por !p2, p0  }
0x27: {  	s14 =	ssub.s32 @!p0 $0xC0, s14;
	s16 =	simm.s32 @!p1 $0x0;
	p1 =	sgt.s32 s18, $0x4203  }
0x28: {  	s14 =	smul.u32 @!p0 s14, s16;
	s18 =	smov.u32 @p1 s6;
	p1 =	sne.s32 s15, s9  }
.Ltmp1:
0x29: {  	s20 =	sadd.s32 $0x1, s15;
	s17 =	simm.s32 @!p0 $0x2;
	(pc) =	sbr.rel @!p1 .LBB1_9-.Ltmp1, $4  }
0x2a: {  	s16 =	smov.u32 s12;
	s12 =	smov.u32 s13;
	s14 =	sand.u32 @!p0 $0x3FFFFFFF, s14  }
0x2b: {  	s15 =	smov.u32 s20;
	s13 =	smov.u32 s18;
	_ =	swait.ge @!p0 [sflag:s17], s14  }
0x2c: {  	s19 =	ssub.s32 @!p0 $0x0, s14;
	s14 =	smov.u32 s11;
	[sflag:s17] =	ssyncset.done @!p0 $0x0  }
0x2d: {  	s11 =	smov.u32 s3;
	[sflag:s17] =	ssyncadd.s32 @!p0 s19;
	s17 =	smov.u32 s5  }
.LBB1_1:
0x2e: {  	p0 =	sgt.u32 s15, s7  }
0x2f: {  	p1 =	sgt.s32 @!p0 s13, $0x4184  }
0x30: {  	s18 =	smov.u32 s13;
	s19 =	sshra.s32 @!p0 s13, $0x1F;
	p1 =	por !p1, p0  }
0x31: {  	s19 =	sand.u32 @!p0 s19, s13;
	s18 =	simm.s32 @p1 $0x4184  }
0x32: {  	s18 =	ssub.s32 @!p0 s18, s19  }
0x33: {  	s20 =	sxor.u32 @!p0 $0xFFFFFFFF, s15;
	s18 =	sadd.s32 @!p0 $0xFFFFBE7C, s18  }
0x34: {  	s21 =	simm.s32 @!p0 $0x80;
	s22 =	simm.s32 @!p0 $0x800;
	s19 =	sshll.u32 @!p0 s18, $0x7  }
0x35: {  	p1 =	sgt.s32 @!p0 s18, $0x7F;
	s18 =	ssub.s32 @!p0 $0x4000, s19;
	s19 =	sshll.u32 @!p0 s20, $0xE  }
0x36: {  	p1 =	por !p1, p0;
	s20 =	sshll.u32 @!p0 s13, $0x8;
	s18 =	sand.u32 @!p0 $0x3FFFFF80, s18  }
0x37: {  	s19 =	sand.u32 @!p0 $0x4000, s19;
	s20 =	sadd.s32 @!p0 s20, s8;
	s18 =	simm.s32 @!p1 $0x0  }
0x38: {  	[tilespmem:s19], [sflag:$0x1] =	stream.strided.gather @!p0 [hbm4b:s20+s21], s18, s22, s21, $0x38;
	[tilespmem:$0x10100] =	vst v63  }
0x39: {  	p0 =	seq.s32 s15, $0x0  }
0x3a: {  	p1 =	sge.u32 @!p0 s15, s9  }
0x3b: {  	p0 =	por p0, p1  }
.Ltmp2:
0x3c: {  	_ = 	snop;
	(pc) =	sbr.rel @p0 .LBB1_8-.Ltmp2, $1  }
0x3d: {  	_ =	sdelay $0x3  }
0x3e: {  	s18 =	ssub.s32 $0x0, s12  }
0x3f: {  	s19 =	sshra.s32 s12, $0x1F;
	p0 =	sgt.s32 s12, $0x4184;
	s20 =	smov.u32 s12  }
0x40: {  	s18 =	sand.u32 s18, s19;
	s20 =	simm.s32 @!p0 $0x4184  }
0x41: {  	s19 =	sadd.s32 s18, s20;
	s20 =	sadd.s32 $0x80, s12  }
0x42: {  	s22 =	smov.u32 s11;
	p0 =	slt.s32 s20, $0x4204  }
0x43: {  	s19 =	sadd.s32 $0xFFFFBE7C, s19;
	s20 =	simm.s32 @!p0 $0x4204;
	p0 =	slt.s32 s11, $0x40  }
0x44: {  	s21 =	sshll.u32 s19, $0x7;
	p1 =	sgt.s32 s19, $0x7F;
	s22 =	simm.s32 @!p0 $0x40  }
0x45: {  	s30 =	ssub.s32 $0x4000, s21;
	s20 =	ssub.s32 s20, s12;
	s31 =	ssub.s32 s22, s11  }
0x46: {  	s19 =	sand.u32 $0x3FFFFF80, s30;
	p0 =	slt.s32 s20, $0x1;
	s21 =	sadd.s32 $0x80, s31  }
0x47: {  	s19 =	simm.s32 @p1 $0x0;
	p1 =	seq.s32 @!p0 s21, $0x0  }
0x48: {  	p1 =	por p0, p1  }
.Ltmp3:
0x49: {  	_ = 	snop;
	(pc) =	sbr.rel @p1 .LBB1_7-.Ltmp3, $4  }
0x4a: {  	_ = 	snop  }
0x4b: {  	_ =	swait.ge [sflag:s4], s19  }
0x4c: {  	s22 =	sand.u32 $0x1, s15;
	s19 =	ssub.s32 $0x0, s19;
	[sflag:s4] =	ssyncset.done $0x0  }
0x4d: {  	[sflag:s4] =	ssyncadd.s32 s19;
	s19 =	smul.u32 $0x4080, s22  }
0x4e: {  	_ = 	snop  }
0x4f: {  	s22 =	sshll.u32 @!p0 s22, $0xE;
	s24 =	simm.s32 $0x0;
	s23 =	sor.u32 @!p0 $0x8000, s19  }
.LBB1_4:
0x50: {  	s25 =	sshll.u32 s24, $0x9  }
0x51: {  	s25 =	sshra.s32 s25, $0x2  }
0x52: {  	s27 =	sadd.s32 s25, s22  }
0x53: {  	v0 =	vmov s27  }
0x54: {  	s26 =	sand.u32 $0x7F, s24  }
0x55: {  	s26 =	sadd.s32 s26, s23;
	s25 =	sshrl.u32 s24, $0x4;
	s27 =	simm.s32 $0x0  }
.LBB1_5:
0x56: {  	s29 =	sadd.s32 s27, s25  }
0x57: {  	s28 =	sand.u32 $0x70, s27;
	s27 =	sadd.s32 $0x10, s27;
	s31 =	sand.u32 $0x78, s29  }
0x58: {  	v1 =	vld.idx.msk [tilespmem:v0+s28+$0x0 ss:$0x1], $0xffff;
	p0 =	slt.u32 s27, s21;
	s28 =	smul.u32 $0x204, s31  }
.Ltmp4:
0x59: {  	_ = 	snop;
	(pc) =	sbr.rel @p0 .LBB1_5-.Ltmp4, $4  }
0x5a: {  	_ = 	snop  }
0x5b: {  	s28 =	sshrl.u32 s28, $0x2  }
0x5c: {  	s28 =	sadd.s32 s28, s26  }
0x5d: {  	[tilespmem:s28+$0x0 ss:$0x81] =	vst.msk $0xffff, v1  }
0x5e: {  	s24 =	sadd.s32 $0x1, s24  }
0x5f: {  	p0 =	sne.s32 s24, s20  }
.Ltmp5:
0x60: {  	_ = 	snop;
	(pc) =	sbr.rel @p0 .LBB1_4-.Ltmp5, $4  }
.Ltmp6:
0x61: {  	_ = 	snop;
	(pc) =	sbr.rel @!p0 .LBB1_7-.Ltmp6, $4  }
0x62: {  	_ = 	snop  }
0x63: {  	_ = 	snop  }
0x64: {  	_ = 	snop  }
0x65: {  	_ = 	snop  }
.LBB1_9:
0x66: {  	_ =	sfence.sel $0x180000  }
0x67: {  	s2 =	simm.s32 $0x1;
	[bflag:$0x0] =	sbarrier.arrive $0xFFFF  }
0x68: {  	s31 =	simm.s32 $0x2;
	[sflag:s2] =	ssyncpa.u1 $0x1  }
0x69: {  	[sflag:s31] =	ssyncpa.u1 $0x1  }
0x6a: {  	p0 =	sne.s32 s1, $0x0;
	_ =	strace $0x9000004A  }
0x6b: {  	s0 =	sadd.s32 @!p0 $0x100000, s0;
	[bflag:$0x2] =	sbarrier.arrive $0xFFFF  }
0x6c: {  	[sflag:s0] =	ssyncadd.tile.s32 @!p0 $0x1;
	_ =	shalt  }
.Lfunc_end1:
_tile_overlayer_lowered:
.L_overlay_start_2:
0x6d: {  	(tag) =	ssettag $0x2  }
0x6e: {  	s0 =	rddreg [dreg:$0x0];
	s2 =	stileid.u32  }
0x6f: {  	s1 =	rddreg [dreg:$0x1];
	p0 =	sne.s32 s2, $0x0  }
0x70: {  	s3 =	rddreg [dreg:$0x2];
	[bflag:$0x3] =	sbarrier.arrive $0xFFFF;
	s2 =	simm.s32 @!p0 $0x1C01  }
0x71: {  	[timem:s3], [sflag:s2] =	dma.local @!p0 [hbm:s0], s1  }
0x72: {  	s0 =	simm.s32 @!p0 $0x1  }
0x73: {  	_ =	swait.ge @!p0 [sflag:s0], s1  }
0x74: {  	s1 =	ssub.s32 @!p0 $0x0, s1;
	[sflag:s0] =	ssyncset.done @!p0 $0x0  }
0x75: {  	[sflag:s0] =	ssyncadd.s32 @!p0 s1  }
0x76: {  	[bflag:$0x3] =	sbarrier.arrive $0xFFFF  }
0x77: {  	_ =	shalt  }

</sc_bundles>
